<compile_context>
chip_gen: v7x
topology: tpu7x:2x2x1
jax: 0.10.2.dev20260603
libtpu: 0.0.44.dev20260713+nightly
codegen_flags: <defaults>
</compile_context>

<pallas_src>
import jax
import jax.numpy as jnp
from jax import lax
from jax.experimental import pallas as pl
from jax.experimental.pallas import tpu as pltpu
from jax.experimental.pallas import tpu_sc as plsc

_N = 10000
_E = 320000
_NC = 2
_NS = 16
_NW = _NC * _NS
_CHUNK = 128
_EPT = _E // _NW
_CHUNKS = 80
_EPT_PAD = _CHUNKS * _CHUNK
_NPAD = 10240
_ROWS = _NPAD // _NS
_W = 8
_NB = 8
_LAG = 4
_L = 16


def _iota16():
    return lax.iota(jnp.int32, _L)


def _tanh16(x):
    e = jnp.exp(2.0 * x)
    return 1.0 - 2.0 / (e + 1.0)


def _seg_pipeline(tab_h, srcv, dstv, rows, acc, gsem, ssem):

    def src_at(j):
        return srcv.at[pl.ds(j * _CHUNK, _CHUNK)]

    def fire_g(j, b):
        pltpu.async_copy(tab_h.at[src_at(j)], rows.at[b], gsem[b])

    def drain_g(j, b):
        pltpu.make_async_copy(tab_h.at[src_at(j)], rows.at[b], gsem[b]).wait()

    def fire_s(j, b):
        pltpu.async_copy(rows.at[b], acc.at[dstv.at[j]], ssem[b], add=True)

    def wait_s(j, b):
        pltpu.make_async_copy(rows.at[b], acc.at[dstv.at[j]], ssem[b]).wait()

    def step(jj, carry):
        for b in range(_NB):
            j = _NB * jj + b

            @pl.when(jnp.logical_and(j >= _NB, j < _CHUNKS))
            def _():
                wait_s(j - _NB, b)

            @pl.when(j < _CHUNKS)
            def _():
                fire_g(j, b)

            @pl.when(jnp.logical_and(j >= _LAG, j < _CHUNKS + _LAG))
            def _():
                k = j - _LAG
                bk = (b - _LAG) % _NB
                drain_g(k, bk)
                fire_s(k, bk)
        return carry

    nsteps = (_CHUNKS + _LAG + _NB - 1) // _NB
    lax.fori_loop(0, nsteps, step, 0)
    for b in range(_NB):
        wait_s(_CHUNKS - _NB + b, b)


def _sc_segsum(table, src2, dst3, zeros):
    out_type = [jax.ShapeDtypeStruct((_NC, _NPAD, _W), jnp.float32)]
    scratch = [
        pltpu.VMEM((_EPT_PAD,), jnp.int32),
        pltpu.VMEM((_CHUNKS, _CHUNK), jnp.int32),
        pltpu.VMEM((_NB, _CHUNK, _W), jnp.float32),
        pltpu.VMEM((_ROWS, _W), jnp.float32),
        pltpu.VMEM_SHARED((_NPAD, _W), jnp.float32),
        [pltpu.SemaphoreType.DMA] * _NB,
        [pltpu.SemaphoreType.DMA] * _NB,
    ]

    def body(tab_h, src_h, dst_h, z_h, out_h, srcv, dstv, rows, zrow, acc,
             gsem, ssem):
        cid = lax.axis_index("c")
        sid = lax.axis_index("s")
        wid = cid * _NS + sid
        stages = [
            (src_h.at[wid], srcv, gsem[0]),
            (dst_h.at[wid], dstv, gsem[1]),
            (z_h, zrow, gsem[2]),
        ]
        for s, d, sem in stages:
            pltpu.async_copy(s, d, sem)
        for s, d, sem in stages:
            pltpu.make_async_copy(s, d, sem).wait()
        pltpu.sync_copy(zrow, acc.at[pl.ds(sid * _ROWS, _ROWS)])
        plsc.subcore_barrier()
        _seg_pipeline(tab_h, srcv, dstv, rows, acc, gsem, ssem)
        plsc.subcore_barrier()
        sl = pl.ds(sid * _ROWS, _ROWS)
        pltpu.sync_copy(acc.at[sl], out_h.at[cid, sl])

    mesh = plsc.VectorSubcoreMesh(core_axis_name="c", subcore_axis_name="s")
    fn = pl.kernel(
        body, out_type=out_type, mesh=mesh, scratch_types=scratch,
        compiler_params=pltpu.CompilerParams(use_tc_tiling_on_sc=False,
                                             needs_layout_passes=False))
    return fn(table, src2, dst3, zeros)[0]


def _sc_layer(p_s, p_deg, z_prev, wb, src2, dst3, zeros, Hout):
    out_type = [jax.ShapeDtypeStruct((_NC, _NPAD, _W), jnp.float32),
                jax.ShapeDtypeStruct((_NPAD, 4), jnp.float32),
                jax.ShapeDtypeStruct((_NPAD, 4), jnp.float32),
                jax.ShapeDtypeStruct((_NC * _NPAD, _W), jnp.float32)]
    scratch = [
        pltpu.VMEM((_EPT_PAD,), jnp.int32),
        pltpu.VMEM((_CHUNKS, _CHUNK), jnp.int32),
        pltpu.VMEM((_NB, _CHUNK, _W), jnp.float32),
        pltpu.VMEM((_ROWS, _W), jnp.float32),
        pltpu.VMEM_SHARED((_NPAD, _W), jnp.float32),
        pltpu.VMEM((_ROWS, _W), jnp.float32),
        pltpu.VMEM((_ROWS, _W), jnp.float32),
        pltpu.VMEM((_ROWS, _W), jnp.float32),
        pltpu.VMEM((_ROWS, _W), jnp.float32),
        pltpu.VMEM((_ROWS, 4), jnp.float32),
        pltpu.VMEM((40, _L), jnp.float32),
        pltpu.VMEM((_ROWS, _W), jnp.float32),
        pltpu.VMEM((_ROWS, 4), jnp.float32),
        pltpu.VMEM((_ROWS, 4), jnp.float32),
        [pltpu.SemaphoreType.DMA] * _NB,
        [pltpu.SemaphoreType.DMA] * _NB,
    ]
    same_deg = p_s is p_deg

    def body(ps_h, pd_h, z_h, wb_h, src_h, dst_h, zz_h,
             pout_h, hout_h, zout_h, tab_h,
             srcv, dstv, rows, zrow, acc,
             sa, sb, da, db, zv, wbv, tv, hv, zov, gsem, ssem):
        cid = lax.axis_index("c")
        sid = lax.axis_index("s")
        wid = cid * _NS + sid
        nsl = pl.ds(sid * _ROWS, _ROWS)
        stages = [
            (src_h.at[wid], srcv, gsem[0]),
            (dst_h.at[wid], dstv, gsem[1]),
            (ps_h.at[0, nsl], sa, gsem[2]),
            (ps_h.at[1, nsl], sb, gsem[3]),
            (z_h.at[nsl], zv, gsem[6]),
            (wb_h, wbv, gsem[7]),
            (zz_h, zrow, ssem[0]),
        ]
        if not same_deg:
            stages += [(pd_h.at[0, nsl], da, gsem[4]),
                       (pd_h.at[1, nsl], db, gsem[5])]
        for s, d, sem in stages:
            pltpu.async_copy(s, d, sem)
        for s, d, sem in stages:
            pltpu.make_async_copy(s, d, sem).wait()
        pltpu.sync_copy(zrow, acc.at[nsl])
        iota = _iota16()

        def wrow(r):
            return wbv[r]

        def epi_step(g, carry):
            ir = g * _L + iota
            col = [jnp.full((_L,), c, jnp.int32) for c in range(_W)]
            dega = plsc.load_gather(da if not same_deg else sa, [ir, col[4]])
            degb = plsc.load_gather(db if not same_deg else sb, [ir, col[4]])
            di = 1.0 / jnp.maximum(dega + degb, 1.0)
            h = []
            for k in range(4):
                ak = plsc.load_gather(sa, [ir, col[k]])
                bk = plsc.load_gather(sb, [ir, col[k]])
                zk = plsc.load_gather(zv, [ir, col[k]])
                h.append(_tanh16((ak + bk) * di + zk))
                plsc.store_scatter(hv, [ir, col[k]], h[k])
            for j in range(_W):
                if j < Hout:
                    y = h[0] * wrow(0 * 8 + j)
                    for k in range(1, 4):
                        y = y + h[k] * wrow(k * 8 + j)
                else:
                    y = jnp.zeros((_L,), jnp.float32)
                plsc.store_scatter(tv, [ir, col[j]], y)
            for j in range(4):
                if j < Hout:
                    y = wrow(32 + j)
                    for k in range(4):
                        y = y + h[k] * wrow(k * 8 + Hout + j)
                else:
                    y = jnp.zeros((_L,), jnp.float32)
                plsc.store_scatter(zov, [ir, col[j]], y)
            return carry

        lax.fori_loop(0, _ROWS // _L, epi_step, 0)
        pltpu.sync_copy(tv, tab_h.at[pl.ds(cid * _NPAD + sid * _ROWS, _ROWS)])

        @pl.when(cid == 0)
        def _():
            pltpu.sync_copy(hv, hout_h.at[nsl])
            pltpu.sync_copy(zov, zout_h.at[nsl])

        @pl.when(cid == 1)
        def _():
            def addoff(i, carry):
                sl = pl.ds(i * _L, _L)
                srcv[sl] = srcv[sl] + _NPAD
                return carry
            lax.fori_loop(0, _EPT_PAD // _L, addoff, 0)

        plsc.subcore_barrier()
        _seg_pipeline(tab_h, srcv, dstv, rows, acc, gsem, ssem)
        plsc.subcore_barrier()
        pltpu.sync_copy(acc.at[nsl], pout_h.at[cid, nsl])

    mesh = plsc.VectorSubcoreMesh(core_axis_name="c", subcore_axis_name="s")
    fn = pl.kernel(
        body, out_type=out_type, mesh=mesh, scratch_types=scratch,
        compiler_params=pltpu.CompilerParams(use_tc_tiling_on_sc=False,
                                             needs_layout_passes=False))
    p_next, h, z, _tab = fn(p_s, p_deg, z_prev, wb, src2, dst3, zeros)
    return p_next, h, z


def _tc_first(x, w_cat, b):
    H = w_cat.shape[1] // 2

    def body(x_ref, w_ref, b_ref, t_ref, z_ref):
        xz = jnp.dot(x_ref[:], w_ref[:], preferred_element_type=jnp.float32)
        one = jnp.ones((_N, 1), jnp.float32)
        zero = jnp.zeros((_N, 3), jnp.float32)
        t_ref[:] = jnp.concatenate([xz[:, :H], one, zero], axis=1)
        z_ref[:_N] = xz[:, H:] + b_ref[:]
        z_ref[_N:] = jnp.zeros((_NPAD - _N, H), jnp.float32)

    return pl.pallas_call(
        body,
        out_shape=[jax.ShapeDtypeStruct((_N, _W), jnp.float32),
                   jax.ShapeDtypeStruct((_NPAD, H), jnp.float32)],
    )(x, w_cat, b)


def _tc_last(p3, p1, z_prev, wc, bc):
    C = wc.shape[1]

    def body(p3_ref, p1_ref, z_ref, w_ref, b_ref, h_ref, o_ref):
        deg = p1_ref[0, :_N, 4] + p1_ref[1, :_N, 4]
        di = (1.0 / jnp.maximum(deg, 1.0))[:, None]
        s = p3_ref[0, :_N, :2] + p3_ref[1, :_N, :2]
        h = jnp.tanh(s * di + z_ref[:_N, :2])
        h_ref[:] = h
        o_ref[:] = jnp.dot(h, w_ref[:], preferred_element_type=jnp.float32) + b_ref[:]

    return pl.pallas_call(
        body,
        out_shape=[jax.ShapeDtypeStruct((_N, 2), jnp.float32),
                   jax.ShapeDtypeStruct((_N, C), jnp.float32)],
    )(p3, p1, z_prev, wc, bc)


def _wb(Wl, Wr, b):
    W = jnp.concatenate([Wl, Wr], axis=1)
    Wp = jnp.zeros((4, 8), jnp.float32).at[:, :W.shape[1]].set(W)
    bp = jnp.zeros((8,), jnp.float32).at[:b.shape[0]].set(b)
    rows = jnp.concatenate([Wp.reshape(32), bp], axis=0)
    return jnp.broadcast_to(rows[:, None], (40, _L)).astype(jnp.float32)


def kernel(x, edge_index, Wl1, Wr1, b1, Wl2, Wr2, b2, Wl3, Wr3, b3, Wc, bc):
    src, dst = edge_index[0], edge_index[1]
    src2 = jnp.pad(src.reshape(_NW, _EPT), ((0, 0), (0, _EPT_PAD - _EPT)))
    dst3 = jnp.pad(dst.reshape(_NW, _EPT), ((0, 0), (0, _EPT_PAD - _EPT)),
                   constant_values=_N).reshape(_NW, _CHUNKS, _CHUNK)
    zeros = jnp.zeros((_ROWS, _W), jnp.float32)

    w1 = jnp.concatenate([Wl1, Wr1], axis=1)
    wb2 = _wb(Wl2, Wr2, b2)
    wb3 = _wb(Wl3, Wr3, b3)

    t1, z1 = _tc_first(x, w1, b1.reshape(1, -1))
    p1 = _sc_segsum(t1, src2, dst3, zeros)
    p2, h1, z2 = _sc_layer(p1, p1, z1, wb2, src2, dst3, zeros, Hout=4)
    p3, h2, z3 = _sc_layer(p2, p1, z2, wb3, src2, dst3, zeros, Hout=2)
    h3, out = _tc_last(p3, p1, z3, Wc, bc.reshape(1, -1))
    return (h1[:_N], h2[:_N], h3, out)

# --- scband reference (transcript-rebuilt; emitter-appended) ---
"""Pipeline reference for scband-sage-34342558498881 (READ-ONLY COPY).

The authoritative reference and input builder live on the scoring server;
editing this copy changes nothing except your own understanding.
"""

import jax, jax.numpy as jnp
import numpy as np

N = 10000
E = 320000
D = 128
H1 = 4
H2 = 4
H3 = 2
NUM_CLASSES = 8


def setup_inputs(seed: int = 0) -> dict:
    key = jax.random.key(seed)
    ks = jax.random.split(key, 16)
    x = jax.random.normal(ks[0], (N, D), dtype=jnp.float32)
    edge_index = jax.random.randint(ks[1], (2, E), 0, N, dtype=jnp.int32)
    def lin(k, fan_in, fan_out):
        return jax.random.normal(k, (fan_in, fan_out), dtype=jnp.float32) * (1.0 / np.sqrt(fan_in))
    inp = {
        'x': x,
        'edge_index': edge_index,
        'Wl1': lin(ks[2], D, H1), 'Wr1': lin(ks[3], D, H1), 'b1': jnp.zeros((H1,), jnp.float32),
        'Wl2': lin(ks[4], H1, H2), 'Wr2': lin(ks[5], H1, H2), 'b2': jnp.zeros((H2,), jnp.float32),
        'Wl3': lin(ks[6], H2, H3), 'Wr3': lin(ks[7], H2, H3), 'b3': jnp.zeros((H3,), jnp.float32),
        'Wc': lin(ks[8], H3, NUM_CLASSES), 'bc': jnp.zeros((NUM_CLASSES,), jnp.float32),
    }
    return inp


def _sage_conv(x, src, dst, Wl, Wr, b):
    # PyG SAGEConv (mean aggregation): out = lin_l(mean_{j in N(i)} x_j) + lin_r(x_i)
    n = x.shape[0]
    agg = jax.ops.segment_sum(x[src], dst, num_segments=n)
    deg = jax.ops.segment_sum(jnp.ones_like(src, dtype=x.dtype), dst, num_segments=n)
    mean = agg / jnp.clip(deg, 1.0)[:, None]
    return mean @ Wl + x @ Wr + b


def reference(x, edge_index, Wl1, Wr1, b1, Wl2, Wr2, b2, Wl3, Wr3, b3, Wc, bc):
    src, dst = edge_index[0], edge_index[1]
    h1 = jnp.tanh(_sage_conv(x, src, dst, Wl1, Wr1, b1))
    h2 = jnp.tanh(_sage_conv(h1, src, dst, Wl2, Wr2, b2))
    h3 = jnp.tanh(_sage_conv(h2, src, dst, Wl3, Wr3, b3))
    out = h3 @ Wc + bc
    # original returns dict {'sage1','sage2','sage3','final'}; return as tuple
    return (h1, h2, h3, out)

if __name__ == "__main__":
    import jax
    _d = setup_inputs()
    print(jax.jit(kernel)(*tuple(_d.values())))

</pallas_src>

<mosaic_0001>
#map = affine_map<(d0, d1) -> (0, 0, 0)>
#map1 = affine_map<(d0, d1) -> (0, 0)>
module attributes {stable_mosaic.version = 14 : i64} {
  func.func @body(%arg0: i32, %arg1: i32, %arg2: memref<2x10240x8xf32, #tpu.memory_space<hbm>>, %arg3: memref<2x10240x8xf32, #tpu.memory_space<hbm>>, %arg4: memref<10240x4xf32, #tpu.memory_space<hbm>>, %arg5: memref<40x16xf32, #tpu.memory_space<hbm>>, %arg6: memref<32x10240xi32, #tpu.memory_space<hbm>>, %arg7: memref<32x80x128xi32, #tpu.memory_space<hbm>>, %arg8: memref<640x8xf32, #tpu.memory_space<hbm>>, %arg9: memref<2x10240x8xf32, #tpu.memory_space<hbm>>, %arg10: memref<10240x4xf32, #tpu.memory_space<hbm>>, %arg11: memref<10240x4xf32, #tpu.memory_space<hbm>>, %arg12: memref<20480x8xf32, #tpu.memory_space<hbm>>, %arg13: memref<10240xi32, #tpu.memory_space<vmem>>, %arg14: memref<80x128xi32, #tpu.memory_space<vmem>>, %arg15: memref<8x128x8xf32, #tpu.memory_space<vmem>>, %arg16: memref<640x8xf32, #tpu.memory_space<vmem>>, %arg17: memref<10240x8xf32, #tpu.memory_space<vmem_shared>>, %arg18: memref<640x8xf32, #tpu.memory_space<vmem>>, %arg19: memref<640x8xf32, #tpu.memory_space<vmem>>, %arg20: memref<640x8xf32, #tpu.memory_space<vmem>>, %arg21: memref<640x8xf32, #tpu.memory_space<vmem>>, %arg22: memref<640x4xf32, #tpu.memory_space<vmem>>, %arg23: memref<40x16xf32, #tpu.memory_space<vmem>>, %arg24: memref<640x8xf32, #tpu.memory_space<vmem>>, %arg25: memref<640x4xf32, #tpu.memory_space<vmem>>, %arg26: memref<640x4xf32, #tpu.memory_space<vmem>>, %arg27: memref<!tpu.dma_semaphore, #tpu.memory_space<semaphore_mem>>, %arg28: memref<!tpu.dma_semaphore, #tpu.memory_space<semaphore_mem>>, %arg29: memref<!tpu.dma_semaphore, #tpu.memory_space<semaphore_mem>>, %arg30: memref<!tpu.dma_semaphore, #tpu.memory_space<semaphore_mem>>, %arg31: memref<!tpu.dma_semaphore, #tpu.memory_space<semaphore_mem>>, %arg32: memref<!tpu.dma_semaphore, #tpu.memory_space<semaphore_mem>>, %arg33: memref<!tpu.dma_semaphore, #tpu.memory_space<semaphore_mem>>, %arg34: memref<!tpu.dma_semaphore, #tpu.memory_space<semaphore_mem>>, %arg35: memref<!tpu.dma_semaphore, #tpu.memory_space<semaphore_mem>>, %arg36: memref<!tpu.dma_semaphore, #tpu.memory_space<semaphore_mem>>, %arg37: memref<!tpu.dma_semaphore, #tpu.memory_space<semaphore_mem>>, %arg38: memref<!tpu.dma_semaphore, #tpu.memory_space<semaphore_mem>>, %arg39: memref<!tpu.dma_semaphore, #tpu.memory_space<semaphore_mem>>, %arg40: memref<!tpu.dma_semaphore, #tpu.memory_space<semaphore_mem>>, %arg41: memref<!tpu.dma_semaphore, #tpu.memory_space<semaphore_mem>>, %arg42: memref<!tpu.dma_semaphore, #tpu.memory_space<semaphore_mem>>) attributes {dimension_semantics = [#tpu.dimension_semantics<core_parallel>, #tpu.dimension_semantics<subcore_parallel>], iteration_bounds = array<i64: 2, 16>, scalar_prefetch = 0 : i64, scratch_operands = 30 : i64, tpu.core_type = #tpu.core_type<sc_vector_subcore>, window_params = [{transform_indices = #map}, {transform_indices = #map}, {transform_indices = #map1}, {transform_indices = #map1}, {transform_indices = #map1}, {transform_indices = #map}, {transform_indices = #map1}, {transform_indices = #map}, {transform_indices = #map1}, {transform_indices = #map1}, {transform_indices = #map1}]} {
    %mul3A = arith.constant 16 : i32
    %mul3A_0 = arith.muli %arg0, %mul3A : i32
    %add3A = arith.addi %mul3A_0, %arg1 : i32
    %mul3A_1 = arith.constant 640 : i32
    %mul3A_2 = arith.muli %arg1, %mul3A_1 : i32
    %dma_start3A = arith.constant 0 : i32
    %dma_start3A_3 = tpu.memref_slice %arg6[%add3A, %dma_start3A] : memref<32x10240xi32, #tpu.memory_space<hbm>> -> memref<1x10240xi32, #tpu.memory_space<hbm>>
    %dma_start3A_4 = tpu.memref_squeeze %dma_start3A_3 : memref<1x10240xi32, #tpu.memory_space<hbm>> -> memref<10240xi32, #tpu.memory_space<hbm>>
    %dma_start3A_5 = arith.constant 0 : i32
    %dma_start3A_6 = tpu.memref_slice %arg6[%add3A, %dma_start3A_5] : memref<32x10240xi32, #tpu.memory_space<hbm>> -> memref<1x10240xi32, #tpu.memory_space<hbm>>
    %dma_start3A_7 = tpu.memref_squeeze %dma_start3A_6 : memref<1x10240xi32, #tpu.memory_space<hbm>> -> memref<10240xi32, #tpu.memory_space<hbm>>
    tpu.enqueue_dma source(%dma_start3A_7 : memref<10240xi32, #tpu.memory_space<hbm>>) target(%arg13 : memref<10240xi32, #tpu.memory_space<vmem>>) target_semaphore(%arg27 : memref<!tpu.dma_semaphore, #tpu.memory_space<semaphore_mem>>)
    %dma_start3A_8 = arith.constant 0 : i32
    %dma_start3A_9 = arith.constant 0 : i32
    %dma_start3A_10 = tpu.memref_slice %arg7[%add3A, %dma_start3A_8, %dma_start3A_9] : memref<32x80x128xi32, #tpu.memory_space<hbm>> -> memref<1x80x128xi32, #tpu.memory_space<hbm>>
    %dma_start3A_11 = tpu.memref_squeeze %dma_start3A_10 : memref<1x80x128xi32, #tpu.memory_space<hbm>> -> memref<80x128xi32, #tpu.memory_space<hbm>>
    %dma_start3A_12 = arith.constant 0 : i32
    %dma_start3A_13 = arith.constant 0 : i32
    %dma_start3A_14 = tpu.memref_slice %arg7[%add3A, %dma_start3A_12, %dma_start3A_13] : memref<32x80x128xi32, #tpu.memory_space<hbm>> -> memref<1x80x128xi32, #tpu.memory_space<hbm>>
    %dma_start3A_15 = tpu.memref_squeeze %dma_start3A_14 : memref<1x80x128xi32, #tpu.memory_space<hbm>> -> memref<80x128xi32, #tpu.memory_space<hbm>>
    tpu.enqueue_dma source(%dma_start3A_15 : memref<80x128xi32, #tpu.memory_space<hbm>>) target(%arg14 : memref<80x128xi32, #tpu.memory_space<vmem>>) target_semaphore(%arg28 : memref<!tpu.dma_semaphore, #tpu.memory_space<semaphore_mem>>)
    %dma_start3A_16 = arith.constant 0 : i32
    %dma_start3A_17 = arith.constant 0 : i32
    %dma_start3A_18 = tpu.memref_slice %arg2[%dma_start3A_16, %mul3A_2, %dma_start3A_17] : memref<2x10240x8xf32, #tpu.memory_space<hbm>> -> memref<1x640x8xf32, #tpu.memory_space<hbm>>
    %dma_start3A_19 = tpu.memref_squeeze %dma_start3A_18 : memref<1x640x8xf32, #tpu.memory_space<hbm>> -> memref<640x8xf32, #tpu.memory_space<hbm>>
    %dma_start3A_20 = arith.constant 0 : i32
    %dma_start3A_21 = tpu.memref_slice %arg2[%dma_start3A_16, %mul3A_2, %dma_start3A_20] : memref<2x10240x8xf32, #tpu.memory_space<hbm>> -> memref<1x640x8xf32, #tpu.memory_space<hbm>>
    %dma_start3A_22 = tpu.memref_squeeze %dma_start3A_21 : memref<1x640x8xf32, #tpu.memory_space<hbm>> -> memref<640x8xf32, #tpu.memory_space<hbm>>
    tpu.enqueue_dma source(%dma_start3A_22 : memref<640x8xf32, #tpu.memory_space<hbm>>) target(%arg18 : memref<640x8xf32, #tpu.memory_space<vmem>>) target_semaphore(%arg29 : memref<!tpu.dma_semaphore, #tpu.memory_space<semaphore_mem>>)
    %dma_start3A_23 = arith.constant 1 : i32
    %dma_start3A_24 = arith.constant 0 : i32
    %dma_start3A_25 = tpu.memref_slice %arg2[%dma_start3A_23, %mul3A_2, %dma_start3A_24] : memref<2x10240x8xf32, #tpu.memory_space<hbm>> -> memref<1x640x8xf32, #tpu.memory_space<hbm>>
    %dma_start3A_26 = tpu.memref_squeeze %dma_start3A_25 : memref<1x640x8xf32, #tpu.memory_space<hbm>> -> memref<640x8xf32, #tpu.memory_space<hbm>>
    %dma_start3A_27 = arith.constant 0 : i32
    %dma_start3A_28 = tpu.memref_slice %arg2[%dma_start3A_23, %mul3A_2, %dma_start3A_27] : memref<2x10240x8xf32, #tpu.memory_space<hbm>> -> memref<1x640x8xf32, #tpu.memory_space<hbm>>
    %dma_start3A_29 = tpu.memref_squeeze %dma_start3A_28 : memref<1x640x8xf32, #tpu.memory_space<hbm>> -> memref<640x8xf32, #tpu.memory_space<hbm>>
    tpu.enqueue_dma source(%dma_start3A_29 : memref<640x8xf32, #tpu.memory_space<hbm>>) target(%arg19 : memref<640x8xf32, #tpu.memory_space<vmem>>) target_semaphore(%arg30 : memref<!tpu.dma_semaphore, #tpu.memory_space<semaphore_mem>>)
    %dma_start3A_30 = arith.constant 0 : i32
    %dma_start3A_31 = tpu.memref_slice %arg4[%mul3A_2, %dma_start3A_30] : memref<10240x4xf32, #tpu.memory_space<hbm>> -> memref<640x4xf32, #tpu.memory_space<hbm>>
    %dma_start3A_32 = arith.constant 0 : i32
    %dma_start3A_33 = tpu.memref_slice %arg4[%mul3A_2, %dma_start3A_32] : memref<10240x4xf32, #tpu.memory_space<hbm>> -> memref<640x4xf32, #tpu.memory_space<hbm>>
    tpu.enqueue_dma source(%dma_start3A_33 : memref<640x4xf32, #tpu.memory_space<hbm>>) target(%arg22 : memref<640x4xf32, #tpu.memory_space<vmem>>) target_semaphore(%arg33 : memref<!tpu.dma_semaphore, #tpu.memory_space<semaphore_mem>>)
    tpu.enqueue_dma source(%arg5 : memref<40x16xf32, #tpu.memory_space<hbm>>) target(%arg23 : memref<40x16xf32, #tpu.memory_space<vmem>>) target_semaphore(%arg34 : memref<!tpu.dma_semaphore, #tpu.memory_space<semaphore_mem>>)
    tpu.enqueue_dma source(%arg8 : memref<640x8xf32, #tpu.memory_space<hbm>>) target(%arg16 : memref<640x8xf32, #tpu.memory_space<vmem>>) target_semaphore(%arg35 : memref<!tpu.dma_semaphore, #tpu.memory_space<semaphore_mem>>)
    %dma_wait3A = arith.constant 0 : i32
    %dma_wait3A_34 = tpu.memref_slice %arg6[%add3A, %dma_wait3A] : memref<32x10240xi32, #tpu.memory_space<hbm>> -> memref<1x10240xi32, #tpu.memory_space<hbm>>
    %dma_wait3A_35 = tpu.memref_squeeze %dma_wait3A_34 : memref<1x10240xi32, #tpu.memory_space<hbm>> -> memref<10240xi32, #tpu.memory_space<hbm>>
    %dma_wait3A_36 = arith.constant 0 : i32
    %dma_wait3A_37 = tpu.memref_slice %arg6[%add3A, %dma_wait3A_36] : memref<32x10240xi32, #tpu.memory_space<hbm>> -> memref<1x10240xi32, #tpu.memory_space<hbm>>
    %dma_wait3A_38 = tpu.memref_squeeze %dma_wait3A_37 : memref<1x10240xi32, #tpu.memory_space<hbm>> -> memref<10240xi32, #tpu.memory_space<hbm>>
    tpu.wait_dma2 semaphore(%arg27 : memref<!tpu.dma_semaphore, #tpu.memory_space<semaphore_mem>>) src(%dma_wait3A_38 : memref<10240xi32, #tpu.memory_space<hbm>>) dst(%arg13 : memref<10240xi32, #tpu.memory_space<vmem>>)
    %dma_wait3A_39 = arith.constant 0 : i32
    %dma_wait3A_40 = arith.constant 0 : i32
    %dma_wait3A_41 = tpu.memref_slice %arg7[%add3A, %dma_wait3A_39, %dma_wait3A_40] : memref<32x80x128xi32, #tpu.memory_space<hbm>> -> memref<1x80x128xi32, #tpu.memory_space<hbm>>
    %dma_wait3A_42 = tpu.memref_squeeze %dma_wait3A_41 : memref<1x80x128xi32, #tpu.memory_space<hbm>> -> memref<80x128xi32, #tpu.memory_space<hbm>>
    %dma_wait3A_43 = arith.constant 0 : i32
    %dma_wait3A_44 = arith.constant 0 : i32
    %dma_wait3A_45 = tpu.memref_slice %arg7[%add3A, %dma_wait3A_43, %dma_wait3A_44] : memref<32x80x128xi32, #tpu.memory_space<hbm>> -> memref<1x80x128xi32, #tpu.memory_space<hbm>>
    %dma_wait3A_46 = tpu.memref_squeeze %dma_wait3A_45 : memref<1x80x128xi32, #tpu.memory_space<hbm>> -> memref<80x128xi32, #tpu.memory_space<hbm>>
    tpu.wait_dma2 semaphore(%arg28 : memref<!tpu.dma_semaphore, #tpu.memory_space<semaphore_mem>>) src(%dma_wait3A_46 : memref<80x128xi32, #tpu.memory_space<hbm>>) dst(%arg14 : memref<80x128xi32, #tpu.memory_space<vmem>>)
    %dma_wait3A_47 = arith.constant 0 : i32
    %dma_wait3A_48 = arith.constant 0 : i32
    %dma_wait3A_49 = tpu.memref_slice %arg2[%dma_wait3A_47, %mul3A_2, %dma_wait3A_48] : memref<2x10240x8xf32, #tpu.memory_space<hbm>> -> memref<1x640x8xf32, #tpu.memory_space<hbm>>
    %dma_wait3A_50 = tpu.memref_squeeze %dma_wait3A_49 : memref<1x640x8xf32, #tpu.memory_space<hbm>> -> memref<640x8xf32, #tpu.memory_space<hbm>>
    %dma_wait3A_51 = arith.constant 0 : i32
    %dma_wait3A_52 = tpu.memref_slice %arg2[%dma_wait3A_47, %mul3A_2, %dma_wait3A_51] : memref<2x10240x8xf32, #tpu.memory_space<hbm>> -> memref<1x640x8xf32, #tpu.memory_space<hbm>>
    %dma_wait3A_53 = tpu.memref_squeeze %dma_wait3A_52 : memref<1x640x8xf32, #tpu.memory_space<hbm>> -> memref<640x8xf32, #tpu.memory_space<hbm>>
    tpu.wait_dma2 semaphore(%arg29 : memref<!tpu.dma_semaphore, #tpu.memory_space<semaphore_mem>>) src(%dma_wait3A_53 : memref<640x8xf32, #tpu.memory_space<hbm>>) dst(%arg18 : memref<640x8xf32, #tpu.memory_space<vmem>>)
    %dma_wait3A_54 = arith.constant 1 : i32
    %dma_wait3A_55 = arith.constant 0 : i32
    %dma_wait3A_56 = tpu.memref_slice %arg2[%dma_wait3A_54, %mul3A_2, %dma_wait3A_55] : memref<2x10240x8xf32, #tpu.memory_space<hbm>> -> memref<1x640x8xf32, #tpu.memory_space<hbm>>
    %dma_wait3A_57 = tpu.memref_squeeze %dma_wait3A_56 : memref<1x640x8xf32, #tpu.memory_space<hbm>> -> memref<640x8xf32, #tpu.memory_space<hbm>>
    %dma_wait3A_58 = arith.constant 0 : i32
    %dma_wait3A_59 = tpu.memref_slice %arg2[%dma_wait3A_54, %mul3A_2, %dma_wait3A_58] : memref<2x10240x8xf32, #tpu.memory_space<hbm>> -> memref<1x640x8xf32, #tpu.memory_space<hbm>>
    %dma_wait3A_60 = tpu.memref_squeeze %dma_wait3A_59 : memref<1x640x8xf32, #tpu.memory_space<hbm>> -> memref<640x8xf32, #tpu.memory_space<hbm>>
    tpu.wait_dma2 semaphore(%arg30 : memref<!tpu.dma_semaphore, #tpu.memory_space<semaphore_mem>>) src(%dma_wait3A_60 : memref<640x8xf32, #tpu.memory_space<hbm>>) dst(%arg19 : memref<640x8xf32, #tpu.memory_space<vmem>>)
    %dma_wait3A_61 = arith.constant 0 : i32
    %dma_wait3A_62 = tpu.memref_slice %arg4[%mul3A_2, %dma_wait3A_61] : memref<10240x4xf32, #tpu.memory_space<hbm>> -> memref<640x4xf32, #tpu.memory_space<hbm>>
    %dma_wait3A_63 = arith.constant 0 : i32
    %dma_wait3A_64 = tpu.memref_slice %arg4[%mul3A_2, %dma_wait3A_63] : memref<10240x4xf32, #tpu.memory_space<hbm>> -> memref<640x4xf32, #tpu.memory_space<hbm>>
    tpu.wait_dma2 semaphore(%arg33 : memref<!tpu.dma_semaphore, #tpu.memory_space<semaphore_mem>>) src(%dma_wait3A_64 : memref<640x4xf32, #tpu.memory_space<hbm>>) dst(%arg22 : memref<640x4xf32, #tpu.memory_space<vmem>>)
    tpu.wait_dma2 semaphore(%arg34 : memref<!tpu.dma_semaphore, #tpu.memory_space<semaphore_mem>>) src(%arg5 : memref<40x16xf32, #tpu.memory_space<hbm>>) dst(%arg23 : memref<40x16xf32, #tpu.memory_space<vmem>>)
    tpu.wait_dma2 semaphore(%arg35 : memref<!tpu.dma_semaphore, #tpu.memory_space<semaphore_mem>>) src(%arg8 : memref<640x8xf32, #tpu.memory_space<hbm>>) dst(%arg16 : memref<640x8xf32, #tpu.memory_space<vmem>>)
    "tpu.region"() ({
      %run_scoped3A = tpu.sem_alloc : memref<!tpu.dma_semaphore, #tpu.memory_space<semaphore_mem>>
      %dma_start3A_185 = arith.constant 0 : i32
      %dma_start3A_186 = tpu.memref_slice %arg17[%mul3A_2, %dma_start3A_185] : memref<10240x8xf32, #tpu.memory_space<vmem_shared>> -> memref<640x8xf32, #tpu.memory_space<vmem_shared>>
      %dma_start3A_187 = arith.constant 0 : i32
      %dma_start3A_188 = tpu.memref_slice %arg17[%mul3A_2, %dma_start3A_187] : memref<10240x8xf32, #tpu.memory_space<vmem_shared>> -> memref<640x8xf32, #tpu.memory_space<vmem_shared>>
      tpu.enqueue_dma source(%arg16 : memref<640x8xf32, #tpu.memory_space<vmem>>) target(%dma_start3A_188 : memref<640x8xf32, #tpu.memory_space<vmem_shared>>) target_semaphore(%run_scoped3A : memref<!tpu.dma_semaphore, #tpu.memory_space<semaphore_mem>>)
      %dma_wait3A_189 = arith.constant 0 : i32
      %dma_wait3A_190 = tpu.memref_slice %arg17[%mul3A_2, %dma_wait3A_189] : memref<10240x8xf32, #tpu.memory_space<vmem_shared>> -> memref<640x8xf32, #tpu.memory_space<vmem_shared>>
      %dma_wait3A_191 = arith.constant 0 : i32
      %dma_wait3A_192 = tpu.memref_slice %arg17[%mul3A_2, %dma_wait3A_191] : memref<10240x8xf32, #tpu.memory_space<vmem_shared>> -> memref<640x8xf32, #tpu.memory_space<vmem_shared>>
      tpu.wait_dma2 semaphore(%run_scoped3A : memref<!tpu.dma_semaphore, #tpu.memory_space<semaphore_mem>>) src(%arg16 : memref<640x8xf32, #tpu.memory_space<vmem>>) dst(%dma_wait3A_192 : memref<640x8xf32, #tpu.memory_space<vmem_shared>>)
      tpu.yield
    }) : () -> ()
    %iota3A = tpu.iota {dimensions = array<i32: 0>} : vector<16xi32>
    %scan3A = arith.constant 0 : i32
    %scan3A_65 = arith.constant 0 : i32
    %scan3A_66 = arith.constant 40 : i32
    %scan3A_67 = arith.addi %scan3A_65, %scan3A_66 : i32
    %scan3A_68 = arith.constant 1 : i32
    scf.for %scan3A_185 = %scan3A_65 to %scan3A_67 step %scan3A_68  : i32 {
      %mul3A_186 = arith.constant 16 : i32
      %mul3A_187 = arith.muli %scan3A_185, %mul3A_186 : i32
      %add3A_188 = vector.broadcast %mul3A_187 : i32 to vector<16xi32>
      %add3A_189 = arith.addi %add3A_188, %iota3A : vector<16xi32>
      %broadcast_in_dim3A = arith.constant 0 : i32
      %broadcast_in_dim3A_190 = vector.broadcast %broadcast_in_dim3A : i32 to vector<16xi32>
      %broadcast_in_dim3A_191 = arith.constant 1 : i32
      %broadcast_in_dim3A_192 = vector.broadcast %broadcast_in_dim3A_191 : i32 to vector<16xi32>
      %broadcast_in_dim3A_193 = arith.constant 2 : i32
      %broadcast_in_dim3A_194 = vector.broadcast %broadcast_in_dim3A_193 : i32 to vector<16xi32>
      %broadcast_in_dim3A_195 = arith.constant 3 : i32
      %broadcast_in_dim3A_196 = vector.broadcast %broadcast_in_dim3A_195 : i32 to vector<16xi32>
      %broadcast_in_dim3A_197 = arith.constant 4 : i32
      %broadcast_in_dim3A_198 = vector.broadcast %broadcast_in_dim3A_197 : i32 to vector<16xi32>
      %broadcast_in_dim3A_199 = arith.constant 5 : i32
      %broadcast_in_dim3A_200 = vector.broadcast %broadcast_in_dim3A_199 : i32 to vector<16xi32>
      %broadcast_in_dim3A_201 = arith.constant 6 : i32
      %broadcast_in_dim3A_202 = vector.broadcast %broadcast_in_dim3A_201 : i32 to vector<16xi32>
      %broadcast_in_dim3A_203 = arith.constant 7 : i32
      %broadcast_in_dim3A_204 = vector.broadcast %broadcast_in_dim3A_203 : i32 to vector<16xi32>
      %gather3A = tpu.vector_load_idx %arg18[%add3A_189, %broadcast_in_dim3A_198] : memref<640x8xf32, #tpu.memory_space<vmem>>[vector<16xi32>, vector<16xi32>], vector<16xf32>,
      %gather3A_205 = tpu.vector_load_idx %arg19[%add3A_189, %broadcast_in_dim3A_198] : memref<640x8xf32, #tpu.memory_space<vmem>>[vector<16xi32>, vector<16xi32>], vector<16xf32>,
      %add3A_206 = arith.addf %gather3A, %gather3A_205 : vector<16xf32>
      %max3A = arith.constant 1.000000e+00 : f32
      %max3A_207 = vector.broadcast %max3A : f32 to vector<16xf32>
      %max3A_208 = arith.maximumf %add3A_206, %max3A_207 : vector<16xf32>
      %div3A = arith.constant 1.000000e+00 : f32
      %div3A_209 = vector.broadcast %div3A : f32 to vector<16xf32>
      %div3A_210 = arith.divf %div3A_209, %max3A_208 : vector<16xf32>
      %gather3A_211 = tpu.vector_load_idx %arg18[%add3A_189, %broadcast_in_dim3A_190] : memref<640x8xf32, #tpu.memory_space<vmem>>[vector<16xi32>, vector<16xi32>], vector<16xf32>,
      %gather3A_212 = tpu.vector_load_idx %arg19[%add3A_189, %broadcast_in_dim3A_190] : memref<640x8xf32, #tpu.memory_space<vmem>>[vector<16xi32>, vector<16xi32>], vector<16xf32>,
      %gather3A_213 = tpu.vector_load_idx %arg22[%add3A_189, %broadcast_in_dim3A_190] : memref<640x4xf32, #tpu.memory_space<vmem>>[vector<16xi32>, vector<16xi32>], vector<16xf32>,
      %add3A_214 = arith.addf %gather3A_211, %gather3A_212 : vector<16xf32>
      %mul3A_215 = arith.mulf %add3A_214, %div3A_210 : vector<16xf32>
      %add3A_216 = arith.addf %mul3A_215, %gather3A_213 : vector<16xf32>
      %mul3A_217 = arith.constant 2.000000e+00 : f32
      %mul3A_218 = vector.broadcast %mul3A_217 : f32 to vector<16xf32>
      %mul3A_219 = arith.mulf %mul3A_218, %add3A_216 : vector<16xf32>
      %exp3A = math.exp %mul3A_219 : vector<16xf32>
      %add3A_220 = arith.constant 1.000000e+00 : f32
      %add3A_221 = vector.broadcast %add3A_220 : f32 to vector<16xf32>
      %add3A_222 = arith.addf %exp3A, %add3A_221 : vector<16xf32>
      %div3A_223 = arith.constant 2.000000e+00 : f32
      %div3A_224 = vector.broadcast %div3A_223 : f32 to vector<16xf32>
      %div3A_225 = arith.divf %div3A_224, %add3A_222 : vector<16xf32>
      %sub3A = arith.constant 1.000000e+00 : f32
      %sub3A_226 = vector.broadcast %sub3A : f32 to vector<16xf32>
      %sub3A_227 = arith.subf %sub3A_226, %div3A_225 : vector<16xf32>
      tpu.vector_store_idx %arg25[%add3A_189, %broadcast_in_dim3A_190], %sub3A_227 : memref<640x4xf32, #tpu.memory_space<vmem>>[vector<16xi32>, vector<16xi32>], vector<16xf32>,
      %gather3A_228 = tpu.vector_load_idx %arg18[%add3A_189, %broadcast_in_dim3A_192] : memref<640x8xf32, #tpu.memory_space<vmem>>[vector<16xi32>, vector<16xi32>], vector<16xf32>,
      %gather3A_229 = tpu.vector_load_idx %arg19[%add3A_189, %broadcast_in_dim3A_192] : memref<640x8xf32, #tpu.memory_space<vmem>>[vector<16xi32>, vector<16xi32>], vector<16xf32>,
      %gather3A_230 = tpu.vector_load_idx %arg22[%add3A_189, %broadcast_in_dim3A_192] : memref<640x4xf32, #tpu.memory_space<vmem>>[vector<16xi32>, vector<16xi32>], vector<16xf32>,
      %add3A_231 = arith.addf %gather3A_228, %gather3A_229 : vector<16xf32>
      %mul3A_232 = arith.mulf %add3A_231, %div3A_210 : vector<16xf32>
      %add3A_233 = arith.addf %mul3A_232, %gather3A_230 : vector<16xf32>
      %mul3A_234 = arith.constant 2.000000e+00 : f32
      %mul3A_235 = vector.broadcast %mul3A_234 : f32 to vector<16xf32>
      %mul3A_236 = arith.mulf %mul3A_235, %add3A_233 : vector<16xf32>
      %exp3A_237 = math.exp %mul3A_236 : vector<16xf32>
      %add3A_238 = arith.constant 1.000000e+00 : f32
      %add3A_239 = vector.broadcast %add3A_238 : f32 to vector<16xf32>
      %add3A_240 = arith.addf %exp3A_237, %add3A_239 : vector<16xf32>
      %div3A_241 = arith.constant 2.000000e+00 : f32
      %div3A_242 = vector.broadcast %div3A_241 : f32 to vector<16xf32>
      %div3A_243 = arith.divf %div3A_242, %add3A_240 : vector<16xf32>
      %sub3A_244 = arith.constant 1.000000e+00 : f32
      %sub3A_245 = vector.broadcast %sub3A_244 : f32 to vector<16xf32>
      %sub3A_246 = arith.subf %sub3A_245, %div3A_243 : vector<16xf32>
      tpu.vector_store_idx %arg25[%add3A_189, %broadcast_in_dim3A_192], %sub3A_246 : memref<640x4xf32, #tpu.memory_space<vmem>>[vector<16xi32>, vector<16xi32>], vector<16xf32>,
      %gather3A_247 = tpu.vector_load_idx %arg18[%add3A_189, %broadcast_in_dim3A_194] : memref<640x8xf32, #tpu.memory_space<vmem>>[vector<16xi32>, vector<16xi32>], vector<16xf32>,
      %gather3A_248 = tpu.vector_load_idx %arg19[%add3A_189, %broadcast_in_dim3A_194] : memref<640x8xf32, #tpu.memory_space<vmem>>[vector<16xi32>, vector<16xi32>], vector<16xf32>,
      %gather3A_249 = tpu.vector_load_idx %arg22[%add3A_189, %broadcast_in_dim3A_194] : memref<640x4xf32, #tpu.memory_space<vmem>>[vector<16xi32>, vector<16xi32>], vector<16xf32>,
      %add3A_250 = arith.addf %gather3A_247, %gather3A_248 : vector<16xf32>
      %mul3A_251 = arith.mulf %add3A_250, %div3A_210 : vector<16xf32>
      %add3A_252 = arith.addf %mul3A_251, %gather3A_249 : vector<16xf32>
      %mul3A_253 = arith.constant 2.000000e+00 : f32
      %mul3A_254 = vector.broadcast %mul3A_253 : f32 to vector<16xf32>
      %mul3A_255 = arith.mulf %mul3A_254, %add3A_252 : vector<16xf32>
      %exp3A_256 = math.exp %mul3A_255 : vector<16xf32>
      %add3A_257 = arith.constant 1.000000e+00 : f32
      %add3A_258 = vector.broadcast %add3A_257 : f32 to vector<16xf32>
      %add3A_259 = arith.addf %exp3A_256, %add3A_258 : vector<16xf32>
      %div3A_260 = arith.constant 2.000000e+00 : f32
      %div3A_261 = vector.broadcast %div3A_260 : f32 to vector<16xf32>
      %div3A_262 = arith.divf %div3A_261, %add3A_259 : vector<16xf32>
      %sub3A_263 = arith.constant 1.000000e+00 : f32
      %sub3A_264 = vector.broadcast %sub3A_263 : f32 to vector<16xf32>
      %sub3A_265 = arith.subf %sub3A_264, %div3A_262 : vector<16xf32>
      tpu.vector_store_idx %arg25[%add3A_189, %broadcast_in_dim3A_194], %sub3A_265 : memref<640x4xf32, #tpu.memory_space<vmem>>[vector<16xi32>, vector<16xi32>], vector<16xf32>,
      %gather3A_266 = tpu.vector_load_idx %arg18[%add3A_189, %broadcast_in_dim3A_196] : memref<640x8xf32, #tpu.memory_space<vmem>>[vector<16xi32>, vector<16xi32>], vector<16xf32>,
      %gather3A_267 = tpu.vector_load_idx %arg19[%add3A_189, %broadcast_in_dim3A_196] : memref<640x8xf32, #tpu.memory_space<vmem>>[vector<16xi32>, vector<16xi32>], vector<16xf32>,
      %gather3A_268 = tpu.vector_load_idx %arg22[%add3A_189, %broadcast_in_dim3A_196] : memref<640x4xf32, #tpu.memory_space<vmem>>[vector<16xi32>, vector<16xi32>], vector<16xf32>,
      %add3A_269 = arith.addf %gather3A_266, %gather3A_267 : vector<16xf32>
      %mul3A_270 = arith.mulf %add3A_269, %div3A_210 : vector<16xf32>
      %add3A_271 = arith.addf %mul3A_270, %gather3A_268 : vector<16xf32>
      %mul3A_272 = arith.constant 2.000000e+00 : f32
      %mul3A_273 = vector.broadcast %mul3A_272 : f32 to vector<16xf32>
      %mul3A_274 = arith.mulf %mul3A_273, %add3A_271 : vector<16xf32>
      %exp3A_275 = math.exp %mul3A_274 : vector<16xf32>
      %add3A_276 = arith.constant 1.000000e+00 : f32
      %add3A_277 = vector.broadcast %add3A_276 : f32 to vector<16xf32>
      %add3A_278 = arith.addf %exp3A_275, %add3A_277 : vector<16xf32>
      %div3A_279 = arith.constant 2.000000e+00 : f32
      %div3A_280 = vector.broadcast %div3A_279 : f32 to vector<16xf32>
      %div3A_281 = arith.divf %div3A_280, %add3A_278 : vector<16xf32>
      %sub3A_282 = arith.constant 1.000000e+00 : f32
      %sub3A_283 = vector.broadcast %sub3A_282 : f32 to vector<16xf32>
      %sub3A_284 = arith.subf %sub3A_283, %div3A_281 : vector<16xf32>
      tpu.vector_store_idx %arg25[%add3A_189, %broadcast_in_dim3A_196], %sub3A_284 : memref<640x4xf32, #tpu.memory_space<vmem>>[vector<16xi32>, vector<16xi32>], vector<16xf32>,
      %get3A = arith.constant 0 : i32
      %get3A_285 = arith.index_cast %get3A : i32 to index
      %get3A_286 = arith.constant 0 : index
      %get3A_287 = tpu.vector_load %arg23[%get3A_285, %get3A_286] {strides = array<i32>} : memref<40x16xf32, #tpu.memory_space<vmem>>, vector<16xf32>,
      %mul3A_288 = arith.mulf %sub3A_227, %get3A_287 : vector<16xf32>
      %get3A_289 = arith.constant 8 : i32
      %get3A_290 = arith.index_cast %get3A_289 : i32 to index
      %get3A_291 = arith.constant 0 : index
      %get3A_292 = tpu.vector_load %arg23[%get3A_290, %get3A_291] {strides = array<i32>} : memref<40x16xf32, #tpu.memory_space<vmem>>, vector<16xf32>,
      %mul3A_293 = arith.mulf %sub3A_246, %get3A_292 : vector<16xf32>
      %add3A_294 = arith.addf %mul3A_288, %mul3A_293 : vector<16xf32>
      %get3A_295 = arith.constant 16 : i32
      %get3A_296 = arith.index_cast %get3A_295 : i32 to index
      %get3A_297 = arith.constant 0 : index
      %get3A_298 = tpu.vector_load %arg23[%get3A_296, %get3A_297] {strides = array<i32>} : memref<40x16xf32, #tpu.memory_space<vmem>>, vector<16xf32>,
      %mul3A_299 = arith.mulf %sub3A_265, %get3A_298 : vector<16xf32>
      %add3A_300 = arith.addf %add3A_294, %mul3A_299 : vector<16xf32>
      %get3A_301 = arith.constant 24 : i32
      %get3A_302 = arith.index_cast %get3A_301 : i32 to index
      %get3A_303 = arith.constant 0 : index
      %get3A_304 = tpu.vector_load %arg23[%get3A_302, %get3A_303] {strides = array<i32>} : memref<40x16xf32, #tpu.memory_space<vmem>>, vector<16xf32>,
      %mul3A_305 = arith.mulf %sub3A_284, %get3A_304 : vector<16xf32>
      %add3A_306 = arith.addf %add3A_300, %mul3A_305 : vector<16xf32>
      tpu.vector_store_idx %arg24[%add3A_189, %broadcast_in_dim3A_190], %add3A_306 : memref<640x8xf32, #tpu.memory_space<vmem>>[vector<16xi32>, vector<16xi32>], vector<16xf32>,
      %get3A_307 = arith.constant 1 : i32
      %get3A_308 = arith.index_cast %get3A_307 : i32 to index
      %get3A_309 = arith.constant 0 : index
      %get3A_310 = tpu.vector_load %arg23[%get3A_308, %get3A_309] {strides = array<i32>} : memref<40x16xf32, #tpu.memory_space<vmem>>, vector<16xf32>,
      %mul3A_311 = arith.mulf %sub3A_227, %get3A_310 : vector<16xf32>
      %get3A_312 = arith.constant 9 : i32
      %get3A_313 = arith.index_cast %get3A_312 : i32 to index
      %get3A_314 = arith.constant 0 : index
      %get3A_315 = tpu.vector_load %arg23[%get3A_313, %get3A_314] {strides = array<i32>} : memref<40x16xf32, #tpu.memory_space<vmem>>, vector<16xf32>,
      %mul3A_316 = arith.mulf %sub3A_246, %get3A_315 : vector<16xf32>
      %add3A_317 = arith.addf %mul3A_311, %mul3A_316 : vector<16xf32>
      %get3A_318 = arith.constant 17 : i32
      %get3A_319 = arith.index_cast %get3A_318 : i32 to index
      %get3A_320 = arith.constant 0 : index
      %get3A_321 = tpu.vector_load %arg23[%get3A_319, %get3A_320] {strides = array<i32>} : memref<40x16xf32, #tpu.memory_space<vmem>>, vector<16xf32>,
      %mul3A_322 = arith.mulf %sub3A_265, %get3A_321 : vector<16xf32>
      %add3A_323 = arith.addf %add3A_317, %mul3A_322 : vector<16xf32>
      %get3A_324 = arith.constant 25 : i32
      %get3A_325 = arith.index_cast %get3A_324 : i32 to index
      %get3A_326 = arith.constant 0 : index
      %get3A_327 = tpu.vector_load %arg23[%get3A_325, %get3A_326] {strides = array<i32>} : memref<40x16xf32, #tpu.memory_space<vmem>>, vector<16xf32>,
      %mul3A_328 = arith.mulf %sub3A_284, %get3A_327 : vector<16xf32>
      %add3A_329 = arith.addf %add3A_323, %mul3A_328 : vector<16xf32>
      tpu.vector_store_idx %arg24[%add3A_189, %broadcast_in_dim3A_192], %add3A_329 : memref<640x8xf32, #tpu.memory_space<vmem>>[vector<16xi32>, vector<16xi32>], vector<16xf32>,
      %get3A_330 = arith.constant 2 : i32
      %get3A_331 = arith.index_cast %get3A_330 : i32 to index
      %get3A_332 = arith.constant 0 : index
      %get3A_333 = tpu.vector_load %arg23[%get3A_331, %get3A_332] {strides = array<i32>} : memref<40x16xf32, #tpu.memory_space<vmem>>, vector<16xf32>,
      %mul3A_334 = arith.mulf %sub3A_227, %get3A_333 : vector<16xf32>
      %get3A_335 = arith.constant 10 : i32
      %get3A_336 = arith.index_cast %get3A_335 : i32 to index
      %get3A_337 = arith.constant 0 : index
      %get3A_338 = tpu.vector_load %arg23[%get3A_336, %get3A_337] {strides = array<i32>} : memref<40x16xf32, #tpu.memory_space<vmem>>, vector<16xf32>,
      %mul3A_339 = arith.mulf %sub3A_246, %get3A_338 : vector<16xf32>
      %add3A_340 = arith.addf %mul3A_334, %mul3A_339 : vector<16xf32>
      %get3A_341 = arith.constant 18 : i32
      %get3A_342 = arith.index_cast %get3A_341 : i32 to index
      %get3A_343 = arith.constant 0 : index
      %get3A_344 = tpu.vector_load %arg23[%get3A_342, %get3A_343] {strides = array<i32>} : memref<40x16xf32, #tpu.memory_space<vmem>>, vector<16xf32>,
      %mul3A_345 = arith.mulf %sub3A_265, %get3A_344 : vector<16xf32>
      %add3A_346 = arith.addf %add3A_340, %mul3A_345 : vector<16xf32>
      %get3A_347 = arith.constant 26 : i32
      %get3A_348 = arith.index_cast %get3A_347 : i32 to index
      %get3A_349 = arith.constant 0 : index
      %get3A_350 = tpu.vector_load %arg23[%get3A_348, %get3A_349] {strides = array<i32>} : memref<40x16xf32, #tpu.memory_space<vmem>>, vector<16xf32>,
      %mul3A_351 = arith.mulf %sub3A_284, %get3A_350 : vector<16xf32>
      %add3A_352 = arith.addf %add3A_346, %mul3A_351 : vector<16xf32>
      tpu.vector_store_idx %arg24[%add3A_189, %broadcast_in_dim3A_194], %add3A_352 : memref<640x8xf32, #tpu.memory_space<vmem>>[vector<16xi32>, vector<16xi32>], vector<16xf32>,
      %get3A_353 = arith.constant 3 : i32
      %get3A_354 = arith.index_cast %get3A_353 : i32 to index
      %get3A_355 = arith.constant 0 : index
      %get3A_356 = tpu.vector_load %arg23[%get3A_354, %get3A_355] {strides = array<i32>} : memref<40x16xf32, #tpu.memory_space<vmem>>, vector<16xf32>,
      %mul3A_357 = arith.mulf %sub3A_227, %get3A_356 : vector<16xf32>
      %get3A_358 = arith.constant 11 : i32
      %get3A_359 = arith.index_cast %get3A_358 : i32 to index
      %get3A_360 = arith.constant 0 : index
      %get3A_361 = tpu.vector_load %arg23[%get3A_359, %get3A_360] {strides = array<i32>} : memref<40x16xf32, #tpu.memory_space<vmem>>, vector<16xf32>,
      %mul3A_362 = arith.mulf %sub3A_246, %get3A_361 : vector<16xf32>
      %add3A_363 = arith.addf %mul3A_357, %mul3A_362 : vector<16xf32>
      %get3A_364 = arith.constant 19 : i32
      %get3A_365 = arith.index_cast %get3A_364 : i32 to index
      %get3A_366 = arith.constant 0 : index
      %get3A_367 = tpu.vector_load %arg23[%get3A_365, %get3A_366] {strides = array<i32>} : memref<40x16xf32, #tpu.memory_space<vmem>>, vector<16xf32>,
      %mul3A_368 = arith.mulf %sub3A_265, %get3A_367 : vector<16xf32>
      %add3A_369 = arith.addf %add3A_363, %mul3A_368 : vector<16xf32>
      %get3A_370 = arith.constant 27 : i32
      %get3A_371 = arith.index_cast %get3A_370 : i32 to index
      %get3A_372 = arith.constant 0 : index
      %get3A_373 = tpu.vector_load %arg23[%get3A_371, %get3A_372] {strides = array<i32>} : memref<40x16xf32, #tpu.memory_space<vmem>>, vector<16xf32>,
      %mul3A_374 = arith.mulf %sub3A_284, %get3A_373 : vector<16xf32>
      %add3A_375 = arith.addf %add3A_369, %mul3A_374 : vector<16xf32>
      tpu.vector_store_idx %arg24[%add3A_189, %broadcast_in_dim3A_196], %add3A_375 : memref<640x8xf32, #tpu.memory_space<vmem>>[vector<16xi32>, vector<16xi32>], vector<16xf32>,
      %broadcast_in_dim3A_376 = arith.constant 0.000000e+00 : f32
      %broadcast_in_dim3A_377 = vector.broadcast %broadcast_in_dim3A_376 : f32 to vector<16xf32>
      tpu.vector_store_idx %arg24[%add3A_189, %broadcast_in_dim3A_198], %broadcast_in_dim3A_377 : memref<640x8xf32, #tpu.memory_space<vmem>>[vector<16xi32>, vector<16xi32>], vector<16xf32>,
      %broadcast_in_dim3A_378 = arith.constant 0.000000e+00 : f32
      %broadcast_in_dim3A_379 = vector.broadcast %broadcast_in_dim3A_378 : f32 to vector<16xf32>
      tpu.vector_store_idx %arg24[%add3A_189, %broadcast_in_dim3A_200], %broadcast_in_dim3A_379 : memref<640x8xf32, #tpu.memory_space<vmem>>[vector<16xi32>, vector<16xi32>], vector<16xf32>,
      %broadcast_in_dim3A_380 = arith.constant 0.000000e+00 : f32
      %broadcast_in_dim3A_381 = vector.broadcast %broadcast_in_dim3A_380 : f32 to vector<16xf32>
      tpu.vector_store_idx %arg24[%add3A_189, %broadcast_in_dim3A_202], %broadcast_in_dim3A_381 : memref<640x8xf32, #tpu.memory_space<vmem>>[vector<16xi32>, vector<16xi32>], vector<16xf32>,
      %broadcast_in_dim3A_382 = arith.constant 0.000000e+00 : f32
      %broadcast_in_dim3A_383 = vector.broadcast %broadcast_in_dim3A_382 : f32 to vector<16xf32>
      tpu.vector_store_idx %arg24[%add3A_189, %broadcast_in_dim3A_204], %broadcast_in_dim3A_383 : memref<640x8xf32, #tpu.memory_space<vmem>>[vector<16xi32>, vector<16xi32>], vector<16xf32>,
      %get3A_384 = arith.constant 32 : i32
      %get3A_385 = arith.index_cast %get3A_384 : i32 to index
      %get3A_386 = arith.constant 0 : index
      %get3A_387 = tpu.vector_load %arg23[%get3A_385, %get3A_386] {strides = array<i32>} : memref<40x16xf32, #tpu.memory_space<vmem>>, vector<16xf32>,
      %get3A_388 = arith.constant 4 : i32
      %get3A_389 = arith.index_cast %get3A_388 : i32 to index
      %get3A_390 = arith.constant 0 : index
      %get3A_391 = tpu.vector_load %arg23[%get3A_389, %get3A_390] {strides = array<i32>} : memref<40x16xf32, #tpu.memory_space<vmem>>, vector<16xf32>,
      %mul3A_392 = arith.mulf %sub3A_227, %get3A_391 : vector<16xf32>
      %add3A_393 = arith.addf %get3A_387, %mul3A_392 : vector<16xf32>
      %get3A_394 = arith.constant 12 : i32
      %get3A_395 = arith.index_cast %get3A_394 : i32 to index
      %get3A_396 = arith.constant 0 : index
      %get3A_397 = tpu.vector_load %arg23[%get3A_395, %get3A_396] {strides = array<i32>} : memref<40x16xf32, #tpu.memory_space<vmem>>, vector<16xf32>,
      %mul3A_398 = arith.mulf %sub3A_246, %get3A_397 : vector<16xf32>
      %add3A_399 = arith.addf %add3A_393, %mul3A_398 : vector<16xf32>
      %get3A_400 = arith.constant 20 : i32
      %get3A_401 = arith.index_cast %get3A_400 : i32 to index
      %get3A_402 = arith.constant 0 : index
      %get3A_403 = tpu.vector_load %arg23[%get3A_401, %get3A_402] {strides = array<i32>} : memref<40x16xf32, #tpu.memory_space<vmem>>, vector<16xf32>,
      %mul3A_404 = arith.mulf %sub3A_265, %get3A_403 : vector<16xf32>
      %add3A_405 = arith.addf %add3A_399, %mul3A_404 : vector<16xf32>
      %get3A_406 = arith.constant 28 : i32
      %get3A_407 = arith.index_cast %get3A_406 : i32 to index
      %get3A_408 = arith.constant 0 : index
      %get3A_409 = tpu.vector_load %arg23[%get3A_407, %get3A_408] {strides = array<i32>} : memref<40x16xf32, #tpu.memory_space<vmem>>, vector<16xf32>,
      %mul3A_410 = arith.mulf %sub3A_284, %get3A_409 : vector<16xf32>
      %add3A_411 = arith.addf %add3A_405, %mul3A_410 : vector<16xf32>
      tpu.vector_store_idx %arg26[%add3A_189, %broadcast_in_dim3A_190], %add3A_411 : memref<640x4xf32, #tpu.memory_space<vmem>>[vector<16xi32>, vector<16xi32>], vector<16xf32>,
      %get3A_412 = arith.constant 33 : i32
      %get3A_413 = arith.index_cast %get3A_412 : i32 to index
      %get3A_414 = arith.constant 0 : index
      %get3A_415 = tpu.vector_load %arg23[%get3A_413, %get3A_414] {strides = array<i32>} : memref<40x16xf32, #tpu.memory_space<vmem>>, vector<16xf32>,
      %get3A_416 = arith.constant 5 : i32
      %get3A_417 = arith.index_cast %get3A_416 : i32 to index
      %get3A_418 = arith.constant 0 : index
      %get3A_419 = tpu.vector_load %arg23[%get3A_417, %get3A_418] {strides = array<i32>} : memref<40x16xf32, #tpu.memory_space<vmem>>, vector<16xf32>,
      %mul3A_420 = arith.mulf %sub3A_227, %get3A_419 : vector<16xf32>
      %add3A_421 = arith.addf %get3A_415, %mul3A_420 : vector<16xf32>
      %get3A_422 = arith.constant 13 : i32
      %get3A_423 = arith.index_cast %get3A_422 : i32 to index
      %get3A_424 = arith.constant 0 : index
      %get3A_425 = tpu.vector_load %arg23[%get3A_423, %get3A_424] {strides = array<i32>} : memref<40x16xf32, #tpu.memory_space<vmem>>, vector<16xf32>,
      %mul3A_426 = arith.mulf %sub3A_246, %get3A_425 : vector<16xf32>
      %add3A_427 = arith.addf %add3A_421, %mul3A_426 : vector<16xf32>
      %get3A_428 = arith.constant 21 : i32
      %get3A_429 = arith.index_cast %get3A_428 : i32 to index
      %get3A_430 = arith.constant 0 : index
      %get3A_431 = tpu.vector_load %arg23[%get3A_429, %get3A_430] {strides = array<i32>} : memref<40x16xf32, #tpu.memory_space<vmem>>, vector<16xf32>,
      %mul3A_432 = arith.mulf %sub3A_265, %get3A_431 : vector<16xf32>
      %add3A_433 = arith.addf %add3A_427, %mul3A_432 : vector<16xf32>
      %get3A_434 = arith.constant 29 : i32
      %get3A_435 = arith.index_cast %get3A_434 : i32 to index
      %get3A_436 = arith.constant 0 : index
      %get3A_437 = tpu.vector_load %arg23[%get3A_435, %get3A_436] {strides = array<i32>} : memref<40x16xf32, #tpu.memory_space<vmem>>, vector<16xf32>,
      %mul3A_438 = arith.mulf %sub3A_284, %get3A_437 : vector<16xf32>
      %add3A_439 = arith.addf %add3A_433, %mul3A_438 : vector<16xf32>
      tpu.vector_store_idx %arg26[%add3A_189, %broadcast_in_dim3A_192], %add3A_439 : memref<640x4xf32, #tpu.memory_space<vmem>>[vector<16xi32>, vector<16xi32>], vector<16xf32>,
      %get3A_440 = arith.constant 34 : i32
      %get3A_441 = arith.index_cast %get3A_440 : i32 to index
      %get3A_442 = arith.constant 0 : index
      %get3A_443 = tpu.vector_load %arg23[%get3A_441, %get3A_442] {strides = array<i32>} : memref<40x16xf32, #tpu.memory_space<vmem>>, vector<16xf32>,
      %get3A_444 = arith.constant 6 : i32
      %get3A_445 = arith.index_cast %get3A_444 : i32 to index
      %get3A_446 = arith.constant 0 : index
      %get3A_447 = tpu.vector_load %arg23[%get3A_445, %get3A_446] {strides = array<i32>} : memref<40x16xf32, #tpu.memory_space<vmem>>, vector<16xf32>,
      %mul3A_448 = arith.mulf %sub3A_227, %get3A_447 : vector<16xf32>
      %add3A_449 = arith.addf %get3A_443, %mul3A_448 : vector<16xf32>
      %get3A_450 = arith.constant 14 : i32
      %get3A_451 = arith.index_cast %get3A_450 : i32 to index
      %get3A_452 = arith.constant 0 : index
      %get3A_453 = tpu.vector_load %arg23[%get3A_451, %get3A_452] {strides = array<i32>} : memref<40x16xf32, #tpu.memory_space<vmem>>, vector<16xf32>,
      %mul3A_454 = arith.mulf %sub3A_246, %get3A_453 : vector<16xf32>
      %add3A_455 = arith.addf %add3A_449, %mul3A_454 : vector<16xf32>
      %get3A_456 = arith.constant 22 : i32
      %get3A_457 = arith.index_cast %get3A_456 : i32 to index
      %get3A_458 = arith.constant 0 : index
      %get3A_459 = tpu.vector_load %arg23[%get3A_457, %get3A_458] {strides = array<i32>} : memref<40x16xf32, #tpu.memory_space<vmem>>, vector<16xf32>,
      %mul3A_460 = arith.mulf %sub3A_265, %get3A_459 : vector<16xf32>
      %add3A_461 = arith.addf %add3A_455, %mul3A_460 : vector<16xf32>
      %get3A_462 = arith.constant 30 : i32
      %get3A_463 = arith.index_cast %get3A_462 : i32 to index
      %get3A_464 = arith.constant 0 : index
      %get3A_465 = tpu.vector_load %arg23[%get3A_463, %get3A_464] {strides = array<i32>} : memref<40x16xf32, #tpu.memory_space<vmem>>, vector<16xf32>,
      %mul3A_466 = arith.mulf %sub3A_284, %get3A_465 : vector<16xf32>
      %add3A_467 = arith.addf %add3A_461, %mul3A_466 : vector<16xf32>
      tpu.vector_store_idx %arg26[%add3A_189, %broadcast_in_dim3A_194], %add3A_467 : memref<640x4xf32, #tpu.memory_space<vmem>>[vector<16xi32>, vector<16xi32>], vector<16xf32>,
      %get3A_468 = arith.constant 35 : i32
      %get3A_469 = arith.index_cast %get3A_468 : i32 to index
      %get3A_470 = arith.constant 0 : index
      %get3A_471 = tpu.vector_load %arg23[%get3A_469, %get3A_470] {strides = array<i32>} : memref<40x16xf32, #tpu.memory_space<vmem>>, vector<16xf32>,
      %get3A_472 = arith.constant 7 : i32
      %get3A_473 = arith.index_cast %get3A_472 : i32 to index
      %get3A_474 = arith.constant 0 : index
      %get3A_475 = tpu.vector_load %arg23[%get3A_473, %get3A_474] {strides = array<i32>} : memref<40x16xf32, #tpu.memory_space<vmem>>, vector<16xf32>,
      %mul3A_476 = arith.mulf %sub3A_227, %get3A_475 : vector<16xf32>
      %add3A_477 = arith.addf %get3A_471, %mul3A_476 : vector<16xf32>
      %get3A_478 = arith.constant 15 : i32
      %get3A_479 = arith.index_cast %get3A_478 : i32 to index
      %get3A_480 = arith.constant 0 : index
      %get3A_481 = tpu.vector_load %arg23[%get3A_479, %get3A_480] {strides = array<i32>} : memref<40x16xf32, #tpu.memory_space<vmem>>, vector<16xf32>,
      %mul3A_482 = arith.mulf %sub3A_246, %get3A_481 : vector<16xf32>
      %add3A_483 = arith.addf %add3A_477, %mul3A_482 : vector<16xf32>
      %get3A_484 = arith.constant 23 : i32
      %get3A_485 = arith.index_cast %get3A_484 : i32 to index
      %get3A_486 = arith.constant 0 : index
      %get3A_487 = tpu.vector_load %arg23[%get3A_485, %get3A_486] {strides = array<i32>} : memref<40x16xf32, #tpu.memory_space<vmem>>, vector<16xf32>,
      %mul3A_488 = arith.mulf %sub3A_265, %get3A_487 : vector<16xf32>
      %add3A_489 = arith.addf %add3A_483, %mul3A_488 : vector<16xf32>
      %get3A_490 = arith.constant 31 : i32
      %get3A_491 = arith.index_cast %get3A_490 : i32 to index
      %get3A_492 = arith.constant 0 : index
      %get3A_493 = tpu.vector_load %arg23[%get3A_491, %get3A_492] {strides = array<i32>} : memref<40x16xf32, #tpu.memory_space<vmem>>, vector<16xf32>,
      %mul3A_494 = arith.mulf %sub3A_284, %get3A_493 : vector<16xf32>
      %add3A_495 = arith.addf %add3A_489, %mul3A_494 : vector<16xf32>
      tpu.vector_store_idx %arg26[%add3A_189, %broadcast_in_dim3A_196], %add3A_495 : memref<640x4xf32, #tpu.memory_space<vmem>>[vector<16xi32>, vector<16xi32>], vector<16xf32>,
    }
    %scan3A_69 = arith.constant 40 : i32
    %mul3A_70 = arith.constant 10240 : i32
    %mul3A_71 = arith.muli %arg0, %mul3A_70 : i32
    %mul3A_72 = arith.constant 640 : i32
    %mul3A_73 = arith.muli %arg1, %mul3A_72 : i32
    %add3A_74 = arith.addi %mul3A_71, %mul3A_73 : i32
    "tpu.region"() ({
      %run_scoped3A = tpu.sem_alloc : memref<!tpu.dma_semaphore, #tpu.memory_space<semaphore_mem>>
      %dma_start3A_185 = arith.constant 0 : i32
      %dma_start3A_186 = tpu.memref_slice %arg12[%add3A_74, %dma_start3A_185] : memref<20480x8xf32, #tpu.memory_space<hbm>> -> memref<640x8xf32, #tpu.memory_space<hbm>>
      %dma_start3A_187 = arith.constant 0 : i32
      %dma_start3A_188 = tpu.memref_slice %arg12[%add3A_74, %dma_start3A_187] : memref<20480x8xf32, #tpu.memory_space<hbm>> -> memref<640x8xf32, #tpu.memory_space<hbm>>
      tpu.enqueue_dma source(%arg24 : memref<640x8xf32, #tpu.memory_space<vmem>>) target(%dma_start3A_188 : memref<640x8xf32, #tpu.memory_space<hbm>>) target_semaphore(%run_scoped3A : memref<!tpu.dma_semaphore, #tpu.memory_space<semaphore_mem>>)
      %dma_wait3A_189 = arith.constant 0 : i32
      %dma_wait3A_190 = tpu.memref_slice %arg12[%add3A_74, %dma_wait3A_189] : memref<20480x8xf32, #tpu.memory_space<hbm>> -> memref<640x8xf32, #tpu.memory_space<hbm>>
      %dma_wait3A_191 = arith.constant 0 : i32
      %dma_wait3A_192 = tpu.memref_slice %arg12[%add3A_74, %dma_wait3A_191] : memref<20480x8xf32, #tpu.memory_space<hbm>> -> memref<640x8xf32, #tpu.memory_space<hbm>>
      tpu.wait_dma2 semaphore(%run_scoped3A : memref<!tpu.dma_semaphore, #tpu.memory_space<semaphore_mem>>) src(%arg24 : memref<640x8xf32, #tpu.memory_space<vmem>>) dst(%dma_wait3A_192 : memref<640x8xf32, #tpu.memory_space<hbm>>)
      tpu.yield
    }) : () -> ()
    %eq3A = arith.constant 0 : i32
    %eq3A_75 = arith.cmpi eq, %arg0, %eq3A : i32
    %convert_element_type3A = arith.extui %eq3A_75 : i1 to i32
    %cond3A = arith.constant 0 : i32
    %cond3A_76 = arith.cmpi ne, %convert_element_type3A, %cond3A : i32
    scf.if %cond3A_76 {
      "tpu.region"() ({
        %run_scoped3A = tpu.sem_alloc : memref<!tpu.dma_semaphore, #tpu.memory_space<semaphore_mem>>
        %dma_start3A_185 = arith.constant 0 : i32
        %dma_start3A_186 = tpu.memref_slice %arg10[%mul3A_2, %dma_start3A_185] : memref<10240x4xf32, #tpu.memory_space<hbm>> -> memref<640x4xf32, #tpu.memory_space<hbm>>
        %dma_start3A_187 = arith.constant 0 : i32
        %dma_start3A_188 = tpu.memref_slice %arg10[%mul3A_2, %dma_start3A_187] : memref<10240x4xf32, #tpu.memory_space<hbm>> -> memref<640x4xf32, #tpu.memory_space<hbm>>
        tpu.enqueue_dma source(%arg25 : memref<640x4xf32, #tpu.memory_space<vmem>>) target(%dma_start3A_188 : memref<640x4xf32, #tpu.memory_space<hbm>>) target_semaphore(%run_scoped3A : memref<!tpu.dma_semaphore, #tpu.memory_space<semaphore_mem>>)
        %dma_wait3A_189 = arith.constant 0 : i32
        %dma_wait3A_190 = tpu.memref_slice %arg10[%mul3A_2, %dma_wait3A_189] : memref<10240x4xf32, #tpu.memory_space<hbm>> -> memref<640x4xf32, #tpu.memory_space<hbm>>
        %dma_wait3A_191 = arith.constant 0 : i32
        %dma_wait3A_192 = tpu.memref_slice %arg10[%mul3A_2, %dma_wait3A_191] : memref<10240x4xf32, #tpu.memory_space<hbm>> -> memref<640x4xf32, #tpu.memory_space<hbm>>
        tpu.wait_dma2 semaphore(%run_scoped3A : memref<!tpu.dma_semaphore, #tpu.memory_space<semaphore_mem>>) src(%arg25 : memref<640x4xf32, #tpu.memory_space<vmem>>) dst(%dma_wait3A_192 : memref<640x4xf32, #tpu.memory_space<hbm>>)
        tpu.yield
      }) : () -> ()
      "tpu.region"() ({
        %run_scoped3A = tpu.sem_alloc : memref<!tpu.dma_semaphore, #tpu.memory_space<semaphore_mem>>
        %dma_start3A_185 = arith.constant 0 : i32
        %dma_start3A_186 = tpu.memref_slice %arg11[%mul3A_2, %dma_start3A_185] : memref<10240x4xf32, #tpu.memory_space<hbm>> -> memref<640x4xf32, #tpu.memory_space<hbm>>
        %dma_start3A_187 = arith.constant 0 : i32
        %dma_start3A_188 = tpu.memref_slice %arg11[%mul3A_2, %dma_start3A_187] : memref<10240x4xf32, #tpu.memory_space<hbm>> -> memref<640x4xf32, #tpu.memory_space<hbm>>
        tpu.enqueue_dma source(%arg26 : memref<640x4xf32, #tpu.memory_space<vmem>>) target(%dma_start3A_188 : memref<640x4xf32, #tpu.memory_space<hbm>>) target_semaphore(%run_scoped3A : memref<!tpu.dma_semaphore, #tpu.memory_space<semaphore_mem>>)
        %dma_wait3A_189 = arith.constant 0 : i32
        %dma_wait3A_190 = tpu.memref_slice %arg11[%mul3A_2, %dma_wait3A_189] : memref<10240x4xf32, #tpu.memory_space<hbm>> -> memref<640x4xf32, #tpu.memory_space<hbm>>
        %dma_wait3A_191 = arith.constant 0 : i32
        %dma_wait3A_192 = tpu.memref_slice %arg11[%mul3A_2, %dma_wait3A_191] : memref<10240x4xf32, #tpu.memory_space<hbm>> -> memref<640x4xf32, #tpu.memory_space<hbm>>
        tpu.wait_dma2 semaphore(%run_scoped3A : memref<!tpu.dma_semaphore, #tpu.memory_space<semaphore_mem>>) src(%arg26 : memref<640x4xf32, #tpu.memory_space<vmem>>) dst(%dma_wait3A_192 : memref<640x4xf32, #tpu.memory_space<hbm>>)
        tpu.yield
      }) : () -> ()
    } else {
    }
    %eq3A_77 = arith.constant 1 : i32
    %eq3A_78 = arith.cmpi eq, %arg0, %eq3A_77 : i32
    %convert_element_type3A_79 = arith.extui %eq3A_78 : i1 to i32
    %cond3A_80 = arith.constant 0 : i32
    %cond3A_81 = arith.cmpi ne, %convert_element_type3A_79, %cond3A_80 : i32
    scf.if %cond3A_81 {
      %scan3A_185 = arith.constant 0 : i32
      %scan3A_186 = arith.constant 0 : i32
      %scan3A_187 = arith.constant 640 : i32
      %scan3A_188 = arith.addi %scan3A_186, %scan3A_187 : i32
      %scan3A_189 = arith.constant 1 : i32
      scf.for %scan3A_191 = %scan3A_186 to %scan3A_188 step %scan3A_189  : i32 {
        %mul3A_192 = arith.constant 16 : i32
        %mul3A_193 = arith.muli %scan3A_191, %mul3A_192 : i32
        %get3A = arith.index_cast %mul3A_193 : i32 to index
        %get3A_194 = tpu.vector_load %arg13[%get3A] {strides = array<i32>} : memref<10240xi32, #tpu.memory_space<vmem>>, vector<16xi32>,
        %add3A_195 = arith.constant 10240 : i32
        %add3A_196 = vector.broadcast %add3A_195 : i32 to vector<16xi32>
        %add3A_197 = arith.addi %get3A_194, %add3A_196 : vector<16xi32>
        %swap3A = arith.index_cast %mul3A_193 : i32 to index
        %swap3A_198 = tpu.vector_load %arg13[%swap3A] {strides = array<i32>} : memref<10240xi32, #tpu.memory_space<vmem>>, vector<16xi32>,
        tpu.vector_store %arg13[%swap3A], %add3A_197 {strides = array<i32>} : memref<10240xi32, #tpu.memory_space<vmem>>, vector<16xi32>,
      }
      %scan3A_190 = arith.constant 640 : i32
    } else {
    }
    %barrier3A = arith.constant 0 : index
    tpu.barrier barrier_id(%barrier3A)
    %scan3A_82 = arith.constant 0 : i32
    %scan3A_83 = arith.constant 0 : i32
    %scan3A_84 = arith.constant 11 : i32
    %scan3A_85 = arith.addi %scan3A_83, %scan3A_84 : i32
    %scan3A_86 = arith.constant 1 : i32
    scf.for %scan3A_185 = %scan3A_83 to %scan3A_85 step %scan3A_86  : i32 {
      %mul3A_186 = arith.constant 8 : i32
      %mul3A_187 = arith.muli %mul3A_186, %scan3A_185 : i32
      %add3A_188 = arith.constant 0 : i32
      %add3A_189 = arith.addi %mul3A_187, %add3A_188 : i32
      %ge3A = arith.constant 8 : i32
      %ge3A_190 = arith.cmpi sge, %add3A_189, %ge3A : i32
      %lt3A = arith.constant 80 : i32
      %lt3A_191 = arith.cmpi slt, %add3A_189, %lt3A : i32
      %and3A = arith.andi %ge3A_190, %lt3A_191 : i1
      %convert_element_type3A_192 = arith.extui %and3A : i1 to i32
      %cond3A_193 = arith.constant 0 : i32
      %cond3A_194 = arith.cmpi ne, %convert_element_type3A_192, %cond3A_193 : i32
      scf.if %cond3A_194 {
        %sub3A = arith.constant 8 : i32
        %sub3A_383 = arith.subi %add3A_189, %sub3A : i32
        %dma_wait3A_384 = arith.constant 0 : i32
        %dma_wait3A_385 = arith.constant 0 : i32
        %dma_wait3A_386 = arith.constant 0 : i32
        %dma_wait3A_387 = tpu.memref_slice %arg15[%dma_wait3A_384, %dma_wait3A_385, %dma_wait3A_386] : memref<8x128x8xf32, #tpu.memory_space<vmem>> -> memref<1x128x8xf32, #tpu.memory_space<vmem>>
        %dma_wait3A_388 = tpu.memref_squeeze %dma_wait3A_387 : memref<1x128x8xf32, #tpu.memory_space<vmem>> -> memref<128x8xf32, #tpu.memory_space<vmem>>
        %dma_wait3A_389 = arith.constant 0 : i32
        %dma_wait3A_390 = tpu.memref_slice %arg14[%sub3A_383, %dma_wait3A_389] : memref<80x128xi32, #tpu.memory_space<vmem>> -> memref<1x128xi32, #tpu.memory_space<vmem>>
        %dma_wait3A_391 = tpu.memref_squeeze %dma_wait3A_390 : memref<1x128xi32, #tpu.memory_space<vmem>> -> memref<128xi32, #tpu.memory_space<vmem>>
        %dma_wait3A_392 = arith.constant 0 : i32
        %dma_wait3A_393 = arith.constant 0 : i32
        %dma_wait3A_394 = tpu.memref_slice %arg17[%dma_wait3A_392, %dma_wait3A_393] : memref<10240x8xf32, #tpu.memory_space<vmem_shared>> -> memref<10240x8xf32, #tpu.memory_space<vmem_shared>>
        tpu.wait_indirect_dma semaphore(%arg35 : memref<!tpu.dma_semaphore, #tpu.memory_space<semaphore_mem>>) src(%dma_wait3A_388 : memref<128x8xf32, #tpu.memory_space<vmem>>) dst(%dma_wait3A_394 : memref<10240x8xf32, #tpu.memory_space<vmem_shared>>)
      } else {
      }
      %lt3A_195 = arith.constant 80 : i32
      %lt3A_196 = arith.cmpi slt, %add3A_189, %lt3A_195 : i32
      %convert_element_type3A_197 = arith.extui %lt3A_196 : i1 to i32
      %cond3A_198 = arith.constant 0 : i32
      %cond3A_199 = arith.cmpi ne, %convert_element_type3A_197, %cond3A_198 : i32
      scf.if %cond3A_199 {
        %mul3A_383 = arith.constant 128 : i32
        %mul3A_384 = arith.muli %add3A_189, %mul3A_383 : i32
        %dma_start3A_385 = arith.constant 0 : i32
        %dma_start3A_386 = arith.constant 0 : i32
        %dma_start3A_387 = arith.constant 0 : i32
        %dma_start3A_388 = tpu.memref_slice %arg15[%dma_start3A_385, %dma_start3A_386, %dma_start3A_387] : memref<8x128x8xf32, #tpu.memory_space<vmem>> -> memref<1x128x8xf32, #tpu.memory_space<vmem>>
        %dma_start3A_389 = tpu.memref_squeeze %dma_start3A_388 : memref<1x128x8xf32, #tpu.memory_space<vmem>> -> memref<128x8xf32, #tpu.memory_space<vmem>>
        %dma_start3A_390 = tpu.memref_slice %arg13[%mul3A_384] : memref<10240xi32, #tpu.memory_space<vmem>> -> memref<128xi32, #tpu.memory_space<vmem>>
        %dma_start3A_391 = arith.constant 0 : i32
        %dma_start3A_392 = arith.constant 0 : i32
        %dma_start3A_393 = tpu.memref_slice %arg12[%dma_start3A_391, %dma_start3A_392] : memref<20480x8xf32, #tpu.memory_space<hbm>> -> memref<20480x8xf32, #tpu.memory_space<hbm>>
        tpu.enqueue_indirect_dma source(%dma_start3A_393 : memref<20480x8xf32, #tpu.memory_space<hbm>>) target(%dma_start3A_389 : memref<128x8xf32, #tpu.memory_space<vmem>>) offsets(%dma_start3A_390 : memref<128xi32, #tpu.memory_space<vmem>>) semaphore(%arg27 : memref<!tpu.dma_semaphore, #tpu.memory_space<semaphore_mem>>)
      } else {
      }
      %ge3A_200 = arith.constant 4 : i32
      %ge3A_201 = arith.cmpi sge, %add3A_189, %ge3A_200 : i32
      %lt3A_202 = arith.constant 84 : i32
      %lt3A_203 = arith.cmpi slt, %add3A_189, %lt3A_202 : i32
      %and3A_204 = arith.andi %ge3A_201, %lt3A_203 : i1
      %convert_element_type3A_205 = arith.extui %and3A_204 : i1 to i32
      %cond3A_206 = arith.constant 0 : i32
      %cond3A_207 = arith.cmpi ne, %convert_element_type3A_205, %cond3A_206 : i32
      scf.if %cond3A_207 {
        %sub3A = arith.constant 4 : i32
        %sub3A_383 = arith.subi %add3A_189, %sub3A : i32
        %mul3A_384 = arith.constant 128 : i32
        %mul3A_385 = arith.muli %sub3A_383, %mul3A_384 : i32
        %dma_wait3A_386 = arith.constant 4 : i32
        %dma_wait3A_387 = arith.constant 0 : i32
        %dma_wait3A_388 = arith.constant 0 : i32
        %dma_wait3A_389 = tpu.memref_slice %arg15[%dma_wait3A_386, %dma_wait3A_387, %dma_wait3A_388] : memref<8x128x8xf32, #tpu.memory_space<vmem>> -> memref<1x128x8xf32, #tpu.memory_space<vmem>>
        %dma_wait3A_390 = tpu.memref_squeeze %dma_wait3A_389 : memref<1x128x8xf32, #tpu.memory_space<vmem>> -> memref<128x8xf32, #tpu.memory_space<vmem>>
        %dma_wait3A_391 = tpu.memref_slice %arg13[%mul3A_385] : memref<10240xi32, #tpu.memory_space<vmem>> -> memref<128xi32, #tpu.memory_space<vmem>>
        %dma_wait3A_392 = arith.constant 0 : i32
        %dma_wait3A_393 = arith.constant 0 : i32
        %dma_wait3A_394 = tpu.memref_slice %arg12[%dma_wait3A_392, %dma_wait3A_393] : memref<20480x8xf32, #tpu.memory_space<hbm>> -> memref<20480x8xf32, #tpu.memory_space<hbm>>
        tpu.wait_indirect_dma semaphore(%arg31 : memref<!tpu.dma_semaphore, #tpu.memory_space<semaphore_mem>>) src(%dma_wait3A_394 : memref<20480x8xf32, #tpu.memory_space<hbm>>) dst(%dma_wait3A_390 : memref<128x8xf32, #tpu.memory_space<vmem>>)
        %dma_start3A_395 = arith.constant 4 : i32
        %dma_start3A_396 = arith.constant 0 : i32
        %dma_start3A_397 = arith.constant 0 : i32
        %dma_start3A_398 = tpu.memref_slice %arg15[%dma_start3A_395, %dma_start3A_396, %dma_start3A_397] : memref<8x128x8xf32, #tpu.memory_space<vmem>> -> memref<1x128x8xf32, #tpu.memory_space<vmem>>
        %dma_start3A_399 = tpu.memref_squeeze %dma_start3A_398 : memref<1x128x8xf32, #tpu.memory_space<vmem>> -> memref<128x8xf32, #tpu.memory_space<vmem>>
        %dma_start3A_400 = arith.constant 0 : i32
        %dma_start3A_401 = tpu.memref_slice %arg14[%sub3A_383, %dma_start3A_400] : memref<80x128xi32, #tpu.memory_space<vmem>> -> memref<1x128xi32, #tpu.memory_space<vmem>>
        %dma_start3A_402 = tpu.memref_squeeze %dma_start3A_401 : memref<1x128xi32, #tpu.memory_space<vmem>> -> memref<128xi32, #tpu.memory_space<vmem>>
        %dma_start3A_403 = arith.constant 0 : i32
        %dma_start3A_404 = arith.constant 0 : i32
        %dma_start3A_405 = tpu.memref_slice %arg17[%dma_start3A_403, %dma_start3A_404] : memref<10240x8xf32, #tpu.memory_space<vmem_shared>> -> memref<10240x8xf32, #tpu.memory_space<vmem_shared>>
        tpu.enqueue_indirect_dma source(%dma_start3A_399 : memref<128x8xf32, #tpu.memory_space<vmem>>) target(%dma_start3A_405 : memref<10240x8xf32, #tpu.memory_space<vmem_shared>>) offsets(%dma_start3A_402 : memref<128xi32, #tpu.memory_space<vmem>>) semaphore(%arg39 : memref<!tpu.dma_semaphore, #tpu.memory_space<semaphore_mem>>) {add = true}
      } else {
      }
      %mul3A_208 = arith.constant 8 : i32
      %mul3A_209 = arith.muli %mul3A_208, %scan3A_185 : i32
      %add3A_210 = arith.constant 1 : i32
      %add3A_211 = arith.addi %mul3A_209, %add3A_210 : i32
      %ge3A_212 = arith.constant 8 : i32
      %ge3A_213 = arith.cmpi sge, %add3A_211, %ge3A_212 : i32
      %lt3A_214 = arith.constant 80 : i32
      %lt3A_215 = arith.cmpi slt, %add3A_211, %lt3A_214 : i32
      %and3A_216 = arith.andi %ge3A_213, %lt3A_215 : i1
      %convert_element_type3A_217 = arith.extui %and3A_216 : i1 to i32
      %cond3A_218 = arith.constant 0 : i32
      %cond3A_219 = arith.cmpi ne, %convert_element_type3A_217, %cond3A_218 : i32
      scf.if %cond3A_219 {
        %sub3A = arith.constant 8 : i32
        %sub3A_383 = arith.subi %add3A_211, %sub3A : i32
        %dma_wait3A_384 = arith.constant 1 : i32
        %dma_wait3A_385 = arith.constant 0 : i32
        %dma_wait3A_386 = arith.constant 0 : i32
        %dma_wait3A_387 = tpu.memref_slice %arg15[%dma_wait3A_384, %dma_wait3A_385, %dma_wait3A_386] : memref<8x128x8xf32, #tpu.memory_space<vmem>> -> memref<1x128x8xf32, #tpu.memory_space<vmem>>
        %dma_wait3A_388 = tpu.memref_squeeze %dma_wait3A_387 : memref<1x128x8xf32, #tpu.memory_space<vmem>> -> memref<128x8xf32, #tpu.memory_space<vmem>>
        %dma_wait3A_389 = arith.constant 0 : i32
        %dma_wait3A_390 = tpu.memref_slice %arg14[%sub3A_383, %dma_wait3A_389] : memref<80x128xi32, #tpu.memory_space<vmem>> -> memref<1x128xi32, #tpu.memory_space<vmem>>
        %dma_wait3A_391 = tpu.memref_squeeze %dma_wait3A_390 : memref<1x128xi32, #tpu.memory_space<vmem>> -> memref<128xi32, #tpu.memory_space<vmem>>
        %dma_wait3A_392 = arith.constant 0 : i32
        %dma_wait3A_393 = arith.constant 0 : i32
        %dma_wait3A_394 = tpu.memref_slice %arg17[%dma_wait3A_392, %dma_wait3A_393] : memref<10240x8xf32, #tpu.memory_space<vmem_shared>> -> memref<10240x8xf32, #tpu.memory_space<vmem_shared>>
        tpu.wait_indirect_dma semaphore(%arg36 : memref<!tpu.dma_semaphore, #tpu.memory_space<semaphore_mem>>) src(%dma_wait3A_388 : memref<128x8xf32, #tpu.memory_space<vmem>>) dst(%dma_wait3A_394 : memref<10240x8xf32, #tpu.memory_space<vmem_shared>>)
      } else {
      }
      %lt3A_220 = arith.constant 80 : i32
      %lt3A_221 = arith.cmpi slt, %add3A_211, %lt3A_220 : i32
      %convert_element_type3A_222 = arith.extui %lt3A_221 : i1 to i32
      %cond3A_223 = arith.constant 0 : i32
      %cond3A_224 = arith.cmpi ne, %convert_element_type3A_222, %cond3A_223 : i32
      scf.if %cond3A_224 {
        %mul3A_383 = arith.constant 128 : i32
        %mul3A_384 = arith.muli %add3A_211, %mul3A_383 : i32
        %dma_start3A_385 = arith.constant 1 : i32
        %dma_start3A_386 = arith.constant 0 : i32
        %dma_start3A_387 = arith.constant 0 : i32
        %dma_start3A_388 = tpu.memref_slice %arg15[%dma_start3A_385, %dma_start3A_386, %dma_start3A_387] : memref<8x128x8xf32, #tpu.memory_space<vmem>> -> memref<1x128x8xf32, #tpu.memory_space<vmem>>
        %dma_start3A_389 = tpu.memref_squeeze %dma_start3A_388 : memref<1x128x8xf32, #tpu.memory_space<vmem>> -> memref<128x8xf32, #tpu.memory_space<vmem>>
        %dma_start3A_390 = tpu.memref_slice %arg13[%mul3A_384] : memref<10240xi32, #tpu.memory_space<vmem>> -> memref<128xi32, #tpu.memory_space<vmem>>
        %dma_start3A_391 = arith.constant 0 : i32
        %dma_start3A_392 = arith.constant 0 : i32
        %dma_start3A_393 = tpu.memref_slice %arg12[%dma_start3A_391, %dma_start3A_392] : memref<20480x8xf32, #tpu.memory_space<hbm>> -> memref<20480x8xf32, #tpu.memory_space<hbm>>
        tpu.enqueue_indirect_dma source(%dma_start3A_393 : memref<20480x8xf32, #tpu.memory_space<hbm>>) target(%dma_start3A_389 : memref<128x8xf32, #tpu.memory_space<vmem>>) offsets(%dma_start3A_390 : memref<128xi32, #tpu.memory_space<vmem>>) semaphore(%arg28 : memref<!tpu.dma_semaphore, #tpu.memory_space<semaphore_mem>>)
      } else {
      }
      %ge3A_225 = arith.constant 4 : i32
      %ge3A_226 = arith.cmpi sge, %add3A_211, %ge3A_225 : i32
      %lt3A_227 = arith.constant 84 : i32
      %lt3A_228 = arith.cmpi slt, %add3A_211, %lt3A_227 : i32
      %and3A_229 = arith.andi %ge3A_226, %lt3A_228 : i1
      %convert_element_type3A_230 = arith.extui %and3A_229 : i1 to i32
      %cond3A_231 = arith.constant 0 : i32
      %cond3A_232 = arith.cmpi ne, %convert_element_type3A_230, %cond3A_231 : i32
      scf.if %cond3A_232 {
        %sub3A = arith.constant 4 : i32
        %sub3A_383 = arith.subi %add3A_211, %sub3A : i32
        %mul3A_384 = arith.constant 128 : i32
        %mul3A_385 = arith.muli %sub3A_383, %mul3A_384 : i32
        %dma_wait3A_386 = arith.constant 5 : i32
        %dma_wait3A_387 = arith.constant 0 : i32
        %dma_wait3A_388 = arith.constant 0 : i32
        %dma_wait3A_389 = tpu.memref_slice %arg15[%dma_wait3A_386, %dma_wait3A_387, %dma_wait3A_388] : memref<8x128x8xf32, #tpu.memory_space<vmem>> -> memref<1x128x8xf32, #tpu.memory_space<vmem>>
        %dma_wait3A_390 = tpu.memref_squeeze %dma_wait3A_389 : memref<1x128x8xf32, #tpu.memory_space<vmem>> -> memref<128x8xf32, #tpu.memory_space<vmem>>
        %dma_wait3A_391 = tpu.memref_slice %arg13[%mul3A_385] : memref<10240xi32, #tpu.memory_space<vmem>> -> memref<128xi32, #tpu.memory_space<vmem>>
        %dma_wait3A_392 = arith.constant 0 : i32
        %dma_wait3A_393 = arith.constant 0 : i32
        %dma_wait3A_394 = tpu.memref_slice %arg12[%dma_wait3A_392, %dma_wait3A_393] : memref<20480x8xf32, #tpu.memory_space<hbm>> -> memref<20480x8xf32, #tpu.memory_space<hbm>>
        tpu.wait_indirect_dma semaphore(%arg32 : memref<!tpu.dma_semaphore, #tpu.memory_space<semaphore_mem>>) src(%dma_wait3A_394 : memref<20480x8xf32, #tpu.memory_space<hbm>>) dst(%dma_wait3A_390 : memref<128x8xf32, #tpu.memory_space<vmem>>)
        %dma_start3A_395 = arith.constant 5 : i32
        %dma_start3A_396 = arith.constant 0 : i32
        %dma_start3A_397 = arith.constant 0 : i32
        %dma_start3A_398 = tpu.memref_slice %arg15[%dma_start3A_395, %dma_start3A_396, %dma_start3A_397] : memref<8x128x8xf32, #tpu.memory_space<vmem>> -> memref<1x128x8xf32, #tpu.memory_space<vmem>>
        %dma_start3A_399 = tpu.memref_squeeze %dma_start3A_398 : memref<1x128x8xf32, #tpu.memory_space<vmem>> -> memref<128x8xf32, #tpu.memory_space<vmem>>
        %dma_start3A_400 = arith.constant 0 : i32
        %dma_start3A_401 = tpu.memref_slice %arg14[%sub3A_383, %dma_start3A_400] : memref<80x128xi32, #tpu.memory_space<vmem>> -> memref<1x128xi32, #tpu.memory_space<vmem>>
        %dma_start3A_402 = tpu.memref_squeeze %dma_start3A_401 : memref<1x128xi32, #tpu.memory_space<vmem>> -> memref<128xi32, #tpu.memory_space<vmem>>
        %dma_start3A_403 = arith.constant 0 : i32
        %dma_start3A_404 = arith.constant 0 : i32
        %dma_start3A_405 = tpu.memref_slice %arg17[%dma_start3A_403, %dma_start3A_404] : memref<10240x8xf32, #tpu.memory_space<vmem_shared>> -> memref<10240x8xf32, #tpu.memory_space<vmem_shared>>
        tpu.enqueue_indirect_dma source(%dma_start3A_399 : memref<128x8xf32, #tpu.memory_space<vmem>>) target(%dma_start3A_405 : memref<10240x8xf32, #tpu.memory_space<vmem_shared>>) offsets(%dma_start3A_402 : memref<128xi32, #tpu.memory_space<vmem>>) semaphore(%arg40 : memref<!tpu.dma_semaphore, #tpu.memory_space<semaphore_mem>>) {add = true}
      } else {
      }
      %mul3A_233 = arith.constant 8 : i32
      %mul3A_234 = arith.muli %mul3A_233, %scan3A_185 : i32
      %add3A_235 = arith.constant 2 : i32
      %add3A_236 = arith.addi %mul3A_234, %add3A_235 : i32
      %ge3A_237 = arith.constant 8 : i32
      %ge3A_238 = arith.cmpi sge, %add3A_236, %ge3A_237 : i32
      %lt3A_239 = arith.constant 80 : i32
      %lt3A_240 = arith.cmpi slt, %add3A_236, %lt3A_239 : i32
      %and3A_241 = arith.andi %ge3A_238, %lt3A_240 : i1
      %convert_element_type3A_242 = arith.extui %and3A_241 : i1 to i32
      %cond3A_243 = arith.constant 0 : i32
      %cond3A_244 = arith.cmpi ne, %convert_element_type3A_242, %cond3A_243 : i32
      scf.if %cond3A_244 {
        %sub3A = arith.constant 8 : i32
        %sub3A_383 = arith.subi %add3A_236, %sub3A : i32
        %dma_wait3A_384 = arith.constant 2 : i32
        %dma_wait3A_385 = arith.constant 0 : i32
        %dma_wait3A_386 = arith.constant 0 : i32
        %dma_wait3A_387 = tpu.memref_slice %arg15[%dma_wait3A_384, %dma_wait3A_385, %dma_wait3A_386] : memref<8x128x8xf32, #tpu.memory_space<vmem>> -> memref<1x128x8xf32, #tpu.memory_space<vmem>>
        %dma_wait3A_388 = tpu.memref_squeeze %dma_wait3A_387 : memref<1x128x8xf32, #tpu.memory_space<vmem>> -> memref<128x8xf32, #tpu.memory_space<vmem>>
        %dma_wait3A_389 = arith.constant 0 : i32
        %dma_wait3A_390 = tpu.memref_slice %arg14[%sub3A_383, %dma_wait3A_389] : memref<80x128xi32, #tpu.memory_space<vmem>> -> memref<1x128xi32, #tpu.memory_space<vmem>>
        %dma_wait3A_391 = tpu.memref_squeeze %dma_wait3A_390 : memref<1x128xi32, #tpu.memory_space<vmem>> -> memref<128xi32, #tpu.memory_space<vmem>>
        %dma_wait3A_392 = arith.constant 0 : i32
        %dma_wait3A_393 = arith.constant 0 : i32
        %dma_wait3A_394 = tpu.memref_slice %arg17[%dma_wait3A_392, %dma_wait3A_393] : memref<10240x8xf32, #tpu.memory_space<vmem_shared>> -> memref<10240x8xf32, #tpu.memory_space<vmem_shared>>
        tpu.wait_indirect_dma semaphore(%arg37 : memref<!tpu.dma_semaphore, #tpu.memory_space<semaphore_mem>>) src(%dma_wait3A_388 : memref<128x8xf32, #tpu.memory_space<vmem>>) dst(%dma_wait3A_394 : memref<10240x8xf32, #tpu.memory_space<vmem_shared>>)
      } else {
      }
      %lt3A_245 = arith.constant 80 : i32
      %lt3A_246 = arith.cmpi slt, %add3A_236, %lt3A_245 : i32
      %convert_element_type3A_247 = arith.extui %lt3A_246 : i1 to i32
      %cond3A_248 = arith.constant 0 : i32
      %cond3A_249 = arith.cmpi ne, %convert_element_type3A_247, %cond3A_248 : i32
      scf.if %cond3A_249 {
        %mul3A_383 = arith.constant 128 : i32
        %mul3A_384 = arith.muli %add3A_236, %mul3A_383 : i32
        %dma_start3A_385 = arith.constant 2 : i32
        %dma_start3A_386 = arith.constant 0 : i32
        %dma_start3A_387 = arith.constant 0 : i32
        %dma_start3A_388 = tpu.memref_slice %arg15[%dma_start3A_385, %dma_start3A_386, %dma_start3A_387] : memref<8x128x8xf32, #tpu.memory_space<vmem>> -> memref<1x128x8xf32, #tpu.memory_space<vmem>>
        %dma_start3A_389 = tpu.memref_squeeze %dma_start3A_388 : memref<1x128x8xf32, #tpu.memory_space<vmem>> -> memref<128x8xf32, #tpu.memory_space<vmem>>
        %dma_start3A_390 = tpu.memref_slice %arg13[%mul3A_384] : memref<10240xi32, #tpu.memory_space<vmem>> -> memref<128xi32, #tpu.memory_space<vmem>>
        %dma_start3A_391 = arith.constant 0 : i32
        %dma_start3A_392 = arith.constant 0 : i32
        %dma_start3A_393 = tpu.memref_slice %arg12[%dma_start3A_391, %dma_start3A_392] : memref<20480x8xf32, #tpu.memory_space<hbm>> -> memref<20480x8xf32, #tpu.memory_space<hbm>>
        tpu.enqueue_indirect_dma source(%dma_start3A_393 : memref<20480x8xf32, #tpu.memory_space<hbm>>) target(%dma_start3A_389 : memref<128x8xf32, #tpu.memory_space<vmem>>) offsets(%dma_start3A_390 : memref<128xi32, #tpu.memory_space<vmem>>) semaphore(%arg29 : memref<!tpu.dma_semaphore, #tpu.memory_space<semaphore_mem>>)
      } else {
      }
      %ge3A_250 = arith.constant 4 : i32
      %ge3A_251 = arith.cmpi sge, %add3A_236, %ge3A_250 : i32
      %lt3A_252 = arith.constant 84 : i32
      %lt3A_253 = arith.cmpi slt, %add3A_236, %lt3A_252 : i32
      %and3A_254 = arith.andi %ge3A_251, %lt3A_253 : i1
      %convert_element_type3A_255 = arith.extui %and3A_254 : i1 to i32
      %cond3A_256 = arith.constant 0 : i32
      %cond3A_257 = arith.cmpi ne, %convert_element_type3A_255, %cond3A_256 : i32
      scf.if %cond3A_257 {
        %sub3A = arith.constant 4 : i32
        %sub3A_383 = arith.subi %add3A_236, %sub3A : i32
        %mul3A_384 = arith.constant 128 : i32
        %mul3A_385 = arith.muli %sub3A_383, %mul3A_384 : i32
        %dma_wait3A_386 = arith.constant 6 : i32
        %dma_wait3A_387 = arith.constant 0 : i32
        %dma_wait3A_388 = arith.constant 0 : i32
        %dma_wait3A_389 = tpu.memref_slice %arg15[%dma_wait3A_386, %dma_wait3A_387, %dma_wait3A_388] : memref<8x128x8xf32, #tpu.memory_space<vmem>> -> memref<1x128x8xf32, #tpu.memory_space<vmem>>
        %dma_wait3A_390 = tpu.memref_squeeze %dma_wait3A_389 : memref<1x128x8xf32, #tpu.memory_space<vmem>> -> memref<128x8xf32, #tpu.memory_space<vmem>>
        %dma_wait3A_391 = tpu.memref_slice %arg13[%mul3A_385] : memref<10240xi32, #tpu.memory_space<vmem>> -> memref<128xi32, #tpu.memory_space<vmem>>
        %dma_wait3A_392 = arith.constant 0 : i32
        %dma_wait3A_393 = arith.constant 0 : i32
        %dma_wait3A_394 = tpu.memref_slice %arg12[%dma_wait3A_392, %dma_wait3A_393] : memref<20480x8xf32, #tpu.memory_space<hbm>> -> memref<20480x8xf32, #tpu.memory_space<hbm>>
        tpu.wait_indirect_dma semaphore(%arg33 : memref<!tpu.dma_semaphore, #tpu.memory_space<semaphore_mem>>) src(%dma_wait3A_394 : memref<20480x8xf32, #tpu.memory_space<hbm>>) dst(%dma_wait3A_390 : memref<128x8xf32, #tpu.memory_space<vmem>>)
        %dma_start3A_395 = arith.constant 6 : i32
        %dma_start3A_396 = arith.constant 0 : i32
        %dma_start3A_397 = arith.constant 0 : i32
        %dma_start3A_398 = tpu.memref_slice %arg15[%dma_start3A_395, %dma_start3A_396, %dma_start3A_397] : memref<8x128x8xf32, #tpu.memory_space<vmem>> -> memref<1x128x8xf32, #tpu.memory_space<vmem>>
        %dma_start3A_399 = tpu.memref_squeeze %dma_start3A_398 : memref<1x128x8xf32, #tpu.memory_space<vmem>> -> memref<128x8xf32, #tpu.memory_space<vmem>>
        %dma_start3A_400 = arith.constant 0 : i32
        %dma_start3A_401 = tpu.memref_slice %arg14[%sub3A_383, %dma_start3A_400] : memref<80x128xi32, #tpu.memory_space<vmem>> -> memref<1x128xi32, #tpu.memory_space<vmem>>
        %dma_start3A_402 = tpu.memref_squeeze %dma_start3A_401 : memref<1x128xi32, #tpu.memory_space<vmem>> -> memref<128xi32, #tpu.memory_space<vmem>>
        %dma_start3A_403 = arith.constant 0 : i32
        %dma_start3A_404 = arith.constant 0 : i32
        %dma_start3A_405 = tpu.memref_slice %arg17[%dma_start3A_403, %dma_start3A_404] : memref<10240x8xf32, #tpu.memory_space<vmem_shared>> -> memref<10240x8xf32, #tpu.memory_space<vmem_shared>>
        tpu.enqueue_indirect_dma source(%dma_start3A_399 : memref<128x8xf32, #tpu.memory_space<vmem>>) target(%dma_start3A_405 : memref<10240x8xf32, #tpu.memory_space<vmem_shared>>) offsets(%dma_start3A_402 : memref<128xi32, #tpu.memory_space<vmem>>) semaphore(%arg41 : memref<!tpu.dma_semaphore, #tpu.memory_space<semaphore_mem>>) {add = true}
      } else {
      }
      %mul3A_258 = arith.constant 8 : i32
      %mul3A_259 = arith.muli %mul3A_258, %scan3A_185 : i32
      %add3A_260 = arith.constant 3 : i32
      %add3A_261 = arith.addi %mul3A_259, %add3A_260 : i32
      %ge3A_262 = arith.constant 8 : i32
      %ge3A_263 = arith.cmpi sge, %add3A_261, %ge3A_262 : i32
      %lt3A_264 = arith.constant 80 : i32
      %lt3A_265 = arith.cmpi slt, %add3A_261, %lt3A_264 : i32
      %and3A_266 = arith.andi %ge3A_263, %lt3A_265 : i1
      %convert_element_type3A_267 = arith.extui %and3A_266 : i1 to i32
      %cond3A_268 = arith.constant 0 : i32
      %cond3A_269 = arith.cmpi ne, %convert_element_type3A_267, %cond3A_268 : i32
      scf.if %cond3A_269 {
        %sub3A = arith.constant 8 : i32
        %sub3A_383 = arith.subi %add3A_261, %sub3A : i32
        %dma_wait3A_384 = arith.constant 3 : i32
        %dma_wait3A_385 = arith.constant 0 : i32
        %dma_wait3A_386 = arith.constant 0 : i32
        %dma_wait3A_387 = tpu.memref_slice %arg15[%dma_wait3A_384, %dma_wait3A_385, %dma_wait3A_386] : memref<8x128x8xf32, #tpu.memory_space<vmem>> -> memref<1x128x8xf32, #tpu.memory_space<vmem>>
        %dma_wait3A_388 = tpu.memref_squeeze %dma_wait3A_387 : memref<1x128x8xf32, #tpu.memory_space<vmem>> -> memref<128x8xf32, #tpu.memory_space<vmem>>
        %dma_wait3A_389 = arith.constant 0 : i32
        %dma_wait3A_390 = tpu.memref_slice %arg14[%sub3A_383, %dma_wait3A_389] : memref<80x128xi32, #tpu.memory_space<vmem>> -> memref<1x128xi32, #tpu.memory_space<vmem>>
        %dma_wait3A_391 = tpu.memref_squeeze %dma_wait3A_390 : memref<1x128xi32, #tpu.memory_space<vmem>> -> memref<128xi32, #tpu.memory_space<vmem>>
        %dma_wait3A_392 = arith.constant 0 : i32
        %dma_wait3A_393 = arith.constant 0 : i32
        %dma_wait3A_394 = tpu.memref_slice %arg17[%dma_wait3A_392, %dma_wait3A_393] : memref<10240x8xf32, #tpu.memory_space<vmem_shared>> -> memref<10240x8xf32, #tpu.memory_space<vmem_shared>>
        tpu.wait_indirect_dma semaphore(%arg38 : memref<!tpu.dma_semaphore, #tpu.memory_space<semaphore_mem>>) src(%dma_wait3A_388 : memref<128x8xf32, #tpu.memory_space<vmem>>) dst(%dma_wait3A_394 : memref<10240x8xf32, #tpu.memory_space<vmem_shared>>)
      } else {
      }
      %lt3A_270 = arith.constant 80 : i32
      %lt3A_271 = arith.cmpi slt, %add3A_261, %lt3A_270 : i32
      %convert_element_type3A_272 = arith.extui %lt3A_271 : i1 to i32
      %cond3A_273 = arith.constant 0 : i32
      %cond3A_274 = arith.cmpi ne, %convert_element_type3A_272, %cond3A_273 : i32
      scf.if %cond3A_274 {
        %mul3A_383 = arith.constant 128 : i32
        %mul3A_384 = arith.muli %add3A_261, %mul3A_383 : i32
        %dma_start3A_385 = arith.constant 3 : i32
        %dma_start3A_386 = arith.constant 0 : i32
        %dma_start3A_387 = arith.constant 0 : i32
        %dma_start3A_388 = tpu.memref_slice %arg15[%dma_start3A_385, %dma_start3A_386, %dma_start3A_387] : memref<8x128x8xf32, #tpu.memory_space<vmem>> -> memref<1x128x8xf32, #tpu.memory_space<vmem>>
        %dma_start3A_389 = tpu.memref_squeeze %dma_start3A_388 : memref<1x128x8xf32, #tpu.memory_space<vmem>> -> memref<128x8xf32, #tpu.memory_space<vmem>>
        %dma_start3A_390 = tpu.memref_slice %arg13[%mul3A_384] : memref<10240xi32, #tpu.memory_space<vmem>> -> memref<128xi32, #tpu.memory_space<vmem>>
        %dma_start3A_391 = arith.constant 0 : i32
        %dma_start3A_392 = arith.constant 0 : i32
        %dma_start3A_393 = tpu.memref_slice %arg12[%dma_start3A_391, %dma_start3A_392] : memref<20480x8xf32, #tpu.memory_space<hbm>> -> memref<20480x8xf32, #tpu.memory_space<hbm>>
        tpu.enqueue_indirect_dma source(%dma_start3A_393 : memref<20480x8xf32, #tpu.memory_space<hbm>>) target(%dma_start3A_389 : memref<128x8xf32, #tpu.memory_space<vmem>>) offsets(%dma_start3A_390 : memref<128xi32, #tpu.memory_space<vmem>>) semaphore(%arg30 : memref<!tpu.dma_semaphore, #tpu.memory_space<semaphore_mem>>)
      } else {
      }
      %ge3A_275 = arith.constant 4 : i32
      %ge3A_276 = arith.cmpi sge, %add3A_261, %ge3A_275 : i32
      %lt3A_277 = arith.constant 84 : i32
      %lt3A_278 = arith.cmpi slt, %add3A_261, %lt3A_277 : i32
      %and3A_279 = arith.andi %ge3A_276, %lt3A_278 : i1
      %convert_element_type3A_280 = arith.extui %and3A_279 : i1 to i32
      %cond3A_281 = arith.constant 0 : i32
      %cond3A_282 = arith.cmpi ne, %convert_element_type3A_280, %cond3A_281 : i32
      scf.if %cond3A_282 {
        %sub3A = arith.constant 4 : i32
        %sub3A_383 = arith.subi %add3A_261, %sub3A : i32
        %mul3A_384 = arith.constant 128 : i32
        %mul3A_385 = arith.muli %sub3A_383, %mul3A_384 : i32
        %dma_wait3A_386 = arith.constant 7 : i32
        %dma_wait3A_387 = arith.constant 0 : i32
        %dma_wait3A_388 = arith.constant 0 : i32
        %dma_wait3A_389 = tpu.memref_slice %arg15[%dma_wait3A_386, %dma_wait3A_387, %dma_wait3A_388] : memref<8x128x8xf32, #tpu.memory_space<vmem>> -> memref<1x128x8xf32, #tpu.memory_space<vmem>>
        %dma_wait3A_390 = tpu.memref_squeeze %dma_wait3A_389 : memref<1x128x8xf32, #tpu.memory_space<vmem>> -> memref<128x8xf32, #tpu.memory_space<vmem>>
        %dma_wait3A_391 = tpu.memref_slice %arg13[%mul3A_385] : memref<10240xi32, #tpu.memory_space<vmem>> -> memref<128xi32, #tpu.memory_space<vmem>>
        %dma_wait3A_392 = arith.constant 0 : i32
        %dma_wait3A_393 = arith.constant 0 : i32
        %dma_wait3A_394 = tpu.memref_slice %arg12[%dma_wait3A_392, %dma_wait3A_393] : memref<20480x8xf32, #tpu.memory_space<hbm>> -> memref<20480x8xf32, #tpu.memory_space<hbm>>
        tpu.wait_indirect_dma semaphore(%arg34 : memref<!tpu.dma_semaphore, #tpu.memory_space<semaphore_mem>>) src(%dma_wait3A_394 : memref<20480x8xf32, #tpu.memory_space<hbm>>) dst(%dma_wait3A_390 : memref<128x8xf32, #tpu.memory_space<vmem>>)
        %dma_start3A_395 = arith.constant 7 : i32
        %dma_start3A_396 = arith.constant 0 : i32
        %dma_start3A_397 = arith.constant 0 : i32
        %dma_start3A_398 = tpu.memref_slice %arg15[%dma_start3A_395, %dma_start3A_396, %dma_start3A_397] : memref<8x128x8xf32, #tpu.memory_space<vmem>> -> memref<1x128x8xf32, #tpu.memory_space<vmem>>
        %dma_start3A_399 = tpu.memref_squeeze %dma_start3A_398 : memref<1x128x8xf32, #tpu.memory_space<vmem>> -> memref<128x8xf32, #tpu.memory_space<vmem>>
        %dma_start3A_400 = arith.constant 0 : i32
        %dma_start3A_401 = tpu.memref_slice %arg14[%sub3A_383, %dma_start3A_400] : memref<80x128xi32, #tpu.memory_space<vmem>> -> memref<1x128xi32, #tpu.memory_space<vmem>>
        %dma_start3A_402 = tpu.memref_squeeze %dma_start3A_401 : memref<1x128xi32, #tpu.memory_space<vmem>> -> memref<128xi32, #tpu.memory_space<vmem>>
        %dma_start3A_403 = arith.constant 0 : i32
        %dma_start3A_404 = arith.constant 0 : i32
        %dma_start3A_405 = tpu.memref_slice %arg17[%dma_start3A_403, %dma_start3A_404] : memref<10240x8xf32, #tpu.memory_space<vmem_shared>> -> memref<10240x8xf32, #tpu.memory_space<vmem_shared>>
        tpu.enqueue_indirect_dma source(%dma_start3A_399 : memref<128x8xf32, #tpu.memory_space<vmem>>) target(%dma_start3A_405 : memref<10240x8xf32, #tpu.memory_space<vmem_shared>>) offsets(%dma_start3A_402 : memref<128xi32, #tpu.memory_space<vmem>>) semaphore(%arg42 : memref<!tpu.dma_semaphore, #tpu.memory_space<semaphore_mem>>) {add = true}
      } else {
      }
      %mul3A_283 = arith.constant 8 : i32
      %mul3A_284 = arith.muli %mul3A_283, %scan3A_185 : i32
      %add3A_285 = arith.constant 4 : i32
      %add3A_286 = arith.addi %mul3A_284, %add3A_285 : i32
      %ge3A_287 = arith.constant 8 : i32
      %ge3A_288 = arith.cmpi sge, %add3A_286, %ge3A_287 : i32
      %lt3A_289 = arith.constant 80 : i32
      %lt3A_290 = arith.cmpi slt, %add3A_286, %lt3A_289 : i32
      %and3A_291 = arith.andi %ge3A_288, %lt3A_290 : i1
      %convert_element_type3A_292 = arith.extui %and3A_291 : i1 to i32
      %cond3A_293 = arith.constant 0 : i32
      %cond3A_294 = arith.cmpi ne, %convert_element_type3A_292, %cond3A_293 : i32
      scf.if %cond3A_294 {
        %sub3A = arith.constant 8 : i32
        %sub3A_383 = arith.subi %add3A_286, %sub3A : i32
        %dma_wait3A_384 = arith.constant 4 : i32
        %dma_wait3A_385 = arith.constant 0 : i32
        %dma_wait3A_386 = arith.constant 0 : i32
        %dma_wait3A_387 = tpu.memref_slice %arg15[%dma_wait3A_384, %dma_wait3A_385, %dma_wait3A_386] : memref<8x128x8xf32, #tpu.memory_space<vmem>> -> memref<1x128x8xf32, #tpu.memory_space<vmem>>
        %dma_wait3A_388 = tpu.memref_squeeze %dma_wait3A_387 : memref<1x128x8xf32, #tpu.memory_space<vmem>> -> memref<128x8xf32, #tpu.memory_space<vmem>>
        %dma_wait3A_389 = arith.constant 0 : i32
        %dma_wait3A_390 = tpu.memref_slice %arg14[%sub3A_383, %dma_wait3A_389] : memref<80x128xi32, #tpu.memory_space<vmem>> -> memref<1x128xi32, #tpu.memory_space<vmem>>
        %dma_wait3A_391 = tpu.memref_squeeze %dma_wait3A_390 : memref<1x128xi32, #tpu.memory_space<vmem>> -> memref<128xi32, #tpu.memory_space<vmem>>
        %dma_wait3A_392 = arith.constant 0 : i32
        %dma_wait3A_393 = arith.constant 0 : i32
        %dma_wait3A_394 = tpu.memref_slice %arg17[%dma_wait3A_392, %dma_wait3A_393] : memref<10240x8xf32, #tpu.memory_space<vmem_shared>> -> memref<10240x8xf32, #tpu.memory_space<vmem_shared>>
        tpu.wait_indirect_dma semaphore(%arg39 : memref<!tpu.dma_semaphore, #tpu.memory_space<semaphore_mem>>) src(%dma_wait3A_388 : memref<128x8xf32, #tpu.memory_space<vmem>>) dst(%dma_wait3A_394 : memref<10240x8xf32, #tpu.memory_space<vmem_shared>>)
      } else {
      }
      %lt3A_295 = arith.constant 80 : i32
      %lt3A_296 = arith.cmpi slt, %add3A_286, %lt3A_295 : i32
      %convert_element_type3A_297 = arith.extui %lt3A_296 : i1 to i32
      %cond3A_298 = arith.constant 0 : i32
      %cond3A_299 = arith.cmpi ne, %convert_element_type3A_297, %cond3A_298 : i32
      scf.if %cond3A_299 {
        %mul3A_383 = arith.constant 128 : i32
        %mul3A_384 = arith.muli %add3A_286, %mul3A_383 : i32
        %dma_start3A_385 = arith.constant 4 : i32
        %dma_start3A_386 = arith.constant 0 : i32
        %dma_start3A_387 = arith.constant 0 : i32
        %dma_start3A_388 = tpu.memref_slice %arg15[%dma_start3A_385, %dma_start3A_386, %dma_start3A_387] : memref<8x128x8xf32, #tpu.memory_space<vmem>> -> memref<1x128x8xf32, #tpu.memory_space<vmem>>
        %dma_start3A_389 = tpu.memref_squeeze %dma_start3A_388 : memref<1x128x8xf32, #tpu.memory_space<vmem>> -> memref<128x8xf32, #tpu.memory_space<vmem>>
        %dma_start3A_390 = tpu.memref_slice %arg13[%mul3A_384] : memref<10240xi32, #tpu.memory_space<vmem>> -> memref<128xi32, #tpu.memory_space<vmem>>
        %dma_start3A_391 = arith.constant 0 : i32
        %dma_start3A_392 = arith.constant 0 : i32
        %dma_start3A_393 = tpu.memref_slice %arg12[%dma_start3A_391, %dma_start3A_392] : memref<20480x8xf32, #tpu.memory_space<hbm>> -> memref<20480x8xf32, #tpu.memory_space<hbm>>
        tpu.enqueue_indirect_dma source(%dma_start3A_393 : memref<20480x8xf32, #tpu.memory_space<hbm>>) target(%dma_start3A_389 : memref<128x8xf32, #tpu.memory_space<vmem>>) offsets(%dma_start3A_390 : memref<128xi32, #tpu.memory_space<vmem>>) semaphore(%arg31 : memref<!tpu.dma_semaphore, #tpu.memory_space<semaphore_mem>>)
      } else {
      }
      %ge3A_300 = arith.constant 4 : i32
      %ge3A_301 = arith.cmpi sge, %add3A_286, %ge3A_300 : i32
      %lt3A_302 = arith.constant 84 : i32
      %lt3A_303 = arith.cmpi slt, %add3A_286, %lt3A_302 : i32
      %and3A_304 = arith.andi %ge3A_301, %lt3A_303 : i1
      %convert_element_type3A_305 = arith.extui %and3A_304 : i1 to i32
      %cond3A_306 = arith.constant 0 : i32
      %cond3A_307 = arith.cmpi ne, %convert_element_type3A_305, %cond3A_306 : i32
      scf.if %cond3A_307 {
        %sub3A = arith.constant 4 : i32
        %sub3A_383 = arith.subi %add3A_286, %sub3A : i32
        %mul3A_384 = arith.constant 128 : i32
        %mul3A_385 = arith.muli %sub3A_383, %mul3A_384 : i32
        %dma_wait3A_386 = arith.constant 0 : i32
        %dma_wait3A_387 = arith.constant 0 : i32
        %dma_wait3A_388 = arith.constant 0 : i32
        %dma_wait3A_389 = tpu.memref_slice %arg15[%dma_wait3A_386, %dma_wait3A_387, %dma_wait3A_388] : memref<8x128x8xf32, #tpu.memory_space<vmem>> -> memref<1x128x8xf32, #tpu.memory_space<vmem>>
        %dma_wait3A_390 = tpu.memref_squeeze %dma_wait3A_389 : memref<1x128x8xf32, #tpu.memory_space<vmem>> -> memref<128x8xf32, #tpu.memory_space<vmem>>
        %dma_wait3A_391 = tpu.memref_slice %arg13[%mul3A_385] : memref<10240xi32, #tpu.memory_space<vmem>> -> memref<128xi32, #tpu.memory_space<vmem>>
        %dma_wait3A_392 = arith.constant 0 : i32
        %dma_wait3A_393 = arith.constant 0 : i32
        %dma_wait3A_394 = tpu.memref_slice %arg12[%dma_wait3A_392, %dma_wait3A_393] : memref<20480x8xf32, #tpu.memory_space<hbm>> -> memref<20480x8xf32, #tpu.memory_space<hbm>>
        tpu.wait_indirect_dma semaphore(%arg27 : memref<!tpu.dma_semaphore, #tpu.memory_space<semaphore_mem>>) src(%dma_wait3A_394 : memref<20480x8xf32, #tpu.memory_space<hbm>>) dst(%dma_wait3A_390 : memref<128x8xf32, #tpu.memory_space<vmem>>)
        %dma_start3A_395 = arith.constant 0 : i32
        %dma_start3A_396 = arith.constant 0 : i32
        %dma_start3A_397 = arith.constant 0 : i32
        %dma_start3A_398 = tpu.memref_slice %arg15[%dma_start3A_395, %dma_start3A_396, %dma_start3A_397] : memref<8x128x8xf32, #tpu.memory_space<vmem>> -> memref<1x128x8xf32, #tpu.memory_space<vmem>>
        %dma_start3A_399 = tpu.memref_squeeze %dma_start3A_398 : memref<1x128x8xf32, #tpu.memory_space<vmem>> -> memref<128x8xf32, #tpu.memory_space<vmem>>
        %dma_start3A_400 = arith.constant 0 : i32
        %dma_start3A_401 = tpu.memref_slice %arg14[%sub3A_383, %dma_start3A_400] : memref<80x128xi32, #tpu.memory_space<vmem>> -> memref<1x128xi32, #tpu.memory_space<vmem>>
        %dma_start3A_402 = tpu.memref_squeeze %dma_start3A_401 : memref<1x128xi32, #tpu.memory_space<vmem>> -> memref<128xi32, #tpu.memory_space<vmem>>
        %dma_start3A_403 = arith.constant 0 : i32
        %dma_start3A_404 = arith.constant 0 : i32
        %dma_start3A_405 = tpu.memref_slice %arg17[%dma_start3A_403, %dma_start3A_404] : memref<10240x8xf32, #tpu.memory_space<vmem_shared>> -> memref<10240x8xf32, #tpu.memory_space<vmem_shared>>
        tpu.enqueue_indirect_dma source(%dma_start3A_399 : memref<128x8xf32, #tpu.memory_space<vmem>>) target(%dma_start3A_405 : memref<10240x8xf32, #tpu.memory_space<vmem_shared>>) offsets(%dma_start3A_402 : memref<128xi32, #tpu.memory_space<vmem>>) semaphore(%arg35 : memref<!tpu.dma_semaphore, #tpu.memory_space<semaphore_mem>>) {add = true}
      } else {
      }
      %mul3A_308 = arith.constant 8 : i32
      %mul3A_309 = arith.muli %mul3A_308, %scan3A_185 : i32
      %add3A_310 = arith.constant 5 : i32
      %add3A_311 = arith.addi %mul3A_309, %add3A_310 : i32
      %ge3A_312 = arith.constant 8 : i32
      %ge3A_313 = arith.cmpi sge, %add3A_311, %ge3A_312 : i32
      %lt3A_314 = arith.constant 80 : i32
      %lt3A_315 = arith.cmpi slt, %add3A_311, %lt3A_314 : i32
      %and3A_316 = arith.andi %ge3A_313, %lt3A_315 : i1
      %convert_element_type3A_317 = arith.extui %and3A_316 : i1 to i32
      %cond3A_318 = arith.constant 0 : i32
      %cond3A_319 = arith.cmpi ne, %convert_element_type3A_317, %cond3A_318 : i32
      scf.if %cond3A_319 {
        %sub3A = arith.constant 8 : i32
        %sub3A_383 = arith.subi %add3A_311, %sub3A : i32
        %dma_wait3A_384 = arith.constant 5 : i32
        %dma_wait3A_385 = arith.constant 0 : i32
        %dma_wait3A_386 = arith.constant 0 : i32
        %dma_wait3A_387 = tpu.memref_slice %arg15[%dma_wait3A_384, %dma_wait3A_385, %dma_wait3A_386] : memref<8x128x8xf32, #tpu.memory_space<vmem>> -> memref<1x128x8xf32, #tpu.memory_space<vmem>>
        %dma_wait3A_388 = tpu.memref_squeeze %dma_wait3A_387 : memref<1x128x8xf32, #tpu.memory_space<vmem>> -> memref<128x8xf32, #tpu.memory_space<vmem>>
        %dma_wait3A_389 = arith.constant 0 : i32
        %dma_wait3A_390 = tpu.memref_slice %arg14[%sub3A_383, %dma_wait3A_389] : memref<80x128xi32, #tpu.memory_space<vmem>> -> memref<1x128xi32, #tpu.memory_space<vmem>>
        %dma_wait3A_391 = tpu.memref_squeeze %dma_wait3A_390 : memref<1x128xi32, #tpu.memory_space<vmem>> -> memref<128xi32, #tpu.memory_space<vmem>>
        %dma_wait3A_392 = arith.constant 0 : i32
        %dma_wait3A_393 = arith.constant 0 : i32
        %dma_wait3A_394 = tpu.memref_slice %arg17[%dma_wait3A_392, %dma_wait3A_393] : memref<10240x8xf32, #tpu.memory_space<vmem_shared>> -> memref<10240x8xf32, #tpu.memory_space<vmem_shared>>
        tpu.wait_indirect_dma semaphore(%arg40 : memref<!tpu.dma_semaphore, #tpu.memory_space<semaphore_mem>>) src(%dma_wait3A_388 : memref<128x8xf32, #tpu.memory_space<vmem>>) dst(%dma_wait3A_394 : memref<10240x8xf32, #tpu.memory_space<vmem_shared>>)
      } else {
      }
      %lt3A_320 = arith.constant 80 : i32
      %lt3A_321 = arith.cmpi slt, %add3A_311, %lt3A_320 : i32
      %convert_element_type3A_322 = arith.extui %lt3A_321 : i1 to i32
      %cond3A_323 = arith.constant 0 : i32
      %cond3A_324 = arith.cmpi ne, %convert_element_type3A_322, %cond3A_323 : i32
      scf.if %cond3A_324 {
        %mul3A_383 = arith.constant 128 : i32
        %mul3A_384 = arith.muli %add3A_311, %mul3A_383 : i32
        %dma_start3A_385 = arith.constant 5 : i32
        %dma_start3A_386 = arith.constant 0 : i32
        %dma_start3A_387 = arith.constant 0 : i32
        %dma_start3A_388 = tpu.memref_slice %arg15[%dma_start3A_385, %dma_start3A_386, %dma_start3A_387] : memref<8x128x8xf32, #tpu.memory_space<vmem>> -> memref<1x128x8xf32, #tpu.memory_space<vmem>>
        %dma_start3A_389 = tpu.memref_squeeze %dma_start3A_388 : memref<1x128x8xf32, #tpu.memory_space<vmem>> -> memref<128x8xf32, #tpu.memory_space<vmem>>
        %dma_start3A_390 = tpu.memref_slice %arg13[%mul3A_384] : memref<10240xi32, #tpu.memory_space<vmem>> -> memref<128xi32, #tpu.memory_space<vmem>>
        %dma_start3A_391 = arith.constant 0 : i32
        %dma_start3A_392 = arith.constant 0 : i32
        %dma_start3A_393 = tpu.memref_slice %arg12[%dma_start3A_391, %dma_start3A_392] : memref<20480x8xf32, #tpu.memory_space<hbm>> -> memref<20480x8xf32, #tpu.memory_space<hbm>>
        tpu.enqueue_indirect_dma source(%dma_start3A_393 : memref<20480x8xf32, #tpu.memory_space<hbm>>) target(%dma_start3A_389 : memref<128x8xf32, #tpu.memory_space<vmem>>) offsets(%dma_start3A_390 : memref<128xi32, #tpu.memory_space<vmem>>) semaphore(%arg32 : memref<!tpu.dma_semaphore, #tpu.memory_space<semaphore_mem>>)
      } else {
      }
      %ge3A_325 = arith.constant 4 : i32
      %ge3A_326 = arith.cmpi sge, %add3A_311, %ge3A_325 : i32
      %lt3A_327 = arith.constant 84 : i32
      %lt3A_328 = arith.cmpi slt, %add3A_311, %lt3A_327 : i32
      %and3A_329 = arith.andi %ge3A_326, %lt3A_328 : i1
      %convert_element_type3A_330 = arith.extui %and3A_329 : i1 to i32
      %cond3A_331 = arith.constant 0 : i32
      %cond3A_332 = arith.cmpi ne, %convert_element_type3A_330, %cond3A_331 : i32
      scf.if %cond3A_332 {
        %sub3A = arith.constant 4 : i32
        %sub3A_383 = arith.subi %add3A_311, %sub3A : i32
        %mul3A_384 = arith.constant 128 : i32
        %mul3A_385 = arith.muli %sub3A_383, %mul3A_384 : i32
        %dma_wait3A_386 = arith.constant 1 : i32
        %dma_wait3A_387 = arith.constant 0 : i32
        %dma_wait3A_388 = arith.constant 0 : i32
        %dma_wait3A_389 = tpu.memref_slice %arg15[%dma_wait3A_386, %dma_wait3A_387, %dma_wait3A_388] : memref<8x128x8xf32, #tpu.memory_space<vmem>> -> memref<1x128x8xf32, #tpu.memory_space<vmem>>
        %dma_wait3A_390 = tpu.memref_squeeze %dma_wait3A_389 : memref<1x128x8xf32, #tpu.memory_space<vmem>> -> memref<128x8xf32, #tpu.memory_space<vmem>>
        %dma_wait3A_391 = tpu.memref_slice %arg13[%mul3A_385] : memref<10240xi32, #tpu.memory_space<vmem>> -> memref<128xi32, #tpu.memory_space<vmem>>
        %dma_wait3A_392 = arith.constant 0 : i32
        %dma_wait3A_393 = arith.constant 0 : i32
        %dma_wait3A_394 = tpu.memref_slice %arg12[%dma_wait3A_392, %dma_wait3A_393] : memref<20480x8xf32, #tpu.memory_space<hbm>> -> memref<20480x8xf32, #tpu.memory_space<hbm>>
        tpu.wait_indirect_dma semaphore(%arg28 : memref<!tpu.dma_semaphore, #tpu.memory_space<semaphore_mem>>) src(%dma_wait3A_394 : memref<20480x8xf32, #tpu.memory_space<hbm>>) dst(%dma_wait3A_390 : memref<128x8xf32, #tpu.memory_space<vmem>>)
        %dma_start3A_395 = arith.constant 1 : i32
        %dma_start3A_396 = arith.constant 0 : i32
        %dma_start3A_397 = arith.constant 0 : i32
        %dma_start3A_398 = tpu.memref_slice %arg15[%dma_start3A_395, %dma_start3A_396, %dma_start3A_397] : memref<8x128x8xf32, #tpu.memory_space<vmem>> -> memref<1x128x8xf32, #tpu.memory_space<vmem>>
        %dma_start3A_399 = tpu.memref_squeeze %dma_start3A_398 : memref<1x128x8xf32, #tpu.memory_space<vmem>> -> memref<128x8xf32, #tpu.memory_space<vmem>>
        %dma_start3A_400 = arith.constant 0 : i32
        %dma_start3A_401 = tpu.memref_slice %arg14[%sub3A_383, %dma_start3A_400] : memref<80x128xi32, #tpu.memory_space<vmem>> -> memref<1x128xi32, #tpu.memory_space<vmem>>
        %dma_start3A_402 = tpu.memref_squeeze %dma_start3A_401 : memref<1x128xi32, #tpu.memory_space<vmem>> -> memref<128xi32, #tpu.memory_space<vmem>>
        %dma_start3A_403 = arith.constant 0 : i32
        %dma_start3A_404 = arith.constant 0 : i32
        %dma_start3A_405 = tpu.memref_slice %arg17[%dma_start3A_403, %dma_start3A_404] : memref<10240x8xf32, #tpu.memory_space<vmem_shared>> -> memref<10240x8xf32, #tpu.memory_space<vmem_shared>>
        tpu.enqueue_indirect_dma source(%dma_start3A_399 : memref<128x8xf32, #tpu.memory_space<vmem>>) target(%dma_start3A_405 : memref<10240x8xf32, #tpu.memory_space<vmem_shared>>) offsets(%dma_start3A_402 : memref<128xi32, #tpu.memory_space<vmem>>) semaphore(%arg36 : memref<!tpu.dma_semaphore, #tpu.memory_space<semaphore_mem>>) {add = true}
      } else {
      }
      %mul3A_333 = arith.constant 8 : i32
      %mul3A_334 = arith.muli %mul3A_333, %scan3A_185 : i32
      %add3A_335 = arith.constant 6 : i32
      %add3A_336 = arith.addi %mul3A_334, %add3A_335 : i32
      %ge3A_337 = arith.constant 8 : i32
      %ge3A_338 = arith.cmpi sge, %add3A_336, %ge3A_337 : i32
      %lt3A_339 = arith.constant 80 : i32
      %lt3A_340 = arith.cmpi slt, %add3A_336, %lt3A_339 : i32
      %and3A_341 = arith.andi %ge3A_338, %lt3A_340 : i1
      %convert_element_type3A_342 = arith.extui %and3A_341 : i1 to i32
      %cond3A_343 = arith.constant 0 : i32
      %cond3A_344 = arith.cmpi ne, %convert_element_type3A_342, %cond3A_343 : i32
      scf.if %cond3A_344 {
        %sub3A = arith.constant 8 : i32
        %sub3A_383 = arith.subi %add3A_336, %sub3A : i32
        %dma_wait3A_384 = arith.constant 6 : i32
        %dma_wait3A_385 = arith.constant 0 : i32
        %dma_wait3A_386 = arith.constant 0 : i32
        %dma_wait3A_387 = tpu.memref_slice %arg15[%dma_wait3A_384, %dma_wait3A_385, %dma_wait3A_386] : memref<8x128x8xf32, #tpu.memory_space<vmem>> -> memref<1x128x8xf32, #tpu.memory_space<vmem>>
        %dma_wait3A_388 = tpu.memref_squeeze %dma_wait3A_387 : memref<1x128x8xf32, #tpu.memory_space<vmem>> -> memref<128x8xf32, #tpu.memory_space<vmem>>
        %dma_wait3A_389 = arith.constant 0 : i32
        %dma_wait3A_390 = tpu.memref_slice %arg14[%sub3A_383, %dma_wait3A_389] : memref<80x128xi32, #tpu.memory_space<vmem>> -> memref<1x128xi32, #tpu.memory_space<vmem>>
        %dma_wait3A_391 = tpu.memref_squeeze %dma_wait3A_390 : memref<1x128xi32, #tpu.memory_space<vmem>> -> memref<128xi32, #tpu.memory_space<vmem>>
        %dma_wait3A_392 = arith.constant 0 : i32
        %dma_wait3A_393 = arith.constant 0 : i32
        %dma_wait3A_394 = tpu.memref_slice %arg17[%dma_wait3A_392, %dma_wait3A_393] : memref<10240x8xf32, #tpu.memory_space<vmem_shared>> -> memref<10240x8xf32, #tpu.memory_space<vmem_shared>>
        tpu.wait_indirect_dma semaphore(%arg41 : memref<!tpu.dma_semaphore, #tpu.memory_space<semaphore_mem>>) src(%dma_wait3A_388 : memref<128x8xf32, #tpu.memory_space<vmem>>) dst(%dma_wait3A_394 : memref<10240x8xf32, #tpu.memory_space<vmem_shared>>)
      } else {
      }
      %lt3A_345 = arith.constant 80 : i32
      %lt3A_346 = arith.cmpi slt, %add3A_336, %lt3A_345 : i32
      %convert_element_type3A_347 = arith.extui %lt3A_346 : i1 to i32
      %cond3A_348 = arith.constant 0 : i32
      %cond3A_349 = arith.cmpi ne, %convert_element_type3A_347, %cond3A_348 : i32
      scf.if %cond3A_349 {
        %mul3A_383 = arith.constant 128 : i32
        %mul3A_384 = arith.muli %add3A_336, %mul3A_383 : i32
        %dma_start3A_385 = arith.constant 6 : i32
        %dma_start3A_386 = arith.constant 0 : i32
        %dma_start3A_387 = arith.constant 0 : i32
        %dma_start3A_388 = tpu.memref_slice %arg15[%dma_start3A_385, %dma_start3A_386, %dma_start3A_387] : memref<8x128x8xf32, #tpu.memory_space<vmem>> -> memref<1x128x8xf32, #tpu.memory_space<vmem>>
        %dma_start3A_389 = tpu.memref_squeeze %dma_start3A_388 : memref<1x128x8xf32, #tpu.memory_space<vmem>> -> memref<128x8xf32, #tpu.memory_space<vmem>>
        %dma_start3A_390 = tpu.memref_slice %arg13[%mul3A_384] : memref<10240xi32, #tpu.memory_space<vmem>> -> memref<128xi32, #tpu.memory_space<vmem>>
        %dma_start3A_391 = arith.constant 0 : i32
        %dma_start3A_392 = arith.constant 0 : i32
        %dma_start3A_393 = tpu.memref_slice %arg12[%dma_start3A_391, %dma_start3A_392] : memref<20480x8xf32, #tpu.memory_space<hbm>> -> memref<20480x8xf32, #tpu.memory_space<hbm>>
        tpu.enqueue_indirect_dma source(%dma_start3A_393 : memref<20480x8xf32, #tpu.memory_space<hbm>>) target(%dma_start3A_389 : memref<128x8xf32, #tpu.memory_space<vmem>>) offsets(%dma_start3A_390 : memref<128xi32, #tpu.memory_space<vmem>>) semaphore(%arg33 : memref<!tpu.dma_semaphore, #tpu.memory_space<semaphore_mem>>)
      } else {
      }
      %ge3A_350 = arith.constant 4 : i32
      %ge3A_351 = arith.cmpi sge, %add3A_336, %ge3A_350 : i32
      %lt3A_352 = arith.constant 84 : i32
      %lt3A_353 = arith.cmpi slt, %add3A_336, %lt3A_352 : i32
      %and3A_354 = arith.andi %ge3A_351, %lt3A_353 : i1
      %convert_element_type3A_355 = arith.extui %and3A_354 : i1 to i32
      %cond3A_356 = arith.constant 0 : i32
      %cond3A_357 = arith.cmpi ne, %convert_element_type3A_355, %cond3A_356 : i32
      scf.if %cond3A_357 {
        %sub3A = arith.constant 4 : i32
        %sub3A_383 = arith.subi %add3A_336, %sub3A : i32
        %mul3A_384 = arith.constant 128 : i32
        %mul3A_385 = arith.muli %sub3A_383, %mul3A_384 : i32
        %dma_wait3A_386 = arith.constant 2 : i32
        %dma_wait3A_387 = arith.constant 0 : i32
        %dma_wait3A_388 = arith.constant 0 : i32
        %dma_wait3A_389 = tpu.memref_slice %arg15[%dma_wait3A_386, %dma_wait3A_387, %dma_wait3A_388] : memref<8x128x8xf32, #tpu.memory_space<vmem>> -> memref<1x128x8xf32, #tpu.memory_space<vmem>>
        %dma_wait3A_390 = tpu.memref_squeeze %dma_wait3A_389 : memref<1x128x8xf32, #tpu.memory_space<vmem>> -> memref<128x8xf32, #tpu.memory_space<vmem>>
        %dma_wait3A_391 = tpu.memref_slice %arg13[%mul3A_385] : memref<10240xi32, #tpu.memory_space<vmem>> -> memref<128xi32, #tpu.memory_space<vmem>>
        %dma_wait3A_392 = arith.constant 0 : i32
        %dma_wait3A_393 = arith.constant 0 : i32
        %dma_wait3A_394 = tpu.memref_slice %arg12[%dma_wait3A_392, %dma_wait3A_393] : memref<20480x8xf32, #tpu.memory_space<hbm>> -> memref<20480x8xf32, #tpu.memory_space<hbm>>
        tpu.wait_indirect_dma semaphore(%arg29 : memref<!tpu.dma_semaphore, #tpu.memory_space<semaphore_mem>>) src(%dma_wait3A_394 : memref<20480x8xf32, #tpu.memory_space<hbm>>) dst(%dma_wait3A_390 : memref<128x8xf32, #tpu.memory_space<vmem>>)
        %dma_start3A_395 = arith.constant 2 : i32
        %dma_start3A_396 = arith.constant 0 : i32
        %dma_start3A_397 = arith.constant 0 : i32
        %dma_start3A_398 = tpu.memref_slice %arg15[%dma_start3A_395, %dma_start3A_396, %dma_start3A_397] : memref<8x128x8xf32, #tpu.memory_space<vmem>> -> memref<1x128x8xf32, #tpu.memory_space<vmem>>
        %dma_start3A_399 = tpu.memref_squeeze %dma_start3A_398 : memref<1x128x8xf32, #tpu.memory_space<vmem>> -> memref<128x8xf32, #tpu.memory_space<vmem>>
        %dma_start3A_400 = arith.constant 0 : i32
        %dma_start3A_401 = tpu.memref_slice %arg14[%sub3A_383, %dma_start3A_400] : memref<80x128xi32, #tpu.memory_space<vmem>> -> memref<1x128xi32, #tpu.memory_space<vmem>>
        %dma_start3A_402 = tpu.memref_squeeze %dma_start3A_401 : memref<1x128xi32, #tpu.memory_space<vmem>> -> memref<128xi32, #tpu.memory_space<vmem>>
        %dma_start3A_403 = arith.constant 0 : i32
        %dma_start3A_404 = arith.constant 0 : i32
        %dma_start3A_405 = tpu.memref_slice %arg17[%dma_start3A_403, %dma_start3A_404] : memref<10240x8xf32, #tpu.memory_space<vmem_shared>> -> memref<10240x8xf32, #tpu.memory_space<vmem_shared>>
        tpu.enqueue_indirect_dma source(%dma_start3A_399 : memref<128x8xf32, #tpu.memory_space<vmem>>) target(%dma_start3A_405 : memref<10240x8xf32, #tpu.memory_space<vmem_shared>>) offsets(%dma_start3A_402 : memref<128xi32, #tpu.memory_space<vmem>>) semaphore(%arg37 : memref<!tpu.dma_semaphore, #tpu.memory_space<semaphore_mem>>) {add = true}
      } else {
      }
      %mul3A_358 = arith.constant 8 : i32
      %mul3A_359 = arith.muli %mul3A_358, %scan3A_185 : i32
      %add3A_360 = arith.constant 7 : i32
      %add3A_361 = arith.addi %mul3A_359, %add3A_360 : i32
      %ge3A_362 = arith.constant 8 : i32
      %ge3A_363 = arith.cmpi sge, %add3A_361, %ge3A_362 : i32
      %lt3A_364 = arith.constant 80 : i32
      %lt3A_365 = arith.cmpi slt, %add3A_361, %lt3A_364 : i32
      %and3A_366 = arith.andi %ge3A_363, %lt3A_365 : i1
      %convert_element_type3A_367 = arith.extui %and3A_366 : i1 to i32
      %cond3A_368 = arith.constant 0 : i32
      %cond3A_369 = arith.cmpi ne, %convert_element_type3A_367, %cond3A_368 : i32
      scf.if %cond3A_369 {
        %sub3A = arith.constant 8 : i32
        %sub3A_383 = arith.subi %add3A_361, %sub3A : i32
        %dma_wait3A_384 = arith.constant 7 : i32
        %dma_wait3A_385 = arith.constant 0 : i32
        %dma_wait3A_386 = arith.constant 0 : i32
        %dma_wait3A_387 = tpu.memref_slice %arg15[%dma_wait3A_384, %dma_wait3A_385, %dma_wait3A_386] : memref<8x128x8xf32, #tpu.memory_space<vmem>> -> memref<1x128x8xf32, #tpu.memory_space<vmem>>
        %dma_wait3A_388 = tpu.memref_squeeze %dma_wait3A_387 : memref<1x128x8xf32, #tpu.memory_space<vmem>> -> memref<128x8xf32, #tpu.memory_space<vmem>>
        %dma_wait3A_389 = arith.constant 0 : i32
        %dma_wait3A_390 = tpu.memref_slice %arg14[%sub3A_383, %dma_wait3A_389] : memref<80x128xi32, #tpu.memory_space<vmem>> -> memref<1x128xi32, #tpu.memory_space<vmem>>
        %dma_wait3A_391 = tpu.memref_squeeze %dma_wait3A_390 : memref<1x128xi32, #tpu.memory_space<vmem>> -> memref<128xi32, #tpu.memory_space<vmem>>
        %dma_wait3A_392 = arith.constant 0 : i32
        %dma_wait3A_393 = arith.constant 0 : i32
        %dma_wait3A_394 = tpu.memref_slice %arg17[%dma_wait3A_392, %dma_wait3A_393] : memref<10240x8xf32, #tpu.memory_space<vmem_shared>> -> memref<10240x8xf32, #tpu.memory_space<vmem_shared>>
        tpu.wait_indirect_dma semaphore(%arg42 : memref<!tpu.dma_semaphore, #tpu.memory_space<semaphore_mem>>) src(%dma_wait3A_388 : memref<128x8xf32, #tpu.memory_space<vmem>>) dst(%dma_wait3A_394 : memref<10240x8xf32, #tpu.memory_space<vmem_shared>>)
      } else {
      }
      %lt3A_370 = arith.constant 80 : i32
      %lt3A_371 = arith.cmpi slt, %add3A_361, %lt3A_370 : i32
      %convert_element_type3A_372 = arith.extui %lt3A_371 : i1 to i32
      %cond3A_373 = arith.constant 0 : i32
      %cond3A_374 = arith.cmpi ne, %convert_element_type3A_372, %cond3A_373 : i32
      scf.if %cond3A_374 {
        %mul3A_383 = arith.constant 128 : i32
        %mul3A_384 = arith.muli %add3A_361, %mul3A_383 : i32
        %dma_start3A_385 = arith.constant 7 : i32
        %dma_start3A_386 = arith.constant 0 : i32
        %dma_start3A_387 = arith.constant 0 : i32
        %dma_start3A_388 = tpu.memref_slice %arg15[%dma_start3A_385, %dma_start3A_386, %dma_start3A_387] : memref<8x128x8xf32, #tpu.memory_space<vmem>> -> memref<1x128x8xf32, #tpu.memory_space<vmem>>
        %dma_start3A_389 = tpu.memref_squeeze %dma_start3A_388 : memref<1x128x8xf32, #tpu.memory_space<vmem>> -> memref<128x8xf32, #tpu.memory_space<vmem>>
        %dma_start3A_390 = tpu.memref_slice %arg13[%mul3A_384] : memref<10240xi32, #tpu.memory_space<vmem>> -> memref<128xi32, #tpu.memory_space<vmem>>
        %dma_start3A_391 = arith.constant 0 : i32
        %dma_start3A_392 = arith.constant 0 : i32
        %dma_start3A_393 = tpu.memref_slice %arg12[%dma_start3A_391, %dma_start3A_392] : memref<20480x8xf32, #tpu.memory_space<hbm>> -> memref<20480x8xf32, #tpu.memory_space<hbm>>
        tpu.enqueue_indirect_dma source(%dma_start3A_393 : memref<20480x8xf32, #tpu.memory_space<hbm>>) target(%dma_start3A_389 : memref<128x8xf32, #tpu.memory_space<vmem>>) offsets(%dma_start3A_390 : memref<128xi32, #tpu.memory_space<vmem>>) semaphore(%arg34 : memref<!tpu.dma_semaphore, #tpu.memory_space<semaphore_mem>>)
      } else {
      }
      %ge3A_375 = arith.constant 4 : i32
      %ge3A_376 = arith.cmpi sge, %add3A_361, %ge3A_375 : i32
      %lt3A_377 = arith.constant 84 : i32
      %lt3A_378 = arith.cmpi slt, %add3A_361, %lt3A_377 : i32
      %and3A_379 = arith.andi %ge3A_376, %lt3A_378 : i1
      %convert_element_type3A_380 = arith.extui %and3A_379 : i1 to i32
      %cond3A_381 = arith.constant 0 : i32
      %cond3A_382 = arith.cmpi ne, %convert_element_type3A_380, %cond3A_381 : i32
      scf.if %cond3A_382 {
        %sub3A = arith.constant 4 : i32
        %sub3A_383 = arith.subi %add3A_361, %sub3A : i32
        %mul3A_384 = arith.constant 128 : i32
        %mul3A_385 = arith.muli %sub3A_383, %mul3A_384 : i32
        %dma_wait3A_386 = arith.constant 3 : i32
        %dma_wait3A_387 = arith.constant 0 : i32
        %dma_wait3A_388 = arith.constant 0 : i32
        %dma_wait3A_389 = tpu.memref_slice %arg15[%dma_wait3A_386, %dma_wait3A_387, %dma_wait3A_388] : memref<8x128x8xf32, #tpu.memory_space<vmem>> -> memref<1x128x8xf32, #tpu.memory_space<vmem>>
        %dma_wait3A_390 = tpu.memref_squeeze %dma_wait3A_389 : memref<1x128x8xf32, #tpu.memory_space<vmem>> -> memref<128x8xf32, #tpu.memory_space<vmem>>
        %dma_wait3A_391 = tpu.memref_slice %arg13[%mul3A_385] : memref<10240xi32, #tpu.memory_space<vmem>> -> memref<128xi32, #tpu.memory_space<vmem>>
        %dma_wait3A_392 = arith.constant 0 : i32
        %dma_wait3A_393 = arith.constant 0 : i32
        %dma_wait3A_394 = tpu.memref_slice %arg12[%dma_wait3A_392, %dma_wait3A_393] : memref<20480x8xf32, #tpu.memory_space<hbm>> -> memref<20480x8xf32, #tpu.memory_space<hbm>>
        tpu.wait_indirect_dma semaphore(%arg30 : memref<!tpu.dma_semaphore, #tpu.memory_space<semaphore_mem>>) src(%dma_wait3A_394 : memref<20480x8xf32, #tpu.memory_space<hbm>>) dst(%dma_wait3A_390 : memref<128x8xf32, #tpu.memory_space<vmem>>)
        %dma_start3A_395 = arith.constant 3 : i32
        %dma_start3A_396 = arith.constant 0 : i32
        %dma_start3A_397 = arith.constant 0 : i32
        %dma_start3A_398 = tpu.memref_slice %arg15[%dma_start3A_395, %dma_start3A_396, %dma_start3A_397] : memref<8x128x8xf32, #tpu.memory_space<vmem>> -> memref<1x128x8xf32, #tpu.memory_space<vmem>>
        %dma_start3A_399 = tpu.memref_squeeze %dma_start3A_398 : memref<1x128x8xf32, #tpu.memory_space<vmem>> -> memref<128x8xf32, #tpu.memory_space<vmem>>
        %dma_start3A_400 = arith.constant 0 : i32
        %dma_start3A_401 = tpu.memref_slice %arg14[%sub3A_383, %dma_start3A_400] : memref<80x128xi32, #tpu.memory_space<vmem>> -> memref<1x128xi32, #tpu.memory_space<vmem>>
        %dma_start3A_402 = tpu.memref_squeeze %dma_start3A_401 : memref<1x128xi32, #tpu.memory_space<vmem>> -> memref<128xi32, #tpu.memory_space<vmem>>
        %dma_start3A_403 = arith.constant 0 : i32
        %dma_start3A_404 = arith.constant 0 : i32
        %dma_start3A_405 = tpu.memref_slice %arg17[%dma_start3A_403, %dma_start3A_404] : memref<10240x8xf32, #tpu.memory_space<vmem_shared>> -> memref<10240x8xf32, #tpu.memory_space<vmem_shared>>
        tpu.enqueue_indirect_dma source(%dma_start3A_399 : memref<128x8xf32, #tpu.memory_space<vmem>>) target(%dma_start3A_405 : memref<10240x8xf32, #tpu.memory_space<vmem_shared>>) offsets(%dma_start3A_402 : memref<128xi32, #tpu.memory_space<vmem>>) semaphore(%arg38 : memref<!tpu.dma_semaphore, #tpu.memory_space<semaphore_mem>>) {add = true}
      } else {
      }
    }
    %scan3A_87 = arith.constant 11 : i32
    %dma_wait3A_88 = arith.constant 0 : i32
    %dma_wait3A_89 = arith.constant 72 : i32
    %dma_wait3A_90 = arith.constant 0 : i32
    %dma_wait3A_91 = arith.constant 0 : i32
    %dma_wait3A_92 = tpu.memref_slice %arg15[%dma_wait3A_88, %dma_wait3A_90, %dma_wait3A_91] : memref<8x128x8xf32, #tpu.memory_space<vmem>> -> memref<1x128x8xf32, #tpu.memory_space<vmem>>
    %dma_wait3A_93 = tpu.memref_squeeze %dma_wait3A_92 : memref<1x128x8xf32, #tpu.memory_space<vmem>> -> memref<128x8xf32, #tpu.memory_space<vmem>>
    %dma_wait3A_94 = arith.constant 0 : i32
    %dma_wait3A_95 = tpu.memref_slice %arg14[%dma_wait3A_89, %dma_wait3A_94] : memref<80x128xi32, #tpu.memory_space<vmem>> -> memref<1x128xi32, #tpu.memory_space<vmem>>
    %dma_wait3A_96 = tpu.memref_squeeze %dma_wait3A_95 : memref<1x128xi32, #tpu.memory_space<vmem>> -> memref<128xi32, #tpu.memory_space<vmem>>
    %dma_wait3A_97 = arith.constant 0 : i32
    %dma_wait3A_98 = arith.constant 0 : i32
    %dma_wait3A_99 = tpu.memref_slice %arg17[%dma_wait3A_97, %dma_wait3A_98] : memref<10240x8xf32, #tpu.memory_space<vmem_shared>> -> memref<10240x8xf32, #tpu.memory_space<vmem_shared>>
    tpu.wait_indirect_dma semaphore(%arg35 : memref<!tpu.dma_semaphore, #tpu.memory_space<semaphore_mem>>) src(%dma_wait3A_93 : memref<128x8xf32, #tpu.memory_space<vmem>>) dst(%dma_wait3A_99 : memref<10240x8xf32, #tpu.memory_space<vmem_shared>>)
    %dma_wait3A_100 = arith.constant 1 : i32
    %dma_wait3A_101 = arith.constant 73 : i32
    %dma_wait3A_102 = arith.constant 0 : i32
    %dma_wait3A_103 = arith.constant 0 : i32
    %dma_wait3A_104 = tpu.memref_slice %arg15[%dma_wait3A_100, %dma_wait3A_102, %dma_wait3A_103] : memref<8x128x8xf32, #tpu.memory_space<vmem>> -> memref<1x128x8xf32, #tpu.memory_space<vmem>>
    %dma_wait3A_105 = tpu.memref_squeeze %dma_wait3A_104 : memref<1x128x8xf32, #tpu.memory_space<vmem>> -> memref<128x8xf32, #tpu.memory_space<vmem>>
    %dma_wait3A_106 = arith.constant 0 : i32
    %dma_wait3A_107 = tpu.memref_slice %arg14[%dma_wait3A_101, %dma_wait3A_106] : memref<80x128xi32, #tpu.memory_space<vmem>> -> memref<1x128xi32, #tpu.memory_space<vmem>>
    %dma_wait3A_108 = tpu.memref_squeeze %dma_wait3A_107 : memref<1x128xi32, #tpu.memory_space<vmem>> -> memref<128xi32, #tpu.memory_space<vmem>>
    %dma_wait3A_109 = arith.constant 0 : i32
    %dma_wait3A_110 = arith.constant 0 : i32
    %dma_wait3A_111 = tpu.memref_slice %arg17[%dma_wait3A_109, %dma_wait3A_110] : memref<10240x8xf32, #tpu.memory_space<vmem_shared>> -> memref<10240x8xf32, #tpu.memory_space<vmem_shared>>
    tpu.wait_indirect_dma semaphore(%arg36 : memref<!tpu.dma_semaphore, #tpu.memory_space<semaphore_mem>>) src(%dma_wait3A_105 : memref<128x8xf32, #tpu.memory_space<vmem>>) dst(%dma_wait3A_111 : memref<10240x8xf32, #tpu.memory_space<vmem_shared>>)
    %dma_wait3A_112 = arith.constant 2 : i32
    %dma_wait3A_113 = arith.constant 74 : i32
    %dma_wait3A_114 = arith.constant 0 : i32
    %dma_wait3A_115 = arith.constant 0 : i32
    %dma_wait3A_116 = tpu.memref_slice %arg15[%dma_wait3A_112, %dma_wait3A_114, %dma_wait3A_115] : memref<8x128x8xf32, #tpu.memory_space<vmem>> -> memref<1x128x8xf32, #tpu.memory_space<vmem>>
    %dma_wait3A_117 = tpu.memref_squeeze %dma_wait3A_116 : memref<1x128x8xf32, #tpu.memory_space<vmem>> -> memref<128x8xf32, #tpu.memory_space<vmem>>
    %dma_wait3A_118 = arith.constant 0 : i32
    %dma_wait3A_119 = tpu.memref_slice %arg14[%dma_wait3A_113, %dma_wait3A_118] : memref<80x128xi32, #tpu.memory_space<vmem>> -> memref<1x128xi32, #tpu.memory_space<vmem>>
    %dma_wait3A_120 = tpu.memref_squeeze %dma_wait3A_119 : memref<1x128xi32, #tpu.memory_space<vmem>> -> memref<128xi32, #tpu.memory_space<vmem>>
    %dma_wait3A_121 = arith.constant 0 : i32
    %dma_wait3A_122 = arith.constant 0 : i32
    %dma_wait3A_123 = tpu.memref_slice %arg17[%dma_wait3A_121, %dma_wait3A_122] : memref<10240x8xf32, #tpu.memory_space<vmem_shared>> -> memref<10240x8xf32, #tpu.memory_space<vmem_shared>>
    tpu.wait_indirect_dma semaphore(%arg37 : memref<!tpu.dma_semaphore, #tpu.memory_space<semaphore_mem>>) src(%dma_wait3A_117 : memref<128x8xf32, #tpu.memory_space<vmem>>) dst(%dma_wait3A_123 : memref<10240x8xf32, #tpu.memory_space<vmem_shared>>)
    %dma_wait3A_124 = arith.constant 3 : i32
    %dma_wait3A_125 = arith.constant 75 : i32
    %dma_wait3A_126 = arith.constant 0 : i32
    %dma_wait3A_127 = arith.constant 0 : i32
    %dma_wait3A_128 = tpu.memref_slice %arg15[%dma_wait3A_124, %dma_wait3A_126, %dma_wait3A_127] : memref<8x128x8xf32, #tpu.memory_space<vmem>> -> memref<1x128x8xf32, #tpu.memory_space<vmem>>
    %dma_wait3A_129 = tpu.memref_squeeze %dma_wait3A_128 : memref<1x128x8xf32, #tpu.memory_space<vmem>> -> memref<128x8xf32, #tpu.memory_space<vmem>>
    %dma_wait3A_130 = arith.constant 0 : i32
    %dma_wait3A_131 = tpu.memref_slice %arg14[%dma_wait3A_125, %dma_wait3A_130] : memref<80x128xi32, #tpu.memory_space<vmem>> -> memref<1x128xi32, #tpu.memory_space<vmem>>
    %dma_wait3A_132 = tpu.memref_squeeze %dma_wait3A_131 : memref<1x128xi32, #tpu.memory_space<vmem>> -> memref<128xi32, #tpu.memory_space<vmem>>
    %dma_wait3A_133 = arith.constant 0 : i32
    %dma_wait3A_134 = arith.constant 0 : i32
    %dma_wait3A_135 = tpu.memref_slice %arg17[%dma_wait3A_133, %dma_wait3A_134] : memref<10240x8xf32, #tpu.memory_space<vmem_shared>> -> memref<10240x8xf32, #tpu.memory_space<vmem_shared>>
    tpu.wait_indirect_dma semaphore(%arg38 : memref<!tpu.dma_semaphore, #tpu.memory_space<semaphore_mem>>) src(%dma_wait3A_129 : memref<128x8xf32, #tpu.memory_space<vmem>>) dst(%dma_wait3A_135 : memref<10240x8xf32, #tpu.memory_space<vmem_shared>>)
    %dma_wait3A_136 = arith.constant 4 : i32
    %dma_wait3A_137 = arith.constant 76 : i32
    %dma_wait3A_138 = arith.constant 0 : i32
    %dma_wait3A_139 = arith.constant 0 : i32
    %dma_wait3A_140 = tpu.memref_slice %arg15[%dma_wait3A_136, %dma_wait3A_138, %dma_wait3A_139] : memref<8x128x8xf32, #tpu.memory_space<vmem>> -> memref<1x128x8xf32, #tpu.memory_space<vmem>>
    %dma_wait3A_141 = tpu.memref_squeeze %dma_wait3A_140 : memref<1x128x8xf32, #tpu.memory_space<vmem>> -> memref<128x8xf32, #tpu.memory_space<vmem>>
    %dma_wait3A_142 = arith.constant 0 : i32
    %dma_wait3A_143 = tpu.memref_slice %arg14[%dma_wait3A_137, %dma_wait3A_142] : memref<80x128xi32, #tpu.memory_space<vmem>> -> memref<1x128xi32, #tpu.memory_space<vmem>>
    %dma_wait3A_144 = tpu.memref_squeeze %dma_wait3A_143 : memref<1x128xi32, #tpu.memory_space<vmem>> -> memref<128xi32, #tpu.memory_space<vmem>>
    %dma_wait3A_145 = arith.constant 0 : i32
    %dma_wait3A_146 = arith.constant 0 : i32
    %dma_wait3A_147 = tpu.memref_slice %arg17[%dma_wait3A_145, %dma_wait3A_146] : memref<10240x8xf32, #tpu.memory_space<vmem_shared>> -> memref<10240x8xf32, #tpu.memory_space<vmem_shared>>
    tpu.wait_indirect_dma semaphore(%arg39 : memref<!tpu.dma_semaphore, #tpu.memory_space<semaphore_mem>>) src(%dma_wait3A_141 : memref<128x8xf32, #tpu.memory_space<vmem>>) dst(%dma_wait3A_147 : memref<10240x8xf32, #tpu.memory_space<vmem_shared>>)
    %dma_wait3A_148 = arith.constant 5 : i32
    %dma_wait3A_149 = arith.constant 77 : i32
    %dma_wait3A_150 = arith.constant 0 : i32
    %dma_wait3A_151 = arith.constant 0 : i32
    %dma_wait3A_152 = tpu.memref_slice %arg15[%dma_wait3A_148, %dma_wait3A_150, %dma_wait3A_151] : memref<8x128x8xf32, #tpu.memory_space<vmem>> -> memref<1x128x8xf32, #tpu.memory_space<vmem>>
    %dma_wait3A_153 = tpu.memref_squeeze %dma_wait3A_152 : memref<1x128x8xf32, #tpu.memory_space<vmem>> -> memref<128x8xf32, #tpu.memory_space<vmem>>
    %dma_wait3A_154 = arith.constant 0 : i32
    %dma_wait3A_155 = tpu.memref_slice %arg14[%dma_wait3A_149, %dma_wait3A_154] : memref<80x128xi32, #tpu.memory_space<vmem>> -> memref<1x128xi32, #tpu.memory_space<vmem>>
    %dma_wait3A_156 = tpu.memref_squeeze %dma_wait3A_155 : memref<1x128xi32, #tpu.memory_space<vmem>> -> memref<128xi32, #tpu.memory_space<vmem>>
    %dma_wait3A_157 = arith.constant 0 : i32
    %dma_wait3A_158 = arith.constant 0 : i32
    %dma_wait3A_159 = tpu.memref_slice %arg17[%dma_wait3A_157, %dma_wait3A_158] : memref<10240x8xf32, #tpu.memory_space<vmem_shared>> -> memref<10240x8xf32, #tpu.memory_space<vmem_shared>>
    tpu.wait_indirect_dma semaphore(%arg40 : memref<!tpu.dma_semaphore, #tpu.memory_space<semaphore_mem>>) src(%dma_wait3A_153 : memref<128x8xf32, #tpu.memory_space<vmem>>) dst(%dma_wait3A_159 : memref<10240x8xf32, #tpu.memory_space<vmem_shared>>)
    %dma_wait3A_160 = arith.constant 6 : i32
    %dma_wait3A_161 = arith.constant 78 : i32
    %dma_wait3A_162 = arith.constant 0 : i32
    %dma_wait3A_163 = arith.constant 0 : i32
    %dma_wait3A_164 = tpu.memref_slice %arg15[%dma_wait3A_160, %dma_wait3A_162, %dma_wait3A_163] : memref<8x128x8xf32, #tpu.memory_space<vmem>> -> memref<1x128x8xf32, #tpu.memory_space<vmem>>
    %dma_wait3A_165 = tpu.memref_squeeze %dma_wait3A_164 : memref<1x128x8xf32, #tpu.memory_space<vmem>> -> memref<128x8xf32, #tpu.memory_space<vmem>>
    %dma_wait3A_166 = arith.constant 0 : i32
    %dma_wait3A_167 = tpu.memref_slice %arg14[%dma_wait3A_161, %dma_wait3A_166] : memref<80x128xi32, #tpu.memory_space<vmem>> -> memref<1x128xi32, #tpu.memory_space<vmem>>
    %dma_wait3A_168 = tpu.memref_squeeze %dma_wait3A_167 : memref<1x128xi32, #tpu.memory_space<vmem>> -> memref<128xi32, #tpu.memory_space<vmem>>
    %dma_wait3A_169 = arith.constant 0 : i32
    %dma_wait3A_170 = arith.constant 0 : i32
    %dma_wait3A_171 = tpu.memref_slice %arg17[%dma_wait3A_169, %dma_wait3A_170] : memref<10240x8xf32, #tpu.memory_space<vmem_shared>> -> memref<10240x8xf32, #tpu.memory_space<vmem_shared>>
    tpu.wait_indirect_dma semaphore(%arg41 : memref<!tpu.dma_semaphore, #tpu.memory_space<semaphore_mem>>) src(%dma_wait3A_165 : memref<128x8xf32, #tpu.memory_space<vmem>>) dst(%dma_wait3A_171 : memref<10240x8xf32, #tpu.memory_space<vmem_shared>>)
    %dma_wait3A_172 = arith.constant 7 : i32
    %dma_wait3A_173 = arith.constant 79 : i32
    %dma_wait3A_174 = arith.constant 0 : i32
    %dma_wait3A_175 = arith.constant 0 : i32
    %dma_wait3A_176 = tpu.memref_slice %arg15[%dma_wait3A_172, %dma_wait3A_174, %dma_wait3A_175] : memref<8x128x8xf32, #tpu.memory_space<vmem>> -> memref<1x128x8xf32, #tpu.memory_space<vmem>>
    %dma_wait3A_177 = tpu.memref_squeeze %dma_wait3A_176 : memref<1x128x8xf32, #tpu.memory_space<vmem>> -> memref<128x8xf32, #tpu.memory_space<vmem>>
    %dma_wait3A_178 = arith.constant 0 : i32
    %dma_wait3A_179 = tpu.memref_slice %arg14[%dma_wait3A_173, %dma_wait3A_178] : memref<80x128xi32, #tpu.memory_space<vmem>> -> memref<1x128xi32, #tpu.memory_space<vmem>>
    %dma_wait3A_180 = tpu.memref_squeeze %dma_wait3A_179 : memref<1x128xi32, #tpu.memory_space<vmem>> -> memref<128xi32, #tpu.memory_space<vmem>>
    %dma_wait3A_181 = arith.constant 0 : i32
    %dma_wait3A_182 = arith.constant 0 : i32
    %dma_wait3A_183 = tpu.memref_slice %arg17[%dma_wait3A_181, %dma_wait3A_182] : memref<10240x8xf32, #tpu.memory_space<vmem_shared>> -> memref<10240x8xf32, #tpu.memory_space<vmem_shared>>
    tpu.wait_indirect_dma semaphore(%arg42 : memref<!tpu.dma_semaphore, #tpu.memory_space<semaphore_mem>>) src(%dma_wait3A_177 : memref<128x8xf32, #tpu.memory_space<vmem>>) dst(%dma_wait3A_183 : memref<10240x8xf32, #tpu.memory_space<vmem_shared>>)
    %barrier3A_184 = arith.constant 0 : index
    tpu.barrier barrier_id(%barrier3A_184)
    "tpu.region"() ({
      %run_scoped3A = tpu.sem_alloc : memref<!tpu.dma_semaphore, #tpu.memory_space<semaphore_mem>>
      %dma_start3A_185 = arith.constant 0 : i32
      %dma_start3A_186 = tpu.memref_slice %arg9[%arg0, %mul3A_2, %dma_start3A_185] : memref<2x10240x8xf32, #tpu.memory_space<hbm>> -> memref<1x640x8xf32, #tpu.memory_space<hbm>>
      %dma_start3A_187 = tpu.memref_squeeze %dma_start3A_186 : memref<1x640x8xf32, #tpu.memory_space<hbm>> -> memref<640x8xf32, #tpu.memory_space<hbm>>
      %dma_start3A_188 = arith.constant 0 : i32
      %dma_start3A_189 = tpu.memref_slice %arg17[%mul3A_2, %dma_start3A_188] : memref<10240x8xf32, #tpu.memory_space<vmem_shared>> -> memref<640x8xf32, #tpu.memory_space<vmem_shared>>
      tpu.enqueue_dma source(%dma_start3A_189 : memref<640x8xf32, #tpu.memory_space<vmem_shared>>) target(%dma_start3A_187 : memref<640x8xf32, #tpu.memory_space<hbm>>) target_semaphore(%run_scoped3A : memref<!tpu.dma_semaphore, #tpu.memory_space<semaphore_mem>>)
      %dma_wait3A_190 = arith.constant 0 : i32
      %dma_wait3A_191 = tpu.memref_slice %arg9[%arg0, %mul3A_2, %dma_wait3A_190] : memref<2x10240x8xf32, #tpu.memory_space<hbm>> -> memref<1x640x8xf32, #tpu.memory_space<hbm>>
      %dma_wait3A_192 = tpu.memref_squeeze %dma_wait3A_191 : memref<1x640x8xf32, #tpu.memory_space<hbm>> -> memref<640x8xf32, #tpu.memory_space<hbm>>
      %dma_wait3A_193 = arith.constant 0 : i32
      %dma_wait3A_194 = tpu.memref_slice %arg17[%mul3A_2, %dma_wait3A_193] : memref<10240x8xf32, #tpu.memory_space<vmem_shared>> -> memref<640x8xf32, #tpu.memory_space<vmem_shared>>
      tpu.wait_dma2 semaphore(%run_scoped3A : memref<!tpu.dma_semaphore, #tpu.memory_space<semaphore_mem>>) src(%dma_wait3A_194 : memref<640x8xf32, #tpu.memory_space<vmem_shared>>) dst(%dma_wait3A_192 : memref<640x8xf32, #tpu.memory_space<hbm>>)
      tpu.yield
    }) : () -> ()
    return
  }
}

#map = affine_map<(d0, d1) -> (0, 0)>
#map1 = affine_map<(d0, d1) -> (0, 0, 0)>
module attributes {stable_mosaic.version = 14 : i64} {
  func.func @body(%arg0: i32, %arg1: i32, %arg2: memref<10000x8xf32, #tpu.memory_space<hbm>>, %arg3: memref<32x10240xi32, #tpu.memory_space<hbm>>, %arg4: memref<32x80x128xi32, #tpu.memory_space<hbm>>, %arg5: memref<640x8xf32, #tpu.memory_space<hbm>>, %arg6: memref<2x10240x8xf32, #tpu.memory_space<hbm>>, %arg7: memref<10240xi32, #tpu.memory_space<vmem>>, %arg8: memref<80x128xi32, #tpu.memory_space<vmem>>, %arg9: memref<8x128x8xf32, #tpu.memory_space<vmem>>, %arg10: memref<640x8xf32, #tpu.memory_space<vmem>>, %arg11: memref<10240x8xf32, #tpu.memory_space<vmem_shared>>, %arg12: memref<!tpu.dma_semaphore, #tpu.memory_space<semaphore_mem>>, %arg13: memref<!tpu.dma_semaphore, #tpu.memory_space<semaphore_mem>>, %arg14: memref<!tpu.dma_semaphore, #tpu.memory_space<semaphore_mem>>, %arg15: memref<!tpu.dma_semaphore, #tpu.memory_space<semaphore_mem>>, %arg16: memref<!tpu.dma_semaphore, #tpu.memory_space<semaphore_mem>>, %arg17: memref<!tpu.dma_semaphore, #tpu.memory_space<semaphore_mem>>, %arg18: memref<!tpu.dma_semaphore, #tpu.memory_space<semaphore_mem>>, %arg19: memref<!tpu.dma_semaphore, #tpu.memory_space<semaphore_mem>>, %arg20: memref<!tpu.dma_semaphore, #tpu.memory_space<semaphore_mem>>, %arg21: memref<!tpu.dma_semaphore, #tpu.memory_space<semaphore_mem>>, %arg22: memref<!tpu.dma_semaphore, #tpu.memory_space<semaphore_mem>>, %arg23: memref<!tpu.dma_semaphore, #tpu.memory_space<semaphore_mem>>, %arg24: memref<!tpu.dma_semaphore, #tpu.memory_space<semaphore_mem>>, %arg25: memref<!tpu.dma_semaphore, #tpu.memory_space<semaphore_mem>>, %arg26: memref<!tpu.dma_semaphore, #tpu.memory_space<semaphore_mem>>, %arg27: memref<!tpu.dma_semaphore, #tpu.memory_space<semaphore_mem>>) attributes {dimension_semantics = [#tpu.dimension_semantics<core_parallel>, #tpu.dimension_semantics<subcore_parallel>], iteration_bounds = array<i64: 2, 16>, scalar_prefetch = 0 : i64, scratch_operands = 21 : i64, tpu.core_type = #tpu.core_type<sc_vector_subcore>, window_params = [{transform_indices = #map}, {transform_indices = #map}, {transform_indices = #map1}, {transform_indices = #map}, {transform_indices = #map1}]} {
    %mul3A = arith.constant 16 : i32
    %mul3A_0 = arith.muli %arg0, %mul3A : i32
    %add3A = arith.addi %mul3A_0, %arg1 : i32
    %dma_start3A = arith.constant 0 : i32
    %dma_start3A_1 = tpu.memref_slice %arg3[%add3A, %dma_start3A] : memref<32x10240xi32, #tpu.memory_space<hbm>> -> memref<1x10240xi32, #tpu.memory_space<hbm>>
    %dma_start3A_2 = tpu.memref_squeeze %dma_start3A_1 : memref<1x10240xi32, #tpu.memory_space<hbm>> -> memref<10240xi32, #tpu.memory_space<hbm>>
    %dma_start3A_3 = arith.constant 0 : i32
    %dma_start3A_4 = tpu.memref_slice %arg3[%add3A, %dma_start3A_3] : memref<32x10240xi32, #tpu.memory_space<hbm>> -> memref<1x10240xi32, #tpu.memory_space<hbm>>
    %dma_start3A_5 = tpu.memref_squeeze %dma_start3A_4 : memref<1x10240xi32, #tpu.memory_space<hbm>> -> memref<10240xi32, #tpu.memory_space<hbm>>
    tpu.enqueue_dma source(%dma_start3A_5 : memref<10240xi32, #tpu.memory_space<hbm>>) target(%arg7 : memref<10240xi32, #tpu.memory_space<vmem>>) target_semaphore(%arg12 : memref<!tpu.dma_semaphore, #tpu.memory_space<semaphore_mem>>)
    %dma_start3A_6 = arith.constant 0 : i32
    %dma_start3A_7 = arith.constant 0 : i32
    %dma_start3A_8 = tpu.memref_slice %arg4[%add3A, %dma_start3A_6, %dma_start3A_7] : memref<32x80x128xi32, #tpu.memory_space<hbm>> -> memref<1x80x128xi32, #tpu.memory_space<hbm>>
    %dma_start3A_9 = tpu.memref_squeeze %dma_start3A_8 : memref<1x80x128xi32, #tpu.memory_space<hbm>> -> memref<80x128xi32, #tpu.memory_space<hbm>>
    %dma_start3A_10 = arith.constant 0 : i32
    %dma_start3A_11 = arith.constant 0 : i32
    %dma_start3A_12 = tpu.memref_slice %arg4[%add3A, %dma_start3A_10, %dma_start3A_11] : memref<32x80x128xi32, #tpu.memory_space<hbm>> -> memref<1x80x128xi32, #tpu.memory_space<hbm>>
    %dma_start3A_13 = tpu.memref_squeeze %dma_start3A_12 : memref<1x80x128xi32, #tpu.memory_space<hbm>> -> memref<80x128xi32, #tpu.memory_space<hbm>>
    tpu.enqueue_dma source(%dma_start3A_13 : memref<80x128xi32, #tpu.memory_space<hbm>>) target(%arg8 : memref<80x128xi32, #tpu.memory_space<vmem>>) target_semaphore(%arg13 : memref<!tpu.dma_semaphore, #tpu.memory_space<semaphore_mem>>)
    tpu.enqueue_dma source(%arg5 : memref<640x8xf32, #tpu.memory_space<hbm>>) target(%arg10 : memref<640x8xf32, #tpu.memory_space<vmem>>) target_semaphore(%arg14 : memref<!tpu.dma_semaphore, #tpu.memory_space<semaphore_mem>>)
    %dma_wait3A = arith.constant 0 : i32
    %dma_wait3A_14 = tpu.memref_slice %arg3[%add3A, %dma_wait3A] : memref<32x10240xi32, #tpu.memory_space<hbm>> -> memref<1x10240xi32, #tpu.memory_space<hbm>>
    %dma_wait3A_15 = tpu.memref_squeeze %dma_wait3A_14 : memref<1x10240xi32, #tpu.memory_space<hbm>> -> memref<10240xi32, #tpu.memory_space<hbm>>
    %dma_wait3A_16 = arith.constant 0 : i32
    %dma_wait3A_17 = tpu.memref_slice %arg3[%add3A, %dma_wait3A_16] : memref<32x10240xi32, #tpu.memory_space<hbm>> -> memref<1x10240xi32, #tpu.memory_space<hbm>>
    %dma_wait3A_18 = tpu.memref_squeeze %dma_wait3A_17 : memref<1x10240xi32, #tpu.memory_space<hbm>> -> memref<10240xi32, #tpu.memory_space<hbm>>
    tpu.wait_dma2 semaphore(%arg12 : memref<!tpu.dma_semaphore, #tpu.memory_space<semaphore_mem>>) src(%dma_wait3A_18 : memref<10240xi32, #tpu.memory_space<hbm>>) dst(%arg7 : memref<10240xi32, #tpu.memory_space<vmem>>)
    %dma_wait3A_19 = arith.constant 0 : i32
    %dma_wait3A_20 = arith.constant 0 : i32
    %dma_wait3A_21 = tpu.memref_slice %arg4[%add3A, %dma_wait3A_19, %dma_wait3A_20] : memref<32x80x128xi32, #tpu.memory_space<hbm>> -> memref<1x80x128xi32, #tpu.memory_space<hbm>>
    %dma_wait3A_22 = tpu.memref_squeeze %dma_wait3A_21 : memref<1x80x128xi32, #tpu.memory_space<hbm>> -> memref<80x128xi32, #tpu.memory_space<hbm>>
    %dma_wait3A_23 = arith.constant 0 : i32
    %dma_wait3A_24 = arith.constant 0 : i32
    %dma_wait3A_25 = tpu.memref_slice %arg4[%add3A, %dma_wait3A_23, %dma_wait3A_24] : memref<32x80x128xi32, #tpu.memory_space<hbm>> -> memref<1x80x128xi32, #tpu.memory_space<hbm>>
    %dma_wait3A_26 = tpu.memref_squeeze %dma_wait3A_25 : memref<1x80x128xi32, #tpu.memory_space<hbm>> -> memref<80x128xi32, #tpu.memory_space<hbm>>
    tpu.wait_dma2 semaphore(%arg13 : memref<!tpu.dma_semaphore, #tpu.memory_space<semaphore_mem>>) src(%dma_wait3A_26 : memref<80x128xi32, #tpu.memory_space<hbm>>) dst(%arg8 : memref<80x128xi32, #tpu.memory_space<vmem>>)
    tpu.wait_dma2 semaphore(%arg14 : memref<!tpu.dma_semaphore, #tpu.memory_space<semaphore_mem>>) src(%arg5 : memref<640x8xf32, #tpu.memory_space<hbm>>) dst(%arg10 : memref<640x8xf32, #tpu.memory_space<vmem>>)
    %mul3A_27 = arith.constant 640 : i32
    %mul3A_28 = arith.muli %arg1, %mul3A_27 : i32
    "tpu.region"() ({
      %run_scoped3A = tpu.sem_alloc : memref<!tpu.dma_semaphore, #tpu.memory_space<semaphore_mem>>
      %dma_start3A_133 = arith.constant 0 : i32
      %dma_start3A_134 = tpu.memref_slice %arg11[%mul3A_28, %dma_start3A_133] : memref<10240x8xf32, #tpu.memory_space<vmem_shared>> -> memref<640x8xf32, #tpu.memory_space<vmem_shared>>
      %dma_start3A_135 = arith.constant 0 : i32
      %dma_start3A_136 = tpu.memref_slice %arg11[%mul3A_28, %dma_start3A_135] : memref<10240x8xf32, #tpu.memory_space<vmem_shared>> -> memref<640x8xf32, #tpu.memory_space<vmem_shared>>
      tpu.enqueue_dma source(%arg10 : memref<640x8xf32, #tpu.memory_space<vmem>>) target(%dma_start3A_136 : memref<640x8xf32, #tpu.memory_space<vmem_shared>>) target_semaphore(%run_scoped3A : memref<!tpu.dma_semaphore, #tpu.memory_space<semaphore_mem>>)
      %dma_wait3A_137 = arith.constant 0 : i32
      %dma_wait3A_138 = tpu.memref_slice %arg11[%mul3A_28, %dma_wait3A_137] : memref<10240x8xf32, #tpu.memory_space<vmem_shared>> -> memref<640x8xf32, #tpu.memory_space<vmem_shared>>
      %dma_wait3A_139 = arith.constant 0 : i32
      %dma_wait3A_140 = tpu.memref_slice %arg11[%mul3A_28, %dma_wait3A_139] : memref<10240x8xf32, #tpu.memory_space<vmem_shared>> -> memref<640x8xf32, #tpu.memory_space<vmem_shared>>
      tpu.wait_dma2 semaphore(%run_scoped3A : memref<!tpu.dma_semaphore, #tpu.memory_space<semaphore_mem>>) src(%arg10 : memref<640x8xf32, #tpu.memory_space<vmem>>) dst(%dma_wait3A_140 : memref<640x8xf32, #tpu.memory_space<vmem_shared>>)
      tpu.yield
    }) : () -> ()
    %barrier3A = arith.constant 0 : index
    tpu.barrier barrier_id(%barrier3A)
    %scan3A = arith.constant 0 : i32
    %scan3A_29 = arith.constant 0 : i32
    %scan3A_30 = arith.constant 11 : i32
    %scan3A_31 = arith.addi %scan3A_29, %scan3A_30 : i32
    %scan3A_32 = arith.constant 1 : i32
    scf.for %scan3A_133 = %scan3A_29 to %scan3A_31 step %scan3A_32  : i32 {
      %mul3A_134 = arith.constant 8 : i32
      %mul3A_135 = arith.muli %mul3A_134, %scan3A_133 : i32
      %add3A_136 = arith.constant 0 : i32
      %add3A_137 = arith.addi %mul3A_135, %add3A_136 : i32
      %ge3A = arith.constant 8 : i32
      %ge3A_138 = arith.cmpi sge, %add3A_137, %ge3A : i32
      %lt3A = arith.constant 80 : i32
      %lt3A_139 = arith.cmpi slt, %add3A_137, %lt3A : i32
      %and3A = arith.andi %ge3A_138, %lt3A_139 : i1
      %convert_element_type3A = arith.extui %and3A : i1 to i32
      %cond3A = arith.constant 0 : i32
      %cond3A_140 = arith.cmpi ne, %convert_element_type3A, %cond3A : i32
      scf.if %cond3A_140 {
        %sub3A = arith.constant 8 : i32
        %sub3A_329 = arith.subi %add3A_137, %sub3A : i32
        %dma_wait3A_330 = arith.constant 0 : i32
        %dma_wait3A_331 = arith.constant 0 : i32
        %dma_wait3A_332 = arith.constant 0 : i32
        %dma_wait3A_333 = tpu.memref_slice %arg9[%dma_wait3A_330, %dma_wait3A_331, %dma_wait3A_332] : memref<8x128x8xf32, #tpu.memory_space<vmem>> -> memref<1x128x8xf32, #tpu.memory_space<vmem>>
        %dma_wait3A_334 = tpu.memref_squeeze %dma_wait3A_333 : memref<1x128x8xf32, #tpu.memory_space<vmem>> -> memref<128x8xf32, #tpu.memory_space<vmem>>
        %dma_wait3A_335 = arith.constant 0 : i32
        %dma_wait3A_336 = tpu.memref_slice %arg8[%sub3A_329, %dma_wait3A_335] : memref<80x128xi32, #tpu.memory_space<vmem>> -> memref<1x128xi32, #tpu.memory_space<vmem>>
        %dma_wait3A_337 = tpu.memref_squeeze %dma_wait3A_336 : memref<1x128xi32, #tpu.memory_space<vmem>> -> memref<128xi32, #tpu.memory_space<vmem>>
        %dma_wait3A_338 = arith.constant 0 : i32
        %dma_wait3A_339 = arith.constant 0 : i32
        %dma_wait3A_340 = tpu.memref_slice %arg11[%dma_wait3A_338, %dma_wait3A_339] : memref<10240x8xf32, #tpu.memory_space<vmem_shared>> -> memref<10240x8xf32, #tpu.memory_space<vmem_shared>>
        tpu.wait_indirect_dma semaphore(%arg20 : memref<!tpu.dma_semaphore, #tpu.memory_space<semaphore_mem>>) src(%dma_wait3A_334 : memref<128x8xf32, #tpu.memory_space<vmem>>) dst(%dma_wait3A_340 : memref<10240x8xf32, #tpu.memory_space<vmem_shared>>)
      } else {
      }
      %lt3A_141 = arith.constant 80 : i32
      %lt3A_142 = arith.cmpi slt, %add3A_137, %lt3A_141 : i32
      %convert_element_type3A_143 = arith.extui %lt3A_142 : i1 to i32
      %cond3A_144 = arith.constant 0 : i32
      %cond3A_145 = arith.cmpi ne, %convert_element_type3A_143, %cond3A_144 : i32
      scf.if %cond3A_145 {
        %mul3A_329 = arith.constant 128 : i32
        %mul3A_330 = arith.muli %add3A_137, %mul3A_329 : i32
        %dma_start3A_331 = arith.constant 0 : i32
        %dma_start3A_332 = arith.constant 0 : i32
        %dma_start3A_333 = arith.constant 0 : i32
        %dma_start3A_334 = tpu.memref_slice %arg9[%dma_start3A_331, %dma_start3A_332, %dma_start3A_333] : memref<8x128x8xf32, #tpu.memory_space<vmem>> -> memref<1x128x8xf32, #tpu.memory_space<vmem>>
        %dma_start3A_335 = tpu.memref_squeeze %dma_start3A_334 : memref<1x128x8xf32, #tpu.memory_space<vmem>> -> memref<128x8xf32, #tpu.memory_space<vmem>>
        %dma_start3A_336 = tpu.memref_slice %arg7[%mul3A_330] : memref<10240xi32, #tpu.memory_space<vmem>> -> memref<128xi32, #tpu.memory_space<vmem>>
        %dma_start3A_337 = arith.constant 0 : i32
        %dma_start3A_338 = arith.constant 0 : i32
        %dma_start3A_339 = tpu.memref_slice %arg2[%dma_start3A_337, %dma_start3A_338] : memref<10000x8xf32, #tpu.memory_space<hbm>> -> memref<10000x8xf32, #tpu.memory_space<hbm>>
        tpu.enqueue_indirect_dma source(%dma_start3A_339 : memref<10000x8xf32, #tpu.memory_space<hbm>>) target(%dma_start3A_335 : memref<128x8xf32, #tpu.memory_space<vmem>>) offsets(%dma_start3A_336 : memref<128xi32, #tpu.memory_space<vmem>>) semaphore(%arg12 : memref<!tpu.dma_semaphore, #tpu.memory_space<semaphore_mem>>)
      } else {
      }
      %ge3A_146 = arith.constant 4 : i32
      %ge3A_147 = arith.cmpi sge, %add3A_137, %ge3A_146 : i32
      %lt3A_148 = arith.constant 84 : i32
      %lt3A_149 = arith.cmpi slt, %add3A_137, %lt3A_148 : i32
      %and3A_150 = arith.andi %ge3A_147, %lt3A_149 : i1
      %convert_element_type3A_151 = arith.extui %and3A_150 : i1 to i32
      %cond3A_152 = arith.constant 0 : i32
      %cond3A_153 = arith.cmpi ne, %convert_element_type3A_151, %cond3A_152 : i32
      scf.if %cond3A_153 {
        %sub3A = arith.constant 4 : i32
        %sub3A_329 = arith.subi %add3A_137, %sub3A : i32
        %mul3A_330 = arith.constant 128 : i32
        %mul3A_331 = arith.muli %sub3A_329, %mul3A_330 : i32
        %dma_wait3A_332 = arith.constant 4 : i32
        %dma_wait3A_333 = arith.constant 0 : i32
        %dma_wait3A_334 = arith.constant 0 : i32
        %dma_wait3A_335 = tpu.memref_slice %arg9[%dma_wait3A_332, %dma_wait3A_333, %dma_wait3A_334] : memref<8x128x8xf32, #tpu.memory_space<vmem>> -> memref<1x128x8xf32, #tpu.memory_space<vmem>>
        %dma_wait3A_336 = tpu.memref_squeeze %dma_wait3A_335 : memref<1x128x8xf32, #tpu.memory_space<vmem>> -> memref<128x8xf32, #tpu.memory_space<vmem>>
        %dma_wait3A_337 = tpu.memref_slice %arg7[%mul3A_331] : memref<10240xi32, #tpu.memory_space<vmem>> -> memref<128xi32, #tpu.memory_space<vmem>>
        %dma_wait3A_338 = arith.constant 0 : i32
        %dma_wait3A_339 = arith.constant 0 : i32
        %dma_wait3A_340 = tpu.memref_slice %arg2[%dma_wait3A_338, %dma_wait3A_339] : memref<10000x8xf32, #tpu.memory_space<hbm>> -> memref<10000x8xf32, #tpu.memory_space<hbm>>
        tpu.wait_indirect_dma semaphore(%arg16 : memref<!tpu.dma_semaphore, #tpu.memory_space<semaphore_mem>>) src(%dma_wait3A_340 : memref<10000x8xf32, #tpu.memory_space<hbm>>) dst(%dma_wait3A_336 : memref<128x8xf32, #tpu.memory_space<vmem>>)
        %dma_start3A_341 = arith.constant 4 : i32
        %dma_start3A_342 = arith.constant 0 : i32
        %dma_start3A_343 = arith.constant 0 : i32
        %dma_start3A_344 = tpu.memref_slice %arg9[%dma_start3A_341, %dma_start3A_342, %dma_start3A_343] : memref<8x128x8xf32, #tpu.memory_space<vmem>> -> memref<1x128x8xf32, #tpu.memory_space<vmem>>
        %dma_start3A_345 = tpu.memref_squeeze %dma_start3A_344 : memref<1x128x8xf32, #tpu.memory_space<vmem>> -> memref<128x8xf32, #tpu.memory_space<vmem>>
        %dma_start3A_346 = arith.constant 0 : i32
        %dma_start3A_347 = tpu.memref_slice %arg8[%sub3A_329, %dma_start3A_346] : memref<80x128xi32, #tpu.memory_space<vmem>> -> memref<1x128xi32, #tpu.memory_space<vmem>>
        %dma_start3A_348 = tpu.memref_squeeze %dma_start3A_347 : memref<1x128xi32, #tpu.memory_space<vmem>> -> memref<128xi32, #tpu.memory_space<vmem>>
        %dma_start3A_349 = arith.constant 0 : i32
        %dma_start3A_350 = arith.constant 0 : i32
        %dma_start3A_351 = tpu.memref_slice %arg11[%dma_start3A_349, %dma_start3A_350] : memref<10240x8xf32, #tpu.memory_space<vmem_shared>> -> memref<10240x8xf32, #tpu.memory_space<vmem_shared>>
        tpu.enqueue_indirect_dma source(%dma_start3A_345 : memref<128x8xf32, #tpu.memory_space<vmem>>) target(%dma_start3A_351 : memref<10240x8xf32, #tpu.memory_space<vmem_shared>>) offsets(%dma_start3A_348 : memref<128xi32, #tpu.memory_space<vmem>>) semaphore(%arg24 : memref<!tpu.dma_semaphore, #tpu.memory_space<semaphore_mem>>) {add = true}
      } else {
      }
      %mul3A_154 = arith.constant 8 : i32
      %mul3A_155 = arith.muli %mul3A_154, %scan3A_133 : i32
      %add3A_156 = arith.constant 1 : i32
      %add3A_157 = arith.addi %mul3A_155, %add3A_156 : i32
      %ge3A_158 = arith.constant 8 : i32
      %ge3A_159 = arith.cmpi sge, %add3A_157, %ge3A_158 : i32
      %lt3A_160 = arith.constant 80 : i32
      %lt3A_161 = arith.cmpi slt, %add3A_157, %lt3A_160 : i32
      %and3A_162 = arith.andi %ge3A_159, %lt3A_161 : i1
      %convert_element_type3A_163 = arith.extui %and3A_162 : i1 to i32
      %cond3A_164 = arith.constant 0 : i32
      %cond3A_165 = arith.cmpi ne, %convert_element_type3A_163, %cond3A_164 : i32
      scf.if %cond3A_165 {
        %sub3A = arith.constant 8 : i32
        %sub3A_329 = arith.subi %add3A_157, %sub3A : i32
        %dma_wait3A_330 = arith.constant 1 : i32
        %dma_wait3A_331 = arith.constant 0 : i32
        %dma_wait3A_332 = arith.constant 0 : i32
        %dma_wait3A_333 = tpu.memref_slice %arg9[%dma_wait3A_330, %dma_wait3A_331, %dma_wait3A_332] : memref<8x128x8xf32, #tpu.memory_space<vmem>> -> memref<1x128x8xf32, #tpu.memory_space<vmem>>
        %dma_wait3A_334 = tpu.memref_squeeze %dma_wait3A_333 : memref<1x128x8xf32, #tpu.memory_space<vmem>> -> memref<128x8xf32, #tpu.memory_space<vmem>>
        %dma_wait3A_335 = arith.constant 0 : i32
        %dma_wait3A_336 = tpu.memref_slice %arg8[%sub3A_329, %dma_wait3A_335] : memref<80x128xi32, #tpu.memory_space<vmem>> -> memref<1x128xi32, #tpu.memory_space<vmem>>
        %dma_wait3A_337 = tpu.memref_squeeze %dma_wait3A_336 : memref<1x128xi32, #tpu.memory_space<vmem>> -> memref<128xi32, #tpu.memory_space<vmem>>
        %dma_wait3A_338 = arith.constant 0 : i32
        %dma_wait3A_339 = arith.constant 0 : i32
        %dma_wait3A_340 = tpu.memref_slice %arg11[%dma_wait3A_338, %dma_wait3A_339] : memref<10240x8xf32, #tpu.memory_space<vmem_shared>> -> memref<10240x8xf32, #tpu.memory_space<vmem_shared>>
        tpu.wait_indirect_dma semaphore(%arg21 : memref<!tpu.dma_semaphore, #tpu.memory_space<semaphore_mem>>) src(%dma_wait3A_334 : memref<128x8xf32, #tpu.memory_space<vmem>>) dst(%dma_wait3A_340 : memref<10240x8xf32, #tpu.memory_space<vmem_shared>>)
      } else {
      }
      %lt3A_166 = arith.constant 80 : i32
      %lt3A_167 = arith.cmpi slt, %add3A_157, %lt3A_166 : i32
      %convert_element_type3A_168 = arith.extui %lt3A_167 : i1 to i32
      %cond3A_169 = arith.constant 0 : i32
      %cond3A_170 = arith.cmpi ne, %convert_element_type3A_168, %cond3A_169 : i32
      scf.if %cond3A_170 {
        %mul3A_329 = arith.constant 128 : i32
        %mul3A_330 = arith.muli %add3A_157, %mul3A_329 : i32
        %dma_start3A_331 = arith.constant 1 : i32
        %dma_start3A_332 = arith.constant 0 : i32
        %dma_start3A_333 = arith.constant 0 : i32
        %dma_start3A_334 = tpu.memref_slice %arg9[%dma_start3A_331, %dma_start3A_332, %dma_start3A_333] : memref<8x128x8xf32, #tpu.memory_space<vmem>> -> memref<1x128x8xf32, #tpu.memory_space<vmem>>
        %dma_start3A_335 = tpu.memref_squeeze %dma_start3A_334 : memref<1x128x8xf32, #tpu.memory_space<vmem>> -> memref<128x8xf32, #tpu.memory_space<vmem>>
        %dma_start3A_336 = tpu.memref_slice %arg7[%mul3A_330] : memref<10240xi32, #tpu.memory_space<vmem>> -> memref<128xi32, #tpu.memory_space<vmem>>
        %dma_start3A_337 = arith.constant 0 : i32
        %dma_start3A_338 = arith.constant 0 : i32
        %dma_start3A_339 = tpu.memref_slice %arg2[%dma_start3A_337, %dma_start3A_338] : memref<10000x8xf32, #tpu.memory_space<hbm>> -> memref<10000x8xf32, #tpu.memory_space<hbm>>
        tpu.enqueue_indirect_dma source(%dma_start3A_339 : memref<10000x8xf32, #tpu.memory_space<hbm>>) target(%dma_start3A_335 : memref<128x8xf32, #tpu.memory_space<vmem>>) offsets(%dma_start3A_336 : memref<128xi32, #tpu.memory_space<vmem>>) semaphore(%arg13 : memref<!tpu.dma_semaphore, #tpu.memory_space<semaphore_mem>>)
      } else {
      }
      %ge3A_171 = arith.constant 4 : i32
      %ge3A_172 = arith.cmpi sge, %add3A_157, %ge3A_171 : i32
      %lt3A_173 = arith.constant 84 : i32
      %lt3A_174 = arith.cmpi slt, %add3A_157, %lt3A_173 : i32
      %and3A_175 = arith.andi %ge3A_172, %lt3A_174 : i1
      %convert_element_type3A_176 = arith.extui %and3A_175 : i1 to i32
      %cond3A_177 = arith.constant 0 : i32
      %cond3A_178 = arith.cmpi ne, %convert_element_type3A_176, %cond3A_177 : i32
      scf.if %cond3A_178 {
        %sub3A = arith.constant 4 : i32
        %sub3A_329 = arith.subi %add3A_157, %sub3A : i32
        %mul3A_330 = arith.constant 128 : i32
        %mul3A_331 = arith.muli %sub3A_329, %mul3A_330 : i32
        %dma_wait3A_332 = arith.constant 5 : i32
        %dma_wait3A_333 = arith.constant 0 : i32
        %dma_wait3A_334 = arith.constant 0 : i32
        %dma_wait3A_335 = tpu.memref_slice %arg9[%dma_wait3A_332, %dma_wait3A_333, %dma_wait3A_334] : memref<8x128x8xf32, #tpu.memory_space<vmem>> -> memref<1x128x8xf32, #tpu.memory_space<vmem>>
        %dma_wait3A_336 = tpu.memref_squeeze %dma_wait3A_335 : memref<1x128x8xf32, #tpu.memory_space<vmem>> -> memref<128x8xf32, #tpu.memory_space<vmem>>
        %dma_wait3A_337 = tpu.memref_slice %arg7[%mul3A_331] : memref<10240xi32, #tpu.memory_space<vmem>> -> memref<128xi32, #tpu.memory_space<vmem>>
        %dma_wait3A_338 = arith.constant 0 : i32
        %dma_wait3A_339 = arith.constant 0 : i32
        %dma_wait3A_340 = tpu.memref_slice %arg2[%dma_wait3A_338, %dma_wait3A_339] : memref<10000x8xf32, #tpu.memory_space<hbm>> -> memref<10000x8xf32, #tpu.memory_space<hbm>>
        tpu.wait_indirect_dma semaphore(%arg17 : memref<!tpu.dma_semaphore, #tpu.memory_space<semaphore_mem>>) src(%dma_wait3A_340 : memref<10000x8xf32, #tpu.memory_space<hbm>>) dst(%dma_wait3A_336 : memref<128x8xf32, #tpu.memory_space<vmem>>)
        %dma_start3A_341 = arith.constant 5 : i32
        %dma_start3A_342 = arith.constant 0 : i32
        %dma_start3A_343 = arith.constant 0 : i32
        %dma_start3A_344 = tpu.memref_slice %arg9[%dma_start3A_341, %dma_start3A_342, %dma_start3A_343] : memref<8x128x8xf32, #tpu.memory_space<vmem>> -> memref<1x128x8xf32, #tpu.memory_space<vmem>>
        %dma_start3A_345 = tpu.memref_squeeze %dma_start3A_344 : memref<1x128x8xf32, #tpu.memory_space<vmem>> -> memref<128x8xf32, #tpu.memory_space<vmem>>
        %dma_start3A_346 = arith.constant 0 : i32
        %dma_start3A_347 = tpu.memref_slice %arg8[%sub3A_329, %dma_start3A_346] : memref<80x128xi32, #tpu.memory_space<vmem>> -> memref<1x128xi32, #tpu.memory_space<vmem>>
        %dma_start3A_348 = tpu.memref_squeeze %dma_start3A_347 : memref<1x128xi32, #tpu.memory_space<vmem>> -> memref<128xi32, #tpu.memory_space<vmem>>
        %dma_start3A_349 = arith.constant 0 : i32
        %dma_start3A_350 = arith.constant 0 : i32
        %dma_start3A_351 = tpu.memref_slice %arg11[%dma_start3A_349, %dma_start3A_350] : memref<10240x8xf32, #tpu.memory_space<vmem_shared>> -> memref<10240x8xf32, #tpu.memory_space<vmem_shared>>
        tpu.enqueue_indirect_dma source(%dma_start3A_345 : memref<128x8xf32, #tpu.memory_space<vmem>>) target(%dma_start3A_351 : memref<10240x8xf32, #tpu.memory_space<vmem_shared>>) offsets(%dma_start3A_348 : memref<128xi32, #tpu.memory_space<vmem>>) semaphore(%arg25 : memref<!tpu.dma_semaphore, #tpu.memory_space<semaphore_mem>>) {add = true}
      } else {
      }
      %mul3A_179 = arith.constant 8 : i32
      %mul3A_180 = arith.muli %mul3A_179, %scan3A_133 : i32
      %add3A_181 = arith.constant 2 : i32
      %add3A_182 = arith.addi %mul3A_180, %add3A_181 : i32
      %ge3A_183 = arith.constant 8 : i32
      %ge3A_184 = arith.cmpi sge, %add3A_182, %ge3A_183 : i32
      %lt3A_185 = arith.constant 80 : i32
      %lt3A_186 = arith.cmpi slt, %add3A_182, %lt3A_185 : i32
      %and3A_187 = arith.andi %ge3A_184, %lt3A_186 : i1
      %convert_element_type3A_188 = arith.extui %and3A_187 : i1 to i32
      %cond3A_189 = arith.constant 0 : i32
      %cond3A_190 = arith.cmpi ne, %convert_element_type3A_188, %cond3A_189 : i32
      scf.if %cond3A_190 {
        %sub3A = arith.constant 8 : i32
        %sub3A_329 = arith.subi %add3A_182, %sub3A : i32
        %dma_wait3A_330 = arith.constant 2 : i32
        %dma_wait3A_331 = arith.constant 0 : i32
        %dma_wait3A_332 = arith.constant 0 : i32
        %dma_wait3A_333 = tpu.memref_slice %arg9[%dma_wait3A_330, %dma_wait3A_331, %dma_wait3A_332] : memref<8x128x8xf32, #tpu.memory_space<vmem>> -> memref<1x128x8xf32, #tpu.memory_space<vmem>>
        %dma_wait3A_334 = tpu.memref_squeeze %dma_wait3A_333 : memref<1x128x8xf32, #tpu.memory_space<vmem>> -> memref<128x8xf32, #tpu.memory_space<vmem>>
        %dma_wait3A_335 = arith.constant 0 : i32
        %dma_wait3A_336 = tpu.memref_slice %arg8[%sub3A_329, %dma_wait3A_335] : memref<80x128xi32, #tpu.memory_space<vmem>> -> memref<1x128xi32, #tpu.memory_space<vmem>>
        %dma_wait3A_337 = tpu.memref_squeeze %dma_wait3A_336 : memref<1x128xi32, #tpu.memory_space<vmem>> -> memref<128xi32, #tpu.memory_space<vmem>>
        %dma_wait3A_338 = arith.constant 0 : i32
        %dma_wait3A_339 = arith.constant 0 : i32
        %dma_wait3A_340 = tpu.memref_slice %arg11[%dma_wait3A_338, %dma_wait3A_339] : memref<10240x8xf32, #tpu.memory_space<vmem_shared>> -> memref<10240x8xf32, #tpu.memory_space<vmem_shared>>
        tpu.wait_indirect_dma semaphore(%arg22 : memref<!tpu.dma_semaphore, #tpu.memory_space<semaphore_mem>>) src(%dma_wait3A_334 : memref<128x8xf32, #tpu.memory_space<vmem>>) dst(%dma_wait3A_340 : memref<10240x8xf32, #tpu.memory_space<vmem_shared>>)
      } else {
      }
      %lt3A_191 = arith.constant 80 : i32
      %lt3A_192 = arith.cmpi slt, %add3A_182, %lt3A_191 : i32
      %convert_element_type3A_193 = arith.extui %lt3A_192 : i1 to i32
      %cond3A_194 = arith.constant 0 : i32
      %cond3A_195 = arith.cmpi ne, %convert_element_type3A_193, %cond3A_194 : i32
      scf.if %cond3A_195 {
        %mul3A_329 = arith.constant 128 : i32
        %mul3A_330 = arith.muli %add3A_182, %mul3A_329 : i32
        %dma_start3A_331 = arith.constant 2 : i32
        %dma_start3A_332 = arith.constant 0 : i32
        %dma_start3A_333 = arith.constant 0 : i32
        %dma_start3A_334 = tpu.memref_slice %arg9[%dma_start3A_331, %dma_start3A_332, %dma_start3A_333] : memref<8x128x8xf32, #tpu.memory_space<vmem>> -> memref<1x128x8xf32, #tpu.memory_space<vmem>>
        %dma_start3A_335 = tpu.memref_squeeze %dma_start3A_334 : memref<1x128x8xf32, #tpu.memory_space<vmem>> -> memref<128x8xf32, #tpu.memory_space<vmem>>
        %dma_start3A_336 = tpu.memref_slice %arg7[%mul3A_330] : memref<10240xi32, #tpu.memory_space<vmem>> -> memref<128xi32, #tpu.memory_space<vmem>>
        %dma_start3A_337 = arith.constant 0 : i32
        %dma_start3A_338 = arith.constant 0 : i32
        %dma_start3A_339 = tpu.memref_slice %arg2[%dma_start3A_337, %dma_start3A_338] : memref<10000x8xf32, #tpu.memory_space<hbm>> -> memref<10000x8xf32, #tpu.memory_space<hbm>>
        tpu.enqueue_indirect_dma source(%dma_start3A_339 : memref<10000x8xf32, #tpu.memory_space<hbm>>) target(%dma_start3A_335 : memref<128x8xf32, #tpu.memory_space<vmem>>) offsets(%dma_start3A_336 : memref<128xi32, #tpu.memory_space<vmem>>) semaphore(%arg14 : memref<!tpu.dma_semaphore, #tpu.memory_space<semaphore_mem>>)
      } else {
      }
      %ge3A_196 = arith.constant 4 : i32
      %ge3A_197 = arith.cmpi sge, %add3A_182, %ge3A_196 : i32
      %lt3A_198 = arith.constant 84 : i32
      %lt3A_199 = arith.cmpi slt, %add3A_182, %lt3A_198 : i32
      %and3A_200 = arith.andi %ge3A_197, %lt3A_199 : i1
      %convert_element_type3A_201 = arith.extui %and3A_200 : i1 to i32
      %cond3A_202 = arith.constant 0 : i32
      %cond3A_203 = arith.cmpi ne, %convert_element_type3A_201, %cond3A_202 : i32
      scf.if %cond3A_203 {
        %sub3A = arith.constant 4 : i32
        %sub3A_329 = arith.subi %add3A_182, %sub3A : i32
        %mul3A_330 = arith.constant 128 : i32
        %mul3A_331 = arith.muli %sub3A_329, %mul3A_330 : i32
        %dma_wait3A_332 = arith.constant 6 : i32
        %dma_wait3A_333 = arith.constant 0 : i32
        %dma_wait3A_334 = arith.constant 0 : i32
        %dma_wait3A_335 = tpu.memref_slice %arg9[%dma_wait3A_332, %dma_wait3A_333, %dma_wait3A_334] : memref<8x128x8xf32, #tpu.memory_space<vmem>> -> memref<1x128x8xf32, #tpu.memory_space<vmem>>
        %dma_wait3A_336 = tpu.memref_squeeze %dma_wait3A_335 : memref<1x128x8xf32, #tpu.memory_space<vmem>> -> memref<128x8xf32, #tpu.memory_space<vmem>>
        %dma_wait3A_337 = tpu.memref_slice %arg7[%mul3A_331] : memref<10240xi32, #tpu.memory_space<vmem>> -> memref<128xi32, #tpu.memory_space<vmem>>
        %dma_wait3A_338 = arith.constant 0 : i32
        %dma_wait3A_339 = arith.constant 0 : i32
        %dma_wait3A_340 = tpu.memref_slice %arg2[%dma_wait3A_338, %dma_wait3A_339] : memref<10000x8xf32, #tpu.memory_space<hbm>> -> memref<10000x8xf32, #tpu.memory_space<hbm>>
        tpu.wait_indirect_dma semaphore(%arg18 : memref<!tpu.dma_semaphore, #tpu.memory_space<semaphore_mem>>) src(%dma_wait3A_340 : memref<10000x8xf32, #tpu.memory_space<hbm>>) dst(%dma_wait3A_336 : memref<128x8xf32, #tpu.memory_space<vmem>>)
        %dma_start3A_341 = arith.constant 6 : i32
        %dma_start3A_342 = arith.constant 0 : i32
        %dma_start3A_343 = arith.constant 0 : i32
        %dma_start3A_344 = tpu.memref_slice %arg9[%dma_start3A_341, %dma_start3A_342, %dma_start3A_343] : memref<8x128x8xf32, #tpu.memory_space<vmem>> -> memref<1x128x8xf32, #tpu.memory_space<vmem>>
        %dma_start3A_345 = tpu.memref_squeeze %dma_start3A_344 : memref<1x128x8xf32, #tpu.memory_space<vmem>> -> memref<128x8xf32, #tpu.memory_space<vmem>>
        %dma_start3A_346 = arith.constant 0 : i32
        %dma_start3A_347 = tpu.memref_slice %arg8[%sub3A_329, %dma_start3A_346] : memref<80x128xi32, #tpu.memory_space<vmem>> -> memref<1x128xi32, #tpu.memory_space<vmem>>
        %dma_start3A_348 = tpu.memref_squeeze %dma_start3A_347 : memref<1x128xi32, #tpu.memory_space<vmem>> -> memref<128xi32, #tpu.memory_space<vmem>>
        %dma_start3A_349 = arith.constant 0 : i32
        %dma_start3A_350 = arith.constant 0 : i32
        %dma_start3A_351 = tpu.memref_slice %arg11[%dma_start3A_349, %dma_start3A_350] : memref<10240x8xf32, #tpu.memory_space<vmem_shared>> -> memref<10240x8xf32, #tpu.memory_space<vmem_shared>>
        tpu.enqueue_indirect_dma source(%dma_start3A_345 : memref<128x8xf32, #tpu.memory_space<vmem>>) target(%dma_start3A_351 : memref<10240x8xf32, #tpu.memory_space<vmem_shared>>) offsets(%dma_start3A_348 : memref<128xi32, #tpu.memory_space<vmem>>) semaphore(%arg26 : memref<!tpu.dma_semaphore, #tpu.memory_space<semaphore_mem>>) {add = true}
      } else {
      }
      %mul3A_204 = arith.constant 8 : i32
      %mul3A_205 = arith.muli %mul3A_204, %scan3A_133 : i32
      %add3A_206 = arith.constant 3 : i32
      %add3A_207 = arith.addi %mul3A_205, %add3A_206 : i32
      %ge3A_208 = arith.constant 8 : i32
      %ge3A_209 = arith.cmpi sge, %add3A_207, %ge3A_208 : i32
      %lt3A_210 = arith.constant 80 : i32
      %lt3A_211 = arith.cmpi slt, %add3A_207, %lt3A_210 : i32
      %and3A_212 = arith.andi %ge3A_209, %lt3A_211 : i1
      %convert_element_type3A_213 = arith.extui %and3A_212 : i1 to i32
      %cond3A_214 = arith.constant 0 : i32
      %cond3A_215 = arith.cmpi ne, %convert_element_type3A_213, %cond3A_214 : i32
      scf.if %cond3A_215 {
        %sub3A = arith.constant 8 : i32
        %sub3A_329 = arith.subi %add3A_207, %sub3A : i32
        %dma_wait3A_330 = arith.constant 3 : i32
        %dma_wait3A_331 = arith.constant 0 : i32
        %dma_wait3A_332 = arith.constant 0 : i32
        %dma_wait3A_333 = tpu.memref_slice %arg9[%dma_wait3A_330, %dma_wait3A_331, %dma_wait3A_332] : memref<8x128x8xf32, #tpu.memory_space<vmem>> -> memref<1x128x8xf32, #tpu.memory_space<vmem>>
        %dma_wait3A_334 = tpu.memref_squeeze %dma_wait3A_333 : memref<1x128x8xf32, #tpu.memory_space<vmem>> -> memref<128x8xf32, #tpu.memory_space<vmem>>
        %dma_wait3A_335 = arith.constant 0 : i32
        %dma_wait3A_336 = tpu.memref_slice %arg8[%sub3A_329, %dma_wait3A_335] : memref<80x128xi32, #tpu.memory_space<vmem>> -> memref<1x128xi32, #tpu.memory_space<vmem>>
        %dma_wait3A_337 = tpu.memref_squeeze %dma_wait3A_336 : memref<1x128xi32, #tpu.memory_space<vmem>> -> memref<128xi32, #tpu.memory_space<vmem>>
        %dma_wait3A_338 = arith.constant 0 : i32
        %dma_wait3A_339 = arith.constant 0 : i32
        %dma_wait3A_340 = tpu.memref_slice %arg11[%dma_wait3A_338, %dma_wait3A_339] : memref<10240x8xf32, #tpu.memory_space<vmem_shared>> -> memref<10240x8xf32, #tpu.memory_space<vmem_shared>>
        tpu.wait_indirect_dma semaphore(%arg23 : memref<!tpu.dma_semaphore, #tpu.memory_space<semaphore_mem>>) src(%dma_wait3A_334 : memref<128x8xf32, #tpu.memory_space<vmem>>) dst(%dma_wait3A_340 : memref<10240x8xf32, #tpu.memory_space<vmem_shared>>)
      } else {
      }
      %lt3A_216 = arith.constant 80 : i32
      %lt3A_217 = arith.cmpi slt, %add3A_207, %lt3A_216 : i32
      %convert_element_type3A_218 = arith.extui %lt3A_217 : i1 to i32
      %cond3A_219 = arith.constant 0 : i32
      %cond3A_220 = arith.cmpi ne, %convert_element_type3A_218, %cond3A_219 : i32
      scf.if %cond3A_220 {
        %mul3A_329 = arith.constant 128 : i32
        %mul3A_330 = arith.muli %add3A_207, %mul3A_329 : i32
        %dma_start3A_331 = arith.constant 3 : i32
        %dma_start3A_332 = arith.constant 0 : i32
        %dma_start3A_333 = arith.constant 0 : i32
        %dma_start3A_334 = tpu.memref_slice %arg9[%dma_start3A_331, %dma_start3A_332, %dma_start3A_333] : memref<8x128x8xf32, #tpu.memory_space<vmem>> -> memref<1x128x8xf32, #tpu.memory_space<vmem>>
        %dma_start3A_335 = tpu.memref_squeeze %dma_start3A_334 : memref<1x128x8xf32, #tpu.memory_space<vmem>> -> memref<128x8xf32, #tpu.memory_space<vmem>>
        %dma_start3A_336 = tpu.memref_slice %arg7[%mul3A_330] : memref<10240xi32, #tpu.memory_space<vmem>> -> memref<128xi32, #tpu.memory_space<vmem>>
        %dma_start3A_337 = arith.constant 0 : i32
        %dma_start3A_338 = arith.constant 0 : i32
        %dma_start3A_339 = tpu.memref_slice %arg2[%dma_start3A_337, %dma_start3A_338] : memref<10000x8xf32, #tpu.memory_space<hbm>> -> memref<10000x8xf32, #tpu.memory_space<hbm>>
        tpu.enqueue_indirect_dma source(%dma_start3A_339 : memref<10000x8xf32, #tpu.memory_space<hbm>>) target(%dma_start3A_335 : memref<128x8xf32, #tpu.memory_space<vmem>>) offsets(%dma_start3A_336 : memref<128xi32, #tpu.memory_space<vmem>>) semaphore(%arg15 : memref<!tpu.dma_semaphore, #tpu.memory_space<semaphore_mem>>)
      } else {
      }
      %ge3A_221 = arith.constant 4 : i32
      %ge3A_222 = arith.cmpi sge, %add3A_207, %ge3A_221 : i32
      %lt3A_223 = arith.constant 84 : i32
      %lt3A_224 = arith.cmpi slt, %add3A_207, %lt3A_223 : i32
      %and3A_225 = arith.andi %ge3A_222, %lt3A_224 : i1
      %convert_element_type3A_226 = arith.extui %and3A_225 : i1 to i32
      %cond3A_227 = arith.constant 0 : i32
      %cond3A_228 = arith.cmpi ne, %convert_element_type3A_226, %cond3A_227 : i32
      scf.if %cond3A_228 {
        %sub3A = arith.constant 4 : i32
        %sub3A_329 = arith.subi %add3A_207, %sub3A : i32
        %mul3A_330 = arith.constant 128 : i32
        %mul3A_331 = arith.muli %sub3A_329, %mul3A_330 : i32
        %dma_wait3A_332 = arith.constant 7 : i32
        %dma_wait3A_333 = arith.constant 0 : i32
        %dma_wait3A_334 = arith.constant 0 : i32
        %dma_wait3A_335 = tpu.memref_slice %arg9[%dma_wait3A_332, %dma_wait3A_333, %dma_wait3A_334] : memref<8x128x8xf32, #tpu.memory_space<vmem>> -> memref<1x128x8xf32, #tpu.memory_space<vmem>>
        %dma_wait3A_336 = tpu.memref_squeeze %dma_wait3A_335 : memref<1x128x8xf32, #tpu.memory_space<vmem>> -> memref<128x8xf32, #tpu.memory_space<vmem>>
        %dma_wait3A_337 = tpu.memref_slice %arg7[%mul3A_331] : memref<10240xi32, #tpu.memory_space<vmem>> -> memref<128xi32, #tpu.memory_space<vmem>>
        %dma_wait3A_338 = arith.constant 0 : i32
        %dma_wait3A_339 = arith.constant 0 : i32
        %dma_wait3A_340 = tpu.memref_slice %arg2[%dma_wait3A_338, %dma_wait3A_339] : memref<10000x8xf32, #tpu.memory_space<hbm>> -> memref<10000x8xf32, #tpu.memory_space<hbm>>
        tpu.wait_indirect_dma semaphore(%arg19 : memref<!tpu.dma_semaphore, #tpu.memory_space<semaphore_mem>>) src(%dma_wait3A_340 : memref<10000x8xf32, #tpu.memory_space<hbm>>) dst(%dma_wait3A_336 : memref<128x8xf32, #tpu.memory_space<vmem>>)
        %dma_start3A_341 = arith.constant 7 : i32
        %dma_start3A_342 = arith.constant 0 : i32
        %dma_start3A_343 = arith.constant 0 : i32
        %dma_start3A_344 = tpu.memref_slice %arg9[%dma_start3A_341, %dma_start3A_342, %dma_start3A_343] : memref<8x128x8xf32, #tpu.memory_space<vmem>> -> memref<1x128x8xf32, #tpu.memory_space<vmem>>
        %dma_start3A_345 = tpu.memref_squeeze %dma_start3A_344 : memref<1x128x8xf32, #tpu.memory_space<vmem>> -> memref<128x8xf32, #tpu.memory_space<vmem>>
        %dma_start3A_346 = arith.constant 0 : i32
        %dma_start3A_347 = tpu.memref_slice %arg8[%sub3A_329, %dma_start3A_346] : memref<80x128xi32, #tpu.memory_space<vmem>> -> memref<1x128xi32, #tpu.memory_space<vmem>>
        %dma_start3A_348 = tpu.memref_squeeze %dma_start3A_347 : memref<1x128xi32, #tpu.memory_space<vmem>> -> memref<128xi32, #tpu.memory_space<vmem>>
        %dma_start3A_349 = arith.constant 0 : i32
        %dma_start3A_350 = arith.constant 0 : i32
        %dma_start3A_351 = tpu.memref_slice %arg11[%dma_start3A_349, %dma_start3A_350] : memref<10240x8xf32, #tpu.memory_space<vmem_shared>> -> memref<10240x8xf32, #tpu.memory_space<vmem_shared>>
        tpu.enqueue_indirect_dma source(%dma_start3A_345 : memref<128x8xf32, #tpu.memory_space<vmem>>) target(%dma_start3A_351 : memref<10240x8xf32, #tpu.memory_space<vmem_shared>>) offsets(%dma_start3A_348 : memref<128xi32, #tpu.memory_space<vmem>>) semaphore(%arg27 : memref<!tpu.dma_semaphore, #tpu.memory_space<semaphore_mem>>) {add = true}
      } else {
      }
      %mul3A_229 = arith.constant 8 : i32
      %mul3A_230 = arith.muli %mul3A_229, %scan3A_133 : i32
      %add3A_231 = arith.constant 4 : i32
      %add3A_232 = arith.addi %mul3A_230, %add3A_231 : i32
      %ge3A_233 = arith.constant 8 : i32
      %ge3A_234 = arith.cmpi sge, %add3A_232, %ge3A_233 : i32
      %lt3A_235 = arith.constant 80 : i32
      %lt3A_236 = arith.cmpi slt, %add3A_232, %lt3A_235 : i32
      %and3A_237 = arith.andi %ge3A_234, %lt3A_236 : i1
      %convert_element_type3A_238 = arith.extui %and3A_237 : i1 to i32
      %cond3A_239 = arith.constant 0 : i32
      %cond3A_240 = arith.cmpi ne, %convert_element_type3A_238, %cond3A_239 : i32
      scf.if %cond3A_240 {
        %sub3A = arith.constant 8 : i32
        %sub3A_329 = arith.subi %add3A_232, %sub3A : i32
        %dma_wait3A_330 = arith.constant 4 : i32
        %dma_wait3A_331 = arith.constant 0 : i32
        %dma_wait3A_332 = arith.constant 0 : i32
        %dma_wait3A_333 = tpu.memref_slice %arg9[%dma_wait3A_330, %dma_wait3A_331, %dma_wait3A_332] : memref<8x128x8xf32, #tpu.memory_space<vmem>> -> memref<1x128x8xf32, #tpu.memory_space<vmem>>
        %dma_wait3A_334 = tpu.memref_squeeze %dma_wait3A_333 : memref<1x128x8xf32, #tpu.memory_space<vmem>> -> memref<128x8xf32, #tpu.memory_space<vmem>>
        %dma_wait3A_335 = arith.constant 0 : i32
        %dma_wait3A_336 = tpu.memref_slice %arg8[%sub3A_329, %dma_wait3A_335] : memref<80x128xi32, #tpu.memory_space<vmem>> -> memref<1x128xi32, #tpu.memory_space<vmem>>
        %dma_wait3A_337 = tpu.memref_squeeze %dma_wait3A_336 : memref<1x128xi32, #tpu.memory_space<vmem>> -> memref<128xi32, #tpu.memory_space<vmem>>
        %dma_wait3A_338 = arith.constant 0 : i32
        %dma_wait3A_339 = arith.constant 0 : i32
        %dma_wait3A_340 = tpu.memref_slice %arg11[%dma_wait3A_338, %dma_wait3A_339] : memref<10240x8xf32, #tpu.memory_space<vmem_shared>> -> memref<10240x8xf32, #tpu.memory_space<vmem_shared>>
        tpu.wait_indirect_dma semaphore(%arg24 : memref<!tpu.dma_semaphore, #tpu.memory_space<semaphore_mem>>) src(%dma_wait3A_334 : memref<128x8xf32, #tpu.memory_space<vmem>>) dst(%dma_wait3A_340 : memref<10240x8xf32, #tpu.memory_space<vmem_shared>>)
      } else {
      }
      %lt3A_241 = arith.constant 80 : i32
      %lt3A_242 = arith.cmpi slt, %add3A_232, %lt3A_241 : i32
      %convert_element_type3A_243 = arith.extui %lt3A_242 : i1 to i32
      %cond3A_244 = arith.constant 0 : i32
      %cond3A_245 = arith.cmpi ne, %convert_element_type3A_243, %cond3A_244 : i32
      scf.if %cond3A_245 {
        %mul3A_329 = arith.constant 128 : i32
        %mul3A_330 = arith.muli %add3A_232, %mul3A_329 : i32
        %dma_start3A_331 = arith.constant 4 : i32
        %dma_start3A_332 = arith.constant 0 : i32
        %dma_start3A_333 = arith.constant 0 : i32
        %dma_start3A_334 = tpu.memref_slice %arg9[%dma_start3A_331, %dma_start3A_332, %dma_start3A_333] : memref<8x128x8xf32, #tpu.memory_space<vmem>> -> memref<1x128x8xf32, #tpu.memory_space<vmem>>
        %dma_start3A_335 = tpu.memref_squeeze %dma_start3A_334 : memref<1x128x8xf32, #tpu.memory_space<vmem>> -> memref<128x8xf32, #tpu.memory_space<vmem>>
        %dma_start3A_336 = tpu.memref_slice %arg7[%mul3A_330] : memref<10240xi32, #tpu.memory_space<vmem>> -> memref<128xi32, #tpu.memory_space<vmem>>
        %dma_start3A_337 = arith.constant 0 : i32
        %dma_start3A_338 = arith.constant 0 : i32
        %dma_start3A_339 = tpu.memref_slice %arg2[%dma_start3A_337, %dma_start3A_338] : memref<10000x8xf32, #tpu.memory_space<hbm>> -> memref<10000x8xf32, #tpu.memory_space<hbm>>
        tpu.enqueue_indirect_dma source(%dma_start3A_339 : memref<10000x8xf32, #tpu.memory_space<hbm>>) target(%dma_start3A_335 : memref<128x8xf32, #tpu.memory_space<vmem>>) offsets(%dma_start3A_336 : memref<128xi32, #tpu.memory_space<vmem>>) semaphore(%arg16 : memref<!tpu.dma_semaphore, #tpu.memory_space<semaphore_mem>>)
      } else {
      }
      %ge3A_246 = arith.constant 4 : i32
      %ge3A_247 = arith.cmpi sge, %add3A_232, %ge3A_246 : i32
      %lt3A_248 = arith.constant 84 : i32
      %lt3A_249 = arith.cmpi slt, %add3A_232, %lt3A_248 : i32
      %and3A_250 = arith.andi %ge3A_247, %lt3A_249 : i1
      %convert_element_type3A_251 = arith.extui %and3A_250 : i1 to i32
      %cond3A_252 = arith.constant 0 : i32
      %cond3A_253 = arith.cmpi ne, %convert_element_type3A_251, %cond3A_252 : i32
      scf.if %cond3A_253 {
        %sub3A = arith.constant 4 : i32
        %sub3A_329 = arith.subi %add3A_232, %sub3A : i32
        %mul3A_330 = arith.constant 128 : i32
        %mul3A_331 = arith.muli %sub3A_329, %mul3A_330 : i32
        %dma_wait3A_332 = arith.constant 0 : i32
        %dma_wait3A_333 = arith.constant 0 : i32
        %dma_wait3A_334 = arith.constant 0 : i32
        %dma_wait3A_335 = tpu.memref_slice %arg9[%dma_wait3A_332, %dma_wait3A_333, %dma_wait3A_334] : memref<8x128x8xf32, #tpu.memory_space<vmem>> -> memref<1x128x8xf32, #tpu.memory_space<vmem>>
        %dma_wait3A_336 = tpu.memref_squeeze %dma_wait3A_335 : memref<1x128x8xf32, #tpu.memory_space<vmem>> -> memref<128x8xf32, #tpu.memory_space<vmem>>
        %dma_wait3A_337 = tpu.memref_slice %arg7[%mul3A_331] : memref<10240xi32, #tpu.memory_space<vmem>> -> memref<128xi32, #tpu.memory_space<vmem>>
        %dma_wait3A_338 = arith.constant 0 : i32
        %dma_wait3A_339 = arith.constant 0 : i32
        %dma_wait3A_340 = tpu.memref_slice %arg2[%dma_wait3A_338, %dma_wait3A_339] : memref<10000x8xf32, #tpu.memory_space<hbm>> -> memref<10000x8xf32, #tpu.memory_space<hbm>>
        tpu.wait_indirect_dma semaphore(%arg12 : memref<!tpu.dma_semaphore, #tpu.memory_space<semaphore_mem>>) src(%dma_wait3A_340 : memref<10000x8xf32, #tpu.memory_space<hbm>>) dst(%dma_wait3A_336 : memref<128x8xf32, #tpu.memory_space<vmem>>)
        %dma_start3A_341 = arith.constant 0 : i32
        %dma_start3A_342 = arith.constant 0 : i32
        %dma_start3A_343 = arith.constant 0 : i32
        %dma_start3A_344 = tpu.memref_slice %arg9[%dma_start3A_341, %dma_start3A_342, %dma_start3A_343] : memref<8x128x8xf32, #tpu.memory_space<vmem>> -> memref<1x128x8xf32, #tpu.memory_space<vmem>>
        %dma_start3A_345 = tpu.memref_squeeze %dma_start3A_344 : memref<1x128x8xf32, #tpu.memory_space<vmem>> -> memref<128x8xf32, #tpu.memory_space<vmem>>
        %dma_start3A_346 = arith.constant 0 : i32
        %dma_start3A_347 = tpu.memref_slice %arg8[%sub3A_329, %dma_start3A_346] : memref<80x128xi32, #tpu.memory_space<vmem>> -> memref<1x128xi32, #tpu.memory_space<vmem>>
        %dma_start3A_348 = tpu.memref_squeeze %dma_start3A_347 : memref<1x128xi32, #tpu.memory_space<vmem>> -> memref<128xi32, #tpu.memory_space<vmem>>
        %dma_start3A_349 = arith.constant 0 : i32
        %dma_start3A_350 = arith.constant 0 : i32
        %dma_start3A_351 = tpu.memref_slice %arg11[%dma_start3A_349, %dma_start3A_350] : memref<10240x8xf32, #tpu.memory_space<vmem_shared>> -> memref<10240x8xf32, #tpu.memory_space<vmem_shared>>
        tpu.enqueue_indirect_dma source(%dma_start3A_345 : memref<128x8xf32, #tpu.memory_space<vmem>>) target(%dma_start3A_351 : memref<10240x8xf32, #tpu.memory_space<vmem_shared>>) offsets(%dma_start3A_348 : memref<128xi32, #tpu.memory_space<vmem>>) semaphore(%arg20 : memref<!tpu.dma_semaphore, #tpu.memory_space<semaphore_mem>>) {add = true}
      } else {
      }
      %mul3A_254 = arith.constant 8 : i32
      %mul3A_255 = arith.muli %mul3A_254, %scan3A_133 : i32
      %add3A_256 = arith.constant 5 : i32
      %add3A_257 = arith.addi %mul3A_255, %add3A_256 : i32
      %ge3A_258 = arith.constant 8 : i32
      %ge3A_259 = arith.cmpi sge, %add3A_257, %ge3A_258 : i32
      %lt3A_260 = arith.constant 80 : i32
      %lt3A_261 = arith.cmpi slt, %add3A_257, %lt3A_260 : i32
      %and3A_262 = arith.andi %ge3A_259, %lt3A_261 : i1
      %convert_element_type3A_263 = arith.extui %and3A_262 : i1 to i32
      %cond3A_264 = arith.constant 0 : i32
      %cond3A_265 = arith.cmpi ne, %convert_element_type3A_263, %cond3A_264 : i32
      scf.if %cond3A_265 {
        %sub3A = arith.constant 8 : i32
        %sub3A_329 = arith.subi %add3A_257, %sub3A : i32
        %dma_wait3A_330 = arith.constant 5 : i32
        %dma_wait3A_331 = arith.constant 0 : i32
        %dma_wait3A_332 = arith.constant 0 : i32
        %dma_wait3A_333 = tpu.memref_slice %arg9[%dma_wait3A_330, %dma_wait3A_331, %dma_wait3A_332] : memref<8x128x8xf32, #tpu.memory_space<vmem>> -> memref<1x128x8xf32, #tpu.memory_space<vmem>>
        %dma_wait3A_334 = tpu.memref_squeeze %dma_wait3A_333 : memref<1x128x8xf32, #tpu.memory_space<vmem>> -> memref<128x8xf32, #tpu.memory_space<vmem>>
        %dma_wait3A_335 = arith.constant 0 : i32
        %dma_wait3A_336 = tpu.memref_slice %arg8[%sub3A_329, %dma_wait3A_335] : memref<80x128xi32, #tpu.memory_space<vmem>> -> memref<1x128xi32, #tpu.memory_space<vmem>>
        %dma_wait3A_337 = tpu.memref_squeeze %dma_wait3A_336 : memref<1x128xi32, #tpu.memory_space<vmem>> -> memref<128xi32, #tpu.memory_space<vmem>>
        %dma_wait3A_338 = arith.constant 0 : i32
        %dma_wait3A_339 = arith.constant 0 : i32
        %dma_wait3A_340 = tpu.memref_slice %arg11[%dma_wait3A_338, %dma_wait3A_339] : memref<10240x8xf32, #tpu.memory_space<vmem_shared>> -> memref<10240x8xf32, #tpu.memory_space<vmem_shared>>
        tpu.wait_indirect_dma semaphore(%arg25 : memref<!tpu.dma_semaphore, #tpu.memory_space<semaphore_mem>>) src(%dma_wait3A_334 : memref<128x8xf32, #tpu.memory_space<vmem>>) dst(%dma_wait3A_340 : memref<10240x8xf32, #tpu.memory_space<vmem_shared>>)
      } else {
      }
      %lt3A_266 = arith.constant 80 : i32
      %lt3A_267 = arith.cmpi slt, %add3A_257, %lt3A_266 : i32
      %convert_element_type3A_268 = arith.extui %lt3A_267 : i1 to i32
      %cond3A_269 = arith.constant 0 : i32
      %cond3A_270 = arith.cmpi ne, %convert_element_type3A_268, %cond3A_269 : i32
      scf.if %cond3A_270 {
        %mul3A_329 = arith.constant 128 : i32
        %mul3A_330 = arith.muli %add3A_257, %mul3A_329 : i32
        %dma_start3A_331 = arith.constant 5 : i32
        %dma_start3A_332 = arith.constant 0 : i32
        %dma_start3A_333 = arith.constant 0 : i32
        %dma_start3A_334 = tpu.memref_slice %arg9[%dma_start3A_331, %dma_start3A_332, %dma_start3A_333] : memref<8x128x8xf32, #tpu.memory_space<vmem>> -> memref<1x128x8xf32, #tpu.memory_space<vmem>>
        %dma_start3A_335 = tpu.memref_squeeze %dma_start3A_334 : memref<1x128x8xf32, #tpu.memory_space<vmem>> -> memref<128x8xf32, #tpu.memory_space<vmem>>
        %dma_start3A_336 = tpu.memref_slice %arg7[%mul3A_330] : memref<10240xi32, #tpu.memory_space<vmem>> -> memref<128xi32, #tpu.memory_space<vmem>>
        %dma_start3A_337 = arith.constant 0 : i32
        %dma_start3A_338 = arith.constant 0 : i32
        %dma_start3A_339 = tpu.memref_slice %arg2[%dma_start3A_337, %dma_start3A_338] : memref<10000x8xf32, #tpu.memory_space<hbm>> -> memref<10000x8xf32, #tpu.memory_space<hbm>>
        tpu.enqueue_indirect_dma source(%dma_start3A_339 : memref<10000x8xf32, #tpu.memory_space<hbm>>) target(%dma_start3A_335 : memref<128x8xf32, #tpu.memory_space<vmem>>) offsets(%dma_start3A_336 : memref<128xi32, #tpu.memory_space<vmem>>) semaphore(%arg17 : memref<!tpu.dma_semaphore, #tpu.memory_space<semaphore_mem>>)
      } else {
      }
      %ge3A_271 = arith.constant 4 : i32
      %ge3A_272 = arith.cmpi sge, %add3A_257, %ge3A_271 : i32
      %lt3A_273 = arith.constant 84 : i32
      %lt3A_274 = arith.cmpi slt, %add3A_257, %lt3A_273 : i32
      %and3A_275 = arith.andi %ge3A_272, %lt3A_274 : i1
      %convert_element_type3A_276 = arith.extui %and3A_275 : i1 to i32
      %cond3A_277 = arith.constant 0 : i32
      %cond3A_278 = arith.cmpi ne, %convert_element_type3A_276, %cond3A_277 : i32
      scf.if %cond3A_278 {
        %sub3A = arith.constant 4 : i32
        %sub3A_329 = arith.subi %add3A_257, %sub3A : i32
        %mul3A_330 = arith.constant 128 : i32
        %mul3A_331 = arith.muli %sub3A_329, %mul3A_330 : i32
        %dma_wait3A_332 = arith.constant 1 : i32
        %dma_wait3A_333 = arith.constant 0 : i32
        %dma_wait3A_334 = arith.constant 0 : i32
        %dma_wait3A_335 = tpu.memref_slice %arg9[%dma_wait3A_332, %dma_wait3A_333, %dma_wait3A_334] : memref<8x128x8xf32, #tpu.memory_space<vmem>> -> memref<1x128x8xf32, #tpu.memory_space<vmem>>
        %dma_wait3A_336 = tpu.memref_squeeze %dma_wait3A_335 : memref<1x128x8xf32, #tpu.memory_space<vmem>> -> memref<128x8xf32, #tpu.memory_space<vmem>>
        %dma_wait3A_337 = tpu.memref_slice %arg7[%mul3A_331] : memref<10240xi32, #tpu.memory_space<vmem>> -> memref<128xi32, #tpu.memory_space<vmem>>
        %dma_wait3A_338 = arith.constant 0 : i32
        %dma_wait3A_339 = arith.constant 0 : i32
        %dma_wait3A_340 = tpu.memref_slice %arg2[%dma_wait3A_338, %dma_wait3A_339] : memref<10000x8xf32, #tpu.memory_space<hbm>> -> memref<10000x8xf32, #tpu.memory_space<hbm>>
        tpu.wait_indirect_dma semaphore(%arg13 : memref<!tpu.dma_semaphore, #tpu.memory_space<semaphore_mem>>) src(%dma_wait3A_340 : memref<10000x8xf32, #tpu.memory_space<hbm>>) dst(%dma_wait3A_336 : memref<128x8xf32, #tpu.memory_space<vmem>>)
        %dma_start3A_341 = arith.constant 1 : i32
        %dma_start3A_342 = arith.constant 0 : i32
        %dma_start3A_343 = arith.constant 0 : i32
        %dma_start3A_344 = tpu.memref_slice %arg9[%dma_start3A_341, %dma_start3A_342, %dma_start3A_343] : memref<8x128x8xf32, #tpu.memory_space<vmem>> -> memref<1x128x8xf32, #tpu.memory_space<vmem>>
        %dma_start3A_345 = tpu.memref_squeeze %dma_start3A_344 : memref<1x128x8xf32, #tpu.memory_space<vmem>> -> memref<128x8xf32, #tpu.memory_space<vmem>>
        %dma_start3A_346 = arith.constant 0 : i32
        %dma_start3A_347 = tpu.memref_slice %arg8[%sub3A_329, %dma_start3A_346] : memref<80x128xi32, #tpu.memory_space<vmem>> -> memref<1x128xi32, #tpu.memory_space<vmem>>
        %dma_start3A_348 = tpu.memref_squeeze %dma_start3A_347 : memref<1x128xi32, #tpu.memory_space<vmem>> -> memref<128xi32, #tpu.memory_space<vmem>>
        %dma_start3A_349 = arith.constant 0 : i32
        %dma_start3A_350 = arith.constant 0 : i32
        %dma_start3A_351 = tpu.memref_slice %arg11[%dma_start3A_349, %dma_start3A_350] : memref<10240x8xf32, #tpu.memory_space<vmem_shared>> -> memref<10240x8xf32, #tpu.memory_space<vmem_shared>>
        tpu.enqueue_indirect_dma source(%dma_start3A_345 : memref<128x8xf32, #tpu.memory_space<vmem>>) target(%dma_start3A_351 : memref<10240x8xf32, #tpu.memory_space<vmem_shared>>) offsets(%dma_start3A_348 : memref<128xi32, #tpu.memory_space<vmem>>) semaphore(%arg21 : memref<!tpu.dma_semaphore, #tpu.memory_space<semaphore_mem>>) {add = true}
      } else {
      }
      %mul3A_279 = arith.constant 8 : i32
      %mul3A_280 = arith.muli %mul3A_279, %scan3A_133 : i32
      %add3A_281 = arith.constant 6 : i32
      %add3A_282 = arith.addi %mul3A_280, %add3A_281 : i32
      %ge3A_283 = arith.constant 8 : i32
      %ge3A_284 = arith.cmpi sge, %add3A_282, %ge3A_283 : i32
      %lt3A_285 = arith.constant 80 : i32
      %lt3A_286 = arith.cmpi slt, %add3A_282, %lt3A_285 : i32
      %and3A_287 = arith.andi %ge3A_284, %lt3A_286 : i1
      %convert_element_type3A_288 = arith.extui %and3A_287 : i1 to i32
      %cond3A_289 = arith.constant 0 : i32
      %cond3A_290 = arith.cmpi ne, %convert_element_type3A_288, %cond3A_289 : i32
      scf.if %cond3A_290 {
        %sub3A = arith.constant 8 : i32
        %sub3A_329 = arith.subi %add3A_282, %sub3A : i32
        %dma_wait3A_330 = arith.constant 6 : i32
        %dma_wait3A_331 = arith.constant 0 : i32
        %dma_wait3A_332 = arith.constant 0 : i32
        %dma_wait3A_333 = tpu.memref_slice %arg9[%dma_wait3A_330, %dma_wait3A_331, %dma_wait3A_332] : memref<8x128x8xf32, #tpu.memory_space<vmem>> -> memref<1x128x8xf32, #tpu.memory_space<vmem>>
        %dma_wait3A_334 = tpu.memref_squeeze %dma_wait3A_333 : memref<1x128x8xf32, #tpu.memory_space<vmem>> -> memref<128x8xf32, #tpu.memory_space<vmem>>
        %dma_wait3A_335 = arith.constant 0 : i32
        %dma_wait3A_336 = tpu.memref_slice %arg8[%sub3A_329, %dma_wait3A_335] : memref<80x128xi32, #tpu.memory_space<vmem>> -> memref<1x128xi32, #tpu.memory_space<vmem>>
        %dma_wait3A_337 = tpu.memref_squeeze %dma_wait3A_336 : memref<1x128xi32, #tpu.memory_space<vmem>> -> memref<128xi32, #tpu.memory_space<vmem>>
        %dma_wait3A_338 = arith.constant 0 : i32
        %dma_wait3A_339 = arith.constant 0 : i32
        %dma_wait3A_340 = tpu.memref_slice %arg11[%dma_wait3A_338, %dma_wait3A_339] : memref<10240x8xf32, #tpu.memory_space<vmem_shared>> -> memref<10240x8xf32, #tpu.memory_space<vmem_shared>>
        tpu.wait_indirect_dma semaphore(%arg26 : memref<!tpu.dma_semaphore, #tpu.memory_space<semaphore_mem>>) src(%dma_wait3A_334 : memref<128x8xf32, #tpu.memory_space<vmem>>) dst(%dma_wait3A_340 : memref<10240x8xf32, #tpu.memory_space<vmem_shared>>)
      } else {
      }
      %lt3A_291 = arith.constant 80 : i32
      %lt3A_292 = arith.cmpi slt, %add3A_282, %lt3A_291 : i32
      %convert_element_type3A_293 = arith.extui %lt3A_292 : i1 to i32
      %cond3A_294 = arith.constant 0 : i32
      %cond3A_295 = arith.cmpi ne, %convert_element_type3A_293, %cond3A_294 : i32
      scf.if %cond3A_295 {
        %mul3A_329 = arith.constant 128 : i32
        %mul3A_330 = arith.muli %add3A_282, %mul3A_329 : i32
        %dma_start3A_331 = arith.constant 6 : i32
        %dma_start3A_332 = arith.constant 0 : i32
        %dma_start3A_333 = arith.constant 0 : i32
        %dma_start3A_334 = tpu.memref_slice %arg9[%dma_start3A_331, %dma_start3A_332, %dma_start3A_333] : memref<8x128x8xf32, #tpu.memory_space<vmem>> -> memref<1x128x8xf32, #tpu.memory_space<vmem>>
        %dma_start3A_335 = tpu.memref_squeeze %dma_start3A_334 : memref<1x128x8xf32, #tpu.memory_space<vmem>> -> memref<128x8xf32, #tpu.memory_space<vmem>>
        %dma_start3A_336 = tpu.memref_slice %arg7[%mul3A_330] : memref<10240xi32, #tpu.memory_space<vmem>> -> memref<128xi32, #tpu.memory_space<vmem>>
        %dma_start3A_337 = arith.constant 0 : i32
        %dma_start3A_338 = arith.constant 0 : i32
        %dma_start3A_339 = tpu.memref_slice %arg2[%dma_start3A_337, %dma_start3A_338] : memref<10000x8xf32, #tpu.memory_space<hbm>> -> memref<10000x8xf32, #tpu.memory_space<hbm>>
        tpu.enqueue_indirect_dma source(%dma_start3A_339 : memref<10000x8xf32, #tpu.memory_space<hbm>>) target(%dma_start3A_335 : memref<128x8xf32, #tpu.memory_space<vmem>>) offsets(%dma_start3A_336 : memref<128xi32, #tpu.memory_space<vmem>>) semaphore(%arg18 : memref<!tpu.dma_semaphore, #tpu.memory_space<semaphore_mem>>)
      } else {
      }
      %ge3A_296 = arith.constant 4 : i32
      %ge3A_297 = arith.cmpi sge, %add3A_282, %ge3A_296 : i32
      %lt3A_298 = arith.constant 84 : i32
      %lt3A_299 = arith.cmpi slt, %add3A_282, %lt3A_298 : i32
      %and3A_300 = arith.andi %ge3A_297, %lt3A_299 : i1
      %convert_element_type3A_301 = arith.extui %and3A_300 : i1 to i32
      %cond3A_302 = arith.constant 0 : i32
      %cond3A_303 = arith.cmpi ne, %convert_element_type3A_301, %cond3A_302 : i32
      scf.if %cond3A_303 {
        %sub3A = arith.constant 4 : i32
        %sub3A_329 = arith.subi %add3A_282, %sub3A : i32
        %mul3A_330 = arith.constant 128 : i32
        %mul3A_331 = arith.muli %sub3A_329, %mul3A_330 : i32
        %dma_wait3A_332 = arith.constant 2 : i32
        %dma_wait3A_333 = arith.constant 0 : i32
        %dma_wait3A_334 = arith.constant 0 : i32
        %dma_wait3A_335 = tpu.memref_slice %arg9[%dma_wait3A_332, %dma_wait3A_333, %dma_wait3A_334] : memref<8x128x8xf32, #tpu.memory_space<vmem>> -> memref<1x128x8xf32, #tpu.memory_space<vmem>>
        %dma_wait3A_336 = tpu.memref_squeeze %dma_wait3A_335 : memref<1x128x8xf32, #tpu.memory_space<vmem>> -> memref<128x8xf32, #tpu.memory_space<vmem>>
        %dma_wait3A_337 = tpu.memref_slice %arg7[%mul3A_331] : memref<10240xi32, #tpu.memory_space<vmem>> -> memref<128xi32, #tpu.memory_space<vmem>>
        %dma_wait3A_338 = arith.constant 0 : i32
        %dma_wait3A_339 = arith.constant 0 : i32
        %dma_wait3A_340 = tpu.memref_slice %arg2[%dma_wait3A_338, %dma_wait3A_339] : memref<10000x8xf32, #tpu.memory_space<hbm>> -> memref<10000x8xf32, #tpu.memory_space<hbm>>
        tpu.wait_indirect_dma semaphore(%arg14 : memref<!tpu.dma_semaphore, #tpu.memory_space<semaphore_mem>>) src(%dma_wait3A_340 : memref<10000x8xf32, #tpu.memory_space<hbm>>) dst(%dma_wait3A_336 : memref<128x8xf32, #tpu.memory_space<vmem>>)
        %dma_start3A_341 = arith.constant 2 : i32
        %dma_start3A_342 = arith.constant 0 : i32
        %dma_start3A_343 = arith.constant 0 : i32
        %dma_start3A_344 = tpu.memref_slice %arg9[%dma_start3A_341, %dma_start3A_342, %dma_start3A_343] : memref<8x128x8xf32, #tpu.memory_space<vmem>> -> memref<1x128x8xf32, #tpu.memory_space<vmem>>
        %dma_start3A_345 = tpu.memref_squeeze %dma_start3A_344 : memref<1x128x8xf32, #tpu.memory_space<vmem>> -> memref<128x8xf32, #tpu.memory_space<vmem>>
        %dma_start3A_346 = arith.constant 0 : i32
        %dma_start3A_347 = tpu.memref_slice %arg8[%sub3A_329, %dma_start3A_346] : memref<80x128xi32, #tpu.memory_space<vmem>> -> memref<1x128xi32, #tpu.memory_space<vmem>>
        %dma_start3A_348 = tpu.memref_squeeze %dma_start3A_347 : memref<1x128xi32, #tpu.memory_space<vmem>> -> memref<128xi32, #tpu.memory_space<vmem>>
        %dma_start3A_349 = arith.constant 0 : i32
        %dma_start3A_350 = arith.constant 0 : i32
        %dma_start3A_351 = tpu.memref_slice %arg11[%dma_start3A_349, %dma_start3A_350] : memref<10240x8xf32, #tpu.memory_space<vmem_shared>> -> memref<10240x8xf32, #tpu.memory_space<vmem_shared>>
        tpu.enqueue_indirect_dma source(%dma_start3A_345 : memref<128x8xf32, #tpu.memory_space<vmem>>) target(%dma_start3A_351 : memref<10240x8xf32, #tpu.memory_space<vmem_shared>>) offsets(%dma_start3A_348 : memref<128xi32, #tpu.memory_space<vmem>>) semaphore(%arg22 : memref<!tpu.dma_semaphore, #tpu.memory_space<semaphore_mem>>) {add = true}
      } else {
      }
      %mul3A_304 = arith.constant 8 : i32
      %mul3A_305 = arith.muli %mul3A_304, %scan3A_133 : i32
      %add3A_306 = arith.constant 7 : i32
      %add3A_307 = arith.addi %mul3A_305, %add3A_306 : i32
      %ge3A_308 = arith.constant 8 : i32
      %ge3A_309 = arith.cmpi sge, %add3A_307, %ge3A_308 : i32
      %lt3A_310 = arith.constant 80 : i32
      %lt3A_311 = arith.cmpi slt, %add3A_307, %lt3A_310 : i32
      %and3A_312 = arith.andi %ge3A_309, %lt3A_311 : i1
      %convert_element_type3A_313 = arith.extui %and3A_312 : i1 to i32
      %cond3A_314 = arith.constant 0 : i32
      %cond3A_315 = arith.cmpi ne, %convert_element_type3A_313, %cond3A_314 : i32
      scf.if %cond3A_315 {
        %sub3A = arith.constant 8 : i32
        %sub3A_329 = arith.subi %add3A_307, %sub3A : i32
        %dma_wait3A_330 = arith.constant 7 : i32
        %dma_wait3A_331 = arith.constant 0 : i32
        %dma_wait3A_332 = arith.constant 0 : i32
        %dma_wait3A_333 = tpu.memref_slice %arg9[%dma_wait3A_330, %dma_wait3A_331, %dma_wait3A_332] : memref<8x128x8xf32, #tpu.memory_space<vmem>> -> memref<1x128x8xf32, #tpu.memory_space<vmem>>
        %dma_wait3A_334 = tpu.memref_squeeze %dma_wait3A_333 : memref<1x128x8xf32, #tpu.memory_space<vmem>> -> memref<128x8xf32, #tpu.memory_space<vmem>>
        %dma_wait3A_335 = arith.constant 0 : i32
        %dma_wait3A_336 = tpu.memref_slice %arg8[%sub3A_329, %dma_wait3A_335] : memref<80x128xi32, #tpu.memory_space<vmem>> -> memref<1x128xi32, #tpu.memory_space<vmem>>
        %dma_wait3A_337 = tpu.memref_squeeze %dma_wait3A_336 : memref<1x128xi32, #tpu.memory_space<vmem>> -> memref<128xi32, #tpu.memory_space<vmem>>
        %dma_wait3A_338 = arith.constant 0 : i32
        %dma_wait3A_339 = arith.constant 0 : i32
        %dma_wait3A_340 = tpu.memref_slice %arg11[%dma_wait3A_338, %dma_wait3A_339] : memref<10240x8xf32, #tpu.memory_space<vmem_shared>> -> memref<10240x8xf32, #tpu.memory_space<vmem_shared>>
        tpu.wait_indirect_dma semaphore(%arg27 : memref<!tpu.dma_semaphore, #tpu.memory_space<semaphore_mem>>) src(%dma_wait3A_334 : memref<128x8xf32, #tpu.memory_space<vmem>>) dst(%dma_wait3A_340 : memref<10240x8xf32, #tpu.memory_space<vmem_shared>>)
      } else {
      }
      %lt3A_316 = arith.constant 80 : i32
      %lt3A_317 = arith.cmpi slt, %add3A_307, %lt3A_316 : i32
      %convert_element_type3A_318 = arith.extui %lt3A_317 : i1 to i32
      %cond3A_319 = arith.constant 0 : i32
      %cond3A_320 = arith.cmpi ne, %convert_element_type3A_318, %cond3A_319 : i32
      scf.if %cond3A_320 {
        %mul3A_329 = arith.constant 128 : i32
        %mul3A_330 = arith.muli %add3A_307, %mul3A_329 : i32
        %dma_start3A_331 = arith.constant 7 : i32
        %dma_start3A_332 = arith.constant 0 : i32
        %dma_start3A_333 = arith.constant 0 : i32
        %dma_start3A_334 = tpu.memref_slice %arg9[%dma_start3A_331, %dma_start3A_332, %dma_start3A_333] : memref<8x128x8xf32, #tpu.memory_space<vmem>> -> memref<1x128x8xf32, #tpu.memory_space<vmem>>
        %dma_start3A_335 = tpu.memref_squeeze %dma_start3A_334 : memref<1x128x8xf32, #tpu.memory_space<vmem>> -> memref<128x8xf32, #tpu.memory_space<vmem>>
        %dma_start3A_336 = tpu.memref_slice %arg7[%mul3A_330] : memref<10240xi32, #tpu.memory_space<vmem>> -> memref<128xi32, #tpu.memory_space<vmem>>
        %dma_start3A_337 = arith.constant 0 : i32
        %dma_start3A_338 = arith.constant 0 : i32
        %dma_start3A_339 = tpu.memref_slice %arg2[%dma_start3A_337, %dma_start3A_338] : memref<10000x8xf32, #tpu.memory_space<hbm>> -> memref<10000x8xf32, #tpu.memory_space<hbm>>
        tpu.enqueue_indirect_dma source(%dma_start3A_339 : memref<10000x8xf32, #tpu.memory_space<hbm>>) target(%dma_start3A_335 : memref<128x8xf32, #tpu.memory_space<vmem>>) offsets(%dma_start3A_336 : memref<128xi32, #tpu.memory_space<vmem>>) semaphore(%arg19 : memref<!tpu.dma_semaphore, #tpu.memory_space<semaphore_mem>>)
      } else {
      }
      %ge3A_321 = arith.constant 4 : i32
      %ge3A_322 = arith.cmpi sge, %add3A_307, %ge3A_321 : i32
      %lt3A_323 = arith.constant 84 : i32
      %lt3A_324 = arith.cmpi slt, %add3A_307, %lt3A_323 : i32
      %and3A_325 = arith.andi %ge3A_322, %lt3A_324 : i1
      %convert_element_type3A_326 = arith.extui %and3A_325 : i1 to i32
      %cond3A_327 = arith.constant 0 : i32
      %cond3A_328 = arith.cmpi ne, %convert_element_type3A_326, %cond3A_327 : i32
      scf.if %cond3A_328 {
        %sub3A = arith.constant 4 : i32
        %sub3A_329 = arith.subi %add3A_307, %sub3A : i32
        %mul3A_330 = arith.constant 128 : i32
        %mul3A_331 = arith.muli %sub3A_329, %mul3A_330 : i32
        %dma_wait3A_332 = arith.constant 3 : i32
        %dma_wait3A_333 = arith.constant 0 : i32
        %dma_wait3A_334 = arith.constant 0 : i32
        %dma_wait3A_335 = tpu.memref_slice %arg9[%dma_wait3A_332, %dma_wait3A_333, %dma_wait3A_334] : memref<8x128x8xf32, #tpu.memory_space<vmem>> -> memref<1x128x8xf32, #tpu.memory_space<vmem>>
        %dma_wait3A_336 = tpu.memref_squeeze %dma_wait3A_335 : memref<1x128x8xf32, #tpu.memory_space<vmem>> -> memref<128x8xf32, #tpu.memory_space<vmem>>
        %dma_wait3A_337 = tpu.memref_slice %arg7[%mul3A_331] : memref<10240xi32, #tpu.memory_space<vmem>> -> memref<128xi32, #tpu.memory_space<vmem>>
        %dma_wait3A_338 = arith.constant 0 : i32
        %dma_wait3A_339 = arith.constant 0 : i32
        %dma_wait3A_340 = tpu.memref_slice %arg2[%dma_wait3A_338, %dma_wait3A_339] : memref<10000x8xf32, #tpu.memory_space<hbm>> -> memref<10000x8xf32, #tpu.memory_space<hbm>>
        tpu.wait_indirect_dma semaphore(%arg15 : memref<!tpu.dma_semaphore, #tpu.memory_space<semaphore_mem>>) src(%dma_wait3A_340 : memref<10000x8xf32, #tpu.memory_space<hbm>>) dst(%dma_wait3A_336 : memref<128x8xf32, #tpu.memory_space<vmem>>)
        %dma_start3A_341 = arith.constant 3 : i32
        %dma_start3A_342 = arith.constant 0 : i32
        %dma_start3A_343 = arith.constant 0 : i32
        %dma_start3A_344 = tpu.memref_slice %arg9[%dma_start3A_341, %dma_start3A_342, %dma_start3A_343] : memref<8x128x8xf32, #tpu.memory_space<vmem>> -> memref<1x128x8xf32, #tpu.memory_space<vmem>>
        %dma_start3A_345 = tpu.memref_squeeze %dma_start3A_344 : memref<1x128x8xf32, #tpu.memory_space<vmem>> -> memref<128x8xf32, #tpu.memory_space<vmem>>
        %dma_start3A_346 = arith.constant 0 : i32
        %dma_start3A_347 = tpu.memref_slice %arg8[%sub3A_329, %dma_start3A_346] : memref<80x128xi32, #tpu.memory_space<vmem>> -> memref<1x128xi32, #tpu.memory_space<vmem>>
        %dma_start3A_348 = tpu.memref_squeeze %dma_start3A_347 : memref<1x128xi32, #tpu.memory_space<vmem>> -> memref<128xi32, #tpu.memory_space<vmem>>
        %dma_start3A_349 = arith.constant 0 : i32
        %dma_start3A_350 = arith.constant 0 : i32
        %dma_start3A_351 = tpu.memref_slice %arg11[%dma_start3A_349, %dma_start3A_350] : memref<10240x8xf32, #tpu.memory_space<vmem_shared>> -> memref<10240x8xf32, #tpu.memory_space<vmem_shared>>
        tpu.enqueue_indirect_dma source(%dma_start3A_345 : memref<128x8xf32, #tpu.memory_space<vmem>>) target(%dma_start3A_351 : memref<10240x8xf32, #tpu.memory_space<vmem_shared>>) offsets(%dma_start3A_348 : memref<128xi32, #tpu.memory_space<vmem>>) semaphore(%arg23 : memref<!tpu.dma_semaphore, #tpu.memory_space<semaphore_mem>>) {add = true}
      } else {
      }
    }
    %scan3A_33 = arith.constant 11 : i32
    %dma_wait3A_34 = arith.constant 0 : i32
    %dma_wait3A_35 = arith.constant 72 : i32
    %dma_wait3A_36 = arith.constant 0 : i32
    %dma_wait3A_37 = arith.constant 0 : i32
    %dma_wait3A_38 = tpu.memref_slice %arg9[%dma_wait3A_34, %dma_wait3A_36, %dma_wait3A_37] : memref<8x128x8xf32, #tpu.memory_space<vmem>> -> memref<1x128x8xf32, #tpu.memory_space<vmem>>
    %dma_wait3A_39 = tpu.memref_squeeze %dma_wait3A_38 : memref<1x128x8xf32, #tpu.memory_space<vmem>> -> memref<128x8xf32, #tpu.memory_space<vmem>>
    %dma_wait3A_40 = arith.constant 0 : i32
    %dma_wait3A_41 = tpu.memref_slice %arg8[%dma_wait3A_35, %dma_wait3A_40] : memref<80x128xi32, #tpu.memory_space<vmem>> -> memref<1x128xi32, #tpu.memory_space<vmem>>
    %dma_wait3A_42 = tpu.memref_squeeze %dma_wait3A_41 : memref<1x128xi32, #tpu.memory_space<vmem>> -> memref<128xi32, #tpu.memory_space<vmem>>
    %dma_wait3A_43 = arith.constant 0 : i32
    %dma_wait3A_44 = arith.constant 0 : i32
    %dma_wait3A_45 = tpu.memref_slice %arg11[%dma_wait3A_43, %dma_wait3A_44] : memref<10240x8xf32, #tpu.memory_space<vmem_shared>> -> memref<10240x8xf32, #tpu.memory_space<vmem_shared>>
    tpu.wait_indirect_dma semaphore(%arg20 : memref<!tpu.dma_semaphore, #tpu.memory_space<semaphore_mem>>) src(%dma_wait3A_39 : memref<128x8xf32, #tpu.memory_space<vmem>>) dst(%dma_wait3A_45 : memref<10240x8xf32, #tpu.memory_space<vmem_shared>>)
    %dma_wait3A_46 = arith.constant 1 : i32
    %dma_wait3A_47 = arith.constant 73 : i32
    %dma_wait3A_48 = arith.constant 0 : i32
    %dma_wait3A_49 = arith.constant 0 : i32
    %dma_wait3A_50 = tpu.memref_slice %arg9[%dma_wait3A_46, %dma_wait3A_48, %dma_wait3A_49] : memref<8x128x8xf32, #tpu.memory_space<vmem>> -> memref<1x128x8xf32, #tpu.memory_space<vmem>>
    %dma_wait3A_51 = tpu.memref_squeeze %dma_wait3A_50 : memref<1x128x8xf32, #tpu.memory_space<vmem>> -> memref<128x8xf32, #tpu.memory_space<vmem>>
    %dma_wait3A_52 = arith.constant 0 : i32
    %dma_wait3A_53 = tpu.memref_slice %arg8[%dma_wait3A_47, %dma_wait3A_52] : memref<80x128xi32, #tpu.memory_space<vmem>> -> memref<1x128xi32, #tpu.memory_space<vmem>>
    %dma_wait3A_54 = tpu.memref_squeeze %dma_wait3A_53 : memref<1x128xi32, #tpu.memory_space<vmem>> -> memref<128xi32, #tpu.memory_space<vmem>>
    %dma_wait3A_55 = arith.constant 0 : i32
    %dma_wait3A_56 = arith.constant 0 : i32
    %dma_wait3A_57 = tpu.memref_slice %arg11[%dma_wait3A_55, %dma_wait3A_56] : memref<10240x8xf32, #tpu.memory_space<vmem_shared>> -> memref<10240x8xf32, #tpu.memory_space<vmem_shared>>
    tpu.wait_indirect_dma semaphore(%arg21 : memref<!tpu.dma_semaphore, #tpu.memory_space<semaphore_mem>>) src(%dma_wait3A_51 : memref<128x8xf32, #tpu.memory_space<vmem>>) dst(%dma_wait3A_57 : memref<10240x8xf32, #tpu.memory_space<vmem_shared>>)
    %dma_wait3A_58 = arith.constant 2 : i32
    %dma_wait3A_59 = arith.constant 74 : i32
    %dma_wait3A_60 = arith.constant 0 : i32
    %dma_wait3A_61 = arith.constant 0 : i32
    %dma_wait3A_62 = tpu.memref_slice %arg9[%dma_wait3A_58, %dma_wait3A_60, %dma_wait3A_61] : memref<8x128x8xf32, #tpu.memory_space<vmem>> -> memref<1x128x8xf32, #tpu.memory_space<vmem>>
    %dma_wait3A_63 = tpu.memref_squeeze %dma_wait3A_62 : memref<1x128x8xf32, #tpu.memory_space<vmem>> -> memref<128x8xf32, #tpu.memory_space<vmem>>
    %dma_wait3A_64 = arith.constant 0 : i32
    %dma_wait3A_65 = tpu.memref_slice %arg8[%dma_wait3A_59, %dma_wait3A_64] : memref<80x128xi32, #tpu.memory_space<vmem>> -> memref<1x128xi32, #tpu.memory_space<vmem>>
    %dma_wait3A_66 = tpu.memref_squeeze %dma_wait3A_65 : memref<1x128xi32, #tpu.memory_space<vmem>> -> memref<128xi32, #tpu.memory_space<vmem>>
    %dma_wait3A_67 = arith.constant 0 : i32
    %dma_wait3A_68 = arith.constant 0 : i32
    %dma_wait3A_69 = tpu.memref_slice %arg11[%dma_wait3A_67, %dma_wait3A_68] : memref<10240x8xf32, #tpu.memory_space<vmem_shared>> -> memref<10240x8xf32, #tpu.memory_space<vmem_shared>>
    tpu.wait_indirect_dma semaphore(%arg22 : memref<!tpu.dma_semaphore, #tpu.memory_space<semaphore_mem>>) src(%dma_wait3A_63 : memref<128x8xf32, #tpu.memory_space<vmem>>) dst(%dma_wait3A_69 : memref<10240x8xf32, #tpu.memory_space<vmem_shared>>)
    %dma_wait3A_70 = arith.constant 3 : i32
    %dma_wait3A_71 = arith.constant 75 : i32
    %dma_wait3A_72 = arith.constant 0 : i32
    %dma_wait3A_73 = arith.constant 0 : i32
    %dma_wait3A_74 = tpu.memref_slice %arg9[%dma_wait3A_70, %dma_wait3A_72, %dma_wait3A_73] : memref<8x128x8xf32, #tpu.memory_space<vmem>> -> memref<1x128x8xf32, #tpu.memory_space<vmem>>
    %dma_wait3A_75 = tpu.memref_squeeze %dma_wait3A_74 : memref<1x128x8xf32, #tpu.memory_space<vmem>> -> memref<128x8xf32, #tpu.memory_space<vmem>>
    %dma_wait3A_76 = arith.constant 0 : i32
    %dma_wait3A_77 = tpu.memref_slice %arg8[%dma_wait3A_71, %dma_wait3A_76] : memref<80x128xi32, #tpu.memory_space<vmem>> -> memref<1x128xi32, #tpu.memory_space<vmem>>
    %dma_wait3A_78 = tpu.memref_squeeze %dma_wait3A_77 : memref<1x128xi32, #tpu.memory_space<vmem>> -> memref<128xi32, #tpu.memory_space<vmem>>
    %dma_wait3A_79 = arith.constant 0 : i32
    %dma_wait3A_80 = arith.constant 0 : i32
    %dma_wait3A_81 = tpu.memref_slice %arg11[%dma_wait3A_79, %dma_wait3A_80] : memref<10240x8xf32, #tpu.memory_space<vmem_shared>> -> memref<10240x8xf32, #tpu.memory_space<vmem_shared>>
    tpu.wait_indirect_dma semaphore(%arg23 : memref<!tpu.dma_semaphore, #tpu.memory_space<semaphore_mem>>) src(%dma_wait3A_75 : memref<128x8xf32, #tpu.memory_space<vmem>>) dst(%dma_wait3A_81 : memref<10240x8xf32, #tpu.memory_space<vmem_shared>>)
    %dma_wait3A_82 = arith.constant 4 : i32
    %dma_wait3A_83 = arith.constant 76 : i32
    %dma_wait3A_84 = arith.constant 0 : i32
    %dma_wait3A_85 = arith.constant 0 : i32
    %dma_wait3A_86 = tpu.memref_slice %arg9[%dma_wait3A_82, %dma_wait3A_84, %dma_wait3A_85] : memref<8x128x8xf32, #tpu.memory_space<vmem>> -> memref<1x128x8xf32, #tpu.memory_space<vmem>>
    %dma_wait3A_87 = tpu.memref_squeeze %dma_wait3A_86 : memref<1x128x8xf32, #tpu.memory_space<vmem>> -> memref<128x8xf32, #tpu.memory_space<vmem>>
    %dma_wait3A_88 = arith.constant 0 : i32
    %dma_wait3A_89 = tpu.memref_slice %arg8[%dma_wait3A_83, %dma_wait3A_88] : memref<80x128xi32, #tpu.memory_space<vmem>> -> memref<1x128xi32, #tpu.memory_space<vmem>>
    %dma_wait3A_90 = tpu.memref_squeeze %dma_wait3A_89 : memref<1x128xi32, #tpu.memory_space<vmem>> -> memref<128xi32, #tpu.memory_space<vmem>>
    %dma_wait3A_91 = arith.constant 0 : i32
    %dma_wait3A_92 = arith.constant 0 : i32
    %dma_wait3A_93 = tpu.memref_slice %arg11[%dma_wait3A_91, %dma_wait3A_92] : memref<10240x8xf32, #tpu.memory_space<vmem_shared>> -> memref<10240x8xf32, #tpu.memory_space<vmem_shared>>
    tpu.wait_indirect_dma semaphore(%arg24 : memref<!tpu.dma_semaphore, #tpu.memory_space<semaphore_mem>>) src(%dma_wait3A_87 : memref<128x8xf32, #tpu.memory_space<vmem>>) dst(%dma_wait3A_93 : memref<10240x8xf32, #tpu.memory_space<vmem_shared>>)
    %dma_wait3A_94 = arith.constant 5 : i32
    %dma_wait3A_95 = arith.constant 77 : i32
    %dma_wait3A_96 = arith.constant 0 : i32
    %dma_wait3A_97 = arith.constant 0 : i32
    %dma_wait3A_98 = tpu.memref_slice %arg9[%dma_wait3A_94, %dma_wait3A_96, %dma_wait3A_97] : memref<8x128x8xf32, #tpu.memory_space<vmem>> -> memref<1x128x8xf32, #tpu.memory_space<vmem>>
    %dma_wait3A_99 = tpu.memref_squeeze %dma_wait3A_98 : memref<1x128x8xf32, #tpu.memory_space<vmem>> -> memref<128x8xf32, #tpu.memory_space<vmem>>
    %dma_wait3A_100 = arith.constant 0 : i32
    %dma_wait3A_101 = tpu.memref_slice %arg8[%dma_wait3A_95, %dma_wait3A_100] : memref<80x128xi32, #tpu.memory_space<vmem>> -> memref<1x128xi32, #tpu.memory_space<vmem>>
    %dma_wait3A_102 = tpu.memref_squeeze %dma_wait3A_101 : memref<1x128xi32, #tpu.memory_space<vmem>> -> memref<128xi32, #tpu.memory_space<vmem>>
    %dma_wait3A_103 = arith.constant 0 : i32
    %dma_wait3A_104 = arith.constant 0 : i32
    %dma_wait3A_105 = tpu.memref_slice %arg11[%dma_wait3A_103, %dma_wait3A_104] : memref<10240x8xf32, #tpu.memory_space<vmem_shared>> -> memref<10240x8xf32, #tpu.memory_space<vmem_shared>>
    tpu.wait_indirect_dma semaphore(%arg25 : memref<!tpu.dma_semaphore, #tpu.memory_space<semaphore_mem>>) src(%dma_wait3A_99 : memref<128x8xf32, #tpu.memory_space<vmem>>) dst(%dma_wait3A_105 : memref<10240x8xf32, #tpu.memory_space<vmem_shared>>)
    %dma_wait3A_106 = arith.constant 6 : i32
    %dma_wait3A_107 = arith.constant 78 : i32
    %dma_wait3A_108 = arith.constant 0 : i32
    %dma_wait3A_109 = arith.constant 0 : i32
    %dma_wait3A_110 = tpu.memref_slice %arg9[%dma_wait3A_106, %dma_wait3A_108, %dma_wait3A_109] : memref<8x128x8xf32, #tpu.memory_space<vmem>> -> memref<1x128x8xf32, #tpu.memory_space<vmem>>
    %dma_wait3A_111 = tpu.memref_squeeze %dma_wait3A_110 : memref<1x128x8xf32, #tpu.memory_space<vmem>> -> memref<128x8xf32, #tpu.memory_space<vmem>>
    %dma_wait3A_112 = arith.constant 0 : i32
    %dma_wait3A_113 = tpu.memref_slice %arg8[%dma_wait3A_107, %dma_wait3A_112] : memref<80x128xi32, #tpu.memory_space<vmem>> -> memref<1x128xi32, #tpu.memory_space<vmem>>
    %dma_wait3A_114 = tpu.memref_squeeze %dma_wait3A_113 : memref<1x128xi32, #tpu.memory_space<vmem>> -> memref<128xi32, #tpu.memory_space<vmem>>
    %dma_wait3A_115 = arith.constant 0 : i32
    %dma_wait3A_116 = arith.constant 0 : i32
    %dma_wait3A_117 = tpu.memref_slice %arg11[%dma_wait3A_115, %dma_wait3A_116] : memref<10240x8xf32, #tpu.memory_space<vmem_shared>> -> memref<10240x8xf32, #tpu.memory_space<vmem_shared>>
    tpu.wait_indirect_dma semaphore(%arg26 : memref<!tpu.dma_semaphore, #tpu.memory_space<semaphore_mem>>) src(%dma_wait3A_111 : memref<128x8xf32, #tpu.memory_space<vmem>>) dst(%dma_wait3A_117 : memref<10240x8xf32, #tpu.memory_space<vmem_shared>>)
    %dma_wait3A_118 = arith.constant 7 : i32
    %dma_wait3A_119 = arith.constant 79 : i32
    %dma_wait3A_120 = arith.constant 0 : i32
    %dma_wait3A_121 = arith.constant 0 : i32
    %dma_wait3A_122 = tpu.memref_slice %arg9[%dma_wait3A_118, %dma_wait3A_120, %dma_wait3A_121] : memref<8x128x8xf32, #tpu.memory_space<vmem>> -> memref<1x128x8xf32, #tpu.memory_space<vmem>>
    %dma_wait3A_123 = tpu.memref_squeeze %dma_wait3A_122 : memref<1x128x8xf32, #tpu.memory_space<vmem>> -> memref<128x8xf32, #tpu.memory_space<vmem>>
    %dma_wait3A_124 = arith.constant 0 : i32
    %dma_wait3A_125 = tpu.memref_slice %arg8[%dma_wait3A_119, %dma_wait3A_124] : memref<80x128xi32, #tpu.memory_space<vmem>> -> memref<1x128xi32, #tpu.memory_space<vmem>>
    %dma_wait3A_126 = tpu.memref_squeeze %dma_wait3A_125 : memref<1x128xi32, #tpu.memory_space<vmem>> -> memref<128xi32, #tpu.memory_space<vmem>>
    %dma_wait3A_127 = arith.constant 0 : i32
    %dma_wait3A_128 = arith.constant 0 : i32
    %dma_wait3A_129 = tpu.memref_slice %arg11[%dma_wait3A_127, %dma_wait3A_128] : memref<10240x8xf32, #tpu.memory_space<vmem_shared>> -> memref<10240x8xf32, #tpu.memory_space<vmem_shared>>
    tpu.wait_indirect_dma semaphore(%arg27 : memref<!tpu.dma_semaphore, #tpu.memory_space<semaphore_mem>>) src(%dma_wait3A_123 : memref<128x8xf32, #tpu.memory_space<vmem>>) dst(%dma_wait3A_129 : memref<10240x8xf32, #tpu.memory_space<vmem_shared>>)
    %barrier3A_130 = arith.constant 0 : index
    tpu.barrier barrier_id(%barrier3A_130)
    %mul3A_131 = arith.constant 640 : i32
    %mul3A_132 = arith.muli %arg1, %mul3A_131 : i32
    "tpu.region"() ({
      %run_scoped3A = tpu.sem_alloc : memref<!tpu.dma_semaphore, #tpu.memory_space<semaphore_mem>>
      %dma_start3A_133 = arith.constant 0 : i32
      %dma_start3A_134 = tpu.memref_slice %arg6[%arg0, %mul3A_132, %dma_start3A_133] : memref<2x10240x8xf32, #tpu.memory_space<hbm>> -> memref<1x640x8xf32, #tpu.memory_space<hbm>>
      %dma_start3A_135 = tpu.memref_squeeze %dma_start3A_134 : memref<1x640x8xf32, #tpu.memory_space<hbm>> -> memref<640x8xf32, #tpu.memory_space<hbm>>
      %dma_start3A_136 = arith.constant 0 : i32
      %dma_start3A_137 = tpu.memref_slice %arg11[%mul3A_132, %dma_start3A_136] : memref<10240x8xf32, #tpu.memory_space<vmem_shared>> -> memref<640x8xf32, #tpu.memory_space<vmem_shared>>
      tpu.enqueue_dma source(%dma_start3A_137 : memref<640x8xf32, #tpu.memory_space<vmem_shared>>) target(%dma_start3A_135 : memref<640x8xf32, #tpu.memory_space<hbm>>) target_semaphore(%run_scoped3A : memref<!tpu.dma_semaphore, #tpu.memory_space<semaphore_mem>>)
      %dma_wait3A_138 = arith.constant 0 : i32
      %dma_wait3A_139 = tpu.memref_slice %arg6[%arg0, %mul3A_132, %dma_wait3A_138] : memref<2x10240x8xf32, #tpu.memory_space<hbm>> -> memref<1x640x8xf32, #tpu.memory_space<hbm>>
      %dma_wait3A_140 = tpu.memref_squeeze %dma_wait3A_139 : memref<1x640x8xf32, #tpu.memory_space<hbm>> -> memref<640x8xf32, #tpu.memory_space<hbm>>
      %dma_wait3A_141 = arith.constant 0 : i32
      %dma_wait3A_142 = tpu.memref_slice %arg11[%mul3A_132, %dma_wait3A_141] : memref<10240x8xf32, #tpu.memory_space<vmem_shared>> -> memref<640x8xf32, #tpu.memory_space<vmem_shared>>
      tpu.wait_dma2 semaphore(%run_scoped3A : memref<!tpu.dma_semaphore, #tpu.memory_space<semaphore_mem>>) src(%dma_wait3A_142 : memref<640x8xf32, #tpu.memory_space<vmem_shared>>) dst(%dma_wait3A_140 : memref<640x8xf32, #tpu.memory_space<hbm>>)
      tpu.yield
    }) : () -> ()
    return
  }
}

#map = affine_map<(d0, d1) -> (0, 0, 0)>
#map1 = affine_map<(d0, d1) -> (0, 0)>
module attributes {stable_mosaic.version = 14 : i64} {
  func.func @body(%arg0: i32, %arg1: i32, %arg2: memref<2x10240x8xf32, #tpu.memory_space<hbm>>, %arg3: memref<2x10240x8xf32, #tpu.memory_space<hbm>>, %arg4: memref<10240x4xf32, #tpu.memory_space<hbm>>, %arg5: memref<40x16xf32, #tpu.memory_space<hbm>>, %arg6: memref<32x10240xi32, #tpu.memory_space<hbm>>, %arg7: memref<32x80x128xi32, #tpu.memory_space<hbm>>, %arg8: memref<640x8xf32, #tpu.memory_space<hbm>>, %arg9: memref<2x10240x8xf32, #tpu.memory_space<hbm>>, %arg10: memref<10240x4xf32, #tpu.memory_space<hbm>>, %arg11: memref<10240x4xf32, #tpu.memory_space<hbm>>, %arg12: memref<20480x8xf32, #tpu.memory_space<hbm>>, %arg13: memref<10240xi32, #tpu.memory_space<vmem>>, %arg14: memref<80x128xi32, #tpu.memory_space<vmem>>, %arg15: memref<8x128x8xf32, #tpu.memory_space<vmem>>, %arg16: memref<640x8xf32, #tpu.memory_space<vmem>>, %arg17: memref<10240x8xf32, #tpu.memory_space<vmem_shared>>, %arg18: memref<640x8xf32, #tpu.memory_space<vmem>>, %arg19: memref<640x8xf32, #tpu.memory_space<vmem>>, %arg20: memref<640x8xf32, #tpu.memory_space<vmem>>, %arg21: memref<640x8xf32, #tpu.memory_space<vmem>>, %arg22: memref<640x4xf32, #tpu.memory_space<vmem>>, %arg23: memref<40x16xf32, #tpu.memory_space<vmem>>, %arg24: memref<640x8xf32, #tpu.memory_space<vmem>>, %arg25: memref<640x4xf32, #tpu.memory_space<vmem>>, %arg26: memref<640x4xf32, #tpu.memory_space<vmem>>, %arg27: memref<!tpu.dma_semaphore, #tpu.memory_space<semaphore_mem>>, %arg28: memref<!tpu.dma_semaphore, #tpu.memory_space<semaphore_mem>>, %arg29: memref<!tpu.dma_semaphore, #tpu.memory_space<semaphore_mem>>, %arg30: memref<!tpu.dma_semaphore, #tpu.memory_space<semaphore_mem>>, %arg31: memref<!tpu.dma_semaphore, #tpu.memory_space<semaphore_mem>>, %arg32: memref<!tpu.dma_semaphore, #tpu.memory_space<semaphore_mem>>, %arg33: memref<!tpu.dma_semaphore, #tpu.memory_space<semaphore_mem>>, %arg34: memref<!tpu.dma_semaphore, #tpu.memory_space<semaphore_mem>>, %arg35: memref<!tpu.dma_semaphore, #tpu.memory_space<semaphore_mem>>, %arg36: memref<!tpu.dma_semaphore, #tpu.memory_space<semaphore_mem>>, %arg37: memref<!tpu.dma_semaphore, #tpu.memory_space<semaphore_mem>>, %arg38: memref<!tpu.dma_semaphore, #tpu.memory_space<semaphore_mem>>, %arg39: memref<!tpu.dma_semaphore, #tpu.memory_space<semaphore_mem>>, %arg40: memref<!tpu.dma_semaphore, #tpu.memory_space<semaphore_mem>>, %arg41: memref<!tpu.dma_semaphore, #tpu.memory_space<semaphore_mem>>, %arg42: memref<!tpu.dma_semaphore, #tpu.memory_space<semaphore_mem>>) attributes {dimension_semantics = [#tpu.dimension_semantics<core_parallel>, #tpu.dimension_semantics<subcore_parallel>], iteration_bounds = array<i64: 2, 16>, scalar_prefetch = 0 : i64, scratch_operands = 30 : i64, tpu.core_type = #tpu.core_type<sc_vector_subcore>, window_params = [{transform_indices = #map}, {transform_indices = #map}, {transform_indices = #map1}, {transform_indices = #map1}, {transform_indices = #map1}, {transform_indices = #map}, {transform_indices = #map1}, {transform_indices = #map}, {transform_indices = #map1}, {transform_indices = #map1}, {transform_indices = #map1}]} {
    %mul3A = arith.constant 16 : i32
    %mul3A_0 = arith.muli %arg0, %mul3A : i32
    %add3A = arith.addi %mul3A_0, %arg1 : i32
    %mul3A_1 = arith.constant 640 : i32
    %mul3A_2 = arith.muli %arg1, %mul3A_1 : i32
    %dma_start3A = arith.constant 0 : i32
    %dma_start3A_3 = tpu.memref_slice %arg6[%add3A, %dma_start3A] : memref<32x10240xi32, #tpu.memory_space<hbm>> -> memref<1x10240xi32, #tpu.memory_space<hbm>>
    %dma_start3A_4 = tpu.memref_squeeze %dma_start3A_3 : memref<1x10240xi32, #tpu.memory_space<hbm>> -> memref<10240xi32, #tpu.memory_space<hbm>>
    %dma_start3A_5 = arith.constant 0 : i32
    %dma_start3A_6 = tpu.memref_slice %arg6[%add3A, %dma_start3A_5] : memref<32x10240xi32, #tpu.memory_space<hbm>> -> memref<1x10240xi32, #tpu.memory_space<hbm>>
    %dma_start3A_7 = tpu.memref_squeeze %dma_start3A_6 : memref<1x10240xi32, #tpu.memory_space<hbm>> -> memref<10240xi32, #tpu.memory_space<hbm>>
    tpu.enqueue_dma source(%dma_start3A_7 : memref<10240xi32, #tpu.memory_space<hbm>>) target(%arg13 : memref<10240xi32, #tpu.memory_space<vmem>>) target_semaphore(%arg27 : memref<!tpu.dma_semaphore, #tpu.memory_space<semaphore_mem>>)
    %dma_start3A_8 = arith.constant 0 : i32
    %dma_start3A_9 = arith.constant 0 : i32
    %dma_start3A_10 = tpu.memref_slice %arg7[%add3A, %dma_start3A_8, %dma_start3A_9] : memref<32x80x128xi32, #tpu.memory_space<hbm>> -> memref<1x80x128xi32, #tpu.memory_space<hbm>>
    %dma_start3A_11 = tpu.memref_squeeze %dma_start3A_10 : memref<1x80x128xi32, #tpu.memory_space<hbm>> -> memref<80x128xi32, #tpu.memory_space<hbm>>
    %dma_start3A_12 = arith.constant 0 : i32
    %dma_start3A_13 = arith.constant 0 : i32
    %dma_start3A_14 = tpu.memref_slice %arg7[%add3A, %dma_start3A_12, %dma_start3A_13] : memref<32x80x128xi32, #tpu.memory_space<hbm>> -> memref<1x80x128xi32, #tpu.memory_space<hbm>>
    %dma_start3A_15 = tpu.memref_squeeze %dma_start3A_14 : memref<1x80x128xi32, #tpu.memory_space<hbm>> -> memref<80x128xi32, #tpu.memory_space<hbm>>
    tpu.enqueue_dma source(%dma_start3A_15 : memref<80x128xi32, #tpu.memory_space<hbm>>) target(%arg14 : memref<80x128xi32, #tpu.memory_space<vmem>>) target_semaphore(%arg28 : memref<!tpu.dma_semaphore, #tpu.memory_space<semaphore_mem>>)
    %dma_start3A_16 = arith.constant 0 : i32
    %dma_start3A_17 = arith.constant 0 : i32
    %dma_start3A_18 = tpu.memref_slice %arg2[%dma_start3A_16, %mul3A_2, %dma_start3A_17] : memref<2x10240x8xf32, #tpu.memory_space<hbm>> -> memref<1x640x8xf32, #tpu.memory_space<hbm>>
    %dma_start3A_19 = tpu.memref_squeeze %dma_start3A_18 : memref<1x640x8xf32, #tpu.memory_space<hbm>> -> memref<640x8xf32, #tpu.memory_space<hbm>>
    %dma_start3A_20 = arith.constant 0 : i32
    %dma_start3A_21 = tpu.memref_slice %arg2[%dma_start3A_16, %mul3A_2, %dma_start3A_20] : memref<2x10240x8xf32, #tpu.memory_space<hbm>> -> memref<1x640x8xf32, #tpu.memory_space<hbm>>
    %dma_start3A_22 = tpu.memref_squeeze %dma_start3A_21 : memref<1x640x8xf32, #tpu.memory_space<hbm>> -> memref<640x8xf32, #tpu.memory_space<hbm>>
    tpu.enqueue_dma source(%dma_start3A_22 : memref<640x8xf32, #tpu.memory_space<hbm>>) target(%arg18 : memref<640x8xf32, #tpu.memory_space<vmem>>) target_semaphore(%arg29 : memref<!tpu.dma_semaphore, #tpu.memory_space<semaphore_mem>>)
    %dma_start3A_23 = arith.constant 1 : i32
    %dma_start3A_24 = arith.constant 0 : i32
    %dma_start3A_25 = tpu.memref_slice %arg2[%dma_start3A_23, %mul3A_2, %dma_start3A_24] : memref<2x10240x8xf32, #tpu.memory_space<hbm>> -> memref<1x640x8xf32, #tpu.memory_space<hbm>>
    %dma_start3A_26 = tpu.memref_squeeze %dma_start3A_25 : memref<1x640x8xf32, #tpu.memory_space<hbm>> -> memref<640x8xf32, #tpu.memory_space<hbm>>
    %dma_start3A_27 = arith.constant 0 : i32
    %dma_start3A_28 = tpu.memref_slice %arg2[%dma_start3A_23, %mul3A_2, %dma_start3A_27] : memref<2x10240x8xf32, #tpu.memory_space<hbm>> -> memref<1x640x8xf32, #tpu.memory_space<hbm>>
    %dma_start3A_29 = tpu.memref_squeeze %dma_start3A_28 : memref<1x640x8xf32, #tpu.memory_space<hbm>> -> memref<640x8xf32, #tpu.memory_space<hbm>>
    tpu.enqueue_dma source(%dma_start3A_29 : memref<640x8xf32, #tpu.memory_space<hbm>>) target(%arg19 : memref<640x8xf32, #tpu.memory_space<vmem>>) target_semaphore(%arg30 : memref<!tpu.dma_semaphore, #tpu.memory_space<semaphore_mem>>)
    %dma_start3A_30 = arith.constant 0 : i32
    %dma_start3A_31 = tpu.memref_slice %arg4[%mul3A_2, %dma_start3A_30] : memref<10240x4xf32, #tpu.memory_space<hbm>> -> memref<640x4xf32, #tpu.memory_space<hbm>>
    %dma_start3A_32 = arith.constant 0 : i32
    %dma_start3A_33 = tpu.memref_slice %arg4[%mul3A_2, %dma_start3A_32] : memref<10240x4xf32, #tpu.memory_space<hbm>> -> memref<640x4xf32, #tpu.memory_space<hbm>>
    tpu.enqueue_dma source(%dma_start3A_33 : memref<640x4xf32, #tpu.memory_space<hbm>>) target(%arg22 : memref<640x4xf32, #tpu.memory_space<vmem>>) target_semaphore(%arg33 : memref<!tpu.dma_semaphore, #tpu.memory_space<semaphore_mem>>)
    tpu.enqueue_dma source(%arg5 : memref<40x16xf32, #tpu.memory_space<hbm>>) target(%arg23 : memref<40x16xf32, #tpu.memory_space<vmem>>) target_semaphore(%arg34 : memref<!tpu.dma_semaphore, #tpu.memory_space<semaphore_mem>>)
    tpu.enqueue_dma source(%arg8 : memref<640x8xf32, #tpu.memory_space<hbm>>) target(%arg16 : memref<640x8xf32, #tpu.memory_space<vmem>>) target_semaphore(%arg35 : memref<!tpu.dma_semaphore, #tpu.memory_space<semaphore_mem>>)
    %dma_start3A_34 = arith.constant 0 : i32
    %dma_start3A_35 = arith.constant 0 : i32
    %dma_start3A_36 = tpu.memref_slice %arg3[%dma_start3A_34, %mul3A_2, %dma_start3A_35] : memref<2x10240x8xf32, #tpu.memory_space<hbm>> -> memref<1x640x8xf32, #tpu.memory_space<hbm>>
    %dma_start3A_37 = tpu.memref_squeeze %dma_start3A_36 : memref<1x640x8xf32, #tpu.memory_space<hbm>> -> memref<640x8xf32, #tpu.memory_space<hbm>>
    %dma_start3A_38 = arith.constant 0 : i32
    %dma_start3A_39 = tpu.memref_slice %arg3[%dma_start3A_34, %mul3A_2, %dma_start3A_38] : memref<2x10240x8xf32, #tpu.memory_space<hbm>> -> memref<1x640x8xf32, #tpu.memory_space<hbm>>
    %dma_start3A_40 = tpu.memref_squeeze %dma_start3A_39 : memref<1x640x8xf32, #tpu.memory_space<hbm>> -> memref<640x8xf32, #tpu.memory_space<hbm>>
    tpu.enqueue_dma source(%dma_start3A_40 : memref<640x8xf32, #tpu.memory_space<hbm>>) target(%arg20 : memref<640x8xf32, #tpu.memory_space<vmem>>) target_semaphore(%arg31 : memref<!tpu.dma_semaphore, #tpu.memory_space<semaphore_mem>>)
    %dma_start3A_41 = arith.constant 1 : i32
    %dma_start3A_42 = arith.constant 0 : i32
    %dma_start3A_43 = tpu.memref_slice %arg3[%dma_start3A_41, %mul3A_2, %dma_start3A_42] : memref<2x10240x8xf32, #tpu.memory_space<hbm>> -> memref<1x640x8xf32, #tpu.memory_space<hbm>>
    %dma_start3A_44 = tpu.memref_squeeze %dma_start3A_43 : memref<1x640x8xf32, #tpu.memory_space<hbm>> -> memref<640x8xf32, #tpu.memory_space<hbm>>
    %dma_start3A_45 = arith.constant 0 : i32
    %dma_start3A_46 = tpu.memref_slice %arg3[%dma_start3A_41, %mul3A_2, %dma_start3A_45] : memref<2x10240x8xf32, #tpu.memory_space<hbm>> -> memref<1x640x8xf32, #tpu.memory_space<hbm>>
    %dma_start3A_47 = tpu.memref_squeeze %dma_start3A_46 : memref<1x640x8xf32, #tpu.memory_space<hbm>> -> memref<640x8xf32, #tpu.memory_space<hbm>>
    tpu.enqueue_dma source(%dma_start3A_47 : memref<640x8xf32, #tpu.memory_space<hbm>>) target(%arg21 : memref<640x8xf32, #tpu.memory_space<vmem>>) target_semaphore(%arg32 : memref<!tpu.dma_semaphore, #tpu.memory_space<semaphore_mem>>)
    %dma_wait3A = arith.constant 0 : i32
    %dma_wait3A_48 = tpu.memref_slice %arg6[%add3A, %dma_wait3A] : memref<32x10240xi32, #tpu.memory_space<hbm>> -> memref<1x10240xi32, #tpu.memory_space<hbm>>
    %dma_wait3A_49 = tpu.memref_squeeze %dma_wait3A_48 : memref<1x10240xi32, #tpu.memory_space<hbm>> -> memref<10240xi32, #tpu.memory_space<hbm>>
    %dma_wait3A_50 = arith.constant 0 : i32
    %dma_wait3A_51 = tpu.memref_slice %arg6[%add3A, %dma_wait3A_50] : memref<32x10240xi32, #tpu.memory_space<hbm>> -> memref<1x10240xi32, #tpu.memory_space<hbm>>
    %dma_wait3A_52 = tpu.memref_squeeze %dma_wait3A_51 : memref<1x10240xi32, #tpu.memory_space<hbm>> -> memref<10240xi32, #tpu.memory_space<hbm>>
    tpu.wait_dma2 semaphore(%arg27 : memref<!tpu.dma_semaphore, #tpu.memory_space<semaphore_mem>>) src(%dma_wait3A_52 : memref<10240xi32, #tpu.memory_space<hbm>>) dst(%arg13 : memref<10240xi32, #tpu.memory_space<vmem>>)
    %dma_wait3A_53 = arith.constant 0 : i32
    %dma_wait3A_54 = arith.constant 0 : i32
    %dma_wait3A_55 = tpu.memref_slice %arg7[%add3A, %dma_wait3A_53, %dma_wait3A_54] : memref<32x80x128xi32, #tpu.memory_space<hbm>> -> memref<1x80x128xi32, #tpu.memory_space<hbm>>
    %dma_wait3A_56 = tpu.memref_squeeze %dma_wait3A_55 : memref<1x80x128xi32, #tpu.memory_space<hbm>> -> memref<80x128xi32, #tpu.memory_space<hbm>>
    %dma_wait3A_57 = arith.constant 0 : i32
    %dma_wait3A_58 = arith.constant 0 : i32
    %dma_wait3A_59 = tpu.memref_slice %arg7[%add3A, %dma_wait3A_57, %dma_wait3A_58] : memref<32x80x128xi32, #tpu.memory_space<hbm>> -> memref<1x80x128xi32, #tpu.memory_space<hbm>>
    %dma_wait3A_60 = tpu.memref_squeeze %dma_wait3A_59 : memref<1x80x128xi32, #tpu.memory_space<hbm>> -> memref<80x128xi32, #tpu.memory_space<hbm>>
    tpu.wait_dma2 semaphore(%arg28 : memref<!tpu.dma_semaphore, #tpu.memory_space<semaphore_mem>>) src(%dma_wait3A_60 : memref<80x128xi32, #tpu.memory_space<hbm>>) dst(%arg14 : memref<80x128xi32, #tpu.memory_space<vmem>>)
    %dma_wait3A_61 = arith.constant 0 : i32
    %dma_wait3A_62 = arith.constant 0 : i32
    %dma_wait3A_63 = tpu.memref_slice %arg2[%dma_wait3A_61, %mul3A_2, %dma_wait3A_62] : memref<2x10240x8xf32, #tpu.memory_space<hbm>> -> memref<1x640x8xf32, #tpu.memory_space<hbm>>
    %dma_wait3A_64 = tpu.memref_squeeze %dma_wait3A_63 : memref<1x640x8xf32, #tpu.memory_space<hbm>> -> memref<640x8xf32, #tpu.memory_space<hbm>>
    %dma_wait3A_65 = arith.constant 0 : i32
    %dma_wait3A_66 = tpu.memref_slice %arg2[%dma_wait3A_61, %mul3A_2, %dma_wait3A_65] : memref<2x10240x8xf32, #tpu.memory_space<hbm>> -> memref<1x640x8xf32, #tpu.memory_space<hbm>>
    %dma_wait3A_67 = tpu.memref_squeeze %dma_wait3A_66 : memref<1x640x8xf32, #tpu.memory_space<hbm>> -> memref<640x8xf32, #tpu.memory_space<hbm>>
    tpu.wait_dma2 semaphore(%arg29 : memref<!tpu.dma_semaphore, #tpu.memory_space<semaphore_mem>>) src(%dma_wait3A_67 : memref<640x8xf32, #tpu.memory_space<hbm>>) dst(%arg18 : memref<640x8xf32, #tpu.memory_space<vmem>>)
    %dma_wait3A_68 = arith.constant 1 : i32
    %dma_wait3A_69 = arith.constant 0 : i32
    %dma_wait3A_70 = tpu.memref_slice %arg2[%dma_wait3A_68, %mul3A_2, %dma_wait3A_69] : memref<2x10240x8xf32, #tpu.memory_space<hbm>> -> memref<1x640x8xf32, #tpu.memory_space<hbm>>
    %dma_wait3A_71 = tpu.memref_squeeze %dma_wait3A_70 : memref<1x640x8xf32, #tpu.memory_space<hbm>> -> memref<640x8xf32, #tpu.memory_space<hbm>>
    %dma_wait3A_72 = arith.constant 0 : i32
    %dma_wait3A_73 = tpu.memref_slice %arg2[%dma_wait3A_68, %mul3A_2, %dma_wait3A_72] : memref<2x10240x8xf32, #tpu.memory_space<hbm>> -> memref<1x640x8xf32, #tpu.memory_space<hbm>>
    %dma_wait3A_74 = tpu.memref_squeeze %dma_wait3A_73 : memref<1x640x8xf32, #tpu.memory_space<hbm>> -> memref<640x8xf32, #tpu.memory_space<hbm>>
    tpu.wait_dma2 semaphore(%arg30 : memref<!tpu.dma_semaphore, #tpu.memory_space<semaphore_mem>>) src(%dma_wait3A_74 : memref<640x8xf32, #tpu.memory_space<hbm>>) dst(%arg19 : memref<640x8xf32, #tpu.memory_space<vmem>>)
    %dma_wait3A_75 = arith.constant 0 : i32
    %dma_wait3A_76 = tpu.memref_slice %arg4[%mul3A_2, %dma_wait3A_75] : memref<10240x4xf32, #tpu.memory_space<hbm>> -> memref<640x4xf32, #tpu.memory_space<hbm>>
    %dma_wait3A_77 = arith.constant 0 : i32
    %dma_wait3A_78 = tpu.memref_slice %arg4[%mul3A_2, %dma_wait3A_77] : memref<10240x4xf32, #tpu.memory_space<hbm>> -> memref<640x4xf32, #tpu.memory_space<hbm>>
    tpu.wait_dma2 semaphore(%arg33 : memref<!tpu.dma_semaphore, #tpu.memory_space<semaphore_mem>>) src(%dma_wait3A_78 : memref<640x4xf32, #tpu.memory_space<hbm>>) dst(%arg22 : memref<640x4xf32, #tpu.memory_space<vmem>>)
    tpu.wait_dma2 semaphore(%arg34 : memref<!tpu.dma_semaphore, #tpu.memory_space<semaphore_mem>>) src(%arg5 : memref<40x16xf32, #tpu.memory_space<hbm>>) dst(%arg23 : memref<40x16xf32, #tpu.memory_space<vmem>>)
    tpu.wait_dma2 semaphore(%arg35 : memref<!tpu.dma_semaphore, #tpu.memory_space<semaphore_mem>>) src(%arg8 : memref<640x8xf32, #tpu.memory_space<hbm>>) dst(%arg16 : memref<640x8xf32, #tpu.memory_space<vmem>>)
    %dma_wait3A_79 = arith.constant 0 : i32
    %dma_wait3A_80 = arith.constant 0 : i32
    %dma_wait3A_81 = tpu.memref_slice %arg3[%dma_wait3A_79, %mul3A_2, %dma_wait3A_80] : memref<2x10240x8xf32, #tpu.memory_space<hbm>> -> memref<1x640x8xf32, #tpu.memory_space<hbm>>
    %dma_wait3A_82 = tpu.memref_squeeze %dma_wait3A_81 : memref<1x640x8xf32, #tpu.memory_space<hbm>> -> memref<640x8xf32, #tpu.memory_space<hbm>>
    %dma_wait3A_83 = arith.constant 0 : i32
    %dma_wait3A_84 = tpu.memref_slice %arg3[%dma_wait3A_79, %mul3A_2, %dma_wait3A_83] : memref<2x10240x8xf32, #tpu.memory_space<hbm>> -> memref<1x640x8xf32, #tpu.memory_space<hbm>>
    %dma_wait3A_85 = tpu.memref_squeeze %dma_wait3A_84 : memref<1x640x8xf32, #tpu.memory_space<hbm>> -> memref<640x8xf32, #tpu.memory_space<hbm>>
    tpu.wait_dma2 semaphore(%arg31 : memref<!tpu.dma_semaphore, #tpu.memory_space<semaphore_mem>>) src(%dma_wait3A_85 : memref<640x8xf32, #tpu.memory_space<hbm>>) dst(%arg20 : memref<640x8xf32, #tpu.memory_space<vmem>>)
    %dma_wait3A_86 = arith.constant 1 : i32
    %dma_wait3A_87 = arith.constant 0 : i32
    %dma_wait3A_88 = tpu.memref_slice %arg3[%dma_wait3A_86, %mul3A_2, %dma_wait3A_87] : memref<2x10240x8xf32, #tpu.memory_space<hbm>> -> memref<1x640x8xf32, #tpu.memory_space<hbm>>
    %dma_wait3A_89 = tpu.memref_squeeze %dma_wait3A_88 : memref<1x640x8xf32, #tpu.memory_space<hbm>> -> memref<640x8xf32, #tpu.memory_space<hbm>>
    %dma_wait3A_90 = arith.constant 0 : i32
    %dma_wait3A_91 = tpu.memref_slice %arg3[%dma_wait3A_86, %mul3A_2, %dma_wait3A_90] : memref<2x10240x8xf32, #tpu.memory_space<hbm>> -> memref<1x640x8xf32, #tpu.memory_space<hbm>>
    %dma_wait3A_92 = tpu.memref_squeeze %dma_wait3A_91 : memref<1x640x8xf32, #tpu.memory_space<hbm>> -> memref<640x8xf32, #tpu.memory_space<hbm>>
    tpu.wait_dma2 semaphore(%arg32 : memref<!tpu.dma_semaphore, #tpu.memory_space<semaphore_mem>>) src(%dma_wait3A_92 : memref<640x8xf32, #tpu.memory_space<hbm>>) dst(%arg21 : memref<640x8xf32, #tpu.memory_space<vmem>>)
    "tpu.region"() ({
      %run_scoped3A = tpu.sem_alloc : memref<!tpu.dma_semaphore, #tpu.memory_space<semaphore_mem>>
      %dma_start3A_213 = arith.constant 0 : i32
      %dma_start3A_214 = tpu.memref_slice %arg17[%mul3A_2, %dma_start3A_213] : memref<10240x8xf32, #tpu.memory_space<vmem_shared>> -> memref<640x8xf32, #tpu.memory_space<vmem_shared>>
      %dma_start3A_215 = arith.constant 0 : i32
      %dma_start3A_216 = tpu.memref_slice %arg17[%mul3A_2, %dma_start3A_215] : memref<10240x8xf32, #tpu.memory_space<vmem_shared>> -> memref<640x8xf32, #tpu.memory_space<vmem_shared>>
      tpu.enqueue_dma source(%arg16 : memref<640x8xf32, #tpu.memory_space<vmem>>) target(%dma_start3A_216 : memref<640x8xf32, #tpu.memory_space<vmem_shared>>) target_semaphore(%run_scoped3A : memref<!tpu.dma_semaphore, #tpu.memory_space<semaphore_mem>>)
      %dma_wait3A_217 = arith.constant 0 : i32
      %dma_wait3A_218 = tpu.memref_slice %arg17[%mul3A_2, %dma_wait3A_217] : memref<10240x8xf32, #tpu.memory_space<vmem_shared>> -> memref<640x8xf32, #tpu.memory_space<vmem_shared>>
      %dma_wait3A_219 = arith.constant 0 : i32
      %dma_wait3A_220 = tpu.memref_slice %arg17[%mul3A_2, %dma_wait3A_219] : memref<10240x8xf32, #tpu.memory_space<vmem_shared>> -> memref<640x8xf32, #tpu.memory_space<vmem_shared>>
      tpu.wait_dma2 semaphore(%run_scoped3A : memref<!tpu.dma_semaphore, #tpu.memory_space<semaphore_mem>>) src(%arg16 : memref<640x8xf32, #tpu.memory_space<vmem>>) dst(%dma_wait3A_220 : memref<640x8xf32, #tpu.memory_space<vmem_shared>>)
      tpu.yield
    }) : () -> ()
    %iota3A = tpu.iota {dimensions = array<i32: 0>} : vector<16xi32>
    %scan3A = arith.constant 0 : i32
    %scan3A_93 = arith.constant 0 : i32
    %scan3A_94 = arith.constant 40 : i32
    %scan3A_95 = arith.addi %scan3A_93, %scan3A_94 : i32
    %scan3A_96 = arith.constant 1 : i32
    scf.for %scan3A_213 = %scan3A_93 to %scan3A_95 step %scan3A_96  : i32 {
      %mul3A_214 = arith.constant 16 : i32
      %mul3A_215 = arith.muli %scan3A_213, %mul3A_214 : i32
      %add3A_216 = vector.broadcast %mul3A_215 : i32 to vector<16xi32>
      %add3A_217 = arith.addi %add3A_216, %iota3A : vector<16xi32>
      %broadcast_in_dim3A = arith.constant 0 : i32
      %broadcast_in_dim3A_218 = vector.broadcast %broadcast_in_dim3A : i32 to vector<16xi32>
      %broadcast_in_dim3A_219 = arith.constant 1 : i32
      %broadcast_in_dim3A_220 = vector.broadcast %broadcast_in_dim3A_219 : i32 to vector<16xi32>
      %broadcast_in_dim3A_221 = arith.constant 2 : i32
      %broadcast_in_dim3A_222 = vector.broadcast %broadcast_in_dim3A_221 : i32 to vector<16xi32>
      %broadcast_in_dim3A_223 = arith.constant 3 : i32
      %broadcast_in_dim3A_224 = vector.broadcast %broadcast_in_dim3A_223 : i32 to vector<16xi32>
      %broadcast_in_dim3A_225 = arith.constant 4 : i32
      %broadcast_in_dim3A_226 = vector.broadcast %broadcast_in_dim3A_225 : i32 to vector<16xi32>
      %broadcast_in_dim3A_227 = arith.constant 5 : i32
      %broadcast_in_dim3A_228 = vector.broadcast %broadcast_in_dim3A_227 : i32 to vector<16xi32>
      %broadcast_in_dim3A_229 = arith.constant 6 : i32
      %broadcast_in_dim3A_230 = vector.broadcast %broadcast_in_dim3A_229 : i32 to vector<16xi32>
      %broadcast_in_dim3A_231 = arith.constant 7 : i32
      %broadcast_in_dim3A_232 = vector.broadcast %broadcast_in_dim3A_231 : i32 to vector<16xi32>
      %gather3A = tpu.vector_load_idx %arg20[%add3A_217, %broadcast_in_dim3A_226] : memref<640x8xf32, #tpu.memory_space<vmem>>[vector<16xi32>, vector<16xi32>], vector<16xf32>,
      %gather3A_233 = tpu.vector_load_idx %arg21[%add3A_217, %broadcast_in_dim3A_226] : memref<640x8xf32, #tpu.memory_space<vmem>>[vector<16xi32>, vector<16xi32>], vector<16xf32>,
      %add3A_234 = arith.addf %gather3A, %gather3A_233 : vector<16xf32>
      %max3A = arith.constant 1.000000e+00 : f32
      %max3A_235 = vector.broadcast %max3A : f32 to vector<16xf32>
      %max3A_236 = arith.maximumf %add3A_234, %max3A_235 : vector<16xf32>
      %div3A = arith.constant 1.000000e+00 : f32
      %div3A_237 = vector.broadcast %div3A : f32 to vector<16xf32>
      %div3A_238 = arith.divf %div3A_237, %max3A_236 : vector<16xf32>
      %gather3A_239 = tpu.vector_load_idx %arg18[%add3A_217, %broadcast_in_dim3A_218] : memref<640x8xf32, #tpu.memory_space<vmem>>[vector<16xi32>, vector<16xi32>], vector<16xf32>,
      %gather3A_240 = tpu.vector_load_idx %arg19[%add3A_217, %broadcast_in_dim3A_218] : memref<640x8xf32, #tpu.memory_space<vmem>>[vector<16xi32>, vector<16xi32>], vector<16xf32>,
      %gather3A_241 = tpu.vector_load_idx %arg22[%add3A_217, %broadcast_in_dim3A_218] : memref<640x4xf32, #tpu.memory_space<vmem>>[vector<16xi32>, vector<16xi32>], vector<16xf32>,
      %add3A_242 = arith.addf %gather3A_239, %gather3A_240 : vector<16xf32>
      %mul3A_243 = arith.mulf %add3A_242, %div3A_238 : vector<16xf32>
      %add3A_244 = arith.addf %mul3A_243, %gather3A_241 : vector<16xf32>
      %mul3A_245 = arith.constant 2.000000e+00 : f32
      %mul3A_246 = vector.broadcast %mul3A_245 : f32 to vector<16xf32>
      %mul3A_247 = arith.mulf %mul3A_246, %add3A_244 : vector<16xf32>
      %exp3A = math.exp %mul3A_247 : vector<16xf32>
      %add3A_248 = arith.constant 1.000000e+00 : f32
      %add3A_249 = vector.broadcast %add3A_248 : f32 to vector<16xf32>
      %add3A_250 = arith.addf %exp3A, %add3A_249 : vector<16xf32>
      %div3A_251 = arith.constant 2.000000e+00 : f32
      %div3A_252 = vector.broadcast %div3A_251 : f32 to vector<16xf32>
      %div3A_253 = arith.divf %div3A_252, %add3A_250 : vector<16xf32>
      %sub3A = arith.constant 1.000000e+00 : f32
      %sub3A_254 = vector.broadcast %sub3A : f32 to vector<16xf32>
      %sub3A_255 = arith.subf %sub3A_254, %div3A_253 : vector<16xf32>
      tpu.vector_store_idx %arg25[%add3A_217, %broadcast_in_dim3A_218], %sub3A_255 : memref<640x4xf32, #tpu.memory_space<vmem>>[vector<16xi32>, vector<16xi32>], vector<16xf32>,
      %gather3A_256 = tpu.vector_load_idx %arg18[%add3A_217, %broadcast_in_dim3A_220] : memref<640x8xf32, #tpu.memory_space<vmem>>[vector<16xi32>, vector<16xi32>], vector<16xf32>,
      %gather3A_257 = tpu.vector_load_idx %arg19[%add3A_217, %broadcast_in_dim3A_220] : memref<640x8xf32, #tpu.memory_space<vmem>>[vector<16xi32>, vector<16xi32>], vector<16xf32>,
      %gather3A_258 = tpu.vector_load_idx %arg22[%add3A_217, %broadcast_in_dim3A_220] : memref<640x4xf32, #tpu.memory_space<vmem>>[vector<16xi32>, vector<16xi32>], vector<16xf32>,
      %add3A_259 = arith.addf %gather3A_256, %gather3A_257 : vector<16xf32>
      %mul3A_260 = arith.mulf %add3A_259, %div3A_238 : vector<16xf32>
      %add3A_261 = arith.addf %mul3A_260, %gather3A_258 : vector<16xf32>
      %mul3A_262 = arith.constant 2.000000e+00 : f32
      %mul3A_263 = vector.broadcast %mul3A_262 : f32 to vector<16xf32>
      %mul3A_264 = arith.mulf %mul3A_263, %add3A_261 : vector<16xf32>
      %exp3A_265 = math.exp %mul3A_264 : vector<16xf32>
      %add3A_266 = arith.constant 1.000000e+00 : f32
      %add3A_267 = vector.broadcast %add3A_266 : f32 to vector<16xf32>
      %add3A_268 = arith.addf %exp3A_265, %add3A_267 : vector<16xf32>
      %div3A_269 = arith.constant 2.000000e+00 : f32
      %div3A_270 = vector.broadcast %div3A_269 : f32 to vector<16xf32>
      %div3A_271 = arith.divf %div3A_270, %add3A_268 : vector<16xf32>
      %sub3A_272 = arith.constant 1.000000e+00 : f32
      %sub3A_273 = vector.broadcast %sub3A_272 : f32 to vector<16xf32>
      %sub3A_274 = arith.subf %sub3A_273, %div3A_271 : vector<16xf32>
      tpu.vector_store_idx %arg25[%add3A_217, %broadcast_in_dim3A_220], %sub3A_274 : memref<640x4xf32, #tpu.memory_space<vmem>>[vector<16xi32>, vector<16xi32>], vector<16xf32>,
      %gather3A_275 = tpu.vector_load_idx %arg18[%add3A_217, %broadcast_in_dim3A_222] : memref<640x8xf32, #tpu.memory_space<vmem>>[vector<16xi32>, vector<16xi32>], vector<16xf32>,
      %gather3A_276 = tpu.vector_load_idx %arg19[%add3A_217, %broadcast_in_dim3A_222] : memref<640x8xf32, #tpu.memory_space<vmem>>[vector<16xi32>, vector<16xi32>], vector<16xf32>,
      %gather3A_277 = tpu.vector_load_idx %arg22[%add3A_217, %broadcast_in_dim3A_222] : memref<640x4xf32, #tpu.memory_space<vmem>>[vector<16xi32>, vector<16xi32>], vector<16xf32>,
      %add3A_278 = arith.addf %gather3A_275, %gather3A_276 : vector<16xf32>
      %mul3A_279 = arith.mulf %add3A_278, %div3A_238 : vector<16xf32>
      %add3A_280 = arith.addf %mul3A_279, %gather3A_277 : vector<16xf32>
      %mul3A_281 = arith.constant 2.000000e+00 : f32
      %mul3A_282 = vector.broadcast %mul3A_281 : f32 to vector<16xf32>
      %mul3A_283 = arith.mulf %mul3A_282, %add3A_280 : vector<16xf32>
      %exp3A_284 = math.exp %mul3A_283 : vector<16xf32>
      %add3A_285 = arith.constant 1.000000e+00 : f32
      %add3A_286 = vector.broadcast %add3A_285 : f32 to vector<16xf32>
      %add3A_287 = arith.addf %exp3A_284, %add3A_286 : vector<16xf32>
      %div3A_288 = arith.constant 2.000000e+00 : f32
      %div3A_289 = vector.broadcast %div3A_288 : f32 to vector<16xf32>
      %div3A_290 = arith.divf %div3A_289, %add3A_287 : vector<16xf32>
      %sub3A_291 = arith.constant 1.000000e+00 : f32
      %sub3A_292 = vector.broadcast %sub3A_291 : f32 to vector<16xf32>
      %sub3A_293 = arith.subf %sub3A_292, %div3A_290 : vector<16xf32>
      tpu.vector_store_idx %arg25[%add3A_217, %broadcast_in_dim3A_222], %sub3A_293 : memref<640x4xf32, #tpu.memory_space<vmem>>[vector<16xi32>, vector<16xi32>], vector<16xf32>,
      %gather3A_294 = tpu.vector_load_idx %arg18[%add3A_217, %broadcast_in_dim3A_224] : memref<640x8xf32, #tpu.memory_space<vmem>>[vector<16xi32>, vector<16xi32>], vector<16xf32>,
      %gather3A_295 = tpu.vector_load_idx %arg19[%add3A_217, %broadcast_in_dim3A_224] : memref<640x8xf32, #tpu.memory_space<vmem>>[vector<16xi32>, vector<16xi32>], vector<16xf32>,
      %gather3A_296 = tpu.vector_load_idx %arg22[%add3A_217, %broadcast_in_dim3A_224] : memref<640x4xf32, #tpu.memory_space<vmem>>[vector<16xi32>, vector<16xi32>], vector<16xf32>,
      %add3A_297 = arith.addf %gather3A_294, %gather3A_295 : vector<16xf32>
      %mul3A_298 = arith.mulf %add3A_297, %div3A_238 : vector<16xf32>
      %add3A_299 = arith.addf %mul3A_298, %gather3A_296 : vector<16xf32>
      %mul3A_300 = arith.constant 2.000000e+00 : f32
      %mul3A_301 = vector.broadcast %mul3A_300 : f32 to vector<16xf32>
      %mul3A_302 = arith.mulf %mul3A_301, %add3A_299 : vector<16xf32>
      %exp3A_303 = math.exp %mul3A_302 : vector<16xf32>
      %add3A_304 = arith.constant 1.000000e+00 : f32
      %add3A_305 = vector.broadcast %add3A_304 : f32 to vector<16xf32>
      %add3A_306 = arith.addf %exp3A_303, %add3A_305 : vector<16xf32>
      %div3A_307 = arith.constant 2.000000e+00 : f32
      %div3A_308 = vector.broadcast %div3A_307 : f32 to vector<16xf32>
      %div3A_309 = arith.divf %div3A_308, %add3A_306 : vector<16xf32>
      %sub3A_310 = arith.constant 1.000000e+00 : f32
      %sub3A_311 = vector.broadcast %sub3A_310 : f32 to vector<16xf32>
      %sub3A_312 = arith.subf %sub3A_311, %div3A_309 : vector<16xf32>
      tpu.vector_store_idx %arg25[%add3A_217, %broadcast_in_dim3A_224], %sub3A_312 : memref<640x4xf32, #tpu.memory_space<vmem>>[vector<16xi32>, vector<16xi32>], vector<16xf32>,
      %get3A = arith.constant 0 : i32
      %get3A_313 = arith.index_cast %get3A : i32 to index
      %get3A_314 = arith.constant 0 : index
      %get3A_315 = tpu.vector_load %arg23[%get3A_313, %get3A_314] {strides = array<i32>} : memref<40x16xf32, #tpu.memory_space<vmem>>, vector<16xf32>,
      %mul3A_316 = arith.mulf %sub3A_255, %get3A_315 : vector<16xf32>
      %get3A_317 = arith.constant 8 : i32
      %get3A_318 = arith.index_cast %get3A_317 : i32 to index
      %get3A_319 = arith.constant 0 : index
      %get3A_320 = tpu.vector_load %arg23[%get3A_318, %get3A_319] {strides = array<i32>} : memref<40x16xf32, #tpu.memory_space<vmem>>, vector<16xf32>,
      %mul3A_321 = arith.mulf %sub3A_274, %get3A_320 : vector<16xf32>
      %add3A_322 = arith.addf %mul3A_316, %mul3A_321 : vector<16xf32>
      %get3A_323 = arith.constant 16 : i32
      %get3A_324 = arith.index_cast %get3A_323 : i32 to index
      %get3A_325 = arith.constant 0 : index
      %get3A_326 = tpu.vector_load %arg23[%get3A_324, %get3A_325] {strides = array<i32>} : memref<40x16xf32, #tpu.memory_space<vmem>>, vector<16xf32>,
      %mul3A_327 = arith.mulf %sub3A_293, %get3A_326 : vector<16xf32>
      %add3A_328 = arith.addf %add3A_322, %mul3A_327 : vector<16xf32>
      %get3A_329 = arith.constant 24 : i32
      %get3A_330 = arith.index_cast %get3A_329 : i32 to index
      %get3A_331 = arith.constant 0 : index
      %get3A_332 = tpu.vector_load %arg23[%get3A_330, %get3A_331] {strides = array<i32>} : memref<40x16xf32, #tpu.memory_space<vmem>>, vector<16xf32>,
      %mul3A_333 = arith.mulf %sub3A_312, %get3A_332 : vector<16xf32>
      %add3A_334 = arith.addf %add3A_328, %mul3A_333 : vector<16xf32>
      tpu.vector_store_idx %arg24[%add3A_217, %broadcast_in_dim3A_218], %add3A_334 : memref<640x8xf32, #tpu.memory_space<vmem>>[vector<16xi32>, vector<16xi32>], vector<16xf32>,
      %get3A_335 = arith.constant 1 : i32
      %get3A_336 = arith.index_cast %get3A_335 : i32 to index
      %get3A_337 = arith.constant 0 : index
      %get3A_338 = tpu.vector_load %arg23[%get3A_336, %get3A_337] {strides = array<i32>} : memref<40x16xf32, #tpu.memory_space<vmem>>, vector<16xf32>,
      %mul3A_339 = arith.mulf %sub3A_255, %get3A_338 : vector<16xf32>
      %get3A_340 = arith.constant 9 : i32
      %get3A_341 = arith.index_cast %get3A_340 : i32 to index
      %get3A_342 = arith.constant 0 : index
      %get3A_343 = tpu.vector_load %arg23[%get3A_341, %get3A_342] {strides = array<i32>} : memref<40x16xf32, #tpu.memory_space<vmem>>, vector<16xf32>,
      %mul3A_344 = arith.mulf %sub3A_274, %get3A_343 : vector<16xf32>
      %add3A_345 = arith.addf %mul3A_339, %mul3A_344 : vector<16xf32>
      %get3A_346 = arith.constant 17 : i32
      %get3A_347 = arith.index_cast %get3A_346 : i32 to index
      %get3A_348 = arith.constant 0 : index
      %get3A_349 = tpu.vector_load %arg23[%get3A_347, %get3A_348] {strides = array<i32>} : memref<40x16xf32, #tpu.memory_space<vmem>>, vector<16xf32>,
      %mul3A_350 = arith.mulf %sub3A_293, %get3A_349 : vector<16xf32>
      %add3A_351 = arith.addf %add3A_345, %mul3A_350 : vector<16xf32>
      %get3A_352 = arith.constant 25 : i32
      %get3A_353 = arith.index_cast %get3A_352 : i32 to index
      %get3A_354 = arith.constant 0 : index
      %get3A_355 = tpu.vector_load %arg23[%get3A_353, %get3A_354] {strides = array<i32>} : memref<40x16xf32, #tpu.memory_space<vmem>>, vector<16xf32>,
      %mul3A_356 = arith.mulf %sub3A_312, %get3A_355 : vector<16xf32>
      %add3A_357 = arith.addf %add3A_351, %mul3A_356 : vector<16xf32>
      tpu.vector_store_idx %arg24[%add3A_217, %broadcast_in_dim3A_220], %add3A_357 : memref<640x8xf32, #tpu.memory_space<vmem>>[vector<16xi32>, vector<16xi32>], vector<16xf32>,
      %broadcast_in_dim3A_358 = arith.constant 0.000000e+00 : f32
      %broadcast_in_dim3A_359 = vector.broadcast %broadcast_in_dim3A_358 : f32 to vector<16xf32>
      tpu.vector_store_idx %arg24[%add3A_217, %broadcast_in_dim3A_222], %broadcast_in_dim3A_359 : memref<640x8xf32, #tpu.memory_space<vmem>>[vector<16xi32>, vector<16xi32>], vector<16xf32>,
      %broadcast_in_dim3A_360 = arith.constant 0.000000e+00 : f32
      %broadcast_in_dim3A_361 = vector.broadcast %broadcast_in_dim3A_360 : f32 to vector<16xf32>
      tpu.vector_store_idx %arg24[%add3A_217, %broadcast_in_dim3A_224], %broadcast_in_dim3A_361 : memref<640x8xf32, #tpu.memory_space<vmem>>[vector<16xi32>, vector<16xi32>], vector<16xf32>,
      %broadcast_in_dim3A_362 = arith.constant 0.000000e+00 : f32
      %broadcast_in_dim3A_363 = vector.broadcast %broadcast_in_dim3A_362 : f32 to vector<16xf32>
      tpu.vector_store_idx %arg24[%add3A_217, %broadcast_in_dim3A_226], %broadcast_in_dim3A_363 : memref<640x8xf32, #tpu.memory_space<vmem>>[vector<16xi32>, vector<16xi32>], vector<16xf32>,
      %broadcast_in_dim3A_364 = arith.constant 0.000000e+00 : f32
      %broadcast_in_dim3A_365 = vector.broadcast %broadcast_in_dim3A_364 : f32 to vector<16xf32>
      tpu.vector_store_idx %arg24[%add3A_217, %broadcast_in_dim3A_228], %broadcast_in_dim3A_365 : memref<640x8xf32, #tpu.memory_space<vmem>>[vector<16xi32>, vector<16xi32>], vector<16xf32>,
      %broadcast_in_dim3A_366 = arith.constant 0.000000e+00 : f32
      %broadcast_in_dim3A_367 = vector.broadcast %broadcast_in_dim3A_366 : f32 to vector<16xf32>
      tpu.vector_store_idx %arg24[%add3A_217, %broadcast_in_dim3A_230], %broadcast_in_dim3A_367 : memref<640x8xf32, #tpu.memory_space<vmem>>[vector<16xi32>, vector<16xi32>], vector<16xf32>,
      %broadcast_in_dim3A_368 = arith.constant 0.000000e+00 : f32
      %broadcast_in_dim3A_369 = vector.broadcast %broadcast_in_dim3A_368 : f32 to vector<16xf32>
      tpu.vector_store_idx %arg24[%add3A_217, %broadcast_in_dim3A_232], %broadcast_in_dim3A_369 : memref<640x8xf32, #tpu.memory_space<vmem>>[vector<16xi32>, vector<16xi32>], vector<16xf32>,
      %get3A_370 = arith.constant 32 : i32
      %get3A_371 = arith.index_cast %get3A_370 : i32 to index
      %get3A_372 = arith.constant 0 : index
      %get3A_373 = tpu.vector_load %arg23[%get3A_371, %get3A_372] {strides = array<i32>} : memref<40x16xf32, #tpu.memory_space<vmem>>, vector<16xf32>,
      %get3A_374 = arith.constant 2 : i32
      %get3A_375 = arith.index_cast %get3A_374 : i32 to index
      %get3A_376 = arith.constant 0 : index
      %get3A_377 = tpu.vector_load %arg23[%get3A_375, %get3A_376] {strides = array<i32>} : memref<40x16xf32, #tpu.memory_space<vmem>>, vector<16xf32>,
      %mul3A_378 = arith.mulf %sub3A_255, %get3A_377 : vector<16xf32>
      %add3A_379 = arith.addf %get3A_373, %mul3A_378 : vector<16xf32>
      %get3A_380 = arith.constant 10 : i32
      %get3A_381 = arith.index_cast %get3A_380 : i32 to index
      %get3A_382 = arith.constant 0 : index
      %get3A_383 = tpu.vector_load %arg23[%get3A_381, %get3A_382] {strides = array<i32>} : memref<40x16xf32, #tpu.memory_space<vmem>>, vector<16xf32>,
      %mul3A_384 = arith.mulf %sub3A_274, %get3A_383 : vector<16xf32>
      %add3A_385 = arith.addf %add3A_379, %mul3A_384 : vector<16xf32>
      %get3A_386 = arith.constant 18 : i32
      %get3A_387 = arith.index_cast %get3A_386 : i32 to index
      %get3A_388 = arith.constant 0 : index
      %get3A_389 = tpu.vector_load %arg23[%get3A_387, %get3A_388] {strides = array<i32>} : memref<40x16xf32, #tpu.memory_space<vmem>>, vector<16xf32>,
      %mul3A_390 = arith.mulf %sub3A_293, %get3A_389 : vector<16xf32>
      %add3A_391 = arith.addf %add3A_385, %mul3A_390 : vector<16xf32>
      %get3A_392 = arith.constant 26 : i32
      %get3A_393 = arith.index_cast %get3A_392 : i32 to index
      %get3A_394 = arith.constant 0 : index
      %get3A_395 = tpu.vector_load %arg23[%get3A_393, %get3A_394] {strides = array<i32>} : memref<40x16xf32, #tpu.memory_space<vmem>>, vector<16xf32>,
      %mul3A_396 = arith.mulf %sub3A_312, %get3A_395 : vector<16xf32>
      %add3A_397 = arith.addf %add3A_391, %mul3A_396 : vector<16xf32>
      tpu.vector_store_idx %arg26[%add3A_217, %broadcast_in_dim3A_218], %add3A_397 : memref<640x4xf32, #tpu.memory_space<vmem>>[vector<16xi32>, vector<16xi32>], vector<16xf32>,
      %get3A_398 = arith.constant 33 : i32
      %get3A_399 = arith.index_cast %get3A_398 : i32 to index
      %get3A_400 = arith.constant 0 : index
      %get3A_401 = tpu.vector_load %arg23[%get3A_399, %get3A_400] {strides = array<i32>} : memref<40x16xf32, #tpu.memory_space<vmem>>, vector<16xf32>,
      %get3A_402 = arith.constant 3 : i32
      %get3A_403 = arith.index_cast %get3A_402 : i32 to index
      %get3A_404 = arith.constant 0 : index
      %get3A_405 = tpu.vector_load %arg23[%get3A_403, %get3A_404] {strides = array<i32>} : memref<40x16xf32, #tpu.memory_space<vmem>>, vector<16xf32>,
      %mul3A_406 = arith.mulf %sub3A_255, %get3A_405 : vector<16xf32>
      %add3A_407 = arith.addf %get3A_401, %mul3A_406 : vector<16xf32>
      %get3A_408 = arith.constant 11 : i32
      %get3A_409 = arith.index_cast %get3A_408 : i32 to index
      %get3A_410 = arith.constant 0 : index
      %get3A_411 = tpu.vector_load %arg23[%get3A_409, %get3A_410] {strides = array<i32>} : memref<40x16xf32, #tpu.memory_space<vmem>>, vector<16xf32>,
      %mul3A_412 = arith.mulf %sub3A_274, %get3A_411 : vector<16xf32>
      %add3A_413 = arith.addf %add3A_407, %mul3A_412 : vector<16xf32>
      %get3A_414 = arith.constant 19 : i32
      %get3A_415 = arith.index_cast %get3A_414 : i32 to index
      %get3A_416 = arith.constant 0 : index
      %get3A_417 = tpu.vector_load %arg23[%get3A_415, %get3A_416] {strides = array<i32>} : memref<40x16xf32, #tpu.memory_space<vmem>>, vector<16xf32>,
      %mul3A_418 = arith.mulf %sub3A_293, %get3A_417 : vector<16xf32>
      %add3A_419 = arith.addf %add3A_413, %mul3A_418 : vector<16xf32>
      %get3A_420 = arith.constant 27 : i32
      %get3A_421 = arith.index_cast %get3A_420 : i32 to index
      %get3A_422 = arith.constant 0 : index
      %get3A_423 = tpu.vector_load %arg23[%get3A_421, %get3A_422] {strides = array<i32>} : memref<40x16xf32, #tpu.memory_space<vmem>>, vector<16xf32>,
      %mul3A_424 = arith.mulf %sub3A_312, %get3A_423 : vector<16xf32>
      %add3A_425 = arith.addf %add3A_419, %mul3A_424 : vector<16xf32>
      tpu.vector_store_idx %arg26[%add3A_217, %broadcast_in_dim3A_220], %add3A_425 : memref<640x4xf32, #tpu.memory_space<vmem>>[vector<16xi32>, vector<16xi32>], vector<16xf32>,
      %broadcast_in_dim3A_426 = arith.constant 0.000000e+00 : f32
      %broadcast_in_dim3A_427 = vector.broadcast %broadcast_in_dim3A_426 : f32 to vector<16xf32>
      tpu.vector_store_idx %arg26[%add3A_217, %broadcast_in_dim3A_222], %broadcast_in_dim3A_427 : memref<640x4xf32, #tpu.memory_space<vmem>>[vector<16xi32>, vector<16xi32>], vector<16xf32>,
      %broadcast_in_dim3A_428 = arith.constant 0.000000e+00 : f32
      %broadcast_in_dim3A_429 = vector.broadcast %broadcast_in_dim3A_428 : f32 to vector<16xf32>
      tpu.vector_store_idx %arg26[%add3A_217, %broadcast_in_dim3A_224], %broadcast_in_dim3A_429 : memref<640x4xf32, #tpu.memory_space<vmem>>[vector<16xi32>, vector<16xi32>], vector<16xf32>,
    }
    %scan3A_97 = arith.constant 40 : i32
    %mul3A_98 = arith.constant 10240 : i32
    %mul3A_99 = arith.muli %arg0, %mul3A_98 : i32
    %mul3A_100 = arith.constant 640 : i32
    %mul3A_101 = arith.muli %arg1, %mul3A_100 : i32
    %add3A_102 = arith.addi %mul3A_99, %mul3A_101 : i32
    "tpu.region"() ({
      %run_scoped3A = tpu.sem_alloc : memref<!tpu.dma_semaphore, #tpu.memory_space<semaphore_mem>>
      %dma_start3A_213 = arith.constant 0 : i32
      %dma_start3A_214 = tpu.memref_slice %arg12[%add3A_102, %dma_start3A_213] : memref<20480x8xf32, #tpu.memory_space<hbm>> -> memref<640x8xf32, #tpu.memory_space<hbm>>
      %dma_start3A_215 = arith.constant 0 : i32
      %dma_start3A_216 = tpu.memref_slice %arg12[%add3A_102, %dma_start3A_215] : memref<20480x8xf32, #tpu.memory_space<hbm>> -> memref<640x8xf32, #tpu.memory_space<hbm>>
      tpu.enqueue_dma source(%arg24 : memref<640x8xf32, #tpu.memory_space<vmem>>) target(%dma_start3A_216 : memref<640x8xf32, #tpu.memory_space<hbm>>) target_semaphore(%run_scoped3A : memref<!tpu.dma_semaphore, #tpu.memory_space<semaphore_mem>>)
      %dma_wait3A_217 = arith.constant 0 : i32
      %dma_wait3A_218 = tpu.memref_slice %arg12[%add3A_102, %dma_wait3A_217] : memref<20480x8xf32, #tpu.memory_space<hbm>> -> memref<640x8xf32, #tpu.memory_space<hbm>>
      %dma_wait3A_219 = arith.constant 0 : i32
      %dma_wait3A_220 = tpu.memref_slice %arg12[%add3A_102, %dma_wait3A_219] : memref<20480x8xf32, #tpu.memory_space<hbm>> -> memref<640x8xf32, #tpu.memory_space<hbm>>
      tpu.wait_dma2 semaphore(%run_scoped3A : memref<!tpu.dma_semaphore, #tpu.memory_space<semaphore_mem>>) src(%arg24 : memref<640x8xf32, #tpu.memory_space<vmem>>) dst(%dma_wait3A_220 : memref<640x8xf32, #tpu.memory_space<hbm>>)
      tpu.yield
    }) : () -> ()
    %eq3A = arith.constant 0 : i32
    %eq3A_103 = arith.cmpi eq, %arg0, %eq3A : i32
    %convert_element_type3A = arith.extui %eq3A_103 : i1 to i32
    %cond3A = arith.constant 0 : i32
    %cond3A_104 = arith.cmpi ne, %convert_element_type3A, %cond3A : i32
    scf.if %cond3A_104 {
      "tpu.region"() ({
        %run_scoped3A = tpu.sem_alloc : memref<!tpu.dma_semaphore, #tpu.memory_space<semaphore_mem>>
        %dma_start3A_213 = arith.constant 0 : i32
        %dma_start3A_214 = tpu.memref_slice %arg10[%mul3A_2, %dma_start3A_213] : memref<10240x4xf32, #tpu.memory_space<hbm>> -> memref<640x4xf32, #tpu.memory_space<hbm>>
        %dma_start3A_215 = arith.constant 0 : i32
        %dma_start3A_216 = tpu.memref_slice %arg10[%mul3A_2, %dma_start3A_215] : memref<10240x4xf32, #tpu.memory_space<hbm>> -> memref<640x4xf32, #tpu.memory_space<hbm>>
        tpu.enqueue_dma source(%arg25 : memref<640x4xf32, #tpu.memory_space<vmem>>) target(%dma_start3A_216 : memref<640x4xf32, #tpu.memory_space<hbm>>) target_semaphore(%run_scoped3A : memref<!tpu.dma_semaphore, #tpu.memory_space<semaphore_mem>>)
        %dma_wait3A_217 = arith.constant 0 : i32
        %dma_wait3A_218 = tpu.memref_slice %arg10[%mul3A_2, %dma_wait3A_217] : memref<10240x4xf32, #tpu.memory_space<hbm>> -> memref<640x4xf32, #tpu.memory_space<hbm>>
        %dma_wait3A_219 = arith.constant 0 : i32
        %dma_wait3A_220 = tpu.memref_slice %arg10[%mul3A_2, %dma_wait3A_219] : memref<10240x4xf32, #tpu.memory_space<hbm>> -> memref<640x4xf32, #tpu.memory_space<hbm>>
        tpu.wait_dma2 semaphore(%run_scoped3A : memref<!tpu.dma_semaphore, #tpu.memory_space<semaphore_mem>>) src(%arg25 : memref<640x4xf32, #tpu.memory_space<vmem>>) dst(%dma_wait3A_220 : memref<640x4xf32, #tpu.memory_space<hbm>>)
        tpu.yield
      }) : () -> ()
      "tpu.region"() ({
        %run_scoped3A = tpu.sem_alloc : memref<!tpu.dma_semaphore, #tpu.memory_space<semaphore_mem>>
        %dma_start3A_213 = arith.constant 0 : i32
        %dma_start3A_214 = tpu.memref_slice %arg11[%mul3A_2, %dma_start3A_213] : memref<10240x4xf32, #tpu.memory_space<hbm>> -> memref<640x4xf32, #tpu.memory_space<hbm>>
        %dma_start3A_215 = arith.constant 0 : i32
        %dma_start3A_216 = tpu.memref_slice %arg11[%mul3A_2, %dma_start3A_215] : memref<10240x4xf32, #tpu.memory_space<hbm>> -> memref<640x4xf32, #tpu.memory_space<hbm>>
        tpu.enqueue_dma source(%arg26 : memref<640x4xf32, #tpu.memory_space<vmem>>) target(%dma_start3A_216 : memref<640x4xf32, #tpu.memory_space<hbm>>) target_semaphore(%run_scoped3A : memref<!tpu.dma_semaphore, #tpu.memory_space<semaphore_mem>>)
        %dma_wait3A_217 = arith.constant 0 : i32
        %dma_wait3A_218 = tpu.memref_slice %arg11[%mul3A_2, %dma_wait3A_217] : memref<10240x4xf32, #tpu.memory_space<hbm>> -> memref<640x4xf32, #tpu.memory_space<hbm>>
        %dma_wait3A_219 = arith.constant 0 : i32
        %dma_wait3A_220 = tpu.memref_slice %arg11[%mul3A_2, %dma_wait3A_219] : memref<10240x4xf32, #tpu.memory_space<hbm>> -> memref<640x4xf32, #tpu.memory_space<hbm>>
        tpu.wait_dma2 semaphore(%run_scoped3A : memref<!tpu.dma_semaphore, #tpu.memory_space<semaphore_mem>>) src(%arg26 : memref<640x4xf32, #tpu.memory_space<vmem>>) dst(%dma_wait3A_220 : memref<640x4xf32, #tpu.memory_space<hbm>>)
        tpu.yield
      }) : () -> ()
    } else {
    }
    %eq3A_105 = arith.constant 1 : i32
    %eq3A_106 = arith.cmpi eq, %arg0, %eq3A_105 : i32
    %convert_element_type3A_107 = arith.extui %eq3A_106 : i1 to i32
    %cond3A_108 = arith.constant 0 : i32
    %cond3A_109 = arith.cmpi ne, %convert_element_type3A_107, %cond3A_108 : i32
    scf.if %cond3A_109 {
      %scan3A_213 = arith.constant 0 : i32
      %scan3A_214 = arith.constant 0 : i32
      %scan3A_215 = arith.constant 640 : i32
      %scan3A_216 = arith.addi %scan3A_214, %scan3A_215 : i32
      %scan3A_217 = arith.constant 1 : i32
      scf.for %scan3A_219 = %scan3A_214 to %scan3A_216 step %scan3A_217  : i32 {
        %mul3A_220 = arith.constant 16 : i32
        %mul3A_221 = arith.muli %scan3A_219, %mul3A_220 : i32
        %get3A = arith.index_cast %mul3A_221 : i32 to index
        %get3A_222 = tpu.vector_load %arg13[%get3A] {strides = array<i32>} : memref<10240xi32, #tpu.memory_space<vmem>>, vector<16xi32>,
        %add3A_223 = arith.constant 10240 : i32
        %add3A_224 = vector.broadcast %add3A_223 : i32 to vector<16xi32>
        %add3A_225 = arith.addi %get3A_222, %add3A_224 : vector<16xi32>
        %swap3A = arith.index_cast %mul3A_221 : i32 to index
        %swap3A_226 = tpu.vector_load %arg13[%swap3A] {strides = array<i32>} : memref<10240xi32, #tpu.memory_space<vmem>>, vector<16xi32>,
        tpu.vector_store %arg13[%swap3A], %add3A_225 {strides = array<i32>} : memref<10240xi32, #tpu.memory_space<vmem>>, vector<16xi32>,
      }
      %scan3A_218 = arith.constant 640 : i32
    } else {
    }
    %barrier3A = arith.constant 0 : index
    tpu.barrier barrier_id(%barrier3A)
    %scan3A_110 = arith.constant 0 : i32
    %scan3A_111 = arith.constant 0 : i32
    %scan3A_112 = arith.constant 11 : i32
    %scan3A_113 = arith.addi %scan3A_111, %scan3A_112 : i32
    %scan3A_114 = arith.constant 1 : i32
    scf.for %scan3A_213 = %scan3A_111 to %scan3A_113 step %scan3A_114  : i32 {
      %mul3A_214 = arith.constant 8 : i32
      %mul3A_215 = arith.muli %mul3A_214, %scan3A_213 : i32
      %add3A_216 = arith.constant 0 : i32
      %add3A_217 = arith.addi %mul3A_215, %add3A_216 : i32
      %ge3A = arith.constant 8 : i32
      %ge3A_218 = arith.cmpi sge, %add3A_217, %ge3A : i32
      %lt3A = arith.constant 80 : i32
      %lt3A_219 = arith.cmpi slt, %add3A_217, %lt3A : i32
      %and3A = arith.andi %ge3A_218, %lt3A_219 : i1
      %convert_element_type3A_220 = arith.extui %and3A : i1 to i32
      %cond3A_221 = arith.constant 0 : i32
      %cond3A_222 = arith.cmpi ne, %convert_element_type3A_220, %cond3A_221 : i32
      scf.if %cond3A_222 {
        %sub3A = arith.constant 8 : i32
        %sub3A_411 = arith.subi %add3A_217, %sub3A : i32
        %dma_wait3A_412 = arith.constant 0 : i32
        %dma_wait3A_413 = arith.constant 0 : i32
        %dma_wait3A_414 = arith.constant 0 : i32
        %dma_wait3A_415 = tpu.memref_slice %arg15[%dma_wait3A_412, %dma_wait3A_413, %dma_wait3A_414] : memref<8x128x8xf32, #tpu.memory_space<vmem>> -> memref<1x128x8xf32, #tpu.memory_space<vmem>>
        %dma_wait3A_416 = tpu.memref_squeeze %dma_wait3A_415 : memref<1x128x8xf32, #tpu.memory_space<vmem>> -> memref<128x8xf32, #tpu.memory_space<vmem>>
        %dma_wait3A_417 = arith.constant 0 : i32
        %dma_wait3A_418 = tpu.memref_slice %arg14[%sub3A_411, %dma_wait3A_417] : memref<80x128xi32, #tpu.memory_space<vmem>> -> memref<1x128xi32, #tpu.memory_space<vmem>>
        %dma_wait3A_419 = tpu.memref_squeeze %dma_wait3A_418 : memref<1x128xi32, #tpu.memory_space<vmem>> -> memref<128xi32, #tpu.memory_space<vmem>>
        %dma_wait3A_420 = arith.constant 0 : i32
        %dma_wait3A_421 = arith.constant 0 : i32
        %dma_wait3A_422 = tpu.memref_slice %arg17[%dma_wait3A_420, %dma_wait3A_421] : memref<10240x8xf32, #tpu.memory_space<vmem_shared>> -> memref<10240x8xf32, #tpu.memory_space<vmem_shared>>
        tpu.wait_indirect_dma semaphore(%arg35 : memref<!tpu.dma_semaphore, #tpu.memory_space<semaphore_mem>>) src(%dma_wait3A_416 : memref<128x8xf32, #tpu.memory_space<vmem>>) dst(%dma_wait3A_422 : memref<10240x8xf32, #tpu.memory_space<vmem_shared>>)
      } else {
      }
      %lt3A_223 = arith.constant 80 : i32
      %lt3A_224 = arith.cmpi slt, %add3A_217, %lt3A_223 : i32
      %convert_element_type3A_225 = arith.extui %lt3A_224 : i1 to i32
      %cond3A_226 = arith.constant 0 : i32
      %cond3A_227 = arith.cmpi ne, %convert_element_type3A_225, %cond3A_226 : i32
      scf.if %cond3A_227 {
        %mul3A_411 = arith.constant 128 : i32
        %mul3A_412 = arith.muli %add3A_217, %mul3A_411 : i32
        %dma_start3A_413 = arith.constant 0 : i32
        %dma_start3A_414 = arith.constant 0 : i32
        %dma_start3A_415 = arith.constant 0 : i32
        %dma_start3A_416 = tpu.memref_slice %arg15[%dma_start3A_413, %dma_start3A_414, %dma_start3A_415] : memref<8x128x8xf32, #tpu.memory_space<vmem>> -> memref<1x128x8xf32, #tpu.memory_space<vmem>>
        %dma_start3A_417 = tpu.memref_squeeze %dma_start3A_416 : memref<1x128x8xf32, #tpu.memory_space<vmem>> -> memref<128x8xf32, #tpu.memory_space<vmem>>
        %dma_start3A_418 = tpu.memref_slice %arg13[%mul3A_412] : memref<10240xi32, #tpu.memory_space<vmem>> -> memref<128xi32, #tpu.memory_space<vmem>>
        %dma_start3A_419 = arith.constant 0 : i32
        %dma_start3A_420 = arith.constant 0 : i32
        %dma_start3A_421 = tpu.memref_slice %arg12[%dma_start3A_419, %dma_start3A_420] : memref<20480x8xf32, #tpu.memory_space<hbm>> -> memref<20480x8xf32, #tpu.memory_space<hbm>>
        tpu.enqueue_indirect_dma source(%dma_start3A_421 : memref<20480x8xf32, #tpu.memory_space<hbm>>) target(%dma_start3A_417 : memref<128x8xf32, #tpu.memory_space<vmem>>) offsets(%dma_start3A_418 : memref<128xi32, #tpu.memory_space<vmem>>) semaphore(%arg27 : memref<!tpu.dma_semaphore, #tpu.memory_space<semaphore_mem>>)
      } else {
      }
      %ge3A_228 = arith.constant 4 : i32
      %ge3A_229 = arith.cmpi sge, %add3A_217, %ge3A_228 : i32
      %lt3A_230 = arith.constant 84 : i32
      %lt3A_231 = arith.cmpi slt, %add3A_217, %lt3A_230 : i32
      %and3A_232 = arith.andi %ge3A_229, %lt3A_231 : i1
      %convert_element_type3A_233 = arith.extui %and3A_232 : i1 to i32
      %cond3A_234 = arith.constant 0 : i32
      %cond3A_235 = arith.cmpi ne, %convert_element_type3A_233, %cond3A_234 : i32
      scf.if %cond3A_235 {
        %sub3A = arith.constant 4 : i32
        %sub3A_411 = arith.subi %add3A_217, %sub3A : i32
        %mul3A_412 = arith.constant 128 : i32
        %mul3A_413 = arith.muli %sub3A_411, %mul3A_412 : i32
        %dma_wait3A_414 = arith.constant 4 : i32
        %dma_wait3A_415 = arith.constant 0 : i32
        %dma_wait3A_416 = arith.constant 0 : i32
        %dma_wait3A_417 = tpu.memref_slice %arg15[%dma_wait3A_414, %dma_wait3A_415, %dma_wait3A_416] : memref<8x128x8xf32, #tpu.memory_space<vmem>> -> memref<1x128x8xf32, #tpu.memory_space<vmem>>
        %dma_wait3A_418 = tpu.memref_squeeze %dma_wait3A_417 : memref<1x128x8xf32, #tpu.memory_space<vmem>> -> memref<128x8xf32, #tpu.memory_space<vmem>>
        %dma_wait3A_419 = tpu.memref_slice %arg13[%mul3A_413] : memref<10240xi32, #tpu.memory_space<vmem>> -> memref<128xi32, #tpu.memory_space<vmem>>
        %dma_wait3A_420 = arith.constant 0 : i32
        %dma_wait3A_421 = arith.constant 0 : i32
        %dma_wait3A_422 = tpu.memref_slice %arg12[%dma_wait3A_420, %dma_wait3A_421] : memref<20480x8xf32, #tpu.memory_space<hbm>> -> memref<20480x8xf32, #tpu.memory_space<hbm>>
        tpu.wait_indirect_dma semaphore(%arg31 : memref<!tpu.dma_semaphore, #tpu.memory_space<semaphore_mem>>) src(%dma_wait3A_422 : memref<20480x8xf32, #tpu.memory_space<hbm>>) dst(%dma_wait3A_418 : memref<128x8xf32, #tpu.memory_space<vmem>>)
        %dma_start3A_423 = arith.constant 4 : i32
        %dma_start3A_424 = arith.constant 0 : i32
        %dma_start3A_425 = arith.constant 0 : i32
        %dma_start3A_426 = tpu.memref_slice %arg15[%dma_start3A_423, %dma_start3A_424, %dma_start3A_425] : memref<8x128x8xf32, #tpu.memory_space<vmem>> -> memref<1x128x8xf32, #tpu.memory_space<vmem>>
        %dma_start3A_427 = tpu.memref_squeeze %dma_start3A_426 : memref<1x128x8xf32, #tpu.memory_space<vmem>> -> memref<128x8xf32, #tpu.memory_space<vmem>>
        %dma_start3A_428 = arith.constant 0 : i32
        %dma_start3A_429 = tpu.memref_slice %arg14[%sub3A_411, %dma_start3A_428] : memref<80x128xi32, #tpu.memory_space<vmem>> -> memref<1x128xi32, #tpu.memory_space<vmem>>
        %dma_start3A_430 = tpu.memref_squeeze %dma_start3A_429 : memref<1x128xi32, #tpu.memory_space<vmem>> -> memref<128xi32, #tpu.memory_space<vmem>>
        %dma_start3A_431 = arith.constant 0 : i32
        %dma_start3A_432 = arith.constant 0 : i32
        %dma_start3A_433 = tpu.memref_slice %arg17[%dma_start3A_431, %dma_start3A_432] : memref<10240x8xf32, #tpu.memory_space<vmem_shared>> -> memref<10240x8xf32, #tpu.memory_space<vmem_shared>>
        tpu.enqueue_indirect_dma source(%dma_start3A_427 : memref<128x8xf32, #tpu.memory_space<vmem>>) target(%dma_start3A_433 : memref<10240x8xf32, #tpu.memory_space<vmem_shared>>) offsets(%dma_start3A_430 : memref<128xi32, #tpu.memory_space<vmem>>) semaphore(%arg39 : memref<!tpu.dma_semaphore, #tpu.memory_space<semaphore_mem>>) {add = true}
      } else {
      }
      %mul3A_236 = arith.constant 8 : i32
      %mul3A_237 = arith.muli %mul3A_236, %scan3A_213 : i32
      %add3A_238 = arith.constant 1 : i32
      %add3A_239 = arith.addi %mul3A_237, %add3A_238 : i32
      %ge3A_240 = arith.constant 8 : i32
      %ge3A_241 = arith.cmpi sge, %add3A_239, %ge3A_240 : i32
      %lt3A_242 = arith.constant 80 : i32
      %lt3A_243 = arith.cmpi slt, %add3A_239, %lt3A_242 : i32
      %and3A_244 = arith.andi %ge3A_241, %lt3A_243 : i1
      %convert_element_type3A_245 = arith.extui %and3A_244 : i1 to i32
      %cond3A_246 = arith.constant 0 : i32
      %cond3A_247 = arith.cmpi ne, %convert_element_type3A_245, %cond3A_246 : i32
      scf.if %cond3A_247 {
        %sub3A = arith.constant 8 : i32
        %sub3A_411 = arith.subi %add3A_239, %sub3A : i32
        %dma_wait3A_412 = arith.constant 1 : i32
        %dma_wait3A_413 = arith.constant 0 : i32
        %dma_wait3A_414 = arith.constant 0 : i32
        %dma_wait3A_415 = tpu.memref_slice %arg15[%dma_wait3A_412, %dma_wait3A_413, %dma_wait3A_414] : memref<8x128x8xf32, #tpu.memory_space<vmem>> -> memref<1x128x8xf32, #tpu.memory_space<vmem>>
        %dma_wait3A_416 = tpu.memref_squeeze %dma_wait3A_415 : memref<1x128x8xf32, #tpu.memory_space<vmem>> -> memref<128x8xf32, #tpu.memory_space<vmem>>
        %dma_wait3A_417 = arith.constant 0 : i32
        %dma_wait3A_418 = tpu.memref_slice %arg14[%sub3A_411, %dma_wait3A_417] : memref<80x128xi32, #tpu.memory_space<vmem>> -> memref<1x128xi32, #tpu.memory_space<vmem>>
        %dma_wait3A_419 = tpu.memref_squeeze %dma_wait3A_418 : memref<1x128xi32, #tpu.memory_space<vmem>> -> memref<128xi32, #tpu.memory_space<vmem>>
        %dma_wait3A_420 = arith.constant 0 : i32
        %dma_wait3A_421 = arith.constant 0 : i32
        %dma_wait3A_422 = tpu.memref_slice %arg17[%dma_wait3A_420, %dma_wait3A_421] : memref<10240x8xf32, #tpu.memory_space<vmem_shared>> -> memref<10240x8xf32, #tpu.memory_space<vmem_shared>>
        tpu.wait_indirect_dma semaphore(%arg36 : memref<!tpu.dma_semaphore, #tpu.memory_space<semaphore_mem>>) src(%dma_wait3A_416 : memref<128x8xf32, #tpu.memory_space<vmem>>) dst(%dma_wait3A_422 : memref<10240x8xf32, #tpu.memory_space<vmem_shared>>)
      } else {
      }
      %lt3A_248 = arith.constant 80 : i32
      %lt3A_249 = arith.cmpi slt, %add3A_239, %lt3A_248 : i32
      %convert_element_type3A_250 = arith.extui %lt3A_249 : i1 to i32
      %cond3A_251 = arith.constant 0 : i32
      %cond3A_252 = arith.cmpi ne, %convert_element_type3A_250, %cond3A_251 : i32
      scf.if %cond3A_252 {
        %mul3A_411 = arith.constant 128 : i32
        %mul3A_412 = arith.muli %add3A_239, %mul3A_411 : i32
        %dma_start3A_413 = arith.constant 1 : i32
        %dma_start3A_414 = arith.constant 0 : i32
        %dma_start3A_415 = arith.constant 0 : i32
        %dma_start3A_416 = tpu.memref_slice %arg15[%dma_start3A_413, %dma_start3A_414, %dma_start3A_415] : memref<8x128x8xf32, #tpu.memory_space<vmem>> -> memref<1x128x8xf32, #tpu.memory_space<vmem>>
        %dma_start3A_417 = tpu.memref_squeeze %dma_start3A_416 : memref<1x128x8xf32, #tpu.memory_space<vmem>> -> memref<128x8xf32, #tpu.memory_space<vmem>>
        %dma_start3A_418 = tpu.memref_slice %arg13[%mul3A_412] : memref<10240xi32, #tpu.memory_space<vmem>> -> memref<128xi32, #tpu.memory_space<vmem>>
        %dma_start3A_419 = arith.constant 0 : i32
        %dma_start3A_420 = arith.constant 0 : i32
        %dma_start3A_421 = tpu.memref_slice %arg12[%dma_start3A_419, %dma_start3A_420] : memref<20480x8xf32, #tpu.memory_space<hbm>> -> memref<20480x8xf32, #tpu.memory_space<hbm>>
        tpu.enqueue_indirect_dma source(%dma_start3A_421 : memref<20480x8xf32, #tpu.memory_space<hbm>>) target(%dma_start3A_417 : memref<128x8xf32, #tpu.memory_space<vmem>>) offsets(%dma_start3A_418 : memref<128xi32, #tpu.memory_space<vmem>>) semaphore(%arg28 : memref<!tpu.dma_semaphore, #tpu.memory_space<semaphore_mem>>)
      } else {
      }
      %ge3A_253 = arith.constant 4 : i32
      %ge3A_254 = arith.cmpi sge, %add3A_239, %ge3A_253 : i32
      %lt3A_255 = arith.constant 84 : i32
      %lt3A_256 = arith.cmpi slt, %add3A_239, %lt3A_255 : i32
      %and3A_257 = arith.andi %ge3A_254, %lt3A_256 : i1
      %convert_element_type3A_258 = arith.extui %and3A_257 : i1 to i32
      %cond3A_259 = arith.constant 0 : i32
      %cond3A_260 = arith.cmpi ne, %convert_element_type3A_258, %cond3A_259 : i32
      scf.if %cond3A_260 {
        %sub3A = arith.constant 4 : i32
        %sub3A_411 = arith.subi %add3A_239, %sub3A : i32
        %mul3A_412 = arith.constant 128 : i32
        %mul3A_413 = arith.muli %sub3A_411, %mul3A_412 : i32
        %dma_wait3A_414 = arith.constant 5 : i32
        %dma_wait3A_415 = arith.constant 0 : i32
        %dma_wait3A_416 = arith.constant 0 : i32
        %dma_wait3A_417 = tpu.memref_slice %arg15[%dma_wait3A_414, %dma_wait3A_415, %dma_wait3A_416] : memref<8x128x8xf32, #tpu.memory_space<vmem>> -> memref<1x128x8xf32, #tpu.memory_space<vmem>>
        %dma_wait3A_418 = tpu.memref_squeeze %dma_wait3A_417 : memref<1x128x8xf32, #tpu.memory_space<vmem>> -> memref<128x8xf32, #tpu.memory_space<vmem>>
        %dma_wait3A_419 = tpu.memref_slice %arg13[%mul3A_413] : memref<10240xi32, #tpu.memory_space<vmem>> -> memref<128xi32, #tpu.memory_space<vmem>>
        %dma_wait3A_420 = arith.constant 0 : i32
        %dma_wait3A_421 = arith.constant 0 : i32
        %dma_wait3A_422 = tpu.memref_slice %arg12[%dma_wait3A_420, %dma_wait3A_421] : memref<20480x8xf32, #tpu.memory_space<hbm>> -> memref<20480x8xf32, #tpu.memory_space<hbm>>
        tpu.wait_indirect_dma semaphore(%arg32 : memref<!tpu.dma_semaphore, #tpu.memory_space<semaphore_mem>>) src(%dma_wait3A_422 : memref<20480x8xf32, #tpu.memory_space<hbm>>) dst(%dma_wait3A_418 : memref<128x8xf32, #tpu.memory_space<vmem>>)
        %dma_start3A_423 = arith.constant 5 : i32
        %dma_start3A_424 = arith.constant 0 : i32
        %dma_start3A_425 = arith.constant 0 : i32
        %dma_start3A_426 = tpu.memref_slice %arg15[%dma_start3A_423, %dma_start3A_424, %dma_start3A_425] : memref<8x128x8xf32, #tpu.memory_space<vmem>> -> memref<1x128x8xf32, #tpu.memory_space<vmem>>
        %dma_start3A_427 = tpu.memref_squeeze %dma_start3A_426 : memref<1x128x8xf32, #tpu.memory_space<vmem>> -> memref<128x8xf32, #tpu.memory_space<vmem>>
        %dma_start3A_428 = arith.constant 0 : i32
        %dma_start3A_429 = tpu.memref_slice %arg14[%sub3A_411, %dma_start3A_428] : memref<80x128xi32, #tpu.memory_space<vmem>> -> memref<1x128xi32, #tpu.memory_space<vmem>>
        %dma_start3A_430 = tpu.memref_squeeze %dma_start3A_429 : memref<1x128xi32, #tpu.memory_space<vmem>> -> memref<128xi32, #tpu.memory_space<vmem>>
        %dma_start3A_431 = arith.constant 0 : i32
        %dma_start3A_432 = arith.constant 0 : i32
        %dma_start3A_433 = tpu.memref_slice %arg17[%dma_start3A_431, %dma_start3A_432] : memref<10240x8xf32, #tpu.memory_space<vmem_shared>> -> memref<10240x8xf32, #tpu.memory_space<vmem_shared>>
        tpu.enqueue_indirect_dma source(%dma_start3A_427 : memref<128x8xf32, #tpu.memory_space<vmem>>) target(%dma_start3A_433 : memref<10240x8xf32, #tpu.memory_space<vmem_shared>>) offsets(%dma_start3A_430 : memref<128xi32, #tpu.memory_space<vmem>>) semaphore(%arg40 : memref<!tpu.dma_semaphore, #tpu.memory_space<semaphore_mem>>) {add = true}
      } else {
      }
      %mul3A_261 = arith.constant 8 : i32
      %mul3A_262 = arith.muli %mul3A_261, %scan3A_213 : i32
      %add3A_263 = arith.constant 2 : i32
      %add3A_264 = arith.addi %mul3A_262, %add3A_263 : i32
      %ge3A_265 = arith.constant 8 : i32
      %ge3A_266 = arith.cmpi sge, %add3A_264, %ge3A_265 : i32
      %lt3A_267 = arith.constant 80 : i32
      %lt3A_268 = arith.cmpi slt, %add3A_264, %lt3A_267 : i32
      %and3A_269 = arith.andi %ge3A_266, %lt3A_268 : i1
      %convert_element_type3A_270 = arith.extui %and3A_269 : i1 to i32
      %cond3A_271 = arith.constant 0 : i32
      %cond3A_272 = arith.cmpi ne, %convert_element_type3A_270, %cond3A_271 : i32
      scf.if %cond3A_272 {
        %sub3A = arith.constant 8 : i32
        %sub3A_411 = arith.subi %add3A_264, %sub3A : i32
        %dma_wait3A_412 = arith.constant 2 : i32
        %dma_wait3A_413 = arith.constant 0 : i32
        %dma_wait3A_414 = arith.constant 0 : i32
        %dma_wait3A_415 = tpu.memref_slice %arg15[%dma_wait3A_412, %dma_wait3A_413, %dma_wait3A_414] : memref<8x128x8xf32, #tpu.memory_space<vmem>> -> memref<1x128x8xf32, #tpu.memory_space<vmem>>
        %dma_wait3A_416 = tpu.memref_squeeze %dma_wait3A_415 : memref<1x128x8xf32, #tpu.memory_space<vmem>> -> memref<128x8xf32, #tpu.memory_space<vmem>>
        %dma_wait3A_417 = arith.constant 0 : i32
        %dma_wait3A_418 = tpu.memref_slice %arg14[%sub3A_411, %dma_wait3A_417] : memref<80x128xi32, #tpu.memory_space<vmem>> -> memref<1x128xi32, #tpu.memory_space<vmem>>
        %dma_wait3A_419 = tpu.memref_squeeze %dma_wait3A_418 : memref<1x128xi32, #tpu.memory_space<vmem>> -> memref<128xi32, #tpu.memory_space<vmem>>
        %dma_wait3A_420 = arith.constant 0 : i32
        %dma_wait3A_421 = arith.constant 0 : i32
        %dma_wait3A_422 = tpu.memref_slice %arg17[%dma_wait3A_420, %dma_wait3A_421] : memref<10240x8xf32, #tpu.memory_space<vmem_shared>> -> memref<10240x8xf32, #tpu.memory_space<vmem_shared>>
        tpu.wait_indirect_dma semaphore(%arg37 : memref<!tpu.dma_semaphore, #tpu.memory_space<semaphore_mem>>) src(%dma_wait3A_416 : memref<128x8xf32, #tpu.memory_space<vmem>>) dst(%dma_wait3A_422 : memref<10240x8xf32, #tpu.memory_space<vmem_shared>>)
      } else {
      }
      %lt3A_273 = arith.constant 80 : i32
      %lt3A_274 = arith.cmpi slt, %add3A_264, %lt3A_273 : i32
      %convert_element_type3A_275 = arith.extui %lt3A_274 : i1 to i32
      %cond3A_276 = arith.constant 0 : i32
      %cond3A_277 = arith.cmpi ne, %convert_element_type3A_275, %cond3A_276 : i32
      scf.if %cond3A_277 {
        %mul3A_411 = arith.constant 128 : i32
        %mul3A_412 = arith.muli %add3A_264, %mul3A_411 : i32
        %dma_start3A_413 = arith.constant 2 : i32
        %dma_start3A_414 = arith.constant 0 : i32
        %dma_start3A_415 = arith.constant 0 : i32
        %dma_start3A_416 = tpu.memref_slice %arg15[%dma_start3A_413, %dma_start3A_414, %dma_start3A_415] : memref<8x128x8xf32, #tpu.memory_space<vmem>> -> memref<1x128x8xf32, #tpu.memory_space<vmem>>
        %dma_start3A_417 = tpu.memref_squeeze %dma_start3A_416 : memref<1x128x8xf32, #tpu.memory_space<vmem>> -> memref<128x8xf32, #tpu.memory_space<vmem>>
        %dma_start3A_418 = tpu.memref_slice %arg13[%mul3A_412] : memref<10240xi32, #tpu.memory_space<vmem>> -> memref<128xi32, #tpu.memory_space<vmem>>
        %dma_start3A_419 = arith.constant 0 : i32
        %dma_start3A_420 = arith.constant 0 : i32
        %dma_start3A_421 = tpu.memref_slice %arg12[%dma_start3A_419, %dma_start3A_420] : memref<20480x8xf32, #tpu.memory_space<hbm>> -> memref<20480x8xf32, #tpu.memory_space<hbm>>
        tpu.enqueue_indirect_dma source(%dma_start3A_421 : memref<20480x8xf32, #tpu.memory_space<hbm>>) target(%dma_start3A_417 : memref<128x8xf32, #tpu.memory_space<vmem>>) offsets(%dma_start3A_418 : memref<128xi32, #tpu.memory_space<vmem>>) semaphore(%arg29 : memref<!tpu.dma_semaphore, #tpu.memory_space<semaphore_mem>>)
      } else {
      }
      %ge3A_278 = arith.constant 4 : i32
      %ge3A_279 = arith.cmpi sge, %add3A_264, %ge3A_278 : i32
      %lt3A_280 = arith.constant 84 : i32
      %lt3A_281 = arith.cmpi slt, %add3A_264, %lt3A_280 : i32
      %and3A_282 = arith.andi %ge3A_279, %lt3A_281 : i1
      %convert_element_type3A_283 = arith.extui %and3A_282 : i1 to i32
      %cond3A_284 = arith.constant 0 : i32
      %cond3A_285 = arith.cmpi ne, %convert_element_type3A_283, %cond3A_284 : i32
      scf.if %cond3A_285 {
        %sub3A = arith.constant 4 : i32
        %sub3A_411 = arith.subi %add3A_264, %sub3A : i32
        %mul3A_412 = arith.constant 128 : i32
        %mul3A_413 = arith.muli %sub3A_411, %mul3A_412 : i32
        %dma_wait3A_414 = arith.constant 6 : i32
        %dma_wait3A_415 = arith.constant 0 : i32
        %dma_wait3A_416 = arith.constant 0 : i32
        %dma_wait3A_417 = tpu.memref_slice %arg15[%dma_wait3A_414, %dma_wait3A_415, %dma_wait3A_416] : memref<8x128x8xf32, #tpu.memory_space<vmem>> -> memref<1x128x8xf32, #tpu.memory_space<vmem>>
        %dma_wait3A_418 = tpu.memref_squeeze %dma_wait3A_417 : memref<1x128x8xf32, #tpu.memory_space<vmem>> -> memref<128x8xf32, #tpu.memory_space<vmem>>
        %dma_wait3A_419 = tpu.memref_slice %arg13[%mul3A_413] : memref<10240xi32, #tpu.memory_space<vmem>> -> memref<128xi32, #tpu.memory_space<vmem>>
        %dma_wait3A_420 = arith.constant 0 : i32
        %dma_wait3A_421 = arith.constant 0 : i32
        %dma_wait3A_422 = tpu.memref_slice %arg12[%dma_wait3A_420, %dma_wait3A_421] : memref<20480x8xf32, #tpu.memory_space<hbm>> -> memref<20480x8xf32, #tpu.memory_space<hbm>>
        tpu.wait_indirect_dma semaphore(%arg33 : memref<!tpu.dma_semaphore, #tpu.memory_space<semaphore_mem>>) src(%dma_wait3A_422 : memref<20480x8xf32, #tpu.memory_space<hbm>>) dst(%dma_wait3A_418 : memref<128x8xf32, #tpu.memory_space<vmem>>)
        %dma_start3A_423 = arith.constant 6 : i32
        %dma_start3A_424 = arith.constant 0 : i32
        %dma_start3A_425 = arith.constant 0 : i32
        %dma_start3A_426 = tpu.memref_slice %arg15[%dma_start3A_423, %dma_start3A_424, %dma_start3A_425] : memref<8x128x8xf32, #tpu.memory_space<vmem>> -> memref<1x128x8xf32, #tpu.memory_space<vmem>>
        %dma_start3A_427 = tpu.memref_squeeze %dma_start3A_426 : memref<1x128x8xf32, #tpu.memory_space<vmem>> -> memref<128x8xf32, #tpu.memory_space<vmem>>
        %dma_start3A_428 = arith.constant 0 : i32
        %dma_start3A_429 = tpu.memref_slice %arg14[%sub3A_411, %dma_start3A_428] : memref<80x128xi32, #tpu.memory_space<vmem>> -> memref<1x128xi32, #tpu.memory_space<vmem>>
        %dma_start3A_430 = tpu.memref_squeeze %dma_start3A_429 : memref<1x128xi32, #tpu.memory_space<vmem>> -> memref<128xi32, #tpu.memory_space<vmem>>
        %dma_start3A_431 = arith.constant 0 : i32
        %dma_start3A_432 = arith.constant 0 : i32
        %dma_start3A_433 = tpu.memref_slice %arg17[%dma_start3A_431, %dma_start3A_432] : memref<10240x8xf32, #tpu.memory_space<vmem_shared>> -> memref<10240x8xf32, #tpu.memory_space<vmem_shared>>
        tpu.enqueue_indirect_dma source(%dma_start3A_427 : memref<128x8xf32, #tpu.memory_space<vmem>>) target(%dma_start3A_433 : memref<10240x8xf32, #tpu.memory_space<vmem_shared>>) offsets(%dma_start3A_430 : memref<128xi32, #tpu.memory_space<vmem>>) semaphore(%arg41 : memref<!tpu.dma_semaphore, #tpu.memory_space<semaphore_mem>>) {add = true}
      } else {
      }
      %mul3A_286 = arith.constant 8 : i32
      %mul3A_287 = arith.muli %mul3A_286, %scan3A_213 : i32
      %add3A_288 = arith.constant 3 : i32
      %add3A_289 = arith.addi %mul3A_287, %add3A_288 : i32
      %ge3A_290 = arith.constant 8 : i32
      %ge3A_291 = arith.cmpi sge, %add3A_289, %ge3A_290 : i32
      %lt3A_292 = arith.constant 80 : i32
      %lt3A_293 = arith.cmpi slt, %add3A_289, %lt3A_292 : i32
      %and3A_294 = arith.andi %ge3A_291, %lt3A_293 : i1
      %convert_element_type3A_295 = arith.extui %and3A_294 : i1 to i32
      %cond3A_296 = arith.constant 0 : i32
      %cond3A_297 = arith.cmpi ne, %convert_element_type3A_295, %cond3A_296 : i32
      scf.if %cond3A_297 {
        %sub3A = arith.constant 8 : i32
        %sub3A_411 = arith.subi %add3A_289, %sub3A : i32
        %dma_wait3A_412 = arith.constant 3 : i32
        %dma_wait3A_413 = arith.constant 0 : i32
        %dma_wait3A_414 = arith.constant 0 : i32
        %dma_wait3A_415 = tpu.memref_slice %arg15[%dma_wait3A_412, %dma_wait3A_413, %dma_wait3A_414] : memref<8x128x8xf32, #tpu.memory_space<vmem>> -> memref<1x128x8xf32, #tpu.memory_space<vmem>>
        %dma_wait3A_416 = tpu.memref_squeeze %dma_wait3A_415 : memref<1x128x8xf32, #tpu.memory_space<vmem>> -> memref<128x8xf32, #tpu.memory_space<vmem>>
        %dma_wait3A_417 = arith.constant 0 : i32
        %dma_wait3A_418 = tpu.memref_slice %arg14[%sub3A_411, %dma_wait3A_417] : memref<80x128xi32, #tpu.memory_space<vmem>> -> memref<1x128xi32, #tpu.memory_space<vmem>>
        %dma_wait3A_419 = tpu.memref_squeeze %dma_wait3A_418 : memref<1x128xi32, #tpu.memory_space<vmem>> -> memref<128xi32, #tpu.memory_space<vmem>>
        %dma_wait3A_420 = arith.constant 0 : i32
        %dma_wait3A_421 = arith.constant 0 : i32
        %dma_wait3A_422 = tpu.memref_slice %arg17[%dma_wait3A_420, %dma_wait3A_421] : memref<10240x8xf32, #tpu.memory_space<vmem_shared>> -> memref<10240x8xf32, #tpu.memory_space<vmem_shared>>
        tpu.wait_indirect_dma semaphore(%arg38 : memref<!tpu.dma_semaphore, #tpu.memory_space<semaphore_mem>>) src(%dma_wait3A_416 : memref<128x8xf32, #tpu.memory_space<vmem>>) dst(%dma_wait3A_422 : memref<10240x8xf32, #tpu.memory_space<vmem_shared>>)
      } else {
      }
      %lt3A_298 = arith.constant 80 : i32
      %lt3A_299 = arith.cmpi slt, %add3A_289, %lt3A_298 : i32
      %convert_element_type3A_300 = arith.extui %lt3A_299 : i1 to i32
      %cond3A_301 = arith.constant 0 : i32
      %cond3A_302 = arith.cmpi ne, %convert_element_type3A_300, %cond3A_301 : i32
      scf.if %cond3A_302 {
        %mul3A_411 = arith.constant 128 : i32
        %mul3A_412 = arith.muli %add3A_289, %mul3A_411 : i32
        %dma_start3A_413 = arith.constant 3 : i32
        %dma_start3A_414 = arith.constant 0 : i32
        %dma_start3A_415 = arith.constant 0 : i32
        %dma_start3A_416 = tpu.memref_slice %arg15[%dma_start3A_413, %dma_start3A_414, %dma_start3A_415] : memref<8x128x8xf32, #tpu.memory_space<vmem>> -> memref<1x128x8xf32, #tpu.memory_space<vmem>>
        %dma_start3A_417 = tpu.memref_squeeze %dma_start3A_416 : memref<1x128x8xf32, #tpu.memory_space<vmem>> -> memref<128x8xf32, #tpu.memory_space<vmem>>
        %dma_start3A_418 = tpu.memref_slice %arg13[%mul3A_412] : memref<10240xi32, #tpu.memory_space<vmem>> -> memref<128xi32, #tpu.memory_space<vmem>>
        %dma_start3A_419 = arith.constant 0 : i32
        %dma_start3A_420 = arith.constant 0 : i32
        %dma_start3A_421 = tpu.memref_slice %arg12[%dma_start3A_419, %dma_start3A_420] : memref<20480x8xf32, #tpu.memory_space<hbm>> -> memref<20480x8xf32, #tpu.memory_space<hbm>>
        tpu.enqueue_indirect_dma source(%dma_start3A_421 : memref<20480x8xf32, #tpu.memory_space<hbm>>) target(%dma_start3A_417 : memref<128x8xf32, #tpu.memory_space<vmem>>) offsets(%dma_start3A_418 : memref<128xi32, #tpu.memory_space<vmem>>) semaphore(%arg30 : memref<!tpu.dma_semaphore, #tpu.memory_space<semaphore_mem>>)
      } else {
      }
      %ge3A_303 = arith.constant 4 : i32
      %ge3A_304 = arith.cmpi sge, %add3A_289, %ge3A_303 : i32
      %lt3A_305 = arith.constant 84 : i32
      %lt3A_306 = arith.cmpi slt, %add3A_289, %lt3A_305 : i32
      %and3A_307 = arith.andi %ge3A_304, %lt3A_306 : i1
      %convert_element_type3A_308 = arith.extui %and3A_307 : i1 to i32
      %cond3A_309 = arith.constant 0 : i32
      %cond3A_310 = arith.cmpi ne, %convert_element_type3A_308, %cond3A_309 : i32
      scf.if %cond3A_310 {
        %sub3A = arith.constant 4 : i32
        %sub3A_411 = arith.subi %add3A_289, %sub3A : i32
        %mul3A_412 = arith.constant 128 : i32
        %mul3A_413 = arith.muli %sub3A_411, %mul3A_412 : i32
        %dma_wait3A_414 = arith.constant 7 : i32
        %dma_wait3A_415 = arith.constant 0 : i32
        %dma_wait3A_416 = arith.constant 0 : i32
        %dma_wait3A_417 = tpu.memref_slice %arg15[%dma_wait3A_414, %dma_wait3A_415, %dma_wait3A_416] : memref<8x128x8xf32, #tpu.memory_space<vmem>> -> memref<1x128x8xf32, #tpu.memory_space<vmem>>
        %dma_wait3A_418 = tpu.memref_squeeze %dma_wait3A_417 : memref<1x128x8xf32, #tpu.memory_space<vmem>> -> memref<128x8xf32, #tpu.memory_space<vmem>>
        %dma_wait3A_419 = tpu.memref_slice %arg13[%mul3A_413] : memref<10240xi32, #tpu.memory_space<vmem>> -> memref<128xi32, #tpu.memory_space<vmem>>
        %dma_wait3A_420 = arith.constant 0 : i32
        %dma_wait3A_421 = arith.constant 0 : i32
        %dma_wait3A_422 = tpu.memref_slice %arg12[%dma_wait3A_420, %dma_wait3A_421] : memref<20480x8xf32, #tpu.memory_space<hbm>> -> memref<20480x8xf32, #tpu.memory_space<hbm>>
        tpu.wait_indirect_dma semaphore(%arg34 : memref<!tpu.dma_semaphore, #tpu.memory_space<semaphore_mem>>) src(%dma_wait3A_422 : memref<20480x8xf32, #tpu.memory_space<hbm>>) dst(%dma_wait3A_418 : memref<128x8xf32, #tpu.memory_space<vmem>>)
        %dma_start3A_423 = arith.constant 7 : i32
        %dma_start3A_424 = arith.constant 0 : i32
        %dma_start3A_425 = arith.constant 0 : i32
        %dma_start3A_426 = tpu.memref_slice %arg15[%dma_start3A_423, %dma_start3A_424, %dma_start3A_425] : memref<8x128x8xf32, #tpu.memory_space<vmem>> -> memref<1x128x8xf32, #tpu.memory_space<vmem>>
        %dma_start3A_427 = tpu.memref_squeeze %dma_start3A_426 : memref<1x128x8xf32, #tpu.memory_space<vmem>> -> memref<128x8xf32, #tpu.memory_space<vmem>>
        %dma_start3A_428 = arith.constant 0 : i32
        %dma_start3A_429 = tpu.memref_slice %arg14[%sub3A_411, %dma_start3A_428] : memref<80x128xi32, #tpu.memory_space<vmem>> -> memref<1x128xi32, #tpu.memory_space<vmem>>
        %dma_start3A_430 = tpu.memref_squeeze %dma_start3A_429 : memref<1x128xi32, #tpu.memory_space<vmem>> -> memref<128xi32, #tpu.memory_space<vmem>>
        %dma_start3A_431 = arith.constant 0 : i32
        %dma_start3A_432 = arith.constant 0 : i32
        %dma_start3A_433 = tpu.memref_slice %arg17[%dma_start3A_431, %dma_start3A_432] : memref<10240x8xf32, #tpu.memory_space<vmem_shared>> -> memref<10240x8xf32, #tpu.memory_space<vmem_shared>>
        tpu.enqueue_indirect_dma source(%dma_start3A_427 : memref<128x8xf32, #tpu.memory_space<vmem>>) target(%dma_start3A_433 : memref<10240x8xf32, #tpu.memory_space<vmem_shared>>) offsets(%dma_start3A_430 : memref<128xi32, #tpu.memory_space<vmem>>) semaphore(%arg42 : memref<!tpu.dma_semaphore, #tpu.memory_space<semaphore_mem>>) {add = true}
      } else {
      }
      %mul3A_311 = arith.constant 8 : i32
      %mul3A_312 = arith.muli %mul3A_311, %scan3A_213 : i32
      %add3A_313 = arith.constant 4 : i32
      %add3A_314 = arith.addi %mul3A_312, %add3A_313 : i32
      %ge3A_315 = arith.constant 8 : i32
      %ge3A_316 = arith.cmpi sge, %add3A_314, %ge3A_315 : i32
      %lt3A_317 = arith.constant 80 : i32
      %lt3A_318 = arith.cmpi slt, %add3A_314, %lt3A_317 : i32
      %and3A_319 = arith.andi %ge3A_316, %lt3A_318 : i1
      %convert_element_type3A_320 = arith.extui %and3A_319 : i1 to i32
      %cond3A_321 = arith.constant 0 : i32
      %cond3A_322 = arith.cmpi ne, %convert_element_type3A_320, %cond3A_321 : i32
      scf.if %cond3A_322 {
        %sub3A = arith.constant 8 : i32
        %sub3A_411 = arith.subi %add3A_314, %sub3A : i32
        %dma_wait3A_412 = arith.constant 4 : i32
        %dma_wait3A_413 = arith.constant 0 : i32
        %dma_wait3A_414 = arith.constant 0 : i32
        %dma_wait3A_415 = tpu.memref_slice %arg15[%dma_wait3A_412, %dma_wait3A_413, %dma_wait3A_414] : memref<8x128x8xf32, #tpu.memory_space<vmem>> -> memref<1x128x8xf32, #tpu.memory_space<vmem>>
        %dma_wait3A_416 = tpu.memref_squeeze %dma_wait3A_415 : memref<1x128x8xf32, #tpu.memory_space<vmem>> -> memref<128x8xf32, #tpu.memory_space<vmem>>
        %dma_wait3A_417 = arith.constant 0 : i32
        %dma_wait3A_418 = tpu.memref_slice %arg14[%sub3A_411, %dma_wait3A_417] : memref<80x128xi32, #tpu.memory_space<vmem>> -> memref<1x128xi32, #tpu.memory_space<vmem>>
        %dma_wait3A_419 = tpu.memref_squeeze %dma_wait3A_418 : memref<1x128xi32, #tpu.memory_space<vmem>> -> memref<128xi32, #tpu.memory_space<vmem>>
        %dma_wait3A_420 = arith.constant 0 : i32
        %dma_wait3A_421 = arith.constant 0 : i32
        %dma_wait3A_422 = tpu.memref_slice %arg17[%dma_wait3A_420, %dma_wait3A_421] : memref<10240x8xf32, #tpu.memory_space<vmem_shared>> -> memref<10240x8xf32, #tpu.memory_space<vmem_shared>>
        tpu.wait_indirect_dma semaphore(%arg39 : memref<!tpu.dma_semaphore, #tpu.memory_space<semaphore_mem>>) src(%dma_wait3A_416 : memref<128x8xf32, #tpu.memory_space<vmem>>) dst(%dma_wait3A_422 : memref<10240x8xf32, #tpu.memory_space<vmem_shared>>)
      } else {
      }
      %lt3A_323 = arith.constant 80 : i32
      %lt3A_324 = arith.cmpi slt, %add3A_314, %lt3A_323 : i32
      %convert_element_type3A_325 = arith.extui %lt3A_324 : i1 to i32
      %cond3A_326 = arith.constant 0 : i32
      %cond3A_327 = arith.cmpi ne, %convert_element_type3A_325, %cond3A_326 : i32
      scf.if %cond3A_327 {
        %mul3A_411 = arith.constant 128 : i32
        %mul3A_412 = arith.muli %add3A_314, %mul3A_411 : i32
        %dma_start3A_413 = arith.constant 4 : i32
        %dma_start3A_414 = arith.constant 0 : i32
        %dma_start3A_415 = arith.constant 0 : i32
        %dma_start3A_416 = tpu.memref_slice %arg15[%dma_start3A_413, %dma_start3A_414, %dma_start3A_415] : memref<8x128x8xf32, #tpu.memory_space<vmem>> -> memref<1x128x8xf32, #tpu.memory_space<vmem>>
        %dma_start3A_417 = tpu.memref_squeeze %dma_start3A_416 : memref<1x128x8xf32, #tpu.memory_space<vmem>> -> memref<128x8xf32, #tpu.memory_space<vmem>>
        %dma_start3A_418 = tpu.memref_slice %arg13[%mul3A_412] : memref<10240xi32, #tpu.memory_space<vmem>> -> memref<128xi32, #tpu.memory_space<vmem>>
        %dma_start3A_419 = arith.constant 0 : i32
        %dma_start3A_420 = arith.constant 0 : i32
        %dma_start3A_421 = tpu.memref_slice %arg12[%dma_start3A_419, %dma_start3A_420] : memref<20480x8xf32, #tpu.memory_space<hbm>> -> memref<20480x8xf32, #tpu.memory_space<hbm>>
        tpu.enqueue_indirect_dma source(%dma_start3A_421 : memref<20480x8xf32, #tpu.memory_space<hbm>>) target(%dma_start3A_417 : memref<128x8xf32, #tpu.memory_space<vmem>>) offsets(%dma_start3A_418 : memref<128xi32, #tpu.memory_space<vmem>>) semaphore(%arg31 : memref<!tpu.dma_semaphore, #tpu.memory_space<semaphore_mem>>)
      } else {
      }
      %ge3A_328 = arith.constant 4 : i32
      %ge3A_329 = arith.cmpi sge, %add3A_314, %ge3A_328 : i32
      %lt3A_330 = arith.constant 84 : i32
      %lt3A_331 = arith.cmpi slt, %add3A_314, %lt3A_330 : i32
      %and3A_332 = arith.andi %ge3A_329, %lt3A_331 : i1
      %convert_element_type3A_333 = arith.extui %and3A_332 : i1 to i32
      %cond3A_334 = arith.constant 0 : i32
      %cond3A_335 = arith.cmpi ne, %convert_element_type3A_333, %cond3A_334 : i32
      scf.if %cond3A_335 {
        %sub3A = arith.constant 4 : i32
        %sub3A_411 = arith.subi %add3A_314, %sub3A : i32
        %mul3A_412 = arith.constant 128 : i32
        %mul3A_413 = arith.muli %sub3A_411, %mul3A_412 : i32
        %dma_wait3A_414 = arith.constant 0 : i32
        %dma_wait3A_415 = arith.constant 0 : i32
        %dma_wait3A_416 = arith.constant 0 : i32
        %dma_wait3A_417 = tpu.memref_slice %arg15[%dma_wait3A_414, %dma_wait3A_415, %dma_wait3A_416] : memref<8x128x8xf32, #tpu.memory_space<vmem>> -> memref<1x128x8xf32, #tpu.memory_space<vmem>>
        %dma_wait3A_418 = tpu.memref_squeeze %dma_wait3A_417 : memref<1x128x8xf32, #tpu.memory_space<vmem>> -> memref<128x8xf32, #tpu.memory_space<vmem>>
        %dma_wait3A_419 = tpu.memref_slice %arg13[%mul3A_413] : memref<10240xi32, #tpu.memory_space<vmem>> -> memref<128xi32, #tpu.memory_space<vmem>>
        %dma_wait3A_420 = arith.constant 0 : i32
        %dma_wait3A_421 = arith.constant 0 : i32
        %dma_wait3A_422 = tpu.memref_slice %arg12[%dma_wait3A_420, %dma_wait3A_421] : memref<20480x8xf32, #tpu.memory_space<hbm>> -> memref<20480x8xf32, #tpu.memory_space<hbm>>
        tpu.wait_indirect_dma semaphore(%arg27 : memref<!tpu.dma_semaphore, #tpu.memory_space<semaphore_mem>>) src(%dma_wait3A_422 : memref<20480x8xf32, #tpu.memory_space<hbm>>) dst(%dma_wait3A_418 : memref<128x8xf32, #tpu.memory_space<vmem>>)
        %dma_start3A_423 = arith.constant 0 : i32
        %dma_start3A_424 = arith.constant 0 : i32
        %dma_start3A_425 = arith.constant 0 : i32
        %dma_start3A_426 = tpu.memref_slice %arg15[%dma_start3A_423, %dma_start3A_424, %dma_start3A_425] : memref<8x128x8xf32, #tpu.memory_space<vmem>> -> memref<1x128x8xf32, #tpu.memory_space<vmem>>
        %dma_start3A_427 = tpu.memref_squeeze %dma_start3A_426 : memref<1x128x8xf32, #tpu.memory_space<vmem>> -> memref<128x8xf32, #tpu.memory_space<vmem>>
        %dma_start3A_428 = arith.constant 0 : i32
        %dma_start3A_429 = tpu.memref_slice %arg14[%sub3A_411, %dma_start3A_428] : memref<80x128xi32, #tpu.memory_space<vmem>> -> memref<1x128xi32, #tpu.memory_space<vmem>>
        %dma_start3A_430 = tpu.memref_squeeze %dma_start3A_429 : memref<1x128xi32, #tpu.memory_space<vmem>> -> memref<128xi32, #tpu.memory_space<vmem>>
        %dma_start3A_431 = arith.constant 0 : i32
        %dma_start3A_432 = arith.constant 0 : i32
        %dma_start3A_433 = tpu.memref_slice %arg17[%dma_start3A_431, %dma_start3A_432] : memref<10240x8xf32, #tpu.memory_space<vmem_shared>> -> memref<10240x8xf32, #tpu.memory_space<vmem_shared>>
        tpu.enqueue_indirect_dma source(%dma_start3A_427 : memref<128x8xf32, #tpu.memory_space<vmem>>) target(%dma_start3A_433 : memref<10240x8xf32, #tpu.memory_space<vmem_shared>>) offsets(%dma_start3A_430 : memref<128xi32, #tpu.memory_space<vmem>>) semaphore(%arg35 : memref<!tpu.dma_semaphore, #tpu.memory_space<semaphore_mem>>) {add = true}
      } else {
      }
      %mul3A_336 = arith.constant 8 : i32
      %mul3A_337 = arith.muli %mul3A_336, %scan3A_213 : i32
      %add3A_338 = arith.constant 5 : i32
      %add3A_339 = arith.addi %mul3A_337, %add3A_338 : i32
      %ge3A_340 = arith.constant 8 : i32
      %ge3A_341 = arith.cmpi sge, %add3A_339, %ge3A_340 : i32
      %lt3A_342 = arith.constant 80 : i32
      %lt3A_343 = arith.cmpi slt, %add3A_339, %lt3A_342 : i32
      %and3A_344 = arith.andi %ge3A_341, %lt3A_343 : i1
      %convert_element_type3A_345 = arith.extui %and3A_344 : i1 to i32
      %cond3A_346 = arith.constant 0 : i32
      %cond3A_347 = arith.cmpi ne, %convert_element_type3A_345, %cond3A_346 : i32
      scf.if %cond3A_347 {
        %sub3A = arith.constant 8 : i32
        %sub3A_411 = arith.subi %add3A_339, %sub3A : i32
        %dma_wait3A_412 = arith.constant 5 : i32
        %dma_wait3A_413 = arith.constant 0 : i32
        %dma_wait3A_414 = arith.constant 0 : i32
        %dma_wait3A_415 = tpu.memref_slice %arg15[%dma_wait3A_412, %dma_wait3A_413, %dma_wait3A_414] : memref<8x128x8xf32, #tpu.memory_space<vmem>> -> memref<1x128x8xf32, #tpu.memory_space<vmem>>
        %dma_wait3A_416 = tpu.memref_squeeze %dma_wait3A_415 : memref<1x128x8xf32, #tpu.memory_space<vmem>> -> memref<128x8xf32, #tpu.memory_space<vmem>>
        %dma_wait3A_417 = arith.constant 0 : i32
        %dma_wait3A_418 = tpu.memref_slice %arg14[%sub3A_411, %dma_wait3A_417] : memref<80x128xi32, #tpu.memory_space<vmem>> -> memref<1x128xi32, #tpu.memory_space<vmem>>
        %dma_wait3A_419 = tpu.memref_squeeze %dma_wait3A_418 : memref<1x128xi32, #tpu.memory_space<vmem>> -> memref<128xi32, #tpu.memory_space<vmem>>
        %dma_wait3A_420 = arith.constant 0 : i32
        %dma_wait3A_421 = arith.constant 0 : i32
        %dma_wait3A_422 = tpu.memref_slice %arg17[%dma_wait3A_420, %dma_wait3A_421] : memref<10240x8xf32, #tpu.memory_space<vmem_shared>> -> memref<10240x8xf32, #tpu.memory_space<vmem_shared>>
        tpu.wait_indirect_dma semaphore(%arg40 : memref<!tpu.dma_semaphore, #tpu.memory_space<semaphore_mem>>) src(%dma_wait3A_416 : memref<128x8xf32, #tpu.memory_space<vmem>>) dst(%dma_wait3A_422 : memref<10240x8xf32, #tpu.memory_space<vmem_shared>>)
      } else {
      }
      %lt3A_348 = arith.constant 80 : i32
      %lt3A_349 = arith.cmpi slt, %add3A_339, %lt3A_348 : i32
      %convert_element_type3A_350 = arith.extui %lt3A_349 : i1 to i32
      %cond3A_351 = arith.constant 0 : i32
      %cond3A_352 = arith.cmpi ne, %convert_element_type3A_350, %cond3A_351 : i32
      scf.if %cond3A_352 {
        %mul3A_411 = arith.constant 128 : i32
        %mul3A_412 = arith.muli %add3A_339, %mul3A_411 : i32
        %dma_start3A_413 = arith.constant 5 : i32
        %dma_start3A_414 = arith.constant 0 : i32
        %dma_start3A_415 = arith.constant 0 : i32
        %dma_start3A_416 = tpu.memref_slice %arg15[%dma_start3A_413, %dma_start3A_414, %dma_start3A_415] : memref<8x128x8xf32, #tpu.memory_space<vmem>> -> memref<1x128x8xf32, #tpu.memory_space<vmem>>
        %dma_start3A_417 = tpu.memref_squeeze %dma_start3A_416 : memref<1x128x8xf32, #tpu.memory_space<vmem>> -> memref<128x8xf32, #tpu.memory_space<vmem>>
        %dma_start3A_418 = tpu.memref_slice %arg13[%mul3A_412] : memref<10240xi32, #tpu.memory_space<vmem>> -> memref<128xi32, #tpu.memory_space<vmem>>
        %dma_start3A_419 = arith.constant 0 : i32
        %dma_start3A_420 = arith.constant 0 : i32
        %dma_start3A_421 = tpu.memref_slice %arg12[%dma_start3A_419, %dma_start3A_420] : memref<20480x8xf32, #tpu.memory_space<hbm>> -> memref<20480x8xf32, #tpu.memory_space<hbm>>
        tpu.enqueue_indirect_dma source(%dma_start3A_421 : memref<20480x8xf32, #tpu.memory_space<hbm>>) target(%dma_start3A_417 : memref<128x8xf32, #tpu.memory_space<vmem>>) offsets(%dma_start3A_418 : memref<128xi32, #tpu.memory_space<vmem>>) semaphore(%arg32 : memref<!tpu.dma_semaphore, #tpu.memory_space<semaphore_mem>>)
      } else {
      }
      %ge3A_353 = arith.constant 4 : i32
      %ge3A_354 = arith.cmpi sge, %add3A_339, %ge3A_353 : i32
      %lt3A_355 = arith.constant 84 : i32
      %lt3A_356 = arith.cmpi slt, %add3A_339, %lt3A_355 : i32
      %and3A_357 = arith.andi %ge3A_354, %lt3A_356 : i1
      %convert_element_type3A_358 = arith.extui %and3A_357 : i1 to i32
      %cond3A_359 = arith.constant 0 : i32
      %cond3A_360 = arith.cmpi ne, %convert_element_type3A_358, %cond3A_359 : i32
      scf.if %cond3A_360 {
        %sub3A = arith.constant 4 : i32
        %sub3A_411 = arith.subi %add3A_339, %sub3A : i32
        %mul3A_412 = arith.constant 128 : i32
        %mul3A_413 = arith.muli %sub3A_411, %mul3A_412 : i32
        %dma_wait3A_414 = arith.constant 1 : i32
        %dma_wait3A_415 = arith.constant 0 : i32
        %dma_wait3A_416 = arith.constant 0 : i32
        %dma_wait3A_417 = tpu.memref_slice %arg15[%dma_wait3A_414, %dma_wait3A_415, %dma_wait3A_416] : memref<8x128x8xf32, #tpu.memory_space<vmem>> -> memref<1x128x8xf32, #tpu.memory_space<vmem>>
        %dma_wait3A_418 = tpu.memref_squeeze %dma_wait3A_417 : memref<1x128x8xf32, #tpu.memory_space<vmem>> -> memref<128x8xf32, #tpu.memory_space<vmem>>
        %dma_wait3A_419 = tpu.memref_slice %arg13[%mul3A_413] : memref<10240xi32, #tpu.memory_space<vmem>> -> memref<128xi32, #tpu.memory_space<vmem>>
        %dma_wait3A_420 = arith.constant 0 : i32
        %dma_wait3A_421 = arith.constant 0 : i32
        %dma_wait3A_422 = tpu.memref_slice %arg12[%dma_wait3A_420, %dma_wait3A_421] : memref<20480x8xf32, #tpu.memory_space<hbm>> -> memref<20480x8xf32, #tpu.memory_space<hbm>>
        tpu.wait_indirect_dma semaphore(%arg28 : memref<!tpu.dma_semaphore, #tpu.memory_space<semaphore_mem>>) src(%dma_wait3A_422 : memref<20480x8xf32, #tpu.memory_space<hbm>>) dst(%dma_wait3A_418 : memref<128x8xf32, #tpu.memory_space<vmem>>)
        %dma_start3A_423 = arith.constant 1 : i32
        %dma_start3A_424 = arith.constant 0 : i32
        %dma_start3A_425 = arith.constant 0 : i32
        %dma_start3A_426 = tpu.memref_slice %arg15[%dma_start3A_423, %dma_start3A_424, %dma_start3A_425] : memref<8x128x8xf32, #tpu.memory_space<vmem>> -> memref<1x128x8xf32, #tpu.memory_space<vmem>>
        %dma_start3A_427 = tpu.memref_squeeze %dma_start3A_426 : memref<1x128x8xf32, #tpu.memory_space<vmem>> -> memref<128x8xf32, #tpu.memory_space<vmem>>
        %dma_start3A_428 = arith.constant 0 : i32
        %dma_start3A_429 = tpu.memref_slice %arg14[%sub3A_411, %dma_start3A_428] : memref<80x128xi32, #tpu.memory_space<vmem>> -> memref<1x128xi32, #tpu.memory_space<vmem>>
        %dma_start3A_430 = tpu.memref_squeeze %dma_start3A_429 : memref<1x128xi32, #tpu.memory_space<vmem>> -> memref<128xi32, #tpu.memory_space<vmem>>
        %dma_start3A_431 = arith.constant 0 : i32
        %dma_start3A_432 = arith.constant 0 : i32
        %dma_start3A_433 = tpu.memref_slice %arg17[%dma_start3A_431, %dma_start3A_432] : memref<10240x8xf32, #tpu.memory_space<vmem_shared>> -> memref<10240x8xf32, #tpu.memory_space<vmem_shared>>
        tpu.enqueue_indirect_dma source(%dma_start3A_427 : memref<128x8xf32, #tpu.memory_space<vmem>>) target(%dma_start3A_433 : memref<10240x8xf32, #tpu.memory_space<vmem_shared>>) offsets(%dma_start3A_430 : memref<128xi32, #tpu.memory_space<vmem>>) semaphore(%arg36 : memref<!tpu.dma_semaphore, #tpu.memory_space<semaphore_mem>>) {add = true}
      } else {
      }
      %mul3A_361 = arith.constant 8 : i32
      %mul3A_362 = arith.muli %mul3A_361, %scan3A_213 : i32
      %add3A_363 = arith.constant 6 : i32
      %add3A_364 = arith.addi %mul3A_362, %add3A_363 : i32
      %ge3A_365 = arith.constant 8 : i32
      %ge3A_366 = arith.cmpi sge, %add3A_364, %ge3A_365 : i32
      %lt3A_367 = arith.constant 80 : i32
      %lt3A_368 = arith.cmpi slt, %add3A_364, %lt3A_367 : i32
      %and3A_369 = arith.andi %ge3A_366, %lt3A_368 : i1
      %convert_element_type3A_370 = arith.extui %and3A_369 : i1 to i32
      %cond3A_371 = arith.constant 0 : i32
      %cond3A_372 = arith.cmpi ne, %convert_element_type3A_370, %cond3A_371 : i32
      scf.if %cond3A_372 {
        %sub3A = arith.constant 8 : i32
        %sub3A_411 = arith.subi %add3A_364, %sub3A : i32
        %dma_wait3A_412 = arith.constant 6 : i32
        %dma_wait3A_413 = arith.constant 0 : i32
        %dma_wait3A_414 = arith.constant 0 : i32
        %dma_wait3A_415 = tpu.memref_slice %arg15[%dma_wait3A_412, %dma_wait3A_413, %dma_wait3A_414] : memref<8x128x8xf32, #tpu.memory_space<vmem>> -> memref<1x128x8xf32, #tpu.memory_space<vmem>>
        %dma_wait3A_416 = tpu.memref_squeeze %dma_wait3A_415 : memref<1x128x8xf32, #tpu.memory_space<vmem>> -> memref<128x8xf32, #tpu.memory_space<vmem>>
        %dma_wait3A_417 = arith.constant 0 : i32
        %dma_wait3A_418 = tpu.memref_slice %arg14[%sub3A_411, %dma_wait3A_417] : memref<80x128xi32, #tpu.memory_space<vmem>> -> memref<1x128xi32, #tpu.memory_space<vmem>>
        %dma_wait3A_419 = tpu.memref_squeeze %dma_wait3A_418 : memref<1x128xi32, #tpu.memory_space<vmem>> -> memref<128xi32, #tpu.memory_space<vmem>>
        %dma_wait3A_420 = arith.constant 0 : i32
        %dma_wait3A_421 = arith.constant 0 : i32
        %dma_wait3A_422 = tpu.memref_slice %arg17[%dma_wait3A_420, %dma_wait3A_421] : memref<10240x8xf32, #tpu.memory_space<vmem_shared>> -> memref<10240x8xf32, #tpu.memory_space<vmem_shared>>
        tpu.wait_indirect_dma semaphore(%arg41 : memref<!tpu.dma_semaphore, #tpu.memory_space<semaphore_mem>>) src(%dma_wait3A_416 : memref<128x8xf32, #tpu.memory_space<vmem>>) dst(%dma_wait3A_422 : memref<10240x8xf32, #tpu.memory_space<vmem_shared>>)
      } else {
      }
      %lt3A_373 = arith.constant 80 : i32
      %lt3A_374 = arith.cmpi slt, %add3A_364, %lt3A_373 : i32
      %convert_element_type3A_375 = arith.extui %lt3A_374 : i1 to i32
      %cond3A_376 = arith.constant 0 : i32
      %cond3A_377 = arith.cmpi ne, %convert_element_type3A_375, %cond3A_376 : i32
      scf.if %cond3A_377 {
        %mul3A_411 = arith.constant 128 : i32
        %mul3A_412 = arith.muli %add3A_364, %mul3A_411 : i32
        %dma_start3A_413 = arith.constant 6 : i32
        %dma_start3A_414 = arith.constant 0 : i32
        %dma_start3A_415 = arith.constant 0 : i32
        %dma_start3A_416 = tpu.memref_slice %arg15[%dma_start3A_413, %dma_start3A_414, %dma_start3A_415] : memref<8x128x8xf32, #tpu.memory_space<vmem>> -> memref<1x128x8xf32, #tpu.memory_space<vmem>>
        %dma_start3A_417 = tpu.memref_squeeze %dma_start3A_416 : memref<1x128x8xf32, #tpu.memory_space<vmem>> -> memref<128x8xf32, #tpu.memory_space<vmem>>
        %dma_start3A_418 = tpu.memref_slice %arg13[%mul3A_412] : memref<10240xi32, #tpu.memory_space<vmem>> -> memref<128xi32, #tpu.memory_space<vmem>>
        %dma_start3A_419 = arith.constant 0 : i32
        %dma_start3A_420 = arith.constant 0 : i32
        %dma_start3A_421 = tpu.memref_slice %arg12[%dma_start3A_419, %dma_start3A_420] : memref<20480x8xf32, #tpu.memory_space<hbm>> -> memref<20480x8xf32, #tpu.memory_space<hbm>>
        tpu.enqueue_indirect_dma source(%dma_start3A_421 : memref<20480x8xf32, #tpu.memory_space<hbm>>) target(%dma_start3A_417 : memref<128x8xf32, #tpu.memory_space<vmem>>) offsets(%dma_start3A_418 : memref<128xi32, #tpu.memory_space<vmem>>) semaphore(%arg33 : memref<!tpu.dma_semaphore, #tpu.memory_space<semaphore_mem>>)
      } else {
      }
      %ge3A_378 = arith.constant 4 : i32
      %ge3A_379 = arith.cmpi sge, %add3A_364, %ge3A_378 : i32
      %lt3A_380 = arith.constant 84 : i32
      %lt3A_381 = arith.cmpi slt, %add3A_364, %lt3A_380 : i32
      %and3A_382 = arith.andi %ge3A_379, %lt3A_381 : i1
      %convert_element_type3A_383 = arith.extui %and3A_382 : i1 to i32
      %cond3A_384 = arith.constant 0 : i32
      %cond3A_385 = arith.cmpi ne, %convert_element_type3A_383, %cond3A_384 : i32
      scf.if %cond3A_385 {
        %sub3A = arith.constant 4 : i32
        %sub3A_411 = arith.subi %add3A_364, %sub3A : i32
        %mul3A_412 = arith.constant 128 : i32
        %mul3A_413 = arith.muli %sub3A_411, %mul3A_412 : i32
        %dma_wait3A_414 = arith.constant 2 : i32
        %dma_wait3A_415 = arith.constant 0 : i32
        %dma_wait3A_416 = arith.constant 0 : i32
        %dma_wait3A_417 = tpu.memref_slice %arg15[%dma_wait3A_414, %dma_wait3A_415, %dma_wait3A_416] : memref<8x128x8xf32, #tpu.memory_space<vmem>> -> memref<1x128x8xf32, #tpu.memory_space<vmem>>
        %dma_wait3A_418 = tpu.memref_squeeze %dma_wait3A_417 : memref<1x128x8xf32, #tpu.memory_space<vmem>> -> memref<128x8xf32, #tpu.memory_space<vmem>>
        %dma_wait3A_419 = tpu.memref_slice %arg13[%mul3A_413] : memref<10240xi32, #tpu.memory_space<vmem>> -> memref<128xi32, #tpu.memory_space<vmem>>
        %dma_wait3A_420 = arith.constant 0 : i32
        %dma_wait3A_421 = arith.constant 0 : i32
        %dma_wait3A_422 = tpu.memref_slice %arg12[%dma_wait3A_420, %dma_wait3A_421] : memref<20480x8xf32, #tpu.memory_space<hbm>> -> memref<20480x8xf32, #tpu.memory_space<hbm>>
        tpu.wait_indirect_dma semaphore(%arg29 : memref<!tpu.dma_semaphore, #tpu.memory_space<semaphore_mem>>) src(%dma_wait3A_422 : memref<20480x8xf32, #tpu.memory_space<hbm>>) dst(%dma_wait3A_418 : memref<128x8xf32, #tpu.memory_space<vmem>>)
        %dma_start3A_423 = arith.constant 2 : i32
        %dma_start3A_424 = arith.constant 0 : i32
        %dma_start3A_425 = arith.constant 0 : i32
        %dma_start3A_426 = tpu.memref_slice %arg15[%dma_start3A_423, %dma_start3A_424, %dma_start3A_425] : memref<8x128x8xf32, #tpu.memory_space<vmem>> -> memref<1x128x8xf32, #tpu.memory_space<vmem>>
        %dma_start3A_427 = tpu.memref_squeeze %dma_start3A_426 : memref<1x128x8xf32, #tpu.memory_space<vmem>> -> memref<128x8xf32, #tpu.memory_space<vmem>>
        %dma_start3A_428 = arith.constant 0 : i32
        %dma_start3A_429 = tpu.memref_slice %arg14[%sub3A_411, %dma_start3A_428] : memref<80x128xi32, #tpu.memory_space<vmem>> -> memref<1x128xi32, #tpu.memory_space<vmem>>
        %dma_start3A_430 = tpu.memref_squeeze %dma_start3A_429 : memref<1x128xi32, #tpu.memory_space<vmem>> -> memref<128xi32, #tpu.memory_space<vmem>>
        %dma_start3A_431 = arith.constant 0 : i32
        %dma_start3A_432 = arith.constant 0 : i32
        %dma_start3A_433 = tpu.memref_slice %arg17[%dma_start3A_431, %dma_start3A_432] : memref<10240x8xf32, #tpu.memory_space<vmem_shared>> -> memref<10240x8xf32, #tpu.memory_space<vmem_shared>>
        tpu.enqueue_indirect_dma source(%dma_start3A_427 : memref<128x8xf32, #tpu.memory_space<vmem>>) target(%dma_start3A_433 : memref<10240x8xf32, #tpu.memory_space<vmem_shared>>) offsets(%dma_start3A_430 : memref<128xi32, #tpu.memory_space<vmem>>) semaphore(%arg37 : memref<!tpu.dma_semaphore, #tpu.memory_space<semaphore_mem>>) {add = true}
      } else {
      }
      %mul3A_386 = arith.constant 8 : i32
      %mul3A_387 = arith.muli %mul3A_386, %scan3A_213 : i32
      %add3A_388 = arith.constant 7 : i32
      %add3A_389 = arith.addi %mul3A_387, %add3A_388 : i32
      %ge3A_390 = arith.constant 8 : i32
      %ge3A_391 = arith.cmpi sge, %add3A_389, %ge3A_390 : i32
      %lt3A_392 = arith.constant 80 : i32
      %lt3A_393 = arith.cmpi slt, %add3A_389, %lt3A_392 : i32
      %and3A_394 = arith.andi %ge3A_391, %lt3A_393 : i1
      %convert_element_type3A_395 = arith.extui %and3A_394 : i1 to i32
      %cond3A_396 = arith.constant 0 : i32
      %cond3A_397 = arith.cmpi ne, %convert_element_type3A_395, %cond3A_396 : i32
      scf.if %cond3A_397 {
        %sub3A = arith.constant 8 : i32
        %sub3A_411 = arith.subi %add3A_389, %sub3A : i32
        %dma_wait3A_412 = arith.constant 7 : i32
        %dma_wait3A_413 = arith.constant 0 : i32
        %dma_wait3A_414 = arith.constant 0 : i32
        %dma_wait3A_415 = tpu.memref_slice %arg15[%dma_wait3A_412, %dma_wait3A_413, %dma_wait3A_414] : memref<8x128x8xf32, #tpu.memory_space<vmem>> -> memref<1x128x8xf32, #tpu.memory_space<vmem>>
        %dma_wait3A_416 = tpu.memref_squeeze %dma_wait3A_415 : memref<1x128x8xf32, #tpu.memory_space<vmem>> -> memref<128x8xf32, #tpu.memory_space<vmem>>
        %dma_wait3A_417 = arith.constant 0 : i32
        %dma_wait3A_418 = tpu.memref_slice %arg14[%sub3A_411, %dma_wait3A_417] : memref<80x128xi32, #tpu.memory_space<vmem>> -> memref<1x128xi32, #tpu.memory_space<vmem>>
        %dma_wait3A_419 = tpu.memref_squeeze %dma_wait3A_418 : memref<1x128xi32, #tpu.memory_space<vmem>> -> memref<128xi32, #tpu.memory_space<vmem>>
        %dma_wait3A_420 = arith.constant 0 : i32
        %dma_wait3A_421 = arith.constant 0 : i32
        %dma_wait3A_422 = tpu.memref_slice %arg17[%dma_wait3A_420, %dma_wait3A_421] : memref<10240x8xf32, #tpu.memory_space<vmem_shared>> -> memref<10240x8xf32, #tpu.memory_space<vmem_shared>>
        tpu.wait_indirect_dma semaphore(%arg42 : memref<!tpu.dma_semaphore, #tpu.memory_space<semaphore_mem>>) src(%dma_wait3A_416 : memref<128x8xf32, #tpu.memory_space<vmem>>) dst(%dma_wait3A_422 : memref<10240x8xf32, #tpu.memory_space<vmem_shared>>)
      } else {
      }
      %lt3A_398 = arith.constant 80 : i32
      %lt3A_399 = arith.cmpi slt, %add3A_389, %lt3A_398 : i32
      %convert_element_type3A_400 = arith.extui %lt3A_399 : i1 to i32
      %cond3A_401 = arith.constant 0 : i32
      %cond3A_402 = arith.cmpi ne, %convert_element_type3A_400, %cond3A_401 : i32
      scf.if %cond3A_402 {
        %mul3A_411 = arith.constant 128 : i32
        %mul3A_412 = arith.muli %add3A_389, %mul3A_411 : i32
        %dma_start3A_413 = arith.constant 7 : i32
        %dma_start3A_414 = arith.constant 0 : i32
        %dma_start3A_415 = arith.constant 0 : i32
        %dma_start3A_416 = tpu.memref_slice %arg15[%dma_start3A_413, %dma_start3A_414, %dma_start3A_415] : memref<8x128x8xf32, #tpu.memory_space<vmem>> -> memref<1x128x8xf32, #tpu.memory_space<vmem>>
        %dma_start3A_417 = tpu.memref_squeeze %dma_start3A_416 : memref<1x128x8xf32, #tpu.memory_space<vmem>> -> memref<128x8xf32, #tpu.memory_space<vmem>>
        %dma_start3A_418 = tpu.memref_slice %arg13[%mul3A_412] : memref<10240xi32, #tpu.memory_space<vmem>> -> memref<128xi32, #tpu.memory_space<vmem>>
        %dma_start3A_419 = arith.constant 0 : i32
        %dma_start3A_420 = arith.constant 0 : i32
        %dma_start3A_421 = tpu.memref_slice %arg12[%dma_start3A_419, %dma_start3A_420] : memref<20480x8xf32, #tpu.memory_space<hbm>> -> memref<20480x8xf32, #tpu.memory_space<hbm>>
        tpu.enqueue_indirect_dma source(%dma_start3A_421 : memref<20480x8xf32, #tpu.memory_space<hbm>>) target(%dma_start3A_417 : memref<128x8xf32, #tpu.memory_space<vmem>>) offsets(%dma_start3A_418 : memref<128xi32, #tpu.memory_space<vmem>>) semaphore(%arg34 : memref<!tpu.dma_semaphore, #tpu.memory_space<semaphore_mem>>)
      } else {
      }
      %ge3A_403 = arith.constant 4 : i32
      %ge3A_404 = arith.cmpi sge, %add3A_389, %ge3A_403 : i32
      %lt3A_405 = arith.constant 84 : i32
      %lt3A_406 = arith.cmpi slt, %add3A_389, %lt3A_405 : i32
      %and3A_407 = arith.andi %ge3A_404, %lt3A_406 : i1
      %convert_element_type3A_408 = arith.extui %and3A_407 : i1 to i32
      %cond3A_409 = arith.constant 0 : i32
      %cond3A_410 = arith.cmpi ne, %convert_element_type3A_408, %cond3A_409 : i32
      scf.if %cond3A_410 {
        %sub3A = arith.constant 4 : i32
        %sub3A_411 = arith.subi %add3A_389, %sub3A : i32
        %mul3A_412 = arith.constant 128 : i32
        %mul3A_413 = arith.muli %sub3A_411, %mul3A_412 : i32
        %dma_wait3A_414 = arith.constant 3 : i32
        %dma_wait3A_415 = arith.constant 0 : i32
        %dma_wait3A_416 = arith.constant 0 : i32
        %dma_wait3A_417 = tpu.memref_slice %arg15[%dma_wait3A_414, %dma_wait3A_415, %dma_wait3A_416] : memref<8x128x8xf32, #tpu.memory_space<vmem>> -> memref<1x128x8xf32, #tpu.memory_space<vmem>>
        %dma_wait3A_418 = tpu.memref_squeeze %dma_wait3A_417 : memref<1x128x8xf32, #tpu.memory_space<vmem>> -> memref<128x8xf32, #tpu.memory_space<vmem>>
        %dma_wait3A_419 = tpu.memref_slice %arg13[%mul3A_413] : memref<10240xi32, #tpu.memory_space<vmem>> -> memref<128xi32, #tpu.memory_space<vmem>>
        %dma_wait3A_420 = arith.constant 0 : i32
        %dma_wait3A_421 = arith.constant 0 : i32
        %dma_wait3A_422 = tpu.memref_slice %arg12[%dma_wait3A_420, %dma_wait3A_421] : memref<20480x8xf32, #tpu.memory_space<hbm>> -> memref<20480x8xf32, #tpu.memory_space<hbm>>
        tpu.wait_indirect_dma semaphore(%arg30 : memref<!tpu.dma_semaphore, #tpu.memory_space<semaphore_mem>>) src(%dma_wait3A_422 : memref<20480x8xf32, #tpu.memory_space<hbm>>) dst(%dma_wait3A_418 : memref<128x8xf32, #tpu.memory_space<vmem>>)
        %dma_start3A_423 = arith.constant 3 : i32
        %dma_start3A_424 = arith.constant 0 : i32
        %dma_start3A_425 = arith.constant 0 : i32
        %dma_start3A_426 = tpu.memref_slice %arg15[%dma_start3A_423, %dma_start3A_424, %dma_start3A_425] : memref<8x128x8xf32, #tpu.memory_space<vmem>> -> memref<1x128x8xf32, #tpu.memory_space<vmem>>
        %dma_start3A_427 = tpu.memref_squeeze %dma_start3A_426 : memref<1x128x8xf32, #tpu.memory_space<vmem>> -> memref<128x8xf32, #tpu.memory_space<vmem>>
        %dma_start3A_428 = arith.constant 0 : i32
        %dma_start3A_429 = tpu.memref_slice %arg14[%sub3A_411, %dma_start3A_428] : memref<80x128xi32, #tpu.memory_space<vmem>> -> memref<1x128xi32, #tpu.memory_space<vmem>>
        %dma_start3A_430 = tpu.memref_squeeze %dma_start3A_429 : memref<1x128xi32, #tpu.memory_space<vmem>> -> memref<128xi32, #tpu.memory_space<vmem>>
        %dma_start3A_431 = arith.constant 0 : i32
        %dma_start3A_432 = arith.constant 0 : i32
        %dma_start3A_433 = tpu.memref_slice %arg17[%dma_start3A_431, %dma_start3A_432] : memref<10240x8xf32, #tpu.memory_space<vmem_shared>> -> memref<10240x8xf32, #tpu.memory_space<vmem_shared>>
        tpu.enqueue_indirect_dma source(%dma_start3A_427 : memref<128x8xf32, #tpu.memory_space<vmem>>) target(%dma_start3A_433 : memref<10240x8xf32, #tpu.memory_space<vmem_shared>>) offsets(%dma_start3A_430 : memref<128xi32, #tpu.memory_space<vmem>>) semaphore(%arg38 : memref<!tpu.dma_semaphore, #tpu.memory_space<semaphore_mem>>) {add = true}
      } else {
      }
    }
    %scan3A_115 = arith.constant 11 : i32
    %dma_wait3A_116 = arith.constant 0 : i32
    %dma_wait3A_117 = arith.constant 72 : i32
    %dma_wait3A_118 = arith.constant 0 : i32
    %dma_wait3A_119 = arith.constant 0 : i32
    %dma_wait3A_120 = tpu.memref_slice %arg15[%dma_wait3A_116, %dma_wait3A_118, %dma_wait3A_119] : memref<8x128x8xf32, #tpu.memory_space<vmem>> -> memref<1x128x8xf32, #tpu.memory_space<vmem>>
    %dma_wait3A_121 = tpu.memref_squeeze %dma_wait3A_120 : memref<1x128x8xf32, #tpu.memory_space<vmem>> -> memref<128x8xf32, #tpu.memory_space<vmem>>
    %dma_wait3A_122 = arith.constant 0 : i32
    %dma_wait3A_123 = tpu.memref_slice %arg14[%dma_wait3A_117, %dma_wait3A_122] : memref<80x128xi32, #tpu.memory_space<vmem>> -> memref<1x128xi32, #tpu.memory_space<vmem>>
    %dma_wait3A_124 = tpu.memref_squeeze %dma_wait3A_123 : memref<1x128xi32, #tpu.memory_space<vmem>> -> memref<128xi32, #tpu.memory_space<vmem>>
    %dma_wait3A_125 = arith.constant 0 : i32
    %dma_wait3A_126 = arith.constant 0 : i32
    %dma_wait3A_127 = tpu.memref_slice %arg17[%dma_wait3A_125, %dma_wait3A_126] : memref<10240x8xf32, #tpu.memory_space<vmem_shared>> -> memref<10240x8xf32, #tpu.memory_space<vmem_shared>>
    tpu.wait_indirect_dma semaphore(%arg35 : memref<!tpu.dma_semaphore, #tpu.memory_space<semaphore_mem>>) src(%dma_wait3A_121 : memref<128x8xf32, #tpu.memory_space<vmem>>) dst(%dma_wait3A_127 : memref<10240x8xf32, #tpu.memory_space<vmem_shared>>)
    %dma_wait3A_128 = arith.constant 1 : i32
    %dma_wait3A_129 = arith.constant 73 : i32
    %dma_wait3A_130 = arith.constant 0 : i32
    %dma_wait3A_131 = arith.constant 0 : i32
    %dma_wait3A_132 = tpu.memref_slice %arg15[%dma_wait3A_128, %dma_wait3A_130, %dma_wait3A_131] : memref<8x128x8xf32, #tpu.memory_space<vmem>> -> memref<1x128x8xf32, #tpu.memory_space<vmem>>
    %dma_wait3A_133 = tpu.memref_squeeze %dma_wait3A_132 : memref<1x128x8xf32, #tpu.memory_space<vmem>> -> memref<128x8xf32, #tpu.memory_space<vmem>>
    %dma_wait3A_134 = arith.constant 0 : i32
    %dma_wait3A_135 = tpu.memref_slice %arg14[%dma_wait3A_129, %dma_wait3A_134] : memref<80x128xi32, #tpu.memory_space<vmem>> -> memref<1x128xi32, #tpu.memory_space<vmem>>
    %dma_wait3A_136 = tpu.memref_squeeze %dma_wait3A_135 : memref<1x128xi32, #tpu.memory_space<vmem>> -> memref<128xi32, #tpu.memory_space<vmem>>
    %dma_wait3A_137 = arith.constant 0 : i32
    %dma_wait3A_138 = arith.constant 0 : i32
    %dma_wait3A_139 = tpu.memref_slice %arg17[%dma_wait3A_137, %dma_wait3A_138] : memref<10240x8xf32, #tpu.memory_space<vmem_shared>> -> memref<10240x8xf32, #tpu.memory_space<vmem_shared>>
    tpu.wait_indirect_dma semaphore(%arg36 : memref<!tpu.dma_semaphore, #tpu.memory_space<semaphore_mem>>) src(%dma_wait3A_133 : memref<128x8xf32, #tpu.memory_space<vmem>>) dst(%dma_wait3A_139 : memref<10240x8xf32, #tpu.memory_space<vmem_shared>>)
    %dma_wait3A_140 = arith.constant 2 : i32
    %dma_wait3A_141 = arith.constant 74 : i32
    %dma_wait3A_142 = arith.constant 0 : i32
    %dma_wait3A_143 = arith.constant 0 : i32
    %dma_wait3A_144 = tpu.memref_slice %arg15[%dma_wait3A_140, %dma_wait3A_142, %dma_wait3A_143] : memref<8x128x8xf32, #tpu.memory_space<vmem>> -> memref<1x128x8xf32, #tpu.memory_space<vmem>>
    %dma_wait3A_145 = tpu.memref_squeeze %dma_wait3A_144 : memref<1x128x8xf32, #tpu.memory_space<vmem>> -> memref<128x8xf32, #tpu.memory_space<vmem>>
    %dma_wait3A_146 = arith.constant 0 : i32
    %dma_wait3A_147 = tpu.memref_slice %arg14[%dma_wait3A_141, %dma_wait3A_146] : memref<80x128xi32, #tpu.memory_space<vmem>> -> memref<1x128xi32, #tpu.memory_space<vmem>>
    %dma_wait3A_148 = tpu.memref_squeeze %dma_wait3A_147 : memref<1x128xi32, #tpu.memory_space<vmem>> -> memref<128xi32, #tpu.memory_space<vmem>>
    %dma_wait3A_149 = arith.constant 0 : i32
    %dma_wait3A_150 = arith.constant 0 : i32
    %dma_wait3A_151 = tpu.memref_slice %arg17[%dma_wait3A_149, %dma_wait3A_150] : memref<10240x8xf32, #tpu.memory_space<vmem_shared>> -> memref<10240x8xf32, #tpu.memory_space<vmem_shared>>
    tpu.wait_indirect_dma semaphore(%arg37 : memref<!tpu.dma_semaphore, #tpu.memory_space<semaphore_mem>>) src(%dma_wait3A_145 : memref<128x8xf32, #tpu.memory_space<vmem>>) dst(%dma_wait3A_151 : memref<10240x8xf32, #tpu.memory_space<vmem_shared>>)
    %dma_wait3A_152 = arith.constant 3 : i32
    %dma_wait3A_153 = arith.constant 75 : i32
    %dma_wait3A_154 = arith.constant 0 : i32
    %dma_wait3A_155 = arith.constant 0 : i32
    %dma_wait3A_156 = tpu.memref_slice %arg15[%dma_wait3A_152, %dma_wait3A_154, %dma_wait3A_155] : memref<8x128x8xf32, #tpu.memory_space<vmem>> -> memref<1x128x8xf32, #tpu.memory_space<vmem>>
    %dma_wait3A_157 = tpu.memref_squeeze %dma_wait3A_156 : memref<1x128x8xf32, #tpu.memory_space<vmem>> -> memref<128x8xf32, #tpu.memory_space<vmem>>
    %dma_wait3A_158 = arith.constant 0 : i32
    %dma_wait3A_159 = tpu.memref_slice %arg14[%dma_wait3A_153, %dma_wait3A_158] : memref<80x128xi32, #tpu.memory_space<vmem>> -> memref<1x128xi32, #tpu.memory_space<vmem>>
    %dma_wait3A_160 = tpu.memref_squeeze %dma_wait3A_159 : memref<1x128xi32, #tpu.memory_space<vmem>> -> memref<128xi32, #tpu.memory_space<vmem>>
    %dma_wait3A_161 = arith.constant 0 : i32
    %dma_wait3A_162 = arith.constant 0 : i32
    %dma_wait3A_163 = tpu.memref_slice %arg17[%dma_wait3A_161, %dma_wait3A_162] : memref<10240x8xf32, #tpu.memory_space<vmem_shared>> -> memref<10240x8xf32, #tpu.memory_space<vmem_shared>>
    tpu.wait_indirect_dma semaphore(%arg38 : memref<!tpu.dma_semaphore, #tpu.memory_space<semaphore_mem>>) src(%dma_wait3A_157 : memref<128x8xf32, #tpu.memory_space<vmem>>) dst(%dma_wait3A_163 : memref<10240x8xf32, #tpu.memory_space<vmem_shared>>)
    %dma_wait3A_164 = arith.constant 4 : i32
    %dma_wait3A_165 = arith.constant 76 : i32
    %dma_wait3A_166 = arith.constant 0 : i32
    %dma_wait3A_167 = arith.constant 0 : i32
    %dma_wait3A_168 = tpu.memref_slice %arg15[%dma_wait3A_164, %dma_wait3A_166, %dma_wait3A_167] : memref<8x128x8xf32, #tpu.memory_space<vmem>> -> memref<1x128x8xf32, #tpu.memory_space<vmem>>
    %dma_wait3A_169 = tpu.memref_squeeze %dma_wait3A_168 : memref<1x128x8xf32, #tpu.memory_space<vmem>> -> memref<128x8xf32, #tpu.memory_space<vmem>>
    %dma_wait3A_170 = arith.constant 0 : i32
    %dma_wait3A_171 = tpu.memref_slice %arg14[%dma_wait3A_165, %dma_wait3A_170] : memref<80x128xi32, #tpu.memory_space<vmem>> -> memref<1x128xi32, #tpu.memory_space<vmem>>
    %dma_wait3A_172 = tpu.memref_squeeze %dma_wait3A_171 : memref<1x128xi32, #tpu.memory_space<vmem>> -> memref<128xi32, #tpu.memory_space<vmem>>
    %dma_wait3A_173 = arith.constant 0 : i32
    %dma_wait3A_174 = arith.constant 0 : i32
    %dma_wait3A_175 = tpu.memref_slice %arg17[%dma_wait3A_173, %dma_wait3A_174] : memref<10240x8xf32, #tpu.memory_space<vmem_shared>> -> memref<10240x8xf32, #tpu.memory_space<vmem_shared>>
    tpu.wait_indirect_dma semaphore(%arg39 : memref<!tpu.dma_semaphore, #tpu.memory_space<semaphore_mem>>) src(%dma_wait3A_169 : memref<128x8xf32, #tpu.memory_space<vmem>>) dst(%dma_wait3A_175 : memref<10240x8xf32, #tpu.memory_space<vmem_shared>>)
    %dma_wait3A_176 = arith.constant 5 : i32
    %dma_wait3A_177 = arith.constant 77 : i32
    %dma_wait3A_178 = arith.constant 0 : i32
    %dma_wait3A_179 = arith.constant 0 : i32
    %dma_wait3A_180 = tpu.memref_slice %arg15[%dma_wait3A_176, %dma_wait3A_178, %dma_wait3A_179] : memref<8x128x8xf32, #tpu.memory_space<vmem>> -> memref<1x128x8xf32, #tpu.memory_space<vmem>>
    %dma_wait3A_181 = tpu.memref_squeeze %dma_wait3A_180 : memref<1x128x8xf32, #tpu.memory_space<vmem>> -> memref<128x8xf32, #tpu.memory_space<vmem>>
    %dma_wait3A_182 = arith.constant 0 : i32
    %dma_wait3A_183 = tpu.memref_slice %arg14[%dma_wait3A_177, %dma_wait3A_182] : memref<80x128xi32, #tpu.memory_space<vmem>> -> memref<1x128xi32, #tpu.memory_space<vmem>>
    %dma_wait3A_184 = tpu.memref_squeeze %dma_wait3A_183 : memref<1x128xi32, #tpu.memory_space<vmem>> -> memref<128xi32, #tpu.memory_space<vmem>>
    %dma_wait3A_185 = arith.constant 0 : i32
    %dma_wait3A_186 = arith.constant 0 : i32
    %dma_wait3A_187 = tpu.memref_slice %arg17[%dma_wait3A_185, %dma_wait3A_186] : memref<10240x8xf32, #tpu.memory_space<vmem_shared>> -> memref<10240x8xf32, #tpu.memory_space<vmem_shared>>
    tpu.wait_indirect_dma semaphore(%arg40 : memref<!tpu.dma_semaphore, #tpu.memory_space<semaphore_mem>>) src(%dma_wait3A_181 : memref<128x8xf32, #tpu.memory_space<vmem>>) dst(%dma_wait3A_187 : memref<10240x8xf32, #tpu.memory_space<vmem_shared>>)
    %dma_wait3A_188 = arith.constant 6 : i32
    %dma_wait3A_189 = arith.constant 78 : i32
    %dma_wait3A_190 = arith.constant 0 : i32
    %dma_wait3A_191 = arith.constant 0 : i32
    %dma_wait3A_192 = tpu.memref_slice %arg15[%dma_wait3A_188, %dma_wait3A_190, %dma_wait3A_191] : memref<8x128x8xf32, #tpu.memory_space<vmem>> -> memref<1x128x8xf32, #tpu.memory_space<vmem>>
    %dma_wait3A_193 = tpu.memref_squeeze %dma_wait3A_192 : memref<1x128x8xf32, #tpu.memory_space<vmem>> -> memref<128x8xf32, #tpu.memory_space<vmem>>
    %dma_wait3A_194 = arith.constant 0 : i32
    %dma_wait3A_195 = tpu.memref_slice %arg14[%dma_wait3A_189, %dma_wait3A_194] : memref<80x128xi32, #tpu.memory_space<vmem>> -> memref<1x128xi32, #tpu.memory_space<vmem>>
    %dma_wait3A_196 = tpu.memref_squeeze %dma_wait3A_195 : memref<1x128xi32, #tpu.memory_space<vmem>> -> memref<128xi32, #tpu.memory_space<vmem>>
    %dma_wait3A_197 = arith.constant 0 : i32
    %dma_wait3A_198 = arith.constant 0 : i32
    %dma_wait3A_199 = tpu.memref_slice %arg17[%dma_wait3A_197, %dma_wait3A_198] : memref<10240x8xf32, #tpu.memory_space<vmem_shared>> -> memref<10240x8xf32, #tpu.memory_space<vmem_shared>>
    tpu.wait_indirect_dma semaphore(%arg41 : memref<!tpu.dma_semaphore, #tpu.memory_space<semaphore_mem>>) src(%dma_wait3A_193 : memref<128x8xf32, #tpu.memory_space<vmem>>) dst(%dma_wait3A_199 : memref<10240x8xf32, #tpu.memory_space<vmem_shared>>)
    %dma_wait3A_200 = arith.constant 7 : i32
    %dma_wait3A_201 = arith.constant 79 : i32
    %dma_wait3A_202 = arith.constant 0 : i32
    %dma_wait3A_203 = arith.constant 0 : i32
    %dma_wait3A_204 = tpu.memref_slice %arg15[%dma_wait3A_200, %dma_wait3A_202, %dma_wait3A_203] : memref<8x128x8xf32, #tpu.memory_space<vmem>> -> memref<1x128x8xf32, #tpu.memory_space<vmem>>
    %dma_wait3A_205 = tpu.memref_squeeze %dma_wait3A_204 : memref<1x128x8xf32, #tpu.memory_space<vmem>> -> memref<128x8xf32, #tpu.memory_space<vmem>>
    %dma_wait3A_206 = arith.constant 0 : i32
    %dma_wait3A_207 = tpu.memref_slice %arg14[%dma_wait3A_201, %dma_wait3A_206] : memref<80x128xi32, #tpu.memory_space<vmem>> -> memref<1x128xi32, #tpu.memory_space<vmem>>
    %dma_wait3A_208 = tpu.memref_squeeze %dma_wait3A_207 : memref<1x128xi32, #tpu.memory_space<vmem>> -> memref<128xi32, #tpu.memory_space<vmem>>
    %dma_wait3A_209 = arith.constant 0 : i32
    %dma_wait3A_210 = arith.constant 0 : i32
    %dma_wait3A_211 = tpu.memref_slice %arg17[%dma_wait3A_209, %dma_wait3A_210] : memref<10240x8xf32, #tpu.memory_space<vmem_shared>> -> memref<10240x8xf32, #tpu.memory_space<vmem_shared>>
    tpu.wait_indirect_dma semaphore(%arg42 : memref<!tpu.dma_semaphore, #tpu.memory_space<semaphore_mem>>) src(%dma_wait3A_205 : memref<128x8xf32, #tpu.memory_space<vmem>>) dst(%dma_wait3A_211 : memref<10240x8xf32, #tpu.memory_space<vmem_shared>>)
    %barrier3A_212 = arith.constant 0 : index
    tpu.barrier barrier_id(%barrier3A_212)
    "tpu.region"() ({
      %run_scoped3A = tpu.sem_alloc : memref<!tpu.dma_semaphore, #tpu.memory_space<semaphore_mem>>
      %dma_start3A_213 = arith.constant 0 : i32
      %dma_start3A_214 = tpu.memref_slice %arg9[%arg0, %mul3A_2, %dma_start3A_213] : memref<2x10240x8xf32, #tpu.memory_space<hbm>> -> memref<1x640x8xf32, #tpu.memory_space<hbm>>
      %dma_start3A_215 = tpu.memref_squeeze %dma_start3A_214 : memref<1x640x8xf32, #tpu.memory_space<hbm>> -> memref<640x8xf32, #tpu.memory_space<hbm>>
      %dma_start3A_216 = arith.constant 0 : i32
      %dma_start3A_217 = tpu.memref_slice %arg17[%mul3A_2, %dma_start3A_216] : memref<10240x8xf32, #tpu.memory_space<vmem_shared>> -> memref<640x8xf32, #tpu.memory_space<vmem_shared>>
      tpu.enqueue_dma source(%dma_start3A_217 : memref<640x8xf32, #tpu.memory_space<vmem_shared>>) target(%dma_start3A_215 : memref<640x8xf32, #tpu.memory_space<hbm>>) target_semaphore(%run_scoped3A : memref<!tpu.dma_semaphore, #tpu.memory_space<semaphore_mem>>)
      %dma_wait3A_218 = arith.constant 0 : i32
      %dma_wait3A_219 = tpu.memref_slice %arg9[%arg0, %mul3A_2, %dma_wait3A_218] : memref<2x10240x8xf32, #tpu.memory_space<hbm>> -> memref<1x640x8xf32, #tpu.memory_space<hbm>>
      %dma_wait3A_220 = tpu.memref_squeeze %dma_wait3A_219 : memref<1x640x8xf32, #tpu.memory_space<hbm>> -> memref<640x8xf32, #tpu.memory_space<hbm>>
      %dma_wait3A_221 = arith.constant 0 : i32
      %dma_wait3A_222 = tpu.memref_slice %arg17[%mul3A_2, %dma_wait3A_221] : memref<10240x8xf32, #tpu.memory_space<vmem_shared>> -> memref<640x8xf32, #tpu.memory_space<vmem_shared>>
      tpu.wait_dma2 semaphore(%run_scoped3A : memref<!tpu.dma_semaphore, #tpu.memory_space<semaphore_mem>>) src(%dma_wait3A_222 : memref<640x8xf32, #tpu.memory_space<vmem_shared>>) dst(%dma_wait3A_220 : memref<640x8xf32, #tpu.memory_space<hbm>>)
      tpu.yield
    }) : () -> ()
    return
  }
}

module attributes {stable_mosaic.version = 14 : i64} {
  func.func @body(%arg0: memref<10000x128xf32, #tpu.memory_space<vmem>>, %arg1: memref<128x8xf32, #tpu.memory_space<vmem>>, %arg2: memref<1x4xf32, #tpu.memory_space<vmem>>, %arg3: memref<10000x8xf32, #tpu.memory_space<vmem>>, %arg4: memref<10240x4xf32, #tpu.memory_space<vmem>>) attributes {dimension_semantics = [], scalar_prefetch = 0 : i64, scratch_operands = 0 : i64, tpu.core_type = #tpu.core_type<tc>} {
    %get3A = arith.constant 0 : index
    %get3A_0 = arith.constant 0 : index
    %get3A_1 = vector.load %arg0[%get3A, %get3A_0] : memref<10000x128xf32, #tpu.memory_space<vmem>>, vector<10000x128xf32>
    %get3A_2 = arith.constant 0 : index
    %get3A_3 = arith.constant 0 : index
    %get3A_4 = vector.load %arg1[%get3A_2, %get3A_3] : memref<128x8xf32, #tpu.memory_space<vmem>>, vector<128x8xf32>
    %dot_general3A = arith.constant dense<0.000000e+00> : vector<10000x8xf32>
    %dot_general3A_5 = tpu.matmul %get3A_1, %get3A_4, %dot_general3A {dimension_numbers = #tpu.dot_dimension_numbers<[1], [0], [0], [1], [0, 0, 1, 1], [], []>, transpose_lhs_hint = false} : vector<10000x128xf32>, vector<128x8xf32>, vector<10000x8xf32> -> vector<10000x8xf32>
    %broadcast_in_dim3A = arith.constant 1.000000e+00 : f32
    %broadcast_in_dim3A_6 = vector.broadcast %broadcast_in_dim3A : f32 to vector<10000x1xf32>
    %broadcast_in_dim3A_7 = arith.constant 0.000000e+00 : f32
    %broadcast_in_dim3A_8 = vector.broadcast %broadcast_in_dim3A_7 : f32 to vector<10000x3xf32>
    %slice3A = vector.extract_strided_slice %dot_general3A_5 {offsets = [0, 0], sizes = [10000, 4], strides = [1, 1]} : vector<10000x8xf32> to vector<10000x4xf32>
    %concatenate3A = tpu.concatenate %slice3A, %broadcast_in_dim3A_6, %broadcast_in_dim3A_8 in 1 : vector<10000x4xf32>, vector<10000x1xf32>, vector<10000x3xf32> -> vector<10000x8xf32>
    %swap3A = arith.constant 0 : index
    %swap3A_9 = arith.constant 0 : index
    %swap3A_10 = vector.load %arg3[%swap3A, %swap3A_9] : memref<10000x8xf32, #tpu.memory_space<vmem>>, vector<10000x8xf32>
    tpu.vector_store %arg3[%swap3A, %swap3A_9], %concatenate3A {strides = array<i32>} : memref<10000x8xf32, #tpu.memory_space<vmem>>, vector<10000x8xf32>,
    %slice3A_11 = vector.extract_strided_slice %dot_general3A_5 {offsets = [0, 4], sizes = [10000, 4], strides = [1, 1]} : vector<10000x8xf32> to vector<10000x4xf32>
    %get3A_12 = arith.constant 0 : index
    %get3A_13 = arith.constant 0 : index
    %get3A_14 = vector.load %arg2[%get3A_12, %get3A_13] : memref<1x4xf32, #tpu.memory_space<vmem>>, vector<1x4xf32>
    %add3A = vector.broadcast %get3A_14 : vector<1x4xf32> to vector<10000x4xf32>
    %add3A_15 = arith.addf %slice3A_11, %add3A : vector<10000x4xf32>
    %swap3A_16 = arith.constant 0 : index
    %swap3A_17 = arith.constant 0 : index
    %swap3A_18 = vector.load %arg4[%swap3A_16, %swap3A_17] : memref<10240x4xf32, #tpu.memory_space<vmem>>, vector<10000x4xf32>
    tpu.vector_store %arg4[%swap3A_16, %swap3A_17], %add3A_15 {strides = array<i32>} : memref<10240x4xf32, #tpu.memory_space<vmem>>, vector<10000x4xf32>,
    %broadcast_in_dim3A_19 = arith.constant 0.000000e+00 : f32
    %broadcast_in_dim3A_20 = vector.broadcast %broadcast_in_dim3A_19 : f32 to vector<240x4xf32>
    %swap3A_21 = arith.constant 10000 : index
    %swap3A_22 = arith.constant 0 : index
    %swap3A_23 = vector.load %arg4[%swap3A_21, %swap3A_22] : memref<10240x4xf32, #tpu.memory_space<vmem>>, vector<240x4xf32>
    tpu.vector_store %arg4[%swap3A_21, %swap3A_22], %broadcast_in_dim3A_20 {strides = array<i32>} : memref<10240x4xf32, #tpu.memory_space<vmem>>, vector<240x4xf32>,
    return
  }
}

module attributes {stable_mosaic.version = 14 : i64} {
  func.func @body(%arg0: memref<2x10240x8xf32, #tpu.memory_space<vmem>>, %arg1: memref<2x10240x8xf32, #tpu.memory_space<vmem>>, %arg2: memref<10240x4xf32, #tpu.memory_space<vmem>>, %arg3: memref<2x8xf32, #tpu.memory_space<vmem>>, %arg4: memref<1x8xf32, #tpu.memory_space<vmem>>, %arg5: memref<10000x2xf32, #tpu.memory_space<vmem>>, %arg6: memref<10000x8xf32, #tpu.memory_space<vmem>>) attributes {dimension_semantics = [], scalar_prefetch = 0 : i64, scratch_operands = 0 : i64, tpu.core_type = #tpu.core_type<tc>} {
    %get3A = arith.constant 0 : index
    %get3A_0 = arith.constant 0 : index
    %get3A_1 = arith.constant 4 : index
    %get3A_2 = vector.load %arg1[%get3A, %get3A_0, %get3A_1] : memref<2x10240x8xf32, #tpu.memory_space<vmem>>, vector<1x10000x1xf32>
    %get3A_3 = vector.shape_cast %get3A_2 : vector<1x10000x1xf32> to vector<10000xf32>
    %get3A_4 = arith.constant 1 : index
    %get3A_5 = arith.constant 0 : index
    %get3A_6 = arith.constant 4 : index
    %get3A_7 = vector.load %arg1[%get3A_4, %get3A_5, %get3A_6] : memref<2x10240x8xf32, #tpu.memory_space<vmem>>, vector<1x10000x1xf32>
    %get3A_8 = vector.shape_cast %get3A_7 : vector<1x10000x1xf32> to vector<10000xf32>
    %add3A = arith.addf %get3A_3, %get3A_8 : vector<10000xf32>
    %max3A = arith.constant 1.000000e+00 : f32
    %max3A_9 = vector.broadcast %max3A : f32 to vector<10000xf32>
    %max3A_10 = arith.maximumf %add3A, %max3A_9 : vector<10000xf32>
    %div3A = arith.constant 1.000000e+00 : f32
    %div3A_11 = vector.broadcast %div3A : f32 to vector<10000xf32>
    %div3A_12 = arith.divf %div3A_11, %max3A_10 : vector<10000xf32>
    %broadcast_in_dim3A = vector.shape_cast %div3A_12 : vector<10000xf32> to vector<10000x1xf32>
    %get3A_13 = arith.constant 0 : index
    %get3A_14 = arith.constant 0 : index
    %get3A_15 = arith.constant 0 : index
    %get3A_16 = vector.load %arg0[%get3A_13, %get3A_14, %get3A_15] : memref<2x10240x8xf32, #tpu.memory_space<vmem>>, vector<1x10000x2xf32>
    %get3A_17 = vector.shape_cast %get3A_16 : vector<1x10000x2xf32> to vector<10000x2xf32>
    %get3A_18 = arith.constant 1 : index
    %get3A_19 = arith.constant 0 : index
    %get3A_20 = arith.constant 0 : index
    %get3A_21 = vector.load %arg0[%get3A_18, %get3A_19, %get3A_20] : memref<2x10240x8xf32, #tpu.memory_space<vmem>>, vector<1x10000x2xf32>
    %get3A_22 = vector.shape_cast %get3A_21 : vector<1x10000x2xf32> to vector<10000x2xf32>
    %add3A_23 = arith.addf %get3A_17, %get3A_22 : vector<10000x2xf32>
    %mul3A = vector.broadcast %broadcast_in_dim3A : vector<10000x1xf32> to vector<10000x2xf32>
    %mul3A_24 = arith.mulf %add3A_23, %mul3A : vector<10000x2xf32>
    %get3A_25 = arith.constant 0 : index
    %get3A_26 = arith.constant 0 : index
    %get3A_27 = vector.load %arg2[%get3A_25, %get3A_26] : memref<10240x4xf32, #tpu.memory_space<vmem>>, vector<10000x2xf32>
    %add3A_28 = arith.addf %mul3A_24, %get3A_27 : vector<10000x2xf32>
    %tanh3A = math.tanh %add3A_28 : vector<10000x2xf32>
    %swap3A = arith.constant 0 : index
    %swap3A_29 = arith.constant 0 : index
    %swap3A_30 = vector.load %arg5[%swap3A, %swap3A_29] : memref<10000x2xf32, #tpu.memory_space<vmem>>, vector<10000x2xf32>
    tpu.vector_store %arg5[%swap3A, %swap3A_29], %tanh3A {strides = array<i32>} : memref<10000x2xf32, #tpu.memory_space<vmem>>, vector<10000x2xf32>,
    %get3A_31 = arith.constant 0 : index
    %get3A_32 = arith.constant 0 : index
    %get3A_33 = vector.load %arg3[%get3A_31, %get3A_32] : memref<2x8xf32, #tpu.memory_space<vmem>>, vector<2x8xf32>
    %dot_general3A = arith.constant dense<0.000000e+00> : vector<10000x8xf32>
    %dot_general3A_34 = tpu.matmul %tanh3A, %get3A_33, %dot_general3A {dimension_numbers = #tpu.dot_dimension_numbers<[1], [0], [0], [1], [0, 0, 1, 1], [], []>, transpose_lhs_hint = false} : vector<10000x2xf32>, vector<2x8xf32>, vector<10000x8xf32> -> vector<10000x8xf32>
    %get3A_35 = arith.constant 0 : index
    %get3A_36 = arith.constant 0 : index
    %get3A_37 = vector.load %arg4[%get3A_35, %get3A_36] : memref<1x8xf32, #tpu.memory_space<vmem>>, vector<1x8xf32>
    %add3A_38 = vector.broadcast %get3A_37 : vector<1x8xf32> to vector<10000x8xf32>
    %add3A_39 = arith.addf %dot_general3A_34, %add3A_38 : vector<10000x8xf32>
    %swap3A_40 = arith.constant 0 : index
    %swap3A_41 = arith.constant 0 : index
    %swap3A_42 = vector.load %arg6[%swap3A_40, %swap3A_41] : memref<10000x8xf32, #tpu.memory_space<vmem>>, vector<10000x8xf32>
    tpu.vector_store %arg6[%swap3A_40, %swap3A_41], %add3A_39 {strides = array<i32>} : memref<10000x8xf32, #tpu.memory_space<vmem>>, vector<10000x8xf32>,
    return
  }
}

</mosaic_0001>

<sc_bundles>
// kernel: kernel.10.cloned.1.call-start
scs
__scs_entry_jumppad:
0x0: {  	(pc) =	sbr.rel $0x88, $3  }
0x1: {  	(tag) =	ssettag $0x0;
	lr =	simm.s32 $0x1  }
0x2: {  	[smem:$0x3F94] =	sst lr;
	_ =	strace $0xD0000000  }
0x3: {  	_ = 	snop  }
0x4: {  	_ = 	snop  }
0x5: {  	_ = 	snop  }
0x6: {  	_ = 	snop  }
0x7: {  	_ = 	snop  }
__scs_overlays_trampoline_lowered:
0x8: {  	[smem:$0x3FA3] =	sst s0  }
0x9: {  	[smem:$0x3FA4] =	sst s1  }
0xa: {  	[smem:$0x3FA5] =	sst s2  }
0xb: {  	[smem:$0x3FA6] =	sst s3  }
0xc: {  	[smem:$0x3FA7] =	sst s4  }
0xd: {  	[smem:$0x3FA8] =	sst s5  }
0xe: {  	[smem:$0x3FA9] =	sst s6  }
0xf: {  	[smem:$0x3FAA] =	sst s7  }
0x10: {  	[smem:$0x3FAB] =	sst s8  }
0x11: {  	[smem:$0x3FAC] =	sst s9;
	s0 =	simm.s32 @!p0 $0x0  }
0x12: {  	s1 =	sld [smem:$0x3F92];
	s0 =	simm.s32 @p0 $0x1  }
0x13: {  	[smem:$0x3FAD] =	sst s0;
	s0 =	simm.s32 @!p1 $0x0  }
0x14: {  	s2 =	sld [smem:$0x3F91];
	s0 =	simm.s32 @p1 $0x1  }
0x15: {  	[smem:$0x3FAE] =	sst s0;
	s0 =	simm.s32 @!p2 $0x0  }
0x16: {  	s3 =	sld [smem:$0x3FDB];
	s0 =	simm.s32 @p2 $0x1  }
0x17: {  	s4 =	simm.s32 $0x1BF5;
	[smem:$0x3FB0] =	sst s0  }
0x18: {  	s0 =	sld [smem:$0x3F93];
	_ =	swait.ge [sflag:s4], $0x0  }
0x19: {  	s7 =	sld [smem:$0x3F94]  }
0x1a: {  	s8 =	sadd.s32 $0xFFFFE003, lr  }
0x1b: {  	s9 =	sadd.s32 $0xFFFFFEF7, lr;
	s5 =	simm.s32 $0xFFFFFFFF;
	p2 =	slt.u32 s8, $0xFFFFF086  }
0x1c: {  	p1 =	slt.u32 s9, $0xF7A;
	s5 =	simm.s32 @!p2 $0x0  }
0x1d: {  	s5 =	simm.s32 @p1 $0x1;
	p0 =	seq.s32 s7, s2  }
0x1e: {  	s7 =	smul.u32 @!p0 $0xF7A, s2;
	p2 =	seq.s32 @!p0 s5, $0x0  }
0x1f: {  	s9 =	smul.u32 $0xF7A, s1;
	s8 =	simm.s32 @!p0 $0x1BF5;
	p2 =	por !p2, p0  }
0x20: {  	[sflag:s8] =	ssyncset.s32 @!p0 $0xFFFFF086;
	s6 =	sadd.s32 @!p0 s3, s7;
	s7 =	simm.s32 @!p0 $0x108  }
0x21: {  	s3 =	sadd.s32 s3, s9;
	s6 =	sadd.s32 @!p0 $0x88, s6;
	s7 =	simm.s32 @p2 $0x1082  }
0x22: {  	[simem:s7], [sflag:s8] =	dma.local @!p0 [hbm:s6], $0xF7A  }
0x23: {  	s9 =	sor.u32 $0xD0000000, s2;
	s6 =	simm.s32 $0x108;
	_ =	swait.ge @!p0 [sflag:s8], $0x0  }
0x24: {  	s3 =	sadd.s32 $0x88, s3;
	s6 =	simm.s32 @!p1 $0x1082;
	[sflag:s4] =	ssyncset.s32 $0xFFFFF086  }
0x25: {  	[simem:s6], [sflag:s4] =	dma.local [hbm:s3], $0xF7A  }
0x26: {  	[smem:$0x3F94] =	sst s1;
	(tag) =	ssettag s2;
	_ =	strace s9  }
0x27: {  	s1 =	sld [smem:$0x3FA4]  }
0x28: {  	s2 =	sld [smem:$0x3FA5]  }
0x29: {  	s4 =	sld [smem:$0x3FA7]  }
0x2a: {  	p0 =	seq.s32 s5, $0x0;
	s5 =	sld [smem:$0x3FA8]  }
0x2b: {  	s6 =	sld [smem:$0x3FA9]  }
0x2c: {  	s7 =	sld [smem:$0x3FAA]  }
0x2d: {  	s3 =	simm.s32 $0x108;
	s8 =	sld [smem:$0x3FAB]  }
0x2e: {  	s3 =	simm.s32 @!p0 $0x1082;
	s9 =	sld [smem:$0x3FAC]  }
0x2f: {  	lr =	sadd.s32 s0, s3;
	s0 =	sld [smem:$0x3FA3]  }
0x30: {  	s3 =	sld [smem:$0x3FA6]  }
0x31: {  	[smem:$0x3FAF] =	sst s10  }
0x32: {  	s10 =	sld [smem:$0x3FAD];
	_ =	sdelay $0x3  }
0x33: {  	p0 =	seq.s32 s10, $0x1;
	s10 =	sld [smem:$0x3FAF];
	_ =	sdelay $0x3  }
0x34: {  	[smem:$0x3FAF] =	sst s10  }
0x35: {  	s10 =	sld [smem:$0x3FAE];
	_ =	sdelay $0x3  }
0x36: {  	p1 =	seq.s32 s10, $0x1;
	s10 =	sld [smem:$0x3FAF];
	_ =	sdelay $0x3  }
0x37: {  	[smem:$0x3FAF] =	sst s10  }
0x38: {  	s10 =	sld [smem:$0x3FB0]  }
0x39: {  	_ = 	snop;
	(pc) =	sbr.ind lr, $3  }
0x3a: {  	_ = 	snop  }
0x3b: {  	_ = 	snop  }
0x3c: {  	p2 =	seq.s32 s10, $0x1;
	s10 =	sld [smem:$0x3FAF]  }
0x3d: {  	_ =	shalt  }
0x3e: {  	_ =	shalt  }
0x3f: {  	_ =	shalt  }
0x40: {  	_ =	shalt  }
0x41: {  	_ =	shalt  }
0x42: {  	_ =	shalt  }
0x43: {  	_ =	shalt  }
0x44: {  	_ =	shalt  }
0x45: {  	_ =	shalt  }
0x46: {  	_ =	shalt  }
0x47: {  	_ =	shalt  }
0x48: {  	_ =	shalt  }
0x49: {  	_ =	shalt  }
0x4a: {  	_ =	shalt  }
0x4b: {  	_ =	shalt  }
0x4c: {  	_ =	shalt  }
0x4d: {  	_ =	shalt  }
0x4e: {  	_ =	shalt  }
0x4f: {  	_ =	shalt  }
0x50: {  	_ =	shalt  }
0x51: {  	_ =	shalt  }
0x52: {  	_ =	shalt  }
0x53: {  	_ =	shalt  }
0x54: {  	_ =	shalt  }
0x55: {  	_ =	shalt  }
0x56: {  	_ =	shalt  }
0x57: {  	_ =	shalt  }
0x58: {  	_ =	shalt  }
0x59: {  	_ =	shalt  }
0x5a: {  	_ =	shalt  }
0x5b: {  	_ =	shalt  }
0x5c: {  	_ =	shalt  }
0x5d: {  	_ =	shalt  }
0x5e: {  	_ =	shalt  }
0x5f: {  	_ =	shalt  }
0x60: {  	_ =	shalt  }
0x61: {  	_ =	shalt  }
0x62: {  	_ =	shalt  }
0x63: {  	_ =	shalt  }
0x64: {  	_ =	shalt  }
0x65: {  	_ =	shalt  }
0x66: {  	_ =	shalt  }
0x67: {  	_ =	shalt  }
0x68: {  	_ =	shalt  }
0x69: {  	_ =	shalt  }
0x6a: {  	_ =	shalt  }
0x6b: {  	_ =	shalt  }
0x6c: {  	_ =	shalt  }
0x6d: {  	_ =	shalt  }
0x6e: {  	_ =	shalt  }
0x6f: {  	_ =	shalt  }
0x70: {  	_ =	shalt  }
0x71: {  	_ =	shalt  }
0x72: {  	_ =	shalt  }
0x73: {  	_ =	shalt  }
0x74: {  	_ =	shalt  }
0x75: {  	_ =	shalt  }
0x76: {  	_ =	shalt  }
0x77: {  	_ =	shalt  }
0x78: {  	_ =	shalt  }
0x79: {  	_ =	shalt  }
0x7a: {  	_ =	shalt  }
0x7b: {  	_ =	shalt  }
0x7c: {  	_ =	shalt  }
0x7d: {  	_ =	shalt  }
0x7e: {  	_ =	shalt  }
0x7f: {  	_ =	shalt  }
0x80: {  	_ =	shalt  }
0x81: {  	_ =	shalt  }
0x82: {  	_ =	shalt  }
0x83: {  	_ =	shalt  }
0x84: {  	_ =	shalt  }
0x85: {  	_ =	shalt  }
0x86: {  	_ =	shalt  }
0x87: {  	_ =	shalt  }
.Lfunc_end0:
.L_simem_size_0:
called_computation.1_lowered:
.L_overlay_start_0:
0x88: {  	s2 =	sld [smem:$0x3FD9]  }
0x89: {  	s3 =	sld [smem:$0x3FFE];
	_ =	sdelay $0x1  }
0x8a: {  	s1 =	srdreg.scid  }
0x8b: {  	s0 =	sand.u32 $0x1, s1  }
0x8c: {  	s14 =	sshll.u32 s0, $0xA;
	s2 =	sadd.s32 s3, s2  }
0x8d: {  	s2 =	sadd.s32 s2, s14  }
0x8e: {  	[smem:$0x3FBB] =	sst s2  }
0x8f: {  	_ = 	snop  }
0x90: {  	s2 =	sld [smem:$0x3FD0];
	_ =	sdelay $0x2  }
0x91: {  	s15 =	simm.s32 $0xA;
	s4 =	simm.s32 $0x10  }
0x92: {  	[smem:s4], [sflag:s15] =	dma.local [hbm:s2], $0x1  }
0x93: {  	_ =	swait.eq [sflag:s15], $0x1  }
0x94: {  	[sflag:s15] =	ssyncset.done $0x0  }
0x95: {  	s16 =	sld [smem:$0x11];
	[sflag:s15] =	ssyncadd.s32 $0xFFFFFFFF  }
0x96: {  	s17 =	sld [smem:$0x12];
	(tm) =	ssettm $0x1  }
0x97: {  	s18 =	sld [smem:$0x3FFB];
	_ =	sdelay $0x3  }
0x98: {  	_ =	strace s18  }
0x99: {  	s4 =	sld [smem:$0x3FFC];
	_ =	sdelay $0x3  }
0x9a: {  	_ =	strace s4  }
0x9b: {  	s4 =	sld [smem:$0x3FFD];
	_ =	sdelay $0x3  }
0x9c: {  	_ =	strace s4  }
0x9d: {  	_ =	strace $0x8FFFFFFF  }
0x9e: {  	s19 =	sld [smem:$0x3FDB];
	_ =	sdelay $0x1  }
0x9f: {  	s5 =	simm.s32 $_scs_section_size  }
0xa0: {  	s6 =	simm.s32 $_size__tile_overlayer_lowered;
	s7 =	simm.s32 $_tile_overlayer_lowered  }
0xa1: {  	s22 =	simm.s32 $0x1BFF;
	s21 =	sshll.u32 s7, $0x1;
	s4 =	sadd.s32 s5, s19  }
0xa2: {  	s8 =	simm.s32 $0x0;
	s20 =	sshll.u32 s6, $0x1;
	s6 =	sadd.s32 s21, s4  }
0xa3: {  	[timem:s8], [sflag:s22] =	dma.local [hbm:s6], s20  }
0xa4: {  	_ =	swait.ge [sflag:s22], s20  }
0xa5: {  	s5 =	ssub.s32 $0x0, s20;
	[sflag:s22] =	ssyncset.done $0x0  }
0xa6: {  	[sflag:s22] =	ssyncadd.s32 s5;
	_ =	sdelay $0x1  }
0xa7: {  	s23 =	simm.s32 $0x1B8B  }
0xa8: {  	_ =	swait.ge [sflag:s23], $0x1  }
0xa9: {  	[sflag:s23] =	ssyncset.done $0x0  }
0xaa: {  	s25 =	simm.s32 $0x1B8E;
	s24 =	sld [smem:$0x3FFE];
	[sflag:s23] =	ssyncadd.s32 $0xFFFFFFFF  }
0xab: {  	s26 =	simm.s32 $execute0_lowered;
	[smem:$0x3FD2] =	sst s25  }
0xac: {  	s6 =	sshll.u32 s26, $0x1;
	_ =	strace $0x80000049;
	[dreg:$0x1] =	wrdreg $0xFFFFFFFF  }
0xad: {  	s28 =	simm.s32 $_size_execute0_lowered;
	s4 =	sadd.s32 s4, s6;
	[dreg:$0x0] =	wrdreg $0x0  }
0xae: {  	s6 =	sshll.u32 s28, $0x1;
	[dreg:$0x2] =	wrdreg s4  }
0xaf: {  	[dreg:$0x3] =	wrdreg s6  }
0xb0: {  	[dreg:$0x4] =	wrdreg $0xC0  }
0xb1: {  	_ =	task [dreg:s8], $0x5FFFF  }
0xb2: {  	[dreg:$0x1] =	wrdreg $0xFFFFFFFF  }
0xb3: {  	[dreg:$0x0] =	wrdreg $0x60  }
0xb4: {  	[dreg:$0x2] =	wrdreg s24  }
0xb5: {  	[dreg:$0x3] =	wrdreg s16  }
0xb6: {  	[dreg:$0x4] =	wrdreg s17  }
0xb7: {  	[dreg:$0x5] =	wrdreg $0x84000  }
0xb8: {  	[dreg:$0x6] =	wrdreg $0x9  }
0xb9: {  	_ =	task.clear_ibuf [dreg:s8], $0x7FFFF;
	_ =	strace $0x90000049  }
0xba: {  	s29 =	simm.s32 $0x9;
	_ =	strace $0x8000004B  }
0xbb: {  	_ =	swait.ge [sflag:s29], $0x1  }
0xbc: {  	[sflag:s29] =	ssyncadd.s32 $0xFFFFFFFF  }
0xbd: {  	_ =	strace $0x9000004B  }
0xbe: {  	_ =	sfence  }
0xbf: {  	s30 =	sld [smem:$0x0];
	_ =	sdelay $0x2  }
0xc0: {  	s31 =	sshll.u32 s1, $0xD;
	s1 =	sshrl.u32 s1, $0x2  }
0xc1: {  	s3 =	sand.u32 $0x4000, s31;
	s1 =	sadd.s32 s1, s30  }
0xc2: {  	s0 =	sor.u32 s3, s0;
	s1 =	sshll.u32 s1, $0x11  }
0xc3: {  	s0 =	sor.u32 s1, s0  }
0xc4: {  	s0 =	sadd.s32 $0x8F2B, s0  }
0xc5: {  	[sflag:s0] =	ssyncadd.remote.s32 $0x1  }
0xc6: {  	_ =	sfence.sel $0xFFFF  }
0xc7: {  	[dreg:$0x0] =	wrdreg $0xFFFFFFFF;
	(pc) =	sbr.abs _section_cstart, $3  }
0xc8: {  	[dreg:$0x1] =	wrdreg $0xFFFFFFFF  }
0xc9: {  	_ =	task.clear_ibuf [dreg:s8], $0x2FFFF;
	_ =	strace $0x9FFFFFFF  }
0xca: {  	(tm) =	ssettm $0x7FFFFFFF  }
0xcb: {  	_ =	shalt  }
tec
execute0_lowered:
.L_overlay_start_1:
0x0: {  	(tag) =	ssettag $0x1  }
0x1: {  	s0 =	rddreg [dreg:$0x0];
	s1 =	srdreg.scid  }
0x2: {  	s4 =	rddreg [dreg:$0x3];
	s11 =	stileid.u32  }
0x3: {  	s5 =	simm.s32 $0x0;
	s30 =	simm.s32 $0x8;
	s31 =	simm.s32 $0x9  }
0x4: {  	s14 =	simm.s32 $0x80;
	s15 =	simm.s32 $0x6400;
	s13 =	simm.s32 $0xF  }
0x5: {  	s16 =	simm.s32 $0x5400;
	s1 =	sand.u32 $0x1, s1;
	s3 =	smul.u32 $0x1400, s11  }
0x6: {  	[smem:$0x7FF] =	sst s5;
	s19 =	smul.u32 $0x280, s11;
	s2 =	sshll.u32 s1, $0x4  }
0x7: {  	s6 =	smul.u32 $0x14000, s1;
	_ =	strace $0x8000004A;
	s7 =	ssub.s32 $0x2, s1  }
0x8: {  	s23 =	smul.u32 $0x2800, s1;
	p0 =	seq.s32 s1, $0x1;
	s1 =	simm.s32 $0x6C00  }
0x9: {  	s2 =	sor.u32 s11, s2;
	s17 =	sshrl.u32 s3, $0x3;
	s9 =	sshrl.u32 s7, $0x1  }
0xa: {  	s12 =	sadd.s32 s3, s4;
	s2 =	smul.u32 $0x500, s2;
	s6 =	sadd.s32 s3, s6  }
0xb: {  	s10 =	sadd.s32 s17, s0;
	s18 =	ssub.s32 s7, s9;
	s3 =	simm.s32 $0xD680  }
0xc: {  	s7 =	simm.s32 $0xA;
	s17 =	simm.s32 $0x0;
	s21 =	sadd.s32 $0x16C00, s10  }
0xd: {  	s6 =	sshrl.u32 s6, $0x3;
	s22 =	sadd.s32 $0x19400, s10;
	[dreg:$0x7] =	wrdreg s21  }
0xe: {  	s24 =	sadd.s32 $0x1BC00, s10;
	s26 =	sadd.s32 $0x23400, s10;
	[dreg:$0x8] =	wrdreg s22  }
0xf: {  	s28 =	sadd.s32 $0x2AC00, s10;
	s2 =	sadd.s32 s2, s0;
	[dreg:$0x9] =	wrdreg s24  }
0x10: {  	s8 =	sadd.s32 s6, s0;
	s6 =	sadd.s32 $0x1E400, s0;
	[dreg:$0xb] =	wrdreg s26  }
0x11: {  	[dreg:$0xc] =	wrdreg s28;
	s0 =	smax.u32 s18, $0x1;
	s21 =	simm.s32 $0xC000  }
0x12: {  	s18 =	simm.s32 $0xFE80;
	s22 =	simm.s32 $0x6;
	s20 =	sadd.s32 $0xCC00, s2  }
.Ltmp0:
0x13: {  	s2 =	sadd.s32 $0x2C00, s2;
	[dreg:$0xe] =	wrdreg s0;
	(pc) =	sbr.rel .LBB2_1-.Ltmp0, $4  }
0x14: {  	s25 =	sadd.s32 s6, s19;
	s29 =	sadd.s32 $0x25C00, s8;
	[dreg:$0x5] =	wrdreg s20  }
0x15: {  	s19 =	simm.s32 $0x9800;
	s0 =	simm.s32 $0x11;
	[dreg:$0x6] =	wrdreg s2  }
0x16: {  	v0 =	vlaneseq.u32;
	s2 =	sadd.s32 s23, s25;
	[dreg:$0xd] =	wrdreg s29;
	s20 =	simm.s32 $0xAC00  }
0x17: {  	v1 =	vimm.f32 $0.0e+00;
	v0 =	vmul.u32 $0x8, v0;
	s23 =	simm.s32 $0x10;
	[dreg:$0xa] =	wrdreg s2;
	s2 =	simm.s32 $0xEA80  }
.LBB2_19:
0x18: {  	_ =	swait.ge [sflag:s31], $0x400  }
0x19: {  	[sflag:s31] =	ssyncset.done $0x0  }
0x1a: {  	[sflag:s31] =	ssyncadd.s32 $0xFFFFFC00  }
0x1b: {  	_ =	swait.ge [sflag:s7], $0x400  }
0x1c: {  	[sflag:s7] =	ssyncset.done $0x0  }
0x1d: {  	s8 =	simm.s32 $0xB;
	[sflag:s7] =	ssyncadd.s32 $0xFFFFFC00  }
0x1e: {  	_ =	swait.ge [sflag:s8], $0x400  }
0x1f: {  	[sflag:s8] =	ssyncset.done $0x0  }
0x20: {  	s24 =	simm.s32 $0xC;
	[sflag:s8] =	ssyncadd.s32 $0xFFFFFC00  }
0x21: {  	_ =	swait.ge [sflag:s24], $0x400  }
0x22: {  	[sflag:s24] =	ssyncset.done $0x0  }
0x23: {  	s25 =	simm.s32 $0xD;
	[sflag:s24] =	ssyncadd.s32 $0xFFFFFC00  }
0x24: {  	_ =	swait.ge [sflag:s25], $0x400  }
0x25: {  	[sflag:s25] =	ssyncset.done $0x0  }
0x26: {  	s26 =	simm.s32 $0xE;
	[sflag:s25] =	ssyncadd.s32 $0xFFFFFC00  }
0x27: {  	_ =	swait.ge [sflag:s26], $0x400  }
0x28: {  	[sflag:s26] =	ssyncset.done $0x0  }
0x29: {  	[sflag:s26] =	ssyncadd.s32 $0xFFFFFC00  }
0x2a: {  	_ =	swait.ge [sflag:s13], $0x400  }
0x2b: {  	[sflag:s13] =	ssyncset.done $0x0  }
0x2c: {  	[sflag:s13] =	ssyncadd.s32 $0xFFFFFC00  }
0x2d: {  	_ =	swait.ge [sflag:s23], $0x400  }
0x2e: {  	[sflag:s23] =	ssyncset.done $0x0  }
0x2f: {  	s28 =	stileid.u32;
	[sflag:s23] =	ssyncadd.s32 $0xFFFFFC00  }
0x30: {  	s8 =	sshll.u32 s28, $0x6;
	[bflag:$0x0] =	sbarrier.arrive $0xFFFF  }
0x31: {  	s9 =	sshrl.u32 s12, $0x3;
	s8 =	sor.u32 $0x1C11, s8;
	s10 =	rddreg [dreg:$0xd]  }
0x32: {  	[hbm:s10], [sflag:s8] =	dma.local [spmem:s9], $0x280  }
0x33: {  	_ =	swait.ge [sflag:s0], $0x280  }
0x34: {  	s17 =	sadd.s32 $0x1, s17;
	s29 =	rddreg [dreg:$0xe]  }
0x35: {  	p1 =	sne.s32 s17, s29  }
.Ltmp1:
0x36: {  	_ = 	snop;
	(pc) =	sbr.rel @!p1 .LBB2_20-.Ltmp1, $3  }
0x37: {  	_ =	sdelay $0x1  }
0x38: {  	[sflag:s0] =	ssyncset.done $0x0  }
0x39: {  	[sflag:s0] =	ssyncadd.s32 $0xFFFFFD80  }
.LBB2_1:
0x3a: {  	s8 =	rddreg [dreg:$0x5]  }
0x3b: {  	[tilespmem:s5], [sflag:$0x1] =	stream.linear.gather [hbm4b:s8+s5], $0x2800, $0x38;
	[tilespmem:$0x11280] =	vst v63  }
0x3c: {  	s11 =	rddreg [dreg:$0x6];
	s9 =	simm.s32 $0x2800  }
0x3d: {  	[tilespmem:s9], [sflag:$0x2] =	stream.linear.gather [hbm4b:s11+s5], $0x2800, $0x38;
	[tilespmem:$0x11280] =	vst v63  }
0x3e: {  	s24 =	rddreg [dreg:$0x7]  }
0x3f: {  	[tilespmem:s19], [sflag:$0x3] =	stream.linear.gather [hbm4b:s24+s5], $0x1400, $0x38;
	[tilespmem:$0x11280] =	vst v63  }
0x40: {  	s25 =	rddreg [dreg:$0x8]  }
0x41: {  	[tilespmem:s20], [sflag:$0x4] =	stream.linear.gather [hbm4b:s25+s5], $0x1400, $0x38;
	[tilespmem:$0x11280] =	vst v63  }
0x42: {  	s26 =	rddreg [dreg:$0x9]  }
0x43: {  	[tilespmem:s21], [sflag:$0x7] =	stream.linear.gather [hbm4b:s26+s5], $0x1400, $0x38;
	[tilespmem:$0x11280] =	vst v63  }
0x44: {  	s28 =	rddreg [dreg:$0x1];
	s29 =	simm.s32 $0xD400  }
0x45: {  	[tilespmem:s29], [sflag:$0x8] =	stream.linear.gather [hbm4b:s28+s5], $0x280, $0x38;
	[tilespmem:$0x11280] =	vst v63  }
0x46: {  	s10 =	rddreg [dreg:$0x2];
	s11 =	simm.s32 $0x7000;
	s24 =	simm.s32 $0x1  }
0x47: {  	[tilespmem:s11], [sflag:$0x9] =	stream.linear.gather [hbm4b:s10+s5], $0x1400, $0x38;
	[tilespmem:$0x11280] =	vst v63  }
0x48: {  	_ =	swait.ge [sflag:s24], $0x2800  }
0x49: {  	[sflag:s24] =	ssyncset.done $0x0  }
0x4a: {  	s25 =	simm.s32 $0x2;
	[sflag:s24] =	ssyncadd.s32 $0xFFFFD800  }
0x4b: {  	_ =	swait.ge [sflag:s25], $0x2800  }
0x4c: {  	[sflag:s25] =	ssyncset.done $0x0  }
0x4d: {  	s26 =	simm.s32 $0x3;
	[sflag:s25] =	ssyncadd.s32 $0xFFFFD800  }
0x4e: {  	_ =	swait.ge [sflag:s26], $0x1400  }
0x4f: {  	[sflag:s26] =	ssyncset.done $0x0  }
0x50: {  	s28 =	simm.s32 $0x4;
	[sflag:s26] =	ssyncadd.s32 $0xFFFFEC00  }
0x51: {  	_ =	swait.ge [sflag:s28], $0x1400  }
0x52: {  	[sflag:s28] =	ssyncset.done $0x0  }
0x53: {  	s29 =	simm.s32 $0x7;
	[sflag:s28] =	ssyncadd.s32 $0xFFFFEC00  }
0x54: {  	_ =	swait.ge [sflag:s29], $0x1400  }
0x55: {  	[sflag:s29] =	ssyncset.done $0x0  }
0x56: {  	[sflag:s29] =	ssyncadd.s32 $0xFFFFEC00  }
0x57: {  	_ =	swait.ge [sflag:s30], $0x280  }
0x58: {  	[sflag:s30] =	ssyncset.done $0x0  }
0x59: {  	[sflag:s30] =	ssyncadd.s32 $0xFFFFFD80  }
0x5a: {  	_ =	swait.ge [sflag:s31], $0x1400  }
0x5b: {  	[sflag:s31] =	ssyncset.done $0x0  }
0x5c: {  	[sflag:s31] =	ssyncadd.s32 $0xFFFFEC00  }
0x5d: {  	[spmem:s12] =	stream.linear.scatter [tilespmem:s11], [sflag:$0x11], $0x1400, $0x38;
	[tilespmem:$0x11280] =	vst v63  }
0x5e: {  	_ =	swait.ge [sflag:s0], $0x1400  }
0x5f: {  	[sflag:s0] =	ssyncset.done $0x0  }
0x60: {  	s24 =	simm.s32 $0x0;
	[sflag:s0] =	ssyncadd.s32 $0xFFFFEC00  }
.LBB2_2:
0x61: {  	v2 =	vmov s24  }
0x62: {  	v2 =	vshll.u32 v2, $0x3  }
0x63: {  	v3 =	vor.u32 v0, v2  }
0x64: {  	v8 =	vor.u32 $0x4, v3;
	_ =	sdelay $0x4  }
0x65: {  	v2 =	vld.idx.msk [tilespmem:v8+s19+$0x0], $0xffff  }
0x66: {  	v4 =	vld.idx.msk [tilespmem:v8+s20+$0x0], $0xffff;
	_ =	sdelay $0x4  }
0x67: {  	v2 =	vadd.f32 v4, v2;
	_ =	sdelay $0x1  }
0x68: {  	v2 =	vmax.f32 v2, $1.000000000e+00  }
0x69: {  	(erf) = vrcp.f32 v2;
	_ =	sdelay $0x1  }
0x6a: {  	v15 =	vld.idx.msk [tilespmem:v3+s20+$0x0], $0xffff  }
0x6b: {  	v2 =	vld.idx.msk [tilespmem:v3+s19+$0x0], $0xffff;
	_ =	sdelay $0x3  }
0x6c: {  	v5 =	vld.idx.msk [tilespmem:v3+s21+$0x0], $0xffff  }
0x6d: {  	v2 =	vadd.f32 v15, v2  }
0x6e: {  	v9 =	vpop (erf)  }
0x6f: {  	v2 =	vmul.f32 v9, v2;
	_ =	sdelay $0x1  }
0x70: {  	v2 =	vadd.f32 v2, v5;
	_ =	sdelay $0x1  }
0x71: {  	v2 =	vadd.f32 v2, v2;
	_ =	sdelay $0x1  }
0x72: {  	v2 =	vmul.f32 $1.442695020e+00, v2;
	_ =	sdelay $0x1  }
0x73: {  	(erf) = vpow2.f32 v2;
	_ =	sdelay $0x8  }
0x74: {  	v2 =	vpop (erf)  }
0x75: {  	v2 =	vadd.f32 $1.000000000e+00, v2;
	_ =	sdelay $0x1  }
0x76: {  	(erf) = vrcp.f32 v2;
	_ =	sdelay $0x8  }
0x77: {  	v2 =	vpop (erf)  }
0x78: {  	v16 =	vor.u32 $0x1, v3;
	v2 =	vadd.f32 v2, v2;
	_ =	sdelay $0x1  }
0x79: {  	v2 =	vsub.f32 $1.000000000e+00, v2;
	_ =	sdelay $0x1  }
0x7a: {  	[tilespmem:v3+s2+$0x0] =	vst.idx.msk $0xffff, v2  }
0x7b: {  	v17 =	vld.idx.msk [tilespmem:v16+s19+$0x0], $0xffff  }
0x7c: {  	v6 =	vld.idx.msk [tilespmem:v16+s20+$0x0], $0xffff;
	_ =	sdelay $0x3  }
0x7d: {  	v7 =	vld.idx.msk [tilespmem:v16+s21+$0x0], $0xffff  }
0x7e: {  	v4 =	vadd.f32 v6, v17;
	_ =	sdelay $0x1  }
0x7f: {  	v4 =	vmul.f32 v4, v9;
	_ =	sdelay $0x1  }
0x80: {  	v4 =	vadd.f32 v4, v7;
	_ =	sdelay $0x1  }
0x81: {  	v4 =	vadd.f32 v4, v4;
	_ =	sdelay $0x1  }
0x82: {  	v4 =	vmul.f32 $1.442695020e+00, v4;
	_ =	sdelay $0x1  }
0x83: {  	(erf) = vpow2.f32 v4;
	_ =	sdelay $0x8  }
0x84: {  	v4 =	vpop (erf)  }
0x85: {  	v4 =	vadd.f32 $1.000000000e+00, v4;
	_ =	sdelay $0x1  }
0x86: {  	(erf) = vrcp.f32 v4;
	_ =	sdelay $0x8  }
0x87: {  	v4 =	vpop (erf)  }
0x88: {  	v18 =	vor.u32 $0x2, v3;
	v4 =	vadd.f32 v4, v4;
	_ =	sdelay $0x1  }
0x89: {  	v4 =	vsub.f32 $1.000000000e+00, v4;
	_ =	sdelay $0x1  }
0x8a: {  	[tilespmem:v16+s2+$0x0] =	vst.idx.msk $0xffff, v4  }
0x8b: {  	v19 =	vld.idx.msk [tilespmem:v18+s19+$0x0], $0xffff  }
0x8c: {  	v10 =	vld.idx.msk [tilespmem:v18+s20+$0x0], $0xffff;
	_ =	sdelay $0x3  }
0x8d: {  	v11 =	vld.idx.msk [tilespmem:v18+s21+$0x0], $0xffff  }
0x8e: {  	v7 =	vadd.f32 v10, v19;
	_ =	sdelay $0x1  }
0x8f: {  	v7 =	vmul.f32 v7, v9;
	_ =	sdelay $0x1  }
0x90: {  	v7 =	vadd.f32 v7, v11;
	_ =	sdelay $0x1  }
0x91: {  	v7 =	vadd.f32 v7, v7;
	_ =	sdelay $0x1  }
0x92: {  	v7 =	vmul.f32 $1.442695020e+00, v7;
	_ =	sdelay $0x1  }
0x93: {  	(erf) = vpow2.f32 v7;
	_ =	sdelay $0x8  }
0x94: {  	v7 =	vpop (erf)  }
0x95: {  	v7 =	vadd.f32 $1.000000000e+00, v7;
	_ =	sdelay $0x1  }
0x96: {  	(erf) = vrcp.f32 v7;
	_ =	sdelay $0x8  }
0x97: {  	v7 =	vpop (erf)  }
0x98: {  	v21 =	vor.u32 $0x3, v3;
	v20 =	vadd.f32 v7, v7;
	_ =	sdelay $0x1  }
0x99: {  	v10 =	vsub.f32 $1.000000000e+00, v20;
	_ =	sdelay $0x1  }
0x9a: {  	[tilespmem:v18+s2+$0x0] =	vst.idx.msk $0xffff, v10  }
0x9b: {  	v22 =	vld.idx.msk [tilespmem:v21+s19+$0x0], $0xffff  }
0x9c: {  	v12 =	vld.idx.msk [tilespmem:v21+s20+$0x0], $0xffff;
	_ =	sdelay $0x3  }
0x9d: {  	v13 =	vld.idx.msk [tilespmem:v21+s21+$0x0], $0xffff  }
0x9e: {  	v11 =	vadd.f32 v12, v22;
	_ =	sdelay $0x1  }
0x9f: {  	v9 =	vmul.f32 v11, v9;
	_ =	sdelay $0x1  }
0xa0: {  	v9 =	vadd.f32 v9, v13;
	_ =	sdelay $0x1  }
0xa1: {  	v9 =	vadd.f32 v9, v9;
	_ =	sdelay $0x1  }
0xa2: {  	v9 =	vmul.f32 $1.442695020e+00, v9;
	_ =	sdelay $0x1  }
0xa3: {  	(erf) = vpow2.f32 v9;
	_ =	sdelay $0x8  }
0xa4: {  	v9 =	vpop (erf)  }
0xa5: {  	v9 =	vadd.f32 $1.000000000e+00, v9;
	_ =	sdelay $0x1  }
0xa6: {  	(erf) = vrcp.f32 v9;
	_ =	sdelay $0x8  }
0xa7: {  	v9 =	vpop (erf)  }
0xa8: {  	v9 =	vadd.f32 v9, v9;
	_ =	sdelay $0x1  }
0xa9: {  	v9 =	vsub.f32 $1.000000000e+00, v9;
	_ =	sdelay $0x1  }
0xaa: {  	[tilespmem:v21+s2+$0x0] =	vst.idx.msk $0xffff, v9  }
0xab: {  	v23 =	vld [tilespmem:$0xD400]  }
0xac: {  	v24 =	vld [tilespmem:$0xD480];
	_ =	sdelay $0x1  }
0xad: {  	v25 =	vld [tilespmem:$0xD500];
	_ =	sdelay $0x1  }
0xae: {  	v14 =	vld [tilespmem:$0xD580]  }
0xaf: {  	v11 =	vmul.f32 v23, v2;
	v12 =	vmul.f32 v24, v4;
	_ =	sdelay $0x1  }
0xb0: {  	v26 =	vmul.f32 v10, v25;
	v11 =	vadd.f32 v12, v11;
	_ =	sdelay $0x1  }
0xb1: {  	v27 =	vmul.f32 v9, v14;
	v11 =	vadd.f32 v26, v11;
	_ =	sdelay $0x1  }
0xb2: {  	v11 =	vadd.f32 v27, v11;
	_ =	sdelay $0x1  }
0xb3: {  	[tilespmem:v3+s3+$0x0] =	vst.idx.msk $0xffff, v11  }
0xb4: {  	v11 =	vld [tilespmem:$0xD410]  }
0xb5: {  	v28 =	vld [tilespmem:$0xD490];
	_ =	sdelay $0x1  }
0xb6: {  	v29 =	vld [tilespmem:$0xD510];
	_ =	sdelay $0x1  }
0xb7: {  	v30 =	vld [tilespmem:$0xD590]  }
0xb8: {  	v11 =	vmul.f32 v11, v2;
	v12 =	vmul.f32 v28, v4;
	_ =	sdelay $0x1  }
0xb9: {  	v31 =	vmul.f32 v29, v10;
	v11 =	vadd.f32 v12, v11;
	_ =	sdelay $0x1  }
0xba: {  	v32 =	vmul.f32 v30, v9;
	v11 =	vadd.f32 v31, v11;
	_ =	sdelay $0x1  }
0xbb: {  	v11 =	vadd.f32 v32, v11;
	_ =	sdelay $0x1  }
0xbc: {  	[tilespmem:v16+s3+$0x0] =	vst.idx.msk $0xffff, v11  }
0xbd: {  	v11 =	vld [tilespmem:$0xD420]  }
0xbe: {  	v33 =	vld [tilespmem:$0xD4A0];
	_ =	sdelay $0x1  }
0xbf: {  	v34 =	vld [tilespmem:$0xD520];
	_ =	sdelay $0x1  }
0xc0: {  	v35 =	vld [tilespmem:$0xD5A0]  }
0xc1: {  	v11 =	vmul.f32 v11, v2;
	v12 =	vmul.f32 v33, v4;
	_ =	sdelay $0x1  }
0xc2: {  	v36 =	vmul.f32 v34, v10;
	v11 =	vadd.f32 v12, v11;
	_ =	sdelay $0x1  }
0xc3: {  	v37 =	vmul.f32 v35, v9;
	v11 =	vadd.f32 v36, v11;
	_ =	sdelay $0x1  }
0xc4: {  	v11 =	vadd.f32 v37, v11;
	_ =	sdelay $0x1  }
0xc5: {  	[tilespmem:v18+s3+$0x0] =	vst.idx.msk $0xffff, v11  }
0xc6: {  	v11 =	vld [tilespmem:$0xD430]  }
0xc7: {  	v38 =	vld [tilespmem:$0xD4B0];
	_ =	sdelay $0x1  }
0xc8: {  	v39 =	vld [tilespmem:$0xD530];
	_ =	sdelay $0x1  }
0xc9: {  	v40 =	vld [tilespmem:$0xD5B0]  }
0xca: {  	v11 =	vmul.f32 v11, v2;
	v12 =	vmul.f32 v38, v4;
	_ =	sdelay $0x1  }
0xcb: {  	v41 =	vmul.f32 v39, v10;
	v11 =	vadd.f32 v12, v11;
	_ =	sdelay $0x1  }
0xcc: {  	v42 =	vmul.f32 v40, v9;
	v11 =	vadd.f32 v41, v11  }
0xcd: {  	v43 =	vor.u32 $0x5, v3  }
0xce: {  	v44 =	vor.u32 $0x6, v3;
	v11 =	vadd.f32 v42, v11  }
0xcf: {  	v45 =	vor.u32 $0x7, v3  }
0xd0: {  	[tilespmem:v21+s3+$0x0] =	vst.idx.msk $0xffff, v11  }
0xd1: {  	[tilespmem:v8+s3+$0x0] =	vst.idx.msk $0xffff, v1  }
0xd2: {  	[tilespmem:v43+s3+$0x0] =	vst.idx.msk $0xffff, v1  }
0xd3: {  	[tilespmem:v44+s3+$0x0] =	vst.idx.msk $0xffff, v1  }
0xd4: {  	[tilespmem:v45+s3+$0x0] =	vst.idx.msk $0xffff, v1  }
0xd5: {  	v8 =	vld [tilespmem:$0xD440]  }
0xd6: {  	v11 =	vld [tilespmem:$0xD600]  }
0xd7: {  	v12 =	vld [tilespmem:$0xD4C0];
	_ =	sdelay $0x1  }
0xd8: {  	v13 =	vld [tilespmem:$0xD540]  }
0xd9: {  	v8 =	vmul.f32 v8, v2  }
0xda: {  	v14 =	vld [tilespmem:$0xD5C0]  }
0xdb: {  	v46 =	vmul.f32 v12, v4;
	v8 =	vadd.f32 v8, v11;
	_ =	sdelay $0x1  }
0xdc: {  	v47 =	vmul.f32 v13, v10;
	v8 =	vadd.f32 v46, v8;
	_ =	sdelay $0x1  }
0xdd: {  	v48 =	vmul.f32 v14, v9;
	v8 =	vadd.f32 v47, v8;
	_ =	sdelay $0x1  }
0xde: {  	v8 =	vadd.f32 v48, v8;
	_ =	sdelay $0x1  }
0xdf: {  	[tilespmem:v3+s18+$0x0] =	vst.idx.msk $0xffff, v8  }
0xe0: {  	v3 =	vld [tilespmem:$0xD450]  }
0xe1: {  	v8 =	vld [tilespmem:$0xD610]  }
0xe2: {  	v49 =	vld [tilespmem:$0xD4D0];
	_ =	sdelay $0x1  }
0xe3: {  	v50 =	vld [tilespmem:$0xD550]  }
0xe4: {  	v3 =	vmul.f32 v3, v2  }
0xe5: {  	v51 =	vld [tilespmem:$0xD5D0]  }
0xe6: {  	v52 =	vmul.f32 v49, v4;
	v3 =	vadd.f32 v3, v8;
	_ =	sdelay $0x1  }
0xe7: {  	v53 =	vmul.f32 v50, v10;
	v3 =	vadd.f32 v52, v3;
	_ =	sdelay $0x1  }
0xe8: {  	v54 =	vmul.f32 v51, v9;
	v3 =	vadd.f32 v53, v3;
	_ =	sdelay $0x1  }
0xe9: {  	v3 =	vadd.f32 v54, v3;
	_ =	sdelay $0x1  }
0xea: {  	[tilespmem:v16+s18+$0x0] =	vst.idx.msk $0xffff, v3  }
0xeb: {  	v3 =	vld [tilespmem:$0xD460]  }
0xec: {  	v5 =	vld [tilespmem:$0xD620]  }
0xed: {  	v55 =	vld [tilespmem:$0xD4E0];
	_ =	sdelay $0x1  }
0xee: {  	v56 =	vld [tilespmem:$0xD560]  }
0xef: {  	v3 =	vmul.f32 v3, v2  }
0xf0: {  	v57 =	vld [tilespmem:$0xD5E0]  }
0xf1: {  	v58 =	vmul.f32 v55, v4;
	v3 =	vadd.f32 v3, v5;
	_ =	sdelay $0x1  }
0xf2: {  	v59 =	vmul.f32 v56, v10;
	v3 =	vadd.f32 v58, v3;
	_ =	sdelay $0x1  }
0xf3: {  	v60 =	vmul.f32 v57, v9;
	v3 =	vadd.f32 v59, v3;
	_ =	sdelay $0x1  }
0xf4: {  	v3 =	vadd.f32 v60, v3;
	_ =	sdelay $0x1  }
0xf5: {  	[tilespmem:v18+s18+$0x0] =	vst.idx.msk $0xffff, v3  }
0xf6: {  	v3 =	vld [tilespmem:$0xD470]  }
0xf7: {  	v61 =	vld [tilespmem:$0xD630]  }
0xf8: {  	v6 =	vld [tilespmem:$0xD4F0];
	_ =	sdelay $0x1  }
0xf9: {  	v62 =	vld [tilespmem:$0xD570]  }
0xfa: {  	v2 =	vmul.f32 v3, v2  }
0xfb: {  	v3 =	vld [tilespmem:$0xD5F0]  }
0xfc: {  	v4 =	vmul.f32 v6, v4;
	v2 =	vadd.f32 v2, v61;
	_ =	sdelay $0x1  }
0xfd: {  	v63 =	vmul.f32 v62, v10;
	v2 =	vadd.f32 v4, v2  }
0xfe: {  	p1 =	sne.s32 s24, $0x270  }
.Ltmp2:
0xff: {  	v3 =	vmul.f32 v3, v9;
	v2 =	vadd.f32 v63, v2;
	(pc) =	sbr.rel @p1 .LBB2_2-.Ltmp2, $3  }
0x100: {  	_ = 	snop  }
0x101: {  	v2 =	vadd.f32 v3, v2;
	_ =	sdelay $0x1  }
0x102: {  	s24 =	sadd.s32 $0x10, s24;
	[tilespmem:v21+s18+$0x0] =	vst.idx.msk $0xffff, v2  }
.Ltmp3:
0x103: {  	s9 =	simm.s32 $0x0;
	s8 =	rddreg [dreg:$0xa];
	(pc) =	sbr.rel @!p0 .LBB2_4-.Ltmp3, $4  }
0x104: {  	[hbm4b:s8+s9] =	stream.linear.scatter [tilespmem:s3], [sflag:$0x11], $0x1400, $0x38;
	[tilespmem:$0x11280] =	vst v63  }
0x105: {  	_ =	swait.ge [sflag:s0], $0x1400  }
0x106: {  	[sflag:s0] =	ssyncset.done $0x0  }
0x107: {  	[sflag:s0] =	ssyncadd.s32 $0xFFFFEC00  }
0x108: {  	s8 =	sshra.s32 s9, $0x2;
	s9 =	sadd.s32 $0x40, s9  }
.LBB2_6:
0x109: {  	p1 =	sne.s32 s9, $0x9FC0;
	v2 =	vld [tilespmem:s8+$0x0];
	_ =	sdelay $0x1  }
.Ltmp4:
0x10a: {  	(pc) =	sbr.rel @p1 .LBB2_6-.Ltmp4, $3  }
0x10b: {  	_ =	sdelay $0x1  }
0x10c: {  	v2 =	vadd.s32 $0x2800, v2  }
0x10d: {  	[tilespmem:s8+$0x0] =	vst v2;
	s8 =	sshra.s32 s9, $0x2;
	s9 =	sadd.s32 $0x40, s9  }
0x10e: {  	v2 =	vld [tilespmem:s8+$0x0];
	_ =	sdelay $0x1  }
.Ltmp5:
0x10f: {  	_ = 	snop;
	(pc) =	sbr.rel .LBB2_8-.Ltmp5, $3  }
0x110: {  	_ =	sdelay $0x1  }
0x111: {  	v2 =	vadd.s32 $0x2800, v2  }
0x112: {  	[tilespmem:s8+$0x0] =	vst v2  }
.LBB2_4:
0x113: {  	s8 =	rddreg [dreg:$0xb]  }
0x114: {  	[hbm4b:s8+s5] =	stream.linear.scatter [tilespmem:s2], [sflag:$0x11], $0x1400, $0x38;
	[tilespmem:$0x11280] =	vst v63  }
0x115: {  	_ =	swait.ge [sflag:s0], $0x1400  }
0x116: {  	[sflag:s0] =	ssyncset.done $0x0  }
0x117: {  	s29 =	rddreg [dreg:$0xc];
	[sflag:s0] =	ssyncadd.s32 $0xFFFFEC00  }
0x118: {  	[hbm4b:s29+s5] =	stream.linear.scatter [tilespmem:s18], [sflag:$0x11], $0x1400, $0x38;
	[tilespmem:$0x11280] =	vst v63  }
0x119: {  	_ =	swait.ge [sflag:s0], $0x1400  }
0x11a: {  	[sflag:s0] =	ssyncset.done $0x0  }
0x11b: {  	[sflag:s0] =	ssyncadd.s32 $0xFFFFEC00  }
.LBB2_8:
.Ltmp6:
0x11c: {  	(pc) =	sbr.rel .LBB2_9-.Ltmp6, $3  }
0x11d: {  	_ =	sdelay $0x1  }
0x11e: {  	[bflag:$0x0] =	sbarrier.arrive $0xFFFF  }
0x11f: {  	s24 =	simm.s32 $0x0;
	s25 =	simm.s32 $0x7;
	s26 =	simm.s32 $0x0  }
.LBB2_17:
0x120: {  	s8 =	sshra.s32 s24, $0x2  }
0x121: {  	s8 =	sadd.s32 $0x380, s8  }
0x122: {  	[tilespmem:s1], [sflag:$0x8] =	stream.indirect.gather [hbm4b:s6+s14], $0x8, s8, s14, $0xb8;
	[tilespmem:$0x11280] =	vst v63  }
.LBB2_18:
0x123: {  	p1 =	sgt.u32 s25, $0x53  }
0x124: {  	s8 =	simm.s32 @!p1 $0x4  }
0x125: {  	_ =	swait.ge @!p1 [sflag:s8], $0x400  }
0x126: {  	[sflag:s8] =	ssyncset.done @!p1 $0x0  }
0x127: {  	s9 =	simm.s32 @!p1 $0x80;
	[sflag:s8] =	ssyncadd.s32 @!p1 $0xFFFFFC00;
	s8 =	sshra.s32 @!p1 s24, $0x2  }
0x128: {  	s10 =	simm.s32 @!p1 $0x5C00;
	s24 =	sadd.s32 $0x1000, s24;
	s8 =	sadd.s32 @!p1 $0x2980, s8  }
0x129: {  	[spmem:s4] =	stream.indirect.scatter.add.f32 @!p1 [tilespmem:s10], [sflag:$0xC], $0x8, s8, s9, $0xb8;
	[tilespmem:$0x11280] =	vst v63  }
0x12a: {  	p1 =	sne.s32 s24, $0xB000  }
.Ltmp7:
0x12b: {  	_ = 	snop;
	(pc) =	sbr.rel @!p1 .LBB2_19-.Ltmp7, $2  }
0x12c: {  	_ =	sdelay $0x2  }
0x12d: {  	s26 =	sadd.s32 $0x1, s26;
	s25 =	sadd.s32 $0x8, s25  }
.LBB2_9:
0x12e: {  	s8 =	sadd.s32 $0xFFFFFFF1, s25  }
0x12f: {  	p1 =	sgt.u32 s8, $0x47  }
0x130: {  	s9 =	simm.s32 @!p1 $0x9  }
0x131: {  	p2 =	seq.s32 s24, $0xA000;
	_ =	swait.ge @!p1 [sflag:s9], $0x400  }
0x132: {  	s28 =	sshra.s32 @!p2 s24, $0x2;
	s29 =	simm.s32 @!p2 $0x5000;
	[sflag:s9] =	ssyncset.done @!p1 $0x0  }
0x133: {  	p4 =	sgt.u32 s8, $0x4F;
	[sflag:s9] =	ssyncadd.s32 @!p1 $0xFFFFFC00;
	s9 =	simm.s32 @!p2 $0x80  }
0x134: {  	[tilespmem:s29], [sflag:$0x1] =	stream.indirect.gather @!p2 [hbm4b:s6+s9], $0x8, s28, s9, $0xb8;
	[tilespmem:$0x11280] =	vst v63  }
0x135: {  	p3 =	seq.s32 s26, $0xA;
	s9 =	simm.s32 @!p4 $0x5  }
.Ltmp8:
0x136: {  	_ =	swait.ge @!p4 [sflag:s9], $0x400;
	(pc) =	sbr.rel @p3 .LBB2_13-.Ltmp8, $4  }
0x137: {  	[sflag:s9] =	ssyncset.done @!p4 $0x0  }
0x138: {  	[sflag:s9] =	ssyncadd.s32 @!p4 $0xFFFFFC00;
	s9 =	sshra.s32 @!p4 s24, $0x2  }
0x139: {  	s10 =	simm.s32 @!p4 $0x80;
	s11 =	simm.s32 @!p4 $0x6000;
	s29 =	sadd.s32 @!p4 $0x2600, s9  }
0x13a: {  	[spmem:s4] =	stream.indirect.scatter.add.f32 @!p4 [tilespmem:s11], [sflag:$0xD], $0x8, s29, s10, $0xb8;
	[tilespmem:$0x11280] =	vst v63  }
0x13b: {  	p5 =	sne.s32 s26, $0x0  }
.Ltmp9:
0x13c: {  	_ = 	snop;
	(pc) =	sbr.rel @p5 .LBB2_12-.Ltmp9, $1  }
0x13d: {  	_ =	sdelay $0x3  }
.Ltmp10:
0x13e: {  	(pc) =	sbr.rel .LBB2_14-.Ltmp10, $4  }
0x13f: {  	_ = 	snop  }
0x140: {  	s10 =	sshra.s32 s24, $0x2  }
0x141: {  	s10 =	sadd.s32 $0x80, s10  }
0x142: {  	[tilespmem:s16], [sflag:$0x2] =	stream.indirect.gather [hbm4b:s6+s14], $0x8, s10, s14, $0xb8;
	[tilespmem:$0x11280] =	vst v63  }
.LBB2_12:
0x143: {  	_ =	swait.ge [sflag:s7], $0x400  }
0x144: {  	s10 =	sshra.s32 s24, $0x2;
	[sflag:s7] =	ssyncset.done $0x0  }
0x145: {  	s10 =	sadd.s32 $0x80, s10;
	[sflag:s7] =	ssyncadd.s32 $0xFFFFFC00  }
0x146: {  	[tilespmem:s16], [sflag:$0x2] =	stream.indirect.gather [hbm4b:s6+s14], $0x8, s10, s14, $0xb8;
	[tilespmem:$0x11280] =	vst v63  }
.LBB2_13:
0x147: {  	_ =	swait.ge [sflag:s22], $0x400  }
0x148: {  	s10 =	sshra.s32 s24, $0x2;
	[sflag:s22] =	ssyncset.done $0x0  }
0x149: {  	s10 =	sadd.s32 $0x2680, s10;
	[sflag:s22] =	ssyncadd.s32 $0xFFFFFC00  }
0x14a: {  	[spmem:s4] =	stream.indirect.scatter.add.f32 [tilespmem:s15], [sflag:$0xE], $0x8, s10, s14, $0xb8;
	[tilespmem:$0x11280] =	vst v63  }
.LBB2_14:
0x14b: {  	s10 =	simm.s32 @!p1 $0xB  }
0x14c: {  	_ =	swait.ge @!p1 [sflag:s10], $0x400  }
0x14d: {  	s29 =	simm.s32 @!p2 $0x80;
	[sflag:s10] =	ssyncset.done @!p1 $0x0  }
0x14e: {  	s11 =	simm.s32 @!p2 $0x5800;
	[sflag:s10] =	ssyncadd.s32 @!p1 $0xFFFFFC00;
	s10 =	sadd.s32 @!p2 $0x100, s28  }
0x14f: {  	[tilespmem:s11], [sflag:$0x3] =	stream.indirect.gather @!p2 [hbm4b:s6+s29], $0x8, s10, s29, $0xb8;
	[tilespmem:$0x11280] =	vst v63  }
0x150: {  	s10 =	simm.s32 @!p4 $0x7  }
0x151: {  	_ =	swait.ge @!p4 [sflag:s10], $0x400  }
0x152: {  	p5 =	sgt.u32 @!p4 s8, $0x47;
	s8 =	sadd.s32 @!p4 $0x2700, s9;
	[sflag:s10] =	ssyncset.done @!p4 $0x0  }
0x153: {  	s9 =	simm.s32 @!p4 $0x80;
	[sflag:s10] =	ssyncadd.s32 @!p4 $0xFFFFFC00;
	s10 =	simm.s32 @!p4 $0x6800  }
0x154: {  	[spmem:s4] =	stream.indirect.scatter.add.f32 @!p4 [tilespmem:s10], [sflag:$0xF], $0x8, s8, s9, $0xb8;
	[tilespmem:$0x11280] =	vst v63  }
0x155: {  	p4 =	por p5, p4  }
0x156: {  	s8 =	simm.s32 @!p4 $0xC  }
0x157: {  	_ =	swait.ge @!p4 [sflag:s8], $0x400  }
0x158: {  	s9 =	simm.s32 @!p2 $0x5C00;
	[sflag:s8] =	ssyncset.done @!p4 $0x0  }
0x159: {  	[sflag:s8] =	ssyncadd.s32 @!p4 $0xFFFFFC00;
	s8 =	sadd.s32 @!p2 $0x180, s28;
	p4 =	seq.s32 @!p2 s24, $0x0  }
0x15a: {  	[tilespmem:s9], [sflag:$0x4] =	stream.indirect.gather @!p2 [hbm4b:s6+s29], $0x8, s8, s29, $0xb8;
	[tilespmem:$0x11280] =	vst v63  }
0x15b: {  	p4 =	por p2, !p4  }
0x15c: {  	_ =	swait.ge @p4 [sflag:s30], $0x400  }
0x15d: {  	s8 =	sshra.s32 @p4 s24, $0x2;
	[sflag:s30] =	ssyncset.done @p4 $0x0  }
0x15e: {  	s8 =	sadd.s32 @p4 $0x2780, s8;
	[sflag:s30] =	ssyncadd.s32 @p4 $0xFFFFFC00  }
0x15f: {  	[spmem:s4] =	stream.indirect.scatter.add.f32 @p4 [tilespmem:s1], [sflag:$0x10], $0x8, s8, s14, $0xb8;
	[tilespmem:$0x11280] =	vst v63  }
0x160: {  	s8 =	simm.s32 @!p1 $0xD  }
0x161: {  	_ =	swait.ge @!p1 [sflag:s8], $0x400  }
0x162: {  	s11 =	sadd.s32 $0xFFFFFFFD, s25;
	s10 =	simm.s32 @!p2 $0x6000;
	[sflag:s8] =	ssyncset.done @!p1 $0x0  }
0x163: {  	p4 =	sgt.u32 s11, $0x53;
	[sflag:s8] =	ssyncadd.s32 @!p1 $0xFFFFFC00;
	s8 =	sadd.s32 @!p2 $0x200, s28  }
0x164: {  	[tilespmem:s10], [sflag:$0x5] =	stream.indirect.gather @!p2 [hbm4b:s6+s29], $0x8, s8, s29, $0xb8;
	[tilespmem:$0x11280] =	vst v63  }
0x165: {  	s8 =	simm.s32 @!p4 $0x1  }
0x166: {  	_ =	swait.ge @!p4 [sflag:s8], $0x400  }
0x167: {  	[sflag:s8] =	ssyncset.done @!p4 $0x0  }
0x168: {  	[sflag:s8] =	ssyncadd.s32 @!p4 $0xFFFFFC00;
	s8 =	sshra.s32 @!p4 s24, $0x2  }
0x169: {  	s9 =	simm.s32 @!p4 $0x80;
	s10 =	simm.s32 @!p4 $0x5000;
	s8 =	sadd.s32 @!p4 $0x2800, s8  }
0x16a: {  	[spmem:s4] =	stream.indirect.scatter.add.f32 @!p4 [tilespmem:s10], [sflag:$0x9], $0x8, s8, s9, $0xb8;
	[tilespmem:$0x11280] =	vst v63  }
0x16b: {  	s8 =	simm.s32 @!p1 $0xE  }
0x16c: {  	_ =	swait.ge @!p1 [sflag:s8], $0x400  }
0x16d: {  	s11 =	sadd.s32 $0xFFFFFFFE, s25;
	s10 =	simm.s32 @!p2 $0x6400;
	[sflag:s8] =	ssyncset.done @!p1 $0x0  }
0x16e: {  	p4 =	sgt.u32 s11, $0x53;
	[sflag:s8] =	ssyncadd.s32 @!p1 $0xFFFFFC00;
	s8 =	sadd.s32 @!p2 $0x280, s28  }
0x16f: {  	[tilespmem:s10], [sflag:$0x6] =	stream.indirect.gather @!p2 [hbm4b:s6+s29], $0x8, s8, s29, $0xb8;
	[tilespmem:$0x11280] =	vst v63  }
0x170: {  	s8 =	simm.s32 @!p4 $0x2  }
0x171: {  	_ =	swait.ge @!p4 [sflag:s8], $0x400  }
0x172: {  	[sflag:s8] =	ssyncset.done @!p4 $0x0  }
0x173: {  	[sflag:s8] =	ssyncadd.s32 @!p4 $0xFFFFFC00;
	s8 =	sshra.s32 @!p4 s24, $0x2  }
0x174: {  	s9 =	simm.s32 @!p4 $0x80;
	s10 =	simm.s32 @!p4 $0x5400;
	s8 =	sadd.s32 @!p4 $0x2880, s8  }
0x175: {  	[spmem:s4] =	stream.indirect.scatter.add.f32 @!p4 [tilespmem:s10], [sflag:$0xA], $0x8, s8, s9, $0xb8;
	[tilespmem:$0x11280] =	vst v63  }
0x176: {  	s8 =	simm.s32 @!p1 $0xF  }
0x177: {  	_ =	swait.ge @!p1 [sflag:s8], $0x400  }
0x178: {  	s11 =	sadd.s32 $0xFFFFFFFF, s25;
	s10 =	simm.s32 @!p2 $0x6800;
	[sflag:s8] =	ssyncset.done @!p1 $0x0  }
0x179: {  	[sflag:s8] =	ssyncadd.s32 @!p1 $0xFFFFFC00;
	s8 =	sadd.s32 @!p2 $0x300, s28;
	p1 =	sgt.u32 s11, $0x53  }
0x17a: {  	[tilespmem:s10], [sflag:$0x7] =	stream.indirect.gather @!p2 [hbm4b:s6+s29], $0x8, s8, s29, $0xb8;
	[tilespmem:$0x11280] =	vst v63  }
0x17b: {  	s8 =	simm.s32 @!p1 $0x3  }
0x17c: {  	_ =	swait.ge @!p1 [sflag:s8], $0x400  }
0x17d: {  	[sflag:s8] =	ssyncset.done @!p1 $0x0  }
0x17e: {  	[sflag:s8] =	ssyncadd.s32 @!p1 $0xFFFFFC00;
	s8 =	sshra.s32 @!p1 s24, $0x2  }
0x17f: {  	s9 =	simm.s32 @!p1 $0x80;
	s10 =	simm.s32 @!p1 $0x5800;
	s8 =	sadd.s32 @!p1 $0x2900, s8  }
0x180: {  	[spmem:s4] =	stream.indirect.scatter.add.f32 @!p1 [tilespmem:s10], [sflag:$0xB], $0x8, s8, s9, $0xb8;
	[tilespmem:$0x11280] =	vst v63  }
0x181: {  	p1 =	seq.s32 s26, $0x0  }
.Ltmp11:
0x182: {  	_ = 	snop;
	(pc) =	sbr.rel @p1 .LBB2_17-.Ltmp11, $1  }
0x183: {  	_ =	sdelay $0x3  }
.Ltmp12:
0x184: {  	(pc) =	sbr.rel @p3 .LBB2_18-.Ltmp12, $1  }
0x185: {  	_ =	sdelay $0x3  }
.Ltmp13:
0x186: {  	(pc) =	sbr.rel .LBB2_17-.Ltmp13, $4  }
0x187: {  	_ = 	snop  }
0x188: {  	_ =	swait.ge [sflag:s23], $0x400  }
0x189: {  	[sflag:s23] =	ssyncset.done $0x0  }
0x18a: {  	[sflag:s23] =	ssyncadd.s32 $0xFFFFFC00  }
.LBB2_20:
0x18b: {  	_ =	sfence.sel $0x180000  }
0x18c: {  	[bflag:$0x0] =	sbarrier.arrive $0xFFFF  }
0x18d: {  	_ =	strace $0x9000004A  }
0x18e: {  	s0 =	stileid.u32;
	[bflag:$0x2] =	sbarrier.arrive $0xFFFF  }
0x18f: {  	p0 =	sne.s32 s0, $0x0;
	s0 =	rddreg [dreg:$0x4]  }
0x190: {  	s0 =	sadd.s32 @!p0 $0x100000, s0  }
0x191: {  	[sflag:s0] =	ssyncadd.tile.s32 @!p0 $0x1;
	_ =	shalt  }
.Lfunc_end2:
_tile_overlayer_lowered:
.L_overlay_start_2:
0x192: {  	(tag) =	ssettag $0x2  }
0x193: {  	s0 =	rddreg [dreg:$0x0];
	s2 =	stileid.u32  }
0x194: {  	s1 =	rddreg [dreg:$0x1];
	p0 =	sne.s32 s2, $0x0  }
0x195: {  	s3 =	rddreg [dreg:$0x2];
	[bflag:$0x3] =	sbarrier.arrive $0xFFFF;
	s2 =	simm.s32 @!p0 $0x1C11  }
0x196: {  	[timem:s3], [sflag:s2] =	dma.local @!p0 [hbm:s0], s1  }
0x197: {  	s0 =	simm.s32 @!p0 $0x11  }
0x198: {  	_ =	swait.ge @!p0 [sflag:s0], s1  }
0x199: {  	s1 =	ssub.s32 @!p0 $0x0, s1;
	[sflag:s0] =	ssyncset.done @!p0 $0x0  }
0x19a: {  	[sflag:s0] =	ssyncadd.s32 @!p0 s1  }
0x19b: {  	[bflag:$0x3] =	sbarrier.arrive $0xFFFF  }
0x19c: {  	_ =	shalt  }

// kernel: kernel.13.cloned.1.call-start
scs
__scs_entry_jumppad:
0x0: {  	(pc) =	sbr.rel $0x88, $3  }
0x1: {  	(tag) =	ssettag $0x0;
	lr =	simm.s32 $0x1  }
0x2: {  	[smem:$0x3F94] =	sst lr;
	_ =	strace $0xD0000000  }
0x3: {  	_ = 	snop  }
0x4: {  	_ = 	snop  }
0x5: {  	_ = 	snop  }
0x6: {  	_ = 	snop  }
0x7: {  	_ = 	snop  }
__scs_overlays_trampoline_lowered:
0x8: {  	[smem:$0x3FA3] =	sst s0  }
0x9: {  	[smem:$0x3FA4] =	sst s1  }
0xa: {  	[smem:$0x3FA5] =	sst s2  }
0xb: {  	[smem:$0x3FA6] =	sst s3  }
0xc: {  	[smem:$0x3FA7] =	sst s4  }
0xd: {  	[smem:$0x3FA8] =	sst s5  }
0xe: {  	[smem:$0x3FA9] =	sst s6  }
0xf: {  	[smem:$0x3FAA] =	sst s7  }
0x10: {  	[smem:$0x3FAB] =	sst s8  }
0x11: {  	[smem:$0x3FAC] =	sst s9;
	s0 =	simm.s32 @!p0 $0x0  }
0x12: {  	s1 =	sld [smem:$0x3F92];
	s0 =	simm.s32 @p0 $0x1  }
0x13: {  	[smem:$0x3FAD] =	sst s0;
	s0 =	simm.s32 @!p1 $0x0  }
0x14: {  	s2 =	sld [smem:$0x3F91];
	s0 =	simm.s32 @p1 $0x1  }
0x15: {  	[smem:$0x3FAE] =	sst s0;
	s0 =	simm.s32 @!p2 $0x0  }
0x16: {  	s3 =	sld [smem:$0x3FDB];
	s0 =	simm.s32 @p2 $0x1  }
0x17: {  	s4 =	simm.s32 $0x1BF5;
	[smem:$0x3FB0] =	sst s0  }
0x18: {  	s0 =	sld [smem:$0x3F93];
	_ =	swait.ge [sflag:s4], $0x0  }
0x19: {  	s7 =	sld [smem:$0x3F94]  }
0x1a: {  	s8 =	sadd.s32 $0xFFFFE003, lr  }
0x1b: {  	s9 =	sadd.s32 $0xFFFFFEF7, lr;
	s5 =	simm.s32 $0xFFFFFFFF;
	p2 =	slt.u32 s8, $0xFFFFF086  }
0x1c: {  	p1 =	slt.u32 s9, $0xF7A;
	s5 =	simm.s32 @!p2 $0x0  }
0x1d: {  	s5 =	simm.s32 @p1 $0x1;
	p0 =	seq.s32 s7, s2  }
0x1e: {  	s7 =	smul.u32 @!p0 $0xF7A, s2;
	p2 =	seq.s32 @!p0 s5, $0x0  }
0x1f: {  	s9 =	smul.u32 $0xF7A, s1;
	s8 =	simm.s32 @!p0 $0x1BF5;
	p2 =	por !p2, p0  }
0x20: {  	[sflag:s8] =	ssyncset.s32 @!p0 $0xFFFFF086;
	s6 =	sadd.s32 @!p0 s3, s7;
	s7 =	simm.s32 @!p0 $0x108  }
0x21: {  	s3 =	sadd.s32 s3, s9;
	s6 =	sadd.s32 @!p0 $0x88, s6;
	s7 =	simm.s32 @p2 $0x1082  }
0x22: {  	[simem:s7], [sflag:s8] =	dma.local @!p0 [hbm:s6], $0xF7A  }
0x23: {  	s9 =	sor.u32 $0xD0000000, s2;
	s6 =	simm.s32 $0x108;
	_ =	swait.ge @!p0 [sflag:s8], $0x0  }
0x24: {  	s3 =	sadd.s32 $0x88, s3;
	s6 =	simm.s32 @!p1 $0x1082;
	[sflag:s4] =	ssyncset.s32 $0xFFFFF086  }
0x25: {  	[simem:s6], [sflag:s4] =	dma.local [hbm:s3], $0xF7A  }
0x26: {  	[smem:$0x3F94] =	sst s1;
	(tag) =	ssettag s2;
	_ =	strace s9  }
0x27: {  	s1 =	sld [smem:$0x3FA4]  }
0x28: {  	s2 =	sld [smem:$0x3FA5]  }
0x29: {  	s4 =	sld [smem:$0x3FA7]  }
0x2a: {  	p0 =	seq.s32 s5, $0x0;
	s5 =	sld [smem:$0x3FA8]  }
0x2b: {  	s6 =	sld [smem:$0x3FA9]  }
0x2c: {  	s7 =	sld [smem:$0x3FAA]  }
0x2d: {  	s3 =	simm.s32 $0x108;
	s8 =	sld [smem:$0x3FAB]  }
0x2e: {  	s3 =	simm.s32 @!p0 $0x1082;
	s9 =	sld [smem:$0x3FAC]  }
0x2f: {  	lr =	sadd.s32 s0, s3;
	s0 =	sld [smem:$0x3FA3]  }
0x30: {  	s3 =	sld [smem:$0x3FA6]  }
0x31: {  	[smem:$0x3FAF] =	sst s10  }
0x32: {  	s10 =	sld [smem:$0x3FAD];
	_ =	sdelay $0x3  }
0x33: {  	p0 =	seq.s32 s10, $0x1;
	s10 =	sld [smem:$0x3FAF];
	_ =	sdelay $0x3  }
0x34: {  	[smem:$0x3FAF] =	sst s10  }
0x35: {  	s10 =	sld [smem:$0x3FAE];
	_ =	sdelay $0x3  }
0x36: {  	p1 =	seq.s32 s10, $0x1;
	s10 =	sld [smem:$0x3FAF];
	_ =	sdelay $0x3  }
0x37: {  	[smem:$0x3FAF] =	sst s10  }
0x38: {  	s10 =	sld [smem:$0x3FB0]  }
0x39: {  	_ = 	snop;
	(pc) =	sbr.ind lr, $3  }
0x3a: {  	_ = 	snop  }
0x3b: {  	_ = 	snop  }
0x3c: {  	p2 =	seq.s32 s10, $0x1;
	s10 =	sld [smem:$0x3FAF]  }
0x3d: {  	_ =	shalt  }
0x3e: {  	_ =	shalt  }
0x3f: {  	_ =	shalt  }
0x40: {  	_ =	shalt  }
0x41: {  	_ =	shalt  }
0x42: {  	_ =	shalt  }
0x43: {  	_ =	shalt  }
0x44: {  	_ =	shalt  }
0x45: {  	_ =	shalt  }
0x46: {  	_ =	shalt  }
0x47: {  	_ =	shalt  }
0x48: {  	_ =	shalt  }
0x49: {  	_ =	shalt  }
0x4a: {  	_ =	shalt  }
0x4b: {  	_ =	shalt  }
0x4c: {  	_ =	shalt  }
0x4d: {  	_ =	shalt  }
0x4e: {  	_ =	shalt  }
0x4f: {  	_ =	shalt  }
0x50: {  	_ =	shalt  }
0x51: {  	_ =	shalt  }
0x52: {  	_ =	shalt  }
0x53: {  	_ =	shalt  }
0x54: {  	_ =	shalt  }
0x55: {  	_ =	shalt  }
0x56: {  	_ =	shalt  }
0x57: {  	_ =	shalt  }
0x58: {  	_ =	shalt  }
0x59: {  	_ =	shalt  }
0x5a: {  	_ =	shalt  }
0x5b: {  	_ =	shalt  }
0x5c: {  	_ =	shalt  }
0x5d: {  	_ =	shalt  }
0x5e: {  	_ =	shalt  }
0x5f: {  	_ =	shalt  }
0x60: {  	_ =	shalt  }
0x61: {  	_ =	shalt  }
0x62: {  	_ =	shalt  }
0x63: {  	_ =	shalt  }
0x64: {  	_ =	shalt  }
0x65: {  	_ =	shalt  }
0x66: {  	_ =	shalt  }
0x67: {  	_ =	shalt  }
0x68: {  	_ =	shalt  }
0x69: {  	_ =	shalt  }
0x6a: {  	_ =	shalt  }
0x6b: {  	_ =	shalt  }
0x6c: {  	_ =	shalt  }
0x6d: {  	_ =	shalt  }
0x6e: {  	_ =	shalt  }
0x6f: {  	_ =	shalt  }
0x70: {  	_ =	shalt  }
0x71: {  	_ =	shalt  }
0x72: {  	_ =	shalt  }
0x73: {  	_ =	shalt  }
0x74: {  	_ =	shalt  }
0x75: {  	_ =	shalt  }
0x76: {  	_ =	shalt  }
0x77: {  	_ =	shalt  }
0x78: {  	_ =	shalt  }
0x79: {  	_ =	shalt  }
0x7a: {  	_ =	shalt  }
0x7b: {  	_ =	shalt  }
0x7c: {  	_ =	shalt  }
0x7d: {  	_ =	shalt  }
0x7e: {  	_ =	shalt  }
0x7f: {  	_ =	shalt  }
0x80: {  	_ =	shalt  }
0x81: {  	_ =	shalt  }
0x82: {  	_ =	shalt  }
0x83: {  	_ =	shalt  }
0x84: {  	_ =	shalt  }
0x85: {  	_ =	shalt  }
0x86: {  	_ =	shalt  }
0x87: {  	_ =	shalt  }
.Lfunc_end0:
.L_simem_size_0:
called_computation.2_lowered:
.L_overlay_start_0:
0x88: {  	s2 =	sld [smem:$0x3FD9]  }
0x89: {  	s3 =	sld [smem:$0x3FFE];
	_ =	sdelay $0x1  }
0x8a: {  	s1 =	srdreg.scid  }
0x8b: {  	s0 =	sand.u32 $0x1, s1  }
0x8c: {  	s14 =	sshll.u32 s0, $0xA;
	s2 =	sadd.s32 s3, s2  }
0x8d: {  	s2 =	sadd.s32 s2, s14  }
0x8e: {  	[smem:$0x3FBB] =	sst s2  }
0x8f: {  	_ = 	snop  }
0x90: {  	s2 =	sld [smem:$0x3FD0];
	_ =	sdelay $0x2  }
0x91: {  	s15 =	simm.s32 $0xA;
	s4 =	simm.s32 $0x10  }
0x92: {  	[smem:s4], [sflag:s15] =	dma.local [hbm:s2], $0x1  }
0x93: {  	_ =	swait.eq [sflag:s15], $0x1  }
0x94: {  	[sflag:s15] =	ssyncset.done $0x0  }
0x95: {  	s16 =	sld [smem:$0x12];
	[sflag:s15] =	ssyncadd.s32 $0xFFFFFFFF  }
0x96: {  	s17 =	sld [smem:$0x13];
	(tm) =	ssettm $0x1  }
0x97: {  	s18 =	sld [smem:$0x3FFB];
	_ =	sdelay $0x3  }
0x98: {  	_ =	strace s18  }
0x99: {  	s4 =	sld [smem:$0x3FFC];
	_ =	sdelay $0x3  }
0x9a: {  	_ =	strace s4  }
0x9b: {  	s4 =	sld [smem:$0x3FFD];
	_ =	sdelay $0x3  }
0x9c: {  	_ =	strace s4  }
0x9d: {  	_ =	strace $0x8FFFFFFF  }
0x9e: {  	s19 =	sld [smem:$0x3FDB];
	_ =	sdelay $0x1  }
0x9f: {  	s5 =	simm.s32 $_scs_section_size  }
0xa0: {  	s6 =	simm.s32 $_size__tile_overlayer_lowered;
	s7 =	simm.s32 $_tile_overlayer_lowered  }
0xa1: {  	s22 =	simm.s32 $0x1BFF;
	s21 =	sshll.u32 s7, $0x1;
	s4 =	sadd.s32 s5, s19  }
0xa2: {  	s8 =	simm.s32 $0x0;
	s20 =	sshll.u32 s6, $0x1;
	s6 =	sadd.s32 s21, s4  }
0xa3: {  	[timem:s8], [sflag:s22] =	dma.local [hbm:s6], s20  }
0xa4: {  	_ =	swait.ge [sflag:s22], s20  }
0xa5: {  	s5 =	ssub.s32 $0x0, s20;
	[sflag:s22] =	ssyncset.done $0x0  }
0xa6: {  	[sflag:s22] =	ssyncadd.s32 s5;
	_ =	sdelay $0x1  }
0xa7: {  	s23 =	simm.s32 $0x1B8B  }
0xa8: {  	_ =	swait.ge [sflag:s23], $0x1  }
0xa9: {  	[sflag:s23] =	ssyncset.done $0x0  }
0xaa: {  	s25 =	simm.s32 $0x1B8E;
	s24 =	sld [smem:$0x3FFE];
	[sflag:s23] =	ssyncadd.s32 $0xFFFFFFFF  }
0xab: {  	s26 =	simm.s32 $execute0_lowered;
	[smem:$0x3FD2] =	sst s25  }
0xac: {  	s6 =	sshll.u32 s26, $0x1;
	_ =	strace $0x8000004C;
	[dreg:$0x1] =	wrdreg $0xFFFFFFFF  }
0xad: {  	s28 =	simm.s32 $_size_execute0_lowered;
	s4 =	sadd.s32 s4, s6;
	[dreg:$0x0] =	wrdreg $0x0  }
0xae: {  	s6 =	sshll.u32 s28, $0x1;
	[dreg:$0x2] =	wrdreg s4  }
0xaf: {  	[dreg:$0x3] =	wrdreg s6  }
0xb0: {  	[dreg:$0x4] =	wrdreg $0xC0  }
0xb1: {  	_ =	task [dreg:s8], $0x5FFFF  }
0xb2: {  	[dreg:$0x1] =	wrdreg $0xFFFFFFFF  }
0xb3: {  	[dreg:$0x0] =	wrdreg $0x60  }
0xb4: {  	[dreg:$0x2] =	wrdreg s24  }
0xb5: {  	[dreg:$0x3] =	wrdreg s17  }
0xb6: {  	[dreg:$0x4] =	wrdreg s16  }
0xb7: {  	[dreg:$0x5] =	wrdreg $0x84000  }
0xb8: {  	[dreg:$0x6] =	wrdreg $0x9  }
0xb9: {  	_ =	task.clear_ibuf [dreg:s8], $0x7FFFF;
	_ =	strace $0x9000004C  }
0xba: {  	s29 =	simm.s32 $0x9;
	_ =	strace $0x8000004E  }
0xbb: {  	_ =	swait.ge [sflag:s29], $0x1  }
0xbc: {  	[sflag:s29] =	ssyncadd.s32 $0xFFFFFFFF  }
0xbd: {  	_ =	strace $0x9000004E  }
0xbe: {  	_ =	sfence  }
0xbf: {  	s30 =	sld [smem:$0x0];
	_ =	sdelay $0x2  }
0xc0: {  	s31 =	sshll.u32 s1, $0xD;
	s1 =	sshrl.u32 s1, $0x2  }
0xc1: {  	s3 =	sand.u32 $0x4000, s31;
	s1 =	sadd.s32 s1, s30  }
0xc2: {  	s0 =	sor.u32 s3, s0;
	s1 =	sshll.u32 s1, $0x11  }
0xc3: {  	s0 =	sor.u32 s1, s0  }
0xc4: {  	s0 =	sadd.s32 $0x8F2B, s0  }
0xc5: {  	[sflag:s0] =	ssyncadd.remote.s32 $0x1  }
0xc6: {  	_ =	sfence.sel $0xFFFF  }
0xc7: {  	[dreg:$0x0] =	wrdreg $0xFFFFFFFF;
	(pc) =	sbr.abs _section_cstart, $3  }
0xc8: {  	[dreg:$0x1] =	wrdreg $0xFFFFFFFF  }
0xc9: {  	_ =	task.clear_ibuf [dreg:s8], $0x2FFFF;
	_ =	strace $0x9FFFFFFF  }
0xca: {  	(tm) =	ssettm $0x7FFFFFFF  }
0xcb: {  	_ =	shalt  }
tec
execute0_lowered:
.L_overlay_start_1:
0x0: {  	(tag) =	ssettag $0x1  }
0x1: {  	s0 =	rddreg [dreg:$0x0]  }
0x2: {  	s4 =	rddreg [dreg:$0x3]  }
0x3: {  	s1 =	srdreg.scid;
	s14 =	stileid.u32  }
0x4: {  	s5 =	simm.s32 $0x0;
	s28 =	simm.s32 $0xD400;
	s29 =	simm.s32 $0x10  }
0x5: {  	s30 =	simm.s32 $0x5400;
	s31 =	simm.s32 $0x0;
	s1 =	sand.u32 $0x1, s1  }
0x6: {  	s3 =	smul.u32 $0x1400, s14;
	[smem:$0x7FF] =	sst s5;
	s7 =	sadd.s32 $0x25C00, s0  }
0x7: {  	s8 =	sadd.s32 $0x16C00, s0;
	s26 =	smul.u32 $0x280, s14;
	s2 =	sshll.u32 s1, $0x4  }
0x8: {  	s6 =	smul.u32 $0x14000, s1;
	_ =	strace $0x8000004D;
	s9 =	ssub.s32 $0x2, s1  }
0x9: {  	s21 =	smul.u32 $0x2800, s1;
	p0 =	seq.s32 s1, $0x1;
	s2 =	sor.u32 s14, s2  }
0xa: {  	s11 =	sshrl.u32 s3, $0x3;
	s12 =	sshrl.u32 s9, $0x1;
	s14 =	sadd.s32 s3, s4  }
0xb: {  	s2 =	smul.u32 $0x500, s2;
	s6 =	sadd.s32 s3, s6;
	s13 =	sadd.s32 s11, s0  }
0xc: {  	s16 =	sadd.s32 $0x2800, s11;
	s17 =	sadd.s32 s7, s11;
	s20 =	sadd.s32 s8, s11  }
0xd: {  	s3 =	simm.s32 $0x8;
	s11 =	simm.s32 $0x6C00;
	[dreg:$0xc] =	wrdreg s14  }
0xe: {  	s6 =	sshrl.u32 s6, $0x3;
	[dreg:$0x7] =	wrdreg s17;
	s18 =	sadd.s32 s7, s16  }
0xf: {  	s19 =	sadd.s32 $0x2AC00, s13;
	[dreg:$0xa] =	wrdreg s20;
	s22 =	sadd.s32 s8, s16  }
0x10: {  	s24 =	sadd.s32 $0x20C00, s13;
	s25 =	sadd.s32 $0x2D400, s13;
	s20 =	simm.s32 $0x9  }
0x11: {  	s16 =	simm.s32 $0x6;
	s17 =	simm.s32 $0x11;
	[dreg:$0x8] =	wrdreg s18  }
0x12: {  	s7 =	simm.s32 $0xFE80;
	s8 =	simm.s32 $0x12680;
	[dreg:$0x9] =	wrdreg s19  }
0x13: {  	s2 =	sadd.s32 s2, s0;
	s10 =	sadd.s32 s6, s0;
	[dreg:$0xb] =	wrdreg s22  }
0x14: {  	s6 =	sadd.s32 $0x1BC00, s0;
	s0 =	ssub.s32 s9, s12;
	[dreg:$0xe] =	wrdreg s24  }
0x15: {  	[dreg:$0xf] =	wrdreg s25;
	s22 =	simm.s32 $0xAC00;
	s9 =	simm.s32 $0x80  }
0x16: {  	s12 =	simm.s32 $0xA;
	s15 =	sadd.s32 $0xCC00, s2;
	s2 =	sadd.s32 $0x2C00, s2  }
.Ltmp0:
0x17: {  	s23 =	sadd.s32 s6, s26;
	[dreg:$0x5] =	wrdreg s15;
	(pc) =	sbr.rel .LBB2_1-.Ltmp0, $4  }
0x18: {  	s26 =	sadd.s32 $0x2FC00, s10;
	s0 =	smax.u32 s0, $0x1;
	[dreg:$0x6] =	wrdreg s2  }
0x19: {  	s10 =	simm.s32 $0x6400;
	s2 =	sadd.s32 s21, s23;
	[dreg:$0x10] =	wrdreg s26  }
0x1a: {  	v0 =	vlaneseq.u32;
	[dreg:$0x11] =	wrdreg s0;
	s21 =	simm.s32 $0x9800;
	s23 =	simm.s32 $0xE800  }
0x1b: {  	v1 =	vimm.f32 $0.0e+00;
	v0 =	vmul.u32 $0x8, v0;
	s26 =	simm.s32 $0xC000;
	[dreg:$0xd] =	wrdreg s2;
	s2 =	simm.s32 $0x11280  }
.LBB2_19:
0x1c: {  	_ =	swait.ge [sflag:s20], $0x400  }
0x1d: {  	[sflag:s20] =	ssyncset.done $0x0  }
0x1e: {  	[sflag:s20] =	ssyncadd.s32 $0xFFFFFC00  }
0x1f: {  	_ =	swait.ge [sflag:s12], $0x400  }
0x20: {  	[sflag:s12] =	ssyncset.done $0x0  }
0x21: {  	s0 =	simm.s32 $0xB;
	[sflag:s12] =	ssyncadd.s32 $0xFFFFFC00  }
0x22: {  	_ =	swait.ge [sflag:s0], $0x400  }
0x23: {  	[sflag:s0] =	ssyncset.done $0x0  }
0x24: {  	s14 =	simm.s32 $0xC;
	[sflag:s0] =	ssyncadd.s32 $0xFFFFFC00  }
0x25: {  	_ =	swait.ge [sflag:s14], $0x400  }
0x26: {  	[sflag:s14] =	ssyncset.done $0x0  }
0x27: {  	s15 =	simm.s32 $0xD;
	[sflag:s14] =	ssyncadd.s32 $0xFFFFFC00  }
0x28: {  	_ =	swait.ge [sflag:s15], $0x400  }
0x29: {  	[sflag:s15] =	ssyncset.done $0x0  }
0x2a: {  	s18 =	simm.s32 $0xE;
	[sflag:s15] =	ssyncadd.s32 $0xFFFFFC00  }
0x2b: {  	_ =	swait.ge [sflag:s18], $0x400  }
0x2c: {  	[sflag:s18] =	ssyncset.done $0x0  }
0x2d: {  	s19 =	simm.s32 $0xF;
	[sflag:s18] =	ssyncadd.s32 $0xFFFFFC00  }
0x2e: {  	_ =	swait.ge [sflag:s19], $0x400  }
0x2f: {  	[sflag:s19] =	ssyncset.done $0x0  }
0x30: {  	[sflag:s19] =	ssyncadd.s32 $0xFFFFFC00  }
0x31: {  	_ =	swait.ge [sflag:s29], $0x400  }
0x32: {  	[sflag:s29] =	ssyncset.done $0x0  }
0x33: {  	[sflag:s29] =	ssyncadd.s32 $0xFFFFFC00  }
0x34: {  	s24 =	stileid.u32;
	[bflag:$0x0] =	sbarrier.arrive $0xFFFF  }
0x35: {  	s0 =	sshll.u32 s24, $0x6;
	s14 =	rddreg [dreg:$0xc]  }
0x36: {  	s0 =	sor.u32 $0x1C11, s0;
	s13 =	rddreg [dreg:$0x10];
	s1 =	sshrl.u32 s14, $0x3  }
0x37: {  	[hbm:s13], [sflag:s0] =	dma.local [spmem:s1], $0x280  }
0x38: {  	_ =	swait.ge [sflag:s17], $0x280  }
0x39: {  	s31 =	sadd.s32 $0x1, s31;
	s25 =	rddreg [dreg:$0x11]  }
0x3a: {  	p1 =	sne.s32 s31, s25  }
.Ltmp1:
0x3b: {  	_ = 	snop;
	(pc) =	sbr.rel @!p1 .LBB2_20-.Ltmp1, $3  }
0x3c: {  	_ =	sdelay $0x1  }
0x3d: {  	[sflag:s17] =	ssyncset.done $0x0  }
0x3e: {  	[sflag:s17] =	ssyncadd.s32 $0xFFFFFD80  }
.LBB2_1:
0x3f: {  	s0 =	rddreg [dreg:$0x5]  }
0x40: {  	[tilespmem:s5], [sflag:$0x1] =	stream.linear.gather [hbm4b:s0+s5], $0x2800, $0x38;
	[tilespmem:$0x13A80] =	vst v63  }
0x41: {  	s19 =	rddreg [dreg:$0x6];
	s1 =	simm.s32 $0x2800  }
0x42: {  	[tilespmem:s1], [sflag:$0x2] =	stream.linear.gather [hbm4b:s19+s5], $0x2800, $0x38;
	[tilespmem:$0x13A80] =	vst v63  }
0x43: {  	s24 =	rddreg [dreg:$0x7]  }
0x44: {  	[tilespmem:s21], [sflag:$0x3] =	stream.linear.gather [hbm4b:s24+s5], $0x1400, $0x38;
	[tilespmem:$0x13A80] =	vst v63  }
0x45: {  	s25 =	rddreg [dreg:$0x8]  }
0x46: {  	[tilespmem:s22], [sflag:$0x4] =	stream.linear.gather [hbm4b:s25+s5], $0x1400, $0x38;
	[tilespmem:$0x13A80] =	vst v63  }
0x47: {  	s1 =	rddreg [dreg:$0x9]  }
0x48: {  	[tilespmem:s23], [sflag:$0x7] =	stream.linear.gather [hbm4b:s1+s5], $0x1400, $0x38;
	[tilespmem:$0x13A80] =	vst v63  }
0x49: {  	s13 =	rddreg [dreg:$0x1];
	s15 =	simm.s32 $0xFC00  }
0x4a: {  	[tilespmem:s15], [sflag:$0x8] =	stream.linear.gather [hbm4b:s13+s5], $0x280, $0x38;
	[tilespmem:$0x13A80] =	vst v63  }
0x4b: {  	s18 =	rddreg [dreg:$0x2];
	s1 =	simm.s32 $0x7000  }
0x4c: {  	[tilespmem:s1], [sflag:$0x9] =	stream.linear.gather [hbm4b:s18+s5], $0x1400, $0x38;
	[tilespmem:$0x13A80] =	vst v63  }
0x4d: {  	s19 =	rddreg [dreg:$0xa]  }
0x4e: {  	[tilespmem:s26], [sflag:$0x5] =	stream.linear.gather [hbm4b:s19+s5], $0x1400, $0x38;
	[tilespmem:$0x13A80] =	vst v63  }
0x4f: {  	s24 =	rddreg [dreg:$0xb];
	s25 =	simm.s32 $0x1  }
0x50: {  	[tilespmem:s28], [sflag:$0x6] =	stream.linear.gather [hbm4b:s24+s5], $0x1400, $0x38;
	[tilespmem:$0x13A80] =	vst v63  }
0x51: {  	_ =	swait.ge [sflag:s25], $0x2800  }
0x52: {  	[sflag:s25] =	ssyncset.done $0x0  }
0x53: {  	s13 =	simm.s32 $0x2;
	[sflag:s25] =	ssyncadd.s32 $0xFFFFD800  }
0x54: {  	_ =	swait.ge [sflag:s13], $0x2800  }
0x55: {  	[sflag:s13] =	ssyncset.done $0x0  }
0x56: {  	s15 =	simm.s32 $0x3;
	[sflag:s13] =	ssyncadd.s32 $0xFFFFD800  }
0x57: {  	_ =	swait.ge [sflag:s15], $0x1400  }
0x58: {  	[sflag:s15] =	ssyncset.done $0x0  }
0x59: {  	s18 =	simm.s32 $0x4;
	[sflag:s15] =	ssyncadd.s32 $0xFFFFEC00  }
0x5a: {  	_ =	swait.ge [sflag:s18], $0x1400  }
0x5b: {  	[sflag:s18] =	ssyncset.done $0x0  }
0x5c: {  	s19 =	simm.s32 $0x7;
	[sflag:s18] =	ssyncadd.s32 $0xFFFFEC00  }
0x5d: {  	_ =	swait.ge [sflag:s19], $0x1400  }
0x5e: {  	[sflag:s19] =	ssyncset.done $0x0  }
0x5f: {  	[sflag:s19] =	ssyncadd.s32 $0xFFFFEC00  }
0x60: {  	_ =	swait.ge [sflag:s3], $0x280  }
0x61: {  	[sflag:s3] =	ssyncset.done $0x0  }
0x62: {  	[sflag:s3] =	ssyncadd.s32 $0xFFFFFD80  }
0x63: {  	_ =	swait.ge [sflag:s20], $0x1400  }
0x64: {  	[sflag:s20] =	ssyncset.done $0x0  }
0x65: {  	s24 =	simm.s32 $0x5;
	[sflag:s20] =	ssyncadd.s32 $0xFFFFEC00  }
0x66: {  	_ =	swait.ge [sflag:s24], $0x1400  }
0x67: {  	[sflag:s24] =	ssyncset.done $0x0  }
0x68: {  	v2 =	vmov s5;
	[sflag:s24] =	ssyncadd.s32 $0xFFFFEC00  }
0x69: {  	v2 =	vshll.u32 v2, $0x3;
	_ =	swait.ge [sflag:s16], $0x1400  }
0x6a: {  	v3 =	vor.u32 v0, v2;
	[sflag:s16] =	ssyncset.done $0x0  }
0x6b: {  	v6 =	vor.u32 $0x4, v3;
	[sflag:s16] =	ssyncadd.s32 $0xFFFFEC00  }
0x6c: {  	[spmem:s14] =	stream.linear.scatter [tilespmem:s1], [sflag:$0x11], $0x1400, $0x38;
	[tilespmem:$0x13A80] =	vst v63  }
0x6d: {  	_ =	swait.ge [sflag:s17], $0x1400  }
0x6e: {  	[sflag:s17] =	ssyncset.done $0x0  }
0x6f: {  	[sflag:s17] =	ssyncadd.s32 $0xFFFFEC00  }
0x70: {  	v2 =	vld.idx.msk [tilespmem:v6+s26+$0x0], $0xffff  }
0x71: {  	v4 =	vld.idx.msk [tilespmem:v6+s28+$0x0], $0xffff;
	_ =	sdelay $0x4  }
0x72: {  	v2 =	vadd.f32 v4, v2;
	_ =	sdelay $0x1  }
0x73: {  	v2 =	vmax.f32 v2, $1.000000000e+00  }
0x74: {  	(erf) = vrcp.f32 v2;
	_ =	sdelay $0x1  }
0x75: {  	v4 =	vld.idx.msk [tilespmem:v3+s21+$0x0], $0xffff  }
0x76: {  	v2 =	vld.idx.msk [tilespmem:v3+s22+$0x0], $0xffff;
	_ =	sdelay $0x3  }
0x77: {  	v5 =	vld.idx.msk [tilespmem:v3+s23+$0x0], $0xffff  }
0x78: {  	v2 =	vadd.f32 v2, v4  }
0x79: {  	v7 =	vpop (erf)  }
0x7a: {  	v2 =	vmul.f32 v7, v2;
	_ =	sdelay $0x1  }
0x7b: {  	v2 =	vadd.f32 v2, v5;
	_ =	sdelay $0x1  }
0x7c: {  	v2 =	vadd.f32 v2, v2;
	_ =	sdelay $0x1  }
0x7d: {  	v2 =	vmul.f32 $1.442695020e+00, v2;
	_ =	sdelay $0x1  }
0x7e: {  	(erf) = vpow2.f32 v2;
	_ =	sdelay $0x8  }
0x7f: {  	v2 =	vpop (erf)  }
0x80: {  	v2 =	vadd.f32 $1.000000000e+00, v2;
	_ =	sdelay $0x1  }
0x81: {  	(erf) = vrcp.f32 v2;
	_ =	sdelay $0x8  }
0x82: {  	v2 =	vpop (erf)  }
0x83: {  	v4 =	vadd.f32 v2, v2;
	v2 =	vor.u32 $0x1, v3;
	_ =	sdelay $0x1  }
0x84: {  	v14 =	vsub.f32 $1.000000000e+00, v4;
	_ =	sdelay $0x1  }
0x85: {  	[tilespmem:v3+s2+$0x0] =	vst.idx.msk $0xffff, v14  }
0x86: {  	v4 =	vld.idx.msk [tilespmem:v2+s21+$0x0], $0xffff  }
0x87: {  	v5 =	vld.idx.msk [tilespmem:v2+s22+$0x0], $0xffff;
	_ =	sdelay $0x3  }
0x88: {  	v8 =	vld.idx.msk [tilespmem:v2+s23+$0x0], $0xffff  }
0x89: {  	v4 =	vadd.f32 v5, v4;
	_ =	sdelay $0x1  }
0x8a: {  	v4 =	vmul.f32 v4, v7;
	_ =	sdelay $0x1  }
0x8b: {  	v4 =	vadd.f32 v4, v8;
	_ =	sdelay $0x1  }
0x8c: {  	v4 =	vadd.f32 v4, v4;
	_ =	sdelay $0x1  }
0x8d: {  	v4 =	vmul.f32 $1.442695020e+00, v4;
	_ =	sdelay $0x1  }
0x8e: {  	(erf) = vpow2.f32 v4;
	_ =	sdelay $0x8  }
0x8f: {  	v4 =	vpop (erf)  }
0x90: {  	v4 =	vadd.f32 $1.000000000e+00, v4;
	_ =	sdelay $0x1  }
0x91: {  	(erf) = vrcp.f32 v4;
	_ =	sdelay $0x8  }
0x92: {  	v4 =	vpop (erf)  }
0x93: {  	v5 =	vadd.f32 v4, v4;
	v4 =	vor.u32 $0x2, v3;
	_ =	sdelay $0x1  }
0x94: {  	v5 =	vsub.f32 $1.000000000e+00, v5;
	_ =	sdelay $0x1  }
0x95: {  	[tilespmem:v2+s2+$0x0] =	vst.idx.msk $0xffff, v5  }
0x96: {  	v8 =	vld.idx.msk [tilespmem:v4+s21+$0x0], $0xffff  }
0x97: {  	v9 =	vld.idx.msk [tilespmem:v4+s22+$0x0], $0xffff;
	_ =	sdelay $0x3  }
0x98: {  	v10 =	vld.idx.msk [tilespmem:v4+s23+$0x0], $0xffff  }
0x99: {  	v8 =	vadd.f32 v9, v8;
	_ =	sdelay $0x1  }
0x9a: {  	v8 =	vmul.f32 v8, v7;
	_ =	sdelay $0x1  }
0x9b: {  	v8 =	vadd.f32 v8, v10;
	_ =	sdelay $0x1  }
0x9c: {  	v8 =	vadd.f32 v8, v8;
	_ =	sdelay $0x1  }
0x9d: {  	v8 =	vmul.f32 $1.442695020e+00, v8;
	_ =	sdelay $0x1  }
0x9e: {  	(erf) = vpow2.f32 v8;
	_ =	sdelay $0x8  }
0x9f: {  	v8 =	vpop (erf)  }
0xa0: {  	v8 =	vadd.f32 $1.000000000e+00, v8;
	_ =	sdelay $0x1  }
0xa1: {  	(erf) = vrcp.f32 v8;
	_ =	sdelay $0x8  }
0xa2: {  	v8 =	vpop (erf)  }
0xa3: {  	v9 =	vadd.f32 v8, v8;
	v8 =	vor.u32 $0x3, v3;
	_ =	sdelay $0x1  }
0xa4: {  	v9 =	vsub.f32 $1.000000000e+00, v9;
	_ =	sdelay $0x1  }
0xa5: {  	[tilespmem:v4+s2+$0x0] =	vst.idx.msk $0xffff, v9  }
0xa6: {  	v10 =	vld.idx.msk [tilespmem:v8+s21+$0x0], $0xffff  }
0xa7: {  	v11 =	vld.idx.msk [tilespmem:v8+s22+$0x0], $0xffff;
	_ =	sdelay $0x3  }
0xa8: {  	v12 =	vld.idx.msk [tilespmem:v8+s23+$0x0], $0xffff  }
0xa9: {  	v10 =	vadd.f32 v11, v10;
	_ =	sdelay $0x1  }
0xaa: {  	v7 =	vmul.f32 v10, v7;
	_ =	sdelay $0x1  }
0xab: {  	v7 =	vadd.f32 v7, v12;
	_ =	sdelay $0x1  }
0xac: {  	v7 =	vadd.f32 v7, v7;
	_ =	sdelay $0x1  }
0xad: {  	v7 =	vmul.f32 $1.442695020e+00, v7;
	_ =	sdelay $0x1  }
0xae: {  	(erf) = vpow2.f32 v7;
	_ =	sdelay $0x8  }
0xaf: {  	v7 =	vpop (erf)  }
0xb0: {  	v7 =	vadd.f32 $1.000000000e+00, v7;
	_ =	sdelay $0x1  }
0xb1: {  	(erf) = vrcp.f32 v7;
	_ =	sdelay $0x8  }
0xb2: {  	v7 =	vpop (erf)  }
0xb3: {  	v7 =	vadd.f32 v7, v7;
	_ =	sdelay $0x1  }
0xb4: {  	v10 =	vsub.f32 $1.000000000e+00, v7;
	_ =	sdelay $0x1  }
0xb5: {  	[tilespmem:v8+s2+$0x0] =	vst.idx.msk $0xffff, v10  }
0xb6: {  	v7 =	vld [tilespmem:$0xFC00]  }
0xb7: {  	v11 =	vld [tilespmem:$0xFC80];
	_ =	sdelay $0x1  }
0xb8: {  	v12 =	vld [tilespmem:$0xFD00];
	_ =	sdelay $0x1  }
0xb9: {  	v13 =	vld [tilespmem:$0xFD80]  }
0xba: {  	v7 =	vmul.f32 v7, v14;
	v11 =	vmul.f32 v11, v5;
	_ =	sdelay $0x1  }
0xbb: {  	v7 =	vadd.f32 v11, v7;
	v11 =	vmul.f32 v9, v12;
	_ =	sdelay $0x1  }
0xbc: {  	v7 =	vadd.f32 v11, v7;
	v11 =	vmul.f32 v10, v13;
	_ =	sdelay $0x1  }
0xbd: {  	v7 =	vadd.f32 v11, v7;
	_ =	sdelay $0x1  }
0xbe: {  	[tilespmem:v3+s7+$0x0] =	vst.idx.msk $0xffff, v7  }
0xbf: {  	v7 =	vld [tilespmem:$0xFC10]  }
0xc0: {  	v11 =	vld [tilespmem:$0xFC90];
	_ =	sdelay $0x1  }
0xc1: {  	v12 =	vld [tilespmem:$0xFD10];
	_ =	sdelay $0x1  }
0xc2: {  	v13 =	vld [tilespmem:$0xFD90]  }
0xc3: {  	v7 =	vmul.f32 v7, v14;
	v11 =	vmul.f32 v11, v5;
	_ =	sdelay $0x1  }
0xc4: {  	v7 =	vadd.f32 v11, v7;
	v11 =	vmul.f32 v12, v9;
	_ =	sdelay $0x1  }
0xc5: {  	v7 =	vadd.f32 v11, v7;
	v11 =	vmul.f32 v13, v10;
	_ =	sdelay $0x1  }
0xc6: {  	v7 =	vadd.f32 v11, v7  }
0xc7: {  	v11 =	vor.u32 $0x5, v3  }
0xc8: {  	[tilespmem:v2+s7+$0x0] =	vst.idx.msk $0xffff, v7;
	v7 =	vor.u32 $0x6, v3  }
0xc9: {  	v12 =	vor.u32 $0x7, v3;
	[tilespmem:v4+s7+$0x0] =	vst.idx.msk $0xffff, v1  }
0xca: {  	[tilespmem:v8+s7+$0x0] =	vst.idx.msk $0xffff, v1  }
0xcb: {  	[tilespmem:v6+s7+$0x0] =	vst.idx.msk $0xffff, v1  }
0xcc: {  	[tilespmem:v11+s7+$0x0] =	vst.idx.msk $0xffff, v1  }
0xcd: {  	[tilespmem:v7+s7+$0x0] =	vst.idx.msk $0xffff, v1  }
0xce: {  	[tilespmem:v12+s7+$0x0] =	vst.idx.msk $0xffff, v1  }
0xcf: {  	v6 =	vld [tilespmem:$0xFC20]  }
0xd0: {  	v7 =	vld [tilespmem:$0xFE00]  }
0xd1: {  	v11 =	vld [tilespmem:$0xFCA0];
	_ =	sdelay $0x1  }
0xd2: {  	v12 =	vld [tilespmem:$0xFD20]  }
0xd3: {  	v6 =	vmul.f32 v6, v14  }
0xd4: {  	v13 =	vld [tilespmem:$0xFDA0]  }
0xd5: {  	v6 =	vadd.f32 v6, v7;
	v7 =	vmul.f32 v11, v5;
	_ =	sdelay $0x1  }
0xd6: {  	v11 =	vmul.f32 v12, v9;
	v6 =	vadd.f32 v7, v6;
	_ =	sdelay $0x1  }
0xd7: {  	v7 =	vmul.f32 v13, v10;
	v6 =	vadd.f32 v11, v6;
	_ =	sdelay $0x1  }
0xd8: {  	v6 =	vadd.f32 v7, v6;
	_ =	sdelay $0x1  }
0xd9: {  	[tilespmem:v3+s8+$0x0] =	vst.idx.msk $0xffff, v6  }
0xda: {  	v7 =	vld [tilespmem:$0xFC30]  }
0xdb: {  	v6 =	vld [tilespmem:$0xFE10]  }
0xdc: {  	v12 =	vld [tilespmem:$0xFCB0]  }
0xdd: {  	v13 =	vld [tilespmem:$0xFD30]  }
0xde: {  	s25 =	simm.s32 $0x10;
	v11 =	vld [tilespmem:$0xFDB0]  }
0xdf: {  	s0 =	simm.s32 $0x20;
	v3 =	vmov s25;
	v7 =	vmul.f32 v7, v14  }
.LBB2_2:
0xe0: {  	p1 =	sne.s32 s0, $0x270;
	v3 =	vshll.u32 v3, $0x3;
	s1 =	smov.u32 s0;
	s0 =	sadd.s32 $0x10, s0  }
0xe1: {  	v3 =	vor.u32 v0, v3;
	v7 =	vadd.f32 v7, v6;
	v5 =	vmul.f32 v12, v5  }
0xe2: {  	v6 =	vor.u32 $0x4, v3;
	v9 =	vmul.f32 v13, v9  }
0xe3: {  	v5 =	vadd.f32 v5, v7;
	v7 =	vmul.f32 v11, v10;
	_ =	sdelay $0x1  }
0xe4: {  	v5 =	vadd.f32 v9, v5;
	_ =	sdelay $0x1  }
0xe5: {  	v5 =	vadd.f32 v7, v5;
	_ =	sdelay $0x1  }
0xe6: {  	[tilespmem:v2+s8+$0x0] =	vst.idx.msk $0xffff, v5  }
0xe7: {  	[tilespmem:v4+s8+$0x0] =	vst.idx.msk $0xffff, v1  }
0xe8: {  	[tilespmem:v8+s8+$0x0] =	vst.idx.msk $0xffff, v1  }
0xe9: {  	v2 =	vld.idx.msk [tilespmem:v6+s26+$0x0], $0xffff  }
0xea: {  	v4 =	vld.idx.msk [tilespmem:v6+s28+$0x0], $0xffff;
	_ =	sdelay $0x5  }
0xeb: {  	v2 =	vadd.f32 v4, v2;
	_ =	sdelay $0x1  }
0xec: {  	v2 =	vmax.f32 v2, $1.000000000e+00  }
0xed: {  	(erf) = vrcp.f32 v2  }
0xee: {  	v2 =	vld.idx.msk [tilespmem:v3+s22+$0x0], $0xffff  }
0xef: {  	v4 =	vld.idx.msk [tilespmem:v3+s21+$0x0], $0xffff;
	_ =	sdelay $0x3  }
0xf0: {  	v5 =	vld.idx.msk [tilespmem:v3+s23+$0x0], $0xffff;
	_ =	sdelay $0x1  }
0xf1: {  	v2 =	vadd.f32 v2, v4  }
0xf2: {  	v10 =	vpop (erf)  }
0xf3: {  	v2 =	vmul.f32 v10, v2;
	_ =	sdelay $0x1  }
0xf4: {  	v2 =	vadd.f32 v2, v5;
	_ =	sdelay $0x1  }
0xf5: {  	v2 =	vadd.f32 v2, v2;
	_ =	sdelay $0x1  }
0xf6: {  	v2 =	vmul.f32 $1.442695020e+00, v2;
	_ =	sdelay $0x1  }
0xf7: {  	(erf) = vpow2.f32 v2;
	_ =	sdelay $0x8  }
0xf8: {  	v2 =	vpop (erf)  }
0xf9: {  	v2 =	vadd.f32 $1.000000000e+00, v2;
	_ =	sdelay $0x1  }
0xfa: {  	(erf) = vrcp.f32 v2;
	_ =	sdelay $0x8  }
0xfb: {  	v2 =	vpop (erf)  }
0xfc: {  	v4 =	vadd.f32 v2, v2;
	v2 =	vor.u32 $0x1, v3;
	_ =	sdelay $0x1  }
0xfd: {  	v7 =	vsub.f32 $1.000000000e+00, v4;
	_ =	sdelay $0x1  }
0xfe: {  	[tilespmem:v3+s2+$0x0] =	vst.idx.msk $0xffff, v7  }
0xff: {  	v4 =	vld.idx.msk [tilespmem:v2+s21+$0x0], $0xffff  }
0x100: {  	v5 =	vld.idx.msk [tilespmem:v2+s22+$0x0], $0xffff;
	_ =	sdelay $0x3  }
0x101: {  	v8 =	vld.idx.msk [tilespmem:v2+s23+$0x0], $0xffff;
	_ =	sdelay $0x1  }
0x102: {  	v4 =	vadd.f32 v5, v4;
	_ =	sdelay $0x1  }
0x103: {  	v4 =	vmul.f32 v4, v10;
	_ =	sdelay $0x1  }
0x104: {  	v4 =	vadd.f32 v4, v8;
	_ =	sdelay $0x1  }
0x105: {  	v4 =	vadd.f32 v4, v4;
	_ =	sdelay $0x1  }
0x106: {  	v4 =	vmul.f32 $1.442695020e+00, v4;
	_ =	sdelay $0x1  }
0x107: {  	(erf) = vpow2.f32 v4;
	_ =	sdelay $0x8  }
0x108: {  	v4 =	vpop (erf)  }
0x109: {  	v4 =	vadd.f32 $1.000000000e+00, v4;
	_ =	sdelay $0x1  }
0x10a: {  	(erf) = vrcp.f32 v4;
	_ =	sdelay $0x8  }
0x10b: {  	v4 =	vpop (erf)  }
0x10c: {  	v5 =	vadd.f32 v4, v4;
	v4 =	vor.u32 $0x2, v3;
	_ =	sdelay $0x1  }
0x10d: {  	v5 =	vsub.f32 $1.000000000e+00, v5;
	_ =	sdelay $0x1  }
0x10e: {  	[tilespmem:v2+s2+$0x0] =	vst.idx.msk $0xffff, v5  }
0x10f: {  	v8 =	vld.idx.msk [tilespmem:v4+s21+$0x0], $0xffff  }
0x110: {  	v9 =	vld.idx.msk [tilespmem:v4+s22+$0x0], $0xffff;
	_ =	sdelay $0x3  }
0x111: {  	v11 =	vld.idx.msk [tilespmem:v4+s23+$0x0], $0xffff;
	_ =	sdelay $0x1  }
0x112: {  	v8 =	vadd.f32 v9, v8;
	_ =	sdelay $0x1  }
0x113: {  	v8 =	vmul.f32 v8, v10;
	_ =	sdelay $0x1  }
0x114: {  	v8 =	vadd.f32 v8, v11;
	_ =	sdelay $0x1  }
0x115: {  	v8 =	vadd.f32 v8, v8;
	_ =	sdelay $0x1  }
0x116: {  	v8 =	vmul.f32 $1.442695020e+00, v8;
	_ =	sdelay $0x1  }
0x117: {  	(erf) = vpow2.f32 v8;
	_ =	sdelay $0x8  }
0x118: {  	v8 =	vpop (erf)  }
0x119: {  	v8 =	vadd.f32 $1.000000000e+00, v8;
	_ =	sdelay $0x1  }
0x11a: {  	(erf) = vrcp.f32 v8;
	_ =	sdelay $0x8  }
0x11b: {  	v8 =	vpop (erf)  }
0x11c: {  	v9 =	vadd.f32 v8, v8;
	v8 =	vor.u32 $0x3, v3;
	_ =	sdelay $0x1  }
0x11d: {  	v9 =	vsub.f32 $1.000000000e+00, v9;
	_ =	sdelay $0x1  }
0x11e: {  	[tilespmem:v4+s2+$0x0] =	vst.idx.msk $0xffff, v9  }
0x11f: {  	v11 =	vld.idx.msk [tilespmem:v8+s21+$0x0], $0xffff  }
0x120: {  	v12 =	vld.idx.msk [tilespmem:v8+s22+$0x0], $0xffff;
	_ =	sdelay $0x3  }
0x121: {  	v13 =	vld.idx.msk [tilespmem:v8+s23+$0x0], $0xffff;
	_ =	sdelay $0x1  }
0x122: {  	v11 =	vadd.f32 v12, v11;
	_ =	sdelay $0x1  }
0x123: {  	v10 =	vmul.f32 v11, v10;
	_ =	sdelay $0x1  }
0x124: {  	v10 =	vadd.f32 v10, v13;
	_ =	sdelay $0x1  }
0x125: {  	v10 =	vadd.f32 v10, v10;
	_ =	sdelay $0x1  }
0x126: {  	v10 =	vmul.f32 $1.442695020e+00, v10;
	_ =	sdelay $0x1  }
0x127: {  	(erf) = vpow2.f32 v10;
	_ =	sdelay $0x8  }
0x128: {  	v10 =	vpop (erf)  }
0x129: {  	v10 =	vadd.f32 $1.000000000e+00, v10;
	_ =	sdelay $0x1  }
0x12a: {  	(erf) = vrcp.f32 v10;
	_ =	sdelay $0x8  }
0x12b: {  	v10 =	vpop (erf)  }
0x12c: {  	v10 =	vadd.f32 v10, v10;
	_ =	sdelay $0x1  }
0x12d: {  	v10 =	vsub.f32 $1.000000000e+00, v10;
	_ =	sdelay $0x1  }
0x12e: {  	[tilespmem:v8+s2+$0x0] =	vst.idx.msk $0xffff, v10  }
0x12f: {  	v11 =	vld [tilespmem:$0xFC00]  }
0x130: {  	v12 =	vld [tilespmem:$0xFC80];
	_ =	sdelay $0x1  }
0x131: {  	v13 =	vld [tilespmem:$0xFD00];
	_ =	sdelay $0x1  }
0x132: {  	v11 =	vmul.f32 v11, v7;
	v14 =	vld [tilespmem:$0xFD80]  }
0x133: {  	v12 =	vmul.f32 v12, v5;
	_ =	sdelay $0x1  }
0x134: {  	v11 =	vadd.f32 v12, v11;
	v12 =	vmul.f32 v9, v13;
	_ =	sdelay $0x1  }
0x135: {  	v11 =	vadd.f32 v12, v11;
	v12 =	vmul.f32 v10, v14;
	_ =	sdelay $0x1  }
0x136: {  	v11 =	vadd.f32 v12, v11;
	_ =	sdelay $0x1  }
0x137: {  	[tilespmem:v3+s7+$0x0] =	vst.idx.msk $0xffff, v11  }
0x138: {  	v11 =	vld [tilespmem:$0xFC10]  }
0x139: {  	v12 =	vld [tilespmem:$0xFC90];
	_ =	sdelay $0x1  }
0x13a: {  	v13 =	vld [tilespmem:$0xFD10];
	_ =	sdelay $0x1  }
0x13b: {  	v11 =	vmul.f32 v11, v7;
	v14 =	vld [tilespmem:$0xFD90]  }
0x13c: {  	v12 =	vmul.f32 v12, v5;
	_ =	sdelay $0x1  }
0x13d: {  	v11 =	vadd.f32 v12, v11;
	v12 =	vmul.f32 v13, v9;
	_ =	sdelay $0x1  }
0x13e: {  	v11 =	vadd.f32 v12, v11;
	v12 =	vmul.f32 v14, v10;
	_ =	sdelay $0x1  }
0x13f: {  	v11 =	vadd.f32 v12, v11  }
0x140: {  	v12 =	vor.u32 $0x5, v3  }
0x141: {  	[tilespmem:v2+s7+$0x0] =	vst.idx.msk $0xffff, v11;
	v11 =	vor.u32 $0x6, v3  }
0x142: {  	v13 =	vor.u32 $0x7, v3;
	[tilespmem:v4+s7+$0x0] =	vst.idx.msk $0xffff, v1  }
0x143: {  	[tilespmem:v8+s7+$0x0] =	vst.idx.msk $0xffff, v1  }
0x144: {  	[tilespmem:v6+s7+$0x0] =	vst.idx.msk $0xffff, v1  }
0x145: {  	[tilespmem:v12+s7+$0x0] =	vst.idx.msk $0xffff, v1  }
0x146: {  	[tilespmem:v11+s7+$0x0] =	vst.idx.msk $0xffff, v1  }
0x147: {  	[tilespmem:v13+s7+$0x0] =	vst.idx.msk $0xffff, v1  }
0x148: {  	v6 =	vld [tilespmem:$0xFC20]  }
0x149: {  	v11 =	vld [tilespmem:$0xFE00]  }
0x14a: {  	v12 =	vld [tilespmem:$0xFCA0]  }
0x14b: {  	v13 =	vld [tilespmem:$0xFD20]  }
0x14c: {  	v14 =	vld [tilespmem:$0xFDA0]  }
0x14d: {  	v6 =	vmul.f32 v6, v7;
	_ =	sdelay $0x1  }
0x14e: {  	v6 =	vadd.f32 v6, v11;
	v11 =	vmul.f32 v12, v5  }
0x14f: {  	v12 =	vmul.f32 v13, v9  }
0x150: {  	v6 =	vadd.f32 v11, v6;
	v11 =	vmul.f32 v14, v10;
	_ =	sdelay $0x1  }
0x151: {  	v6 =	vadd.f32 v12, v6;
	_ =	sdelay $0x1  }
0x152: {  	v6 =	vadd.f32 v11, v6;
	_ =	sdelay $0x1  }
0x153: {  	[tilespmem:v3+s8+$0x0] =	vst.idx.msk $0xffff, v6  }
0x154: {  	v14 =	vld [tilespmem:$0xFC30]  }
.Ltmp2:
0x155: {  	v6 =	vld [tilespmem:$0xFE10];
	(pc) =	sbr.rel @p1 .LBB2_2-.Ltmp2, $4  }
0x156: {  	v12 =	vld [tilespmem:$0xFCB0]  }
0x157: {  	v13 =	vld [tilespmem:$0xFD30]  }
0x158: {  	v11 =	vld [tilespmem:$0xFDB0]  }
0x159: {  	v3 =	vmov s1;
	v7 =	vmul.f32 v14, v7  }
0x15a: {  	_ = 	snop  }
0x15b: {  	v6 =	vadd.f32 v7, v6;
	v5 =	vmul.f32 v12, v5;
	_ =	sdelay $0x1  }
0x15c: {  	v28 =	vmul.f32 v13, v9;
	v5 =	vadd.f32 v5, v6;
	_ =	sdelay $0x1  }
0x15d: {  	v3 =	vshll.u32 v3, $0x3;
	v29 =	vmul.f32 v11, v10;
	v5 =	vadd.f32 v28, v5  }
0x15e: {  	v3 =	vor.u32 v0, v3  }
0x15f: {  	v30 =	vor.u32 $0x4, v3;
	v5 =	vadd.f32 v29, v5;
	_ =	sdelay $0x1  }
0x160: {  	[tilespmem:v2+s8+$0x0] =	vst.idx.msk $0xffff, v5  }
0x161: {  	[tilespmem:v4+s8+$0x0] =	vst.idx.msk $0xffff, v1  }
0x162: {  	[tilespmem:v8+s8+$0x0] =	vst.idx.msk $0xffff, v1  }
0x163: {  	v2 =	vld.idx.msk [tilespmem:v30+s26+$0x0], $0xffff  }
0x164: {  	v4 =	vld.idx.msk [tilespmem:v30+s28+$0x0], $0xffff;
	_ =	sdelay $0x4  }
0x165: {  	v2 =	vadd.f32 v4, v2;
	_ =	sdelay $0x1  }
0x166: {  	v2 =	vmax.f32 v2, $1.000000000e+00  }
0x167: {  	(erf) = vrcp.f32 v2;
	_ =	sdelay $0x1  }
0x168: {  	v31 =	vld.idx.msk [tilespmem:v3+s21+$0x0], $0xffff  }
0x169: {  	v2 =	vld.idx.msk [tilespmem:v3+s22+$0x0], $0xffff;
	_ =	sdelay $0x3  }
0x16a: {  	v5 =	vld.idx.msk [tilespmem:v3+s23+$0x0], $0xffff  }
0x16b: {  	v2 =	vadd.f32 v2, v31  }
0x16c: {  	v32 =	vpop (erf)  }
0x16d: {  	v2 =	vmul.f32 v32, v2;
	_ =	sdelay $0x1  }
0x16e: {  	v2 =	vadd.f32 v2, v5;
	_ =	sdelay $0x1  }
0x16f: {  	v2 =	vadd.f32 v2, v2;
	_ =	sdelay $0x1  }
0x170: {  	v2 =	vmul.f32 $1.442695020e+00, v2;
	_ =	sdelay $0x1  }
0x171: {  	(erf) = vpow2.f32 v2;
	_ =	sdelay $0x8  }
0x172: {  	v2 =	vpop (erf)  }
0x173: {  	v2 =	vadd.f32 $1.000000000e+00, v2;
	_ =	sdelay $0x1  }
0x174: {  	(erf) = vrcp.f32 v2;
	_ =	sdelay $0x8  }
0x175: {  	v2 =	vpop (erf)  }
0x176: {  	v33 =	vor.u32 $0x1, v3;
	v2 =	vadd.f32 v2, v2;
	_ =	sdelay $0x1  }
0x177: {  	v2 =	vsub.f32 $1.000000000e+00, v2;
	_ =	sdelay $0x1  }
0x178: {  	[tilespmem:v3+s2+$0x0] =	vst.idx.msk $0xffff, v2  }
0x179: {  	v34 =	vld.idx.msk [tilespmem:v33+s21+$0x0], $0xffff  }
0x17a: {  	v8 =	vld.idx.msk [tilespmem:v33+s22+$0x0], $0xffff;
	_ =	sdelay $0x3  }
0x17b: {  	v35 =	vld.idx.msk [tilespmem:v33+s23+$0x0], $0xffff  }
0x17c: {  	v6 =	vadd.f32 v8, v34;
	_ =	sdelay $0x1  }
0x17d: {  	v6 =	vmul.f32 v6, v32;
	_ =	sdelay $0x1  }
0x17e: {  	v6 =	vadd.f32 v6, v35;
	_ =	sdelay $0x1  }
0x17f: {  	v6 =	vadd.f32 v6, v6;
	_ =	sdelay $0x1  }
0x180: {  	v6 =	vmul.f32 $1.442695020e+00, v6;
	_ =	sdelay $0x1  }
0x181: {  	(erf) = vpow2.f32 v6;
	_ =	sdelay $0x8  }
0x182: {  	v6 =	vpop (erf)  }
0x183: {  	v6 =	vadd.f32 $1.000000000e+00, v6;
	_ =	sdelay $0x1  }
0x184: {  	(erf) = vrcp.f32 v6;
	_ =	sdelay $0x8  }
0x185: {  	v6 =	vpop (erf)  }
0x186: {  	v36 =	vor.u32 $0x2, v3;
	v6 =	vadd.f32 v6, v6;
	_ =	sdelay $0x1  }
0x187: {  	v6 =	vsub.f32 $1.000000000e+00, v6;
	_ =	sdelay $0x1  }
0x188: {  	[tilespmem:v33+s2+$0x0] =	vst.idx.msk $0xffff, v6  }
0x189: {  	v37 =	vld.idx.msk [tilespmem:v36+s21+$0x0], $0xffff  }
0x18a: {  	v38 =	vld.idx.msk [tilespmem:v36+s22+$0x0], $0xffff;
	_ =	sdelay $0x3  }
0x18b: {  	v39 =	vld.idx.msk [tilespmem:v36+s23+$0x0], $0xffff  }
0x18c: {  	v9 =	vadd.f32 v38, v37;
	_ =	sdelay $0x1  }
0x18d: {  	v9 =	vmul.f32 v9, v32;
	_ =	sdelay $0x1  }
0x18e: {  	v9 =	vadd.f32 v9, v39;
	_ =	sdelay $0x1  }
0x18f: {  	v9 =	vadd.f32 v9, v9;
	_ =	sdelay $0x1  }
0x190: {  	v9 =	vmul.f32 $1.442695020e+00, v9;
	_ =	sdelay $0x1  }
0x191: {  	(erf) = vpow2.f32 v9;
	_ =	sdelay $0x8  }
0x192: {  	v9 =	vpop (erf)  }
0x193: {  	v9 =	vadd.f32 $1.000000000e+00, v9;
	_ =	sdelay $0x1  }
0x194: {  	(erf) = vrcp.f32 v9;
	_ =	sdelay $0x8  }
0x195: {  	v9 =	vpop (erf)  }
0x196: {  	v40 =	vor.u32 $0x3, v3;
	v9 =	vadd.f32 v9, v9;
	_ =	sdelay $0x1  }
0x197: {  	v9 =	vsub.f32 $1.000000000e+00, v9;
	_ =	sdelay $0x1  }
0x198: {  	[tilespmem:v36+s2+$0x0] =	vst.idx.msk $0xffff, v9  }
0x199: {  	v41 =	vld.idx.msk [tilespmem:v40+s21+$0x0], $0xffff  }
0x19a: {  	v42 =	vld.idx.msk [tilespmem:v40+s22+$0x0], $0xffff;
	_ =	sdelay $0x3  }
0x19b: {  	v43 =	vld.idx.msk [tilespmem:v40+s23+$0x0], $0xffff  }
0x19c: {  	v11 =	vadd.f32 v42, v41;
	_ =	sdelay $0x1  }
0x19d: {  	v4 =	vmul.f32 v11, v32;
	_ =	sdelay $0x1  }
0x19e: {  	v4 =	vadd.f32 v4, v43;
	_ =	sdelay $0x1  }
0x19f: {  	v4 =	vadd.f32 v4, v4;
	_ =	sdelay $0x1  }
0x1a0: {  	v4 =	vmul.f32 $1.442695020e+00, v4;
	_ =	sdelay $0x1  }
0x1a1: {  	(erf) = vpow2.f32 v4;
	_ =	sdelay $0x8  }
0x1a2: {  	v4 =	vpop (erf)  }
0x1a3: {  	v4 =	vadd.f32 $1.000000000e+00, v4;
	_ =	sdelay $0x1  }
0x1a4: {  	(erf) = vrcp.f32 v4;
	_ =	sdelay $0x8  }
0x1a5: {  	v4 =	vpop (erf)  }
0x1a6: {  	v4 =	vadd.f32 v4, v4;
	_ =	sdelay $0x1  }
0x1a7: {  	v4 =	vsub.f32 $1.000000000e+00, v4;
	_ =	sdelay $0x1  }
0x1a8: {  	[tilespmem:v40+s2+$0x0] =	vst.idx.msk $0xffff, v4  }
0x1a9: {  	v44 =	vld [tilespmem:$0xFC00]  }
0x1aa: {  	v45 =	vld [tilespmem:$0xFC80];
	_ =	sdelay $0x1  }
0x1ab: {  	v46 =	vld [tilespmem:$0xFD00];
	_ =	sdelay $0x1  }
0x1ac: {  	v14 =	vld [tilespmem:$0xFD80]  }
0x1ad: {  	v11 =	vmul.f32 v44, v2;
	v12 =	vmul.f32 v45, v6;
	_ =	sdelay $0x1  }
0x1ae: {  	v47 =	vmul.f32 v9, v46;
	v11 =	vadd.f32 v12, v11;
	_ =	sdelay $0x1  }
0x1af: {  	v48 =	vmul.f32 v4, v14;
	v11 =	vadd.f32 v47, v11;
	_ =	sdelay $0x1  }
0x1b0: {  	v11 =	vadd.f32 v48, v11;
	_ =	sdelay $0x1  }
0x1b1: {  	[tilespmem:v3+s7+$0x0] =	vst.idx.msk $0xffff, v11  }
0x1b2: {  	v11 =	vld [tilespmem:$0xFC10]  }
0x1b3: {  	v49 =	vld [tilespmem:$0xFC90];
	_ =	sdelay $0x1  }
0x1b4: {  	v50 =	vld [tilespmem:$0xFD10];
	_ =	sdelay $0x1  }
0x1b5: {  	v51 =	vld [tilespmem:$0xFD90]  }
0x1b6: {  	v11 =	vmul.f32 v11, v2;
	v12 =	vmul.f32 v49, v6;
	_ =	sdelay $0x1  }
0x1b7: {  	v52 =	vmul.f32 v50, v9;
	v11 =	vadd.f32 v12, v11;
	_ =	sdelay $0x1  }
0x1b8: {  	v53 =	vmul.f32 v51, v4;
	v11 =	vadd.f32 v52, v11;
	_ =	sdelay $0x1  }
0x1b9: {  	v11 =	vadd.f32 v53, v11  }
0x1ba: {  	v54 =	vor.u32 $0x5, v3  }
0x1bb: {  	v55 =	vor.u32 $0x6, v3;
	[tilespmem:v33+s7+$0x0] =	vst.idx.msk $0xffff, v11  }
0x1bc: {  	v56 =	vor.u32 $0x7, v3;
	[tilespmem:v36+s7+$0x0] =	vst.idx.msk $0xffff, v1  }
0x1bd: {  	[tilespmem:v40+s7+$0x0] =	vst.idx.msk $0xffff, v1  }
0x1be: {  	[tilespmem:v30+s7+$0x0] =	vst.idx.msk $0xffff, v1  }
0x1bf: {  	[tilespmem:v54+s7+$0x0] =	vst.idx.msk $0xffff, v1  }
0x1c0: {  	[tilespmem:v55+s7+$0x0] =	vst.idx.msk $0xffff, v1  }
0x1c1: {  	[tilespmem:v56+s7+$0x0] =	vst.idx.msk $0xffff, v1  }
0x1c2: {  	v7 =	vld [tilespmem:$0xFC20]  }
0x1c3: {  	v11 =	vld [tilespmem:$0xFE00]  }
0x1c4: {  	v12 =	vld [tilespmem:$0xFCA0];
	_ =	sdelay $0x1  }
0x1c5: {  	v13 =	vld [tilespmem:$0xFD20]  }
0x1c6: {  	v7 =	vmul.f32 v7, v2  }
0x1c7: {  	v57 =	vld [tilespmem:$0xFDA0]  }
0x1c8: {  	v58 =	vmul.f32 v12, v6;
	v7 =	vadd.f32 v7, v11;
	_ =	sdelay $0x1  }
0x1c9: {  	v59 =	vmul.f32 v13, v9;
	v7 =	vadd.f32 v58, v7;
	_ =	sdelay $0x1  }
0x1ca: {  	v60 =	vmul.f32 v57, v4;
	v7 =	vadd.f32 v59, v7;
	_ =	sdelay $0x1  }
0x1cb: {  	v7 =	vadd.f32 v60, v7;
	_ =	sdelay $0x1  }
0x1cc: {  	[tilespmem:v3+s8+$0x0] =	vst.idx.msk $0xffff, v7  }
0x1cd: {  	v3 =	vld [tilespmem:$0xFC30]  }
0x1ce: {  	v7 =	vld [tilespmem:$0xFE10]  }
0x1cf: {  	v61 =	vld [tilespmem:$0xFCB0];
	_ =	sdelay $0x1  }
0x1d0: {  	v62 =	vld [tilespmem:$0xFD30]  }
0x1d1: {  	v2 =	vmul.f32 v3, v2  }
0x1d2: {  	v3 =	vld [tilespmem:$0xFDB0]  }
0x1d3: {  	v6 =	vmul.f32 v61, v6;
	v2 =	vadd.f32 v2, v7;
	_ =	sdelay $0x1  }
0x1d4: {  	v63 =	vmul.f32 v62, v9;
	v2 =	vadd.f32 v6, v2;
	_ =	sdelay $0x1  }
0x1d5: {  	v3 =	vmul.f32 v3, v4;
	v2 =	vadd.f32 v63, v2;
	_ =	sdelay $0x1  }
0x1d6: {  	v2 =	vadd.f32 v3, v2;
	_ =	sdelay $0x1  }
0x1d7: {  	[tilespmem:v33+s8+$0x0] =	vst.idx.msk $0xffff, v2  }
0x1d8: {  	[tilespmem:v36+s8+$0x0] =	vst.idx.msk $0xffff, v1  }
.Ltmp3:
0x1d9: {  	s1 =	simm.s32 $0x0;
	s0 =	rddreg [dreg:$0xd];
	[tilespmem:v40+s8+$0x0] =	vst.idx.msk $0xffff, v1;
	(pc) =	sbr.rel @!p0 .LBB2_4-.Ltmp3, $4  }
0x1da: {  	[hbm4b:s0+s1] =	stream.linear.scatter [tilespmem:s7], [sflag:$0x11], $0x1400, $0x38;
	[tilespmem:$0x13A80] =	vst v63  }
0x1db: {  	_ =	swait.ge [sflag:s17], $0x1400  }
0x1dc: {  	[sflag:s17] =	ssyncset.done $0x0  }
0x1dd: {  	[sflag:s17] =	ssyncadd.s32 $0xFFFFEC00  }
0x1de: {  	s0 =	sshra.s32 s1, $0x2;
	s1 =	sadd.s32 $0x40, s1  }
.LBB2_6:
0x1df: {  	p1 =	sne.s32 s1, $0x9FC0;
	v2 =	vld [tilespmem:s0+$0x0];
	_ =	sdelay $0x1  }
.Ltmp4:
0x1e0: {  	(pc) =	sbr.rel @p1 .LBB2_6-.Ltmp4, $3  }
0x1e1: {  	_ =	sdelay $0x1  }
0x1e2: {  	v2 =	vadd.s32 $0x2800, v2  }
0x1e3: {  	[tilespmem:s0+$0x0] =	vst v2;
	s0 =	sshra.s32 s1, $0x2;
	s1 =	sadd.s32 $0x40, s1  }
0x1e4: {  	v2 =	vld [tilespmem:s0+$0x0];
	_ =	sdelay $0x1  }
.Ltmp5:
0x1e5: {  	_ = 	snop;
	(pc) =	sbr.rel .LBB2_8-.Ltmp5, $3  }
0x1e6: {  	_ =	sdelay $0x1  }
0x1e7: {  	v2 =	vadd.s32 $0x2800, v2  }
0x1e8: {  	[tilespmem:s0+$0x0] =	vst v2  }
.LBB2_4:
0x1e9: {  	s0 =	rddreg [dreg:$0xe]  }
0x1ea: {  	[hbm4b:s0+s5] =	stream.linear.scatter [tilespmem:s2], [sflag:$0x11], $0x1400, $0x38;
	[tilespmem:$0x13A80] =	vst v63  }
0x1eb: {  	_ =	swait.ge [sflag:s17], $0x1400  }
0x1ec: {  	[sflag:s17] =	ssyncset.done $0x0  }
0x1ed: {  	s25 =	rddreg [dreg:$0xf];
	[sflag:s17] =	ssyncadd.s32 $0xFFFFEC00  }
0x1ee: {  	[hbm4b:s25+s5] =	stream.linear.scatter [tilespmem:s8], [sflag:$0x11], $0x1400, $0x38;
	[tilespmem:$0x13A80] =	vst v63  }
0x1ef: {  	_ =	swait.ge [sflag:s17], $0x1400  }
0x1f0: {  	[sflag:s17] =	ssyncset.done $0x0  }
0x1f1: {  	[sflag:s17] =	ssyncadd.s32 $0xFFFFEC00  }
.LBB2_8:
.Ltmp6:
0x1f2: {  	(pc) =	sbr.rel .LBB2_9-.Ltmp6, $3  }
0x1f3: {  	_ =	sdelay $0x1  }
0x1f4: {  	[bflag:$0x0] =	sbarrier.arrive $0xFFFF  }
0x1f5: {  	s0 =	simm.s32 $0x0;
	s1 =	simm.s32 $0x7;
	s24 =	simm.s32 $0x0  }
.LBB2_17:
0x1f6: {  	s13 =	sshra.s32 s0, $0x2  }
0x1f7: {  	s13 =	sadd.s32 $0x380, s13  }
0x1f8: {  	[tilespmem:s11], [sflag:$0x8] =	stream.indirect.gather [hbm4b:s6+s9], $0x8, s13, s9, $0xb8;
	[tilespmem:$0x13A80] =	vst v63  }
.LBB2_18:
0x1f9: {  	p1 =	sgt.u32 s1, $0x53  }
0x1fa: {  	s13 =	simm.s32 @!p1 $0x4  }
0x1fb: {  	_ =	swait.ge @!p1 [sflag:s13], $0x400  }
0x1fc: {  	[sflag:s13] =	ssyncset.done @!p1 $0x0  }
0x1fd: {  	s14 =	simm.s32 @!p1 $0x80;
	[sflag:s13] =	ssyncadd.s32 @!p1 $0xFFFFFC00;
	s13 =	sshra.s32 @!p1 s0, $0x2  }
0x1fe: {  	s15 =	simm.s32 @!p1 $0x5C00;
	s0 =	sadd.s32 $0x1000, s0;
	s13 =	sadd.s32 @!p1 $0x2980, s13  }
0x1ff: {  	[spmem:s4] =	stream.indirect.scatter.add.f32 @!p1 [tilespmem:s15], [sflag:$0xC], $0x8, s13, s14, $0xb8;
	[tilespmem:$0x13A80] =	vst v63  }
0x200: {  	p1 =	sne.s32 s0, $0xB000  }
.Ltmp7:
0x201: {  	_ = 	snop;
	(pc) =	sbr.rel @!p1 .LBB2_19-.Ltmp7, $2  }
0x202: {  	_ =	sdelay $0x2  }
0x203: {  	s24 =	sadd.s32 $0x1, s24;
	s1 =	sadd.s32 $0x8, s1  }
.LBB2_9:
0x204: {  	s15 =	sadd.s32 $0xFFFFFFF1, s1  }
0x205: {  	p1 =	sgt.u32 s15, $0x47  }
0x206: {  	s13 =	simm.s32 @!p1 $0x9  }
0x207: {  	p2 =	seq.s32 s0, $0xA000;
	p3 =	seq.s32 s24, $0xA;
	_ =	swait.ge @!p1 [sflag:s13], $0x400  }
0x208: {  	s25 =	sshra.s32 @!p2 s0, $0x2;
	s18 =	simm.s32 @!p2 $0x5000;
	[sflag:s13] =	ssyncset.done @!p1 $0x0  }
0x209: {  	p4 =	sgt.u32 s15, $0x4F;
	[sflag:s13] =	ssyncadd.s32 @!p1 $0xFFFFFC00;
	s13 =	simm.s32 @!p2 $0x80  }
0x20a: {  	[tilespmem:s18], [sflag:$0x1] =	stream.indirect.gather @!p2 [hbm4b:s6+s13], $0x8, s25, s13, $0xb8;
	[tilespmem:$0x13A80] =	vst v63  }
.Ltmp8:
0x20b: {  	s13 =	simm.s32 @!p4 $0x5;
	(pc) =	sbr.rel @p3 .LBB2_13-.Ltmp8, $4  }
0x20c: {  	_ =	swait.ge @!p4 [sflag:s13], $0x400  }
0x20d: {  	s19 =	simm.s32 @!p4 $0x80;
	s18 =	sshra.s32 @!p4 s0, $0x2;
	[sflag:s13] =	ssyncset.done @!p4 $0x0  }
0x20e: {  	s14 =	simm.s32 @!p4 $0x6000;
	[sflag:s13] =	ssyncadd.s32 @!p4 $0xFFFFFC00;
	s13 =	sadd.s32 @!p4 $0x2600, s18  }
0x20f: {  	[spmem:s4] =	stream.indirect.scatter.add.f32 @!p4 [tilespmem:s14], [sflag:$0xD], $0x8, s13, s19, $0xb8;
	[tilespmem:$0x13A80] =	vst v63  }
0x210: {  	p5 =	sne.s32 s24, $0x0  }
.Ltmp9:
0x211: {  	_ = 	snop;
	(pc) =	sbr.rel @p5 .LBB2_12-.Ltmp9, $1  }
0x212: {  	_ =	sdelay $0x3  }
.Ltmp10:
0x213: {  	(pc) =	sbr.rel .LBB2_14-.Ltmp10, $4  }
0x214: {  	_ = 	snop  }
0x215: {  	s13 =	sshra.s32 s0, $0x2  }
0x216: {  	s13 =	sadd.s32 $0x80, s13  }
0x217: {  	[tilespmem:s30], [sflag:$0x2] =	stream.indirect.gather [hbm4b:s6+s9], $0x8, s13, s9, $0xb8;
	[tilespmem:$0x13A80] =	vst v63  }
.LBB2_12:
0x218: {  	_ =	swait.ge [sflag:s12], $0x400  }
0x219: {  	s13 =	sshra.s32 s0, $0x2;
	[sflag:s12] =	ssyncset.done $0x0  }
0x21a: {  	s13 =	sadd.s32 $0x80, s13;
	[sflag:s12] =	ssyncadd.s32 $0xFFFFFC00  }
0x21b: {  	[tilespmem:s30], [sflag:$0x2] =	stream.indirect.gather [hbm4b:s6+s9], $0x8, s13, s9, $0xb8;
	[tilespmem:$0x13A80] =	vst v63  }
.LBB2_13:
0x21c: {  	_ =	swait.ge [sflag:s16], $0x400  }
0x21d: {  	s13 =	sshra.s32 s0, $0x2;
	[sflag:s16] =	ssyncset.done $0x0  }
0x21e: {  	s13 =	sadd.s32 $0x2680, s13;
	[sflag:s16] =	ssyncadd.s32 $0xFFFFFC00  }
0x21f: {  	[spmem:s4] =	stream.indirect.scatter.add.f32 [tilespmem:s10], [sflag:$0xE], $0x8, s13, s9, $0xb8;
	[tilespmem:$0x13A80] =	vst v63  }
.LBB2_14:
0x220: {  	s13 =	simm.s32 @!p1 $0xB  }
0x221: {  	_ =	swait.ge @!p1 [sflag:s13], $0x400  }
0x222: {  	s14 =	sadd.s32 @!p2 $0x100, s25;
	[sflag:s13] =	ssyncset.done @!p1 $0x0  }
0x223: {  	s19 =	simm.s32 @!p2 $0x5800;
	[sflag:s13] =	ssyncadd.s32 @!p1 $0xFFFFFC00;
	s13 =	simm.s32 @!p2 $0x80  }
0x224: {  	[tilespmem:s19], [sflag:$0x3] =	stream.indirect.gather @!p2 [hbm4b:s6+s13], $0x8, s14, s13, $0xb8;
	[tilespmem:$0x13A80] =	vst v63  }
0x225: {  	s14 =	simm.s32 @!p4 $0x7  }
0x226: {  	_ =	swait.ge @!p4 [sflag:s14], $0x400  }
0x227: {  	p5 =	sgt.u32 @!p4 s15, $0x47;
	s15 =	simm.s32 @!p4 $0x80;
	[sflag:s14] =	ssyncset.done @!p4 $0x0  }
0x228: {  	[sflag:s14] =	ssyncadd.s32 @!p4 $0xFFFFFC00;
	s14 =	sadd.s32 @!p4 $0x2700, s18;
	s18 =	simm.s32 @!p4 $0x6800  }
0x229: {  	[spmem:s4] =	stream.indirect.scatter.add.f32 @!p4 [tilespmem:s18], [sflag:$0xF], $0x8, s14, s15, $0xb8;
	[tilespmem:$0x13A80] =	vst v63  }
0x22a: {  	p4 =	por p5, p4  }
0x22b: {  	s14 =	simm.s32 @!p4 $0xC  }
0x22c: {  	_ =	swait.ge @!p4 [sflag:s14], $0x400  }
0x22d: {  	s15 =	simm.s32 @!p2 $0x5C00;
	[sflag:s14] =	ssyncset.done @!p4 $0x0  }
0x22e: {  	[sflag:s14] =	ssyncadd.s32 @!p4 $0xFFFFFC00;
	s14 =	sadd.s32 @!p2 $0x180, s25;
	p4 =	seq.s32 @!p2 s0, $0x0  }
0x22f: {  	[tilespmem:s15], [sflag:$0x4] =	stream.indirect.gather @!p2 [hbm4b:s6+s13], $0x8, s14, s13, $0xb8;
	[tilespmem:$0x13A80] =	vst v63  }
0x230: {  	p4 =	por p2, !p4  }
0x231: {  	_ =	swait.ge @p4 [sflag:s3], $0x400  }
0x232: {  	s14 =	sshra.s32 @p4 s0, $0x2;
	[sflag:s3] =	ssyncset.done @p4 $0x0  }
0x233: {  	s14 =	sadd.s32 @p4 $0x2780, s14;
	[sflag:s3] =	ssyncadd.s32 @p4 $0xFFFFFC00  }
0x234: {  	[spmem:s4] =	stream.indirect.scatter.add.f32 @p4 [tilespmem:s11], [sflag:$0x10], $0x8, s14, s9, $0xb8;
	[tilespmem:$0x13A80] =	vst v63  }
0x235: {  	s14 =	simm.s32 @!p1 $0xD  }
0x236: {  	_ =	swait.ge @!p1 [sflag:s14], $0x400  }
0x237: {  	s19 =	sadd.s32 $0xFFFFFFFD, s1;
	s18 =	simm.s32 @!p2 $0x6000;
	[sflag:s14] =	ssyncset.done @!p1 $0x0  }
0x238: {  	p4 =	sgt.u32 s19, $0x53;
	[sflag:s14] =	ssyncadd.s32 @!p1 $0xFFFFFC00;
	s14 =	sadd.s32 @!p2 $0x200, s25  }
0x239: {  	[tilespmem:s18], [sflag:$0x5] =	stream.indirect.gather @!p2 [hbm4b:s6+s13], $0x8, s14, s13, $0xb8;
	[tilespmem:$0x13A80] =	vst v63  }
0x23a: {  	s14 =	simm.s32 @!p4 $0x1  }
0x23b: {  	_ =	swait.ge @!p4 [sflag:s14], $0x400  }
0x23c: {  	[sflag:s14] =	ssyncset.done @!p4 $0x0  }
0x23d: {  	[sflag:s14] =	ssyncadd.s32 @!p4 $0xFFFFFC00;
	s14 =	sshra.s32 @!p4 s0, $0x2  }
0x23e: {  	s15 =	simm.s32 @!p4 $0x80;
	s18 =	simm.s32 @!p4 $0x5000;
	s14 =	sadd.s32 @!p4 $0x2800, s14  }
0x23f: {  	[spmem:s4] =	stream.indirect.scatter.add.f32 @!p4 [tilespmem:s18], [sflag:$0x9], $0x8, s14, s15, $0xb8;
	[tilespmem:$0x13A80] =	vst v63  }
0x240: {  	s14 =	simm.s32 @!p1 $0xE  }
0x241: {  	_ =	swait.ge @!p1 [sflag:s14], $0x400  }
0x242: {  	s19 =	sadd.s32 $0xFFFFFFFE, s1;
	s18 =	simm.s32 @!p2 $0x6400;
	[sflag:s14] =	ssyncset.done @!p1 $0x0  }
0x243: {  	p4 =	sgt.u32 s19, $0x53;
	[sflag:s14] =	ssyncadd.s32 @!p1 $0xFFFFFC00;
	s14 =	sadd.s32 @!p2 $0x280, s25  }
0x244: {  	[tilespmem:s18], [sflag:$0x6] =	stream.indirect.gather @!p2 [hbm4b:s6+s13], $0x8, s14, s13, $0xb8;
	[tilespmem:$0x13A80] =	vst v63  }
0x245: {  	s14 =	simm.s32 @!p4 $0x2  }
0x246: {  	_ =	swait.ge @!p4 [sflag:s14], $0x400  }
0x247: {  	[sflag:s14] =	ssyncset.done @!p4 $0x0  }
0x248: {  	[sflag:s14] =	ssyncadd.s32 @!p4 $0xFFFFFC00;
	s14 =	sshra.s32 @!p4 s0, $0x2  }
0x249: {  	s15 =	simm.s32 @!p4 $0x80;
	s18 =	simm.s32 @!p4 $0x5400;
	s14 =	sadd.s32 @!p4 $0x2880, s14  }
0x24a: {  	[spmem:s4] =	stream.indirect.scatter.add.f32 @!p4 [tilespmem:s18], [sflag:$0xA], $0x8, s14, s15, $0xb8;
	[tilespmem:$0x13A80] =	vst v63  }
0x24b: {  	s14 =	simm.s32 @!p1 $0xF  }
0x24c: {  	_ =	swait.ge @!p1 [sflag:s14], $0x400  }
0x24d: {  	s19 =	sadd.s32 $0xFFFFFFFF, s1;
	s18 =	simm.s32 @!p2 $0x6800;
	[sflag:s14] =	ssyncset.done @!p1 $0x0  }
0x24e: {  	[sflag:s14] =	ssyncadd.s32 @!p1 $0xFFFFFC00;
	s14 =	sadd.s32 @!p2 $0x300, s25;
	p1 =	sgt.u32 s19, $0x53  }
0x24f: {  	[tilespmem:s18], [sflag:$0x7] =	stream.indirect.gather @!p2 [hbm4b:s6+s13], $0x8, s14, s13, $0xb8;
	[tilespmem:$0x13A80] =	vst v63  }
0x250: {  	s13 =	simm.s32 @!p1 $0x3  }
0x251: {  	_ =	swait.ge @!p1 [sflag:s13], $0x400  }
0x252: {  	[sflag:s13] =	ssyncset.done @!p1 $0x0  }
0x253: {  	[sflag:s13] =	ssyncadd.s32 @!p1 $0xFFFFFC00;
	s13 =	sshra.s32 @!p1 s0, $0x2  }
0x254: {  	s14 =	simm.s32 @!p1 $0x80;
	s15 =	simm.s32 @!p1 $0x5800;
	s13 =	sadd.s32 @!p1 $0x2900, s13  }
0x255: {  	[spmem:s4] =	stream.indirect.scatter.add.f32 @!p1 [tilespmem:s15], [sflag:$0xB], $0x8, s13, s14, $0xb8;
	[tilespmem:$0x13A80] =	vst v63  }
0x256: {  	p1 =	seq.s32 s24, $0x0  }
.Ltmp11:
0x257: {  	_ = 	snop;
	(pc) =	sbr.rel @p1 .LBB2_17-.Ltmp11, $1  }
0x258: {  	_ =	sdelay $0x3  }
.Ltmp12:
0x259: {  	(pc) =	sbr.rel @p3 .LBB2_18-.Ltmp12, $1  }
0x25a: {  	_ =	sdelay $0x3  }
.Ltmp13:
0x25b: {  	(pc) =	sbr.rel .LBB2_17-.Ltmp13, $4  }
0x25c: {  	_ = 	snop  }
0x25d: {  	_ =	swait.ge [sflag:s29], $0x400  }
0x25e: {  	[sflag:s29] =	ssyncset.done $0x0  }
0x25f: {  	[sflag:s29] =	ssyncadd.s32 $0xFFFFFC00  }
.LBB2_20:
0x260: {  	_ =	sfence.sel $0x180000  }
0x261: {  	[bflag:$0x0] =	sbarrier.arrive $0xFFFF  }
0x262: {  	_ =	strace $0x9000004D  }
0x263: {  	s0 =	stileid.u32;
	[bflag:$0x2] =	sbarrier.arrive $0xFFFF  }
0x264: {  	p0 =	sne.s32 s0, $0x0;
	s0 =	rddreg [dreg:$0x4]  }
0x265: {  	s0 =	sadd.s32 @!p0 $0x100000, s0  }
0x266: {  	[sflag:s0] =	ssyncadd.tile.s32 @!p0 $0x1;
	_ =	shalt  }
.Lfunc_end2:
_tile_overlayer_lowered:
.L_overlay_start_2:
0x267: {  	(tag) =	ssettag $0x2  }
0x268: {  	s0 =	rddreg [dreg:$0x0];
	s2 =	stileid.u32  }
0x269: {  	s1 =	rddreg [dreg:$0x1];
	p0 =	sne.s32 s2, $0x0  }
0x26a: {  	s3 =	rddreg [dreg:$0x2];
	[bflag:$0x3] =	sbarrier.arrive $0xFFFF;
	s2 =	simm.s32 @!p0 $0x1C11  }
0x26b: {  	[timem:s3], [sflag:s2] =	dma.local @!p0 [hbm:s0], s1  }
0x26c: {  	s0 =	simm.s32 @!p0 $0x11  }
0x26d: {  	_ =	swait.ge @!p0 [sflag:s0], s1  }
0x26e: {  	s1 =	ssub.s32 @!p0 $0x0, s1;
	[sflag:s0] =	ssyncset.done @!p0 $0x0  }
0x26f: {  	[sflag:s0] =	ssyncadd.s32 @!p0 s1  }
0x270: {  	[bflag:$0x3] =	sbarrier.arrive $0xFFFF  }
0x271: {  	_ =	shalt  }

// kernel: kernel.7.cloned.1.call-start
scs
__scs_entry_jumppad:
0x0: {  	(pc) =	sbr.rel $0x88, $3  }
0x1: {  	(tag) =	ssettag $0x0;
	lr =	simm.s32 $0x1  }
0x2: {  	[smem:$0x3F94] =	sst lr;
	_ =	strace $0xD0000000  }
0x3: {  	_ = 	snop  }
0x4: {  	_ = 	snop  }
0x5: {  	_ = 	snop  }
0x6: {  	_ = 	snop  }
0x7: {  	_ = 	snop  }
__scs_overlays_trampoline_lowered:
0x8: {  	[smem:$0x3FA3] =	sst s0  }
0x9: {  	[smem:$0x3FA4] =	sst s1  }
0xa: {  	[smem:$0x3FA5] =	sst s2  }
0xb: {  	[smem:$0x3FA6] =	sst s3  }
0xc: {  	[smem:$0x3FA7] =	sst s4  }
0xd: {  	[smem:$0x3FA8] =	sst s5  }
0xe: {  	[smem:$0x3FA9] =	sst s6  }
0xf: {  	[smem:$0x3FAA] =	sst s7  }
0x10: {  	[smem:$0x3FAB] =	sst s8  }
0x11: {  	[smem:$0x3FAC] =	sst s9;
	s0 =	simm.s32 @!p0 $0x0  }
0x12: {  	s1 =	sld [smem:$0x3F92];
	s0 =	simm.s32 @p0 $0x1  }
0x13: {  	[smem:$0x3FAD] =	sst s0;
	s0 =	simm.s32 @!p1 $0x0  }
0x14: {  	s2 =	sld [smem:$0x3F91];
	s0 =	simm.s32 @p1 $0x1  }
0x15: {  	[smem:$0x3FAE] =	sst s0;
	s0 =	simm.s32 @!p2 $0x0  }
0x16: {  	s3 =	sld [smem:$0x3FDB];
	s0 =	simm.s32 @p2 $0x1  }
0x17: {  	s4 =	simm.s32 $0x1BF5;
	[smem:$0x3FB0] =	sst s0  }
0x18: {  	s0 =	sld [smem:$0x3F93];
	_ =	swait.ge [sflag:s4], $0x0  }
0x19: {  	s7 =	sld [smem:$0x3F94]  }
0x1a: {  	s8 =	sadd.s32 $0xFFFFE003, lr  }
0x1b: {  	s9 =	sadd.s32 $0xFFFFFEF7, lr;
	s5 =	simm.s32 $0xFFFFFFFF;
	p2 =	slt.u32 s8, $0xFFFFF086  }
0x1c: {  	p1 =	slt.u32 s9, $0xF7A;
	s5 =	simm.s32 @!p2 $0x0  }
0x1d: {  	s5 =	simm.s32 @p1 $0x1;
	p0 =	seq.s32 s7, s2  }
0x1e: {  	s7 =	smul.u32 @!p0 $0xF7A, s2;
	p2 =	seq.s32 @!p0 s5, $0x0  }
0x1f: {  	s9 =	smul.u32 $0xF7A, s1;
	s8 =	simm.s32 @!p0 $0x1BF5;
	p2 =	por !p2, p0  }
0x20: {  	[sflag:s8] =	ssyncset.s32 @!p0 $0xFFFFF086;
	s6 =	sadd.s32 @!p0 s3, s7;
	s7 =	simm.s32 @!p0 $0x108  }
0x21: {  	s3 =	sadd.s32 s3, s9;
	s6 =	sadd.s32 @!p0 $0x88, s6;
	s7 =	simm.s32 @p2 $0x1082  }
0x22: {  	[simem:s7], [sflag:s8] =	dma.local @!p0 [hbm:s6], $0xF7A  }
0x23: {  	s9 =	sor.u32 $0xD0000000, s2;
	s6 =	simm.s32 $0x108;
	_ =	swait.ge @!p0 [sflag:s8], $0x0  }
0x24: {  	s3 =	sadd.s32 $0x88, s3;
	s6 =	simm.s32 @!p1 $0x1082;
	[sflag:s4] =	ssyncset.s32 $0xFFFFF086  }
0x25: {  	[simem:s6], [sflag:s4] =	dma.local [hbm:s3], $0xF7A  }
0x26: {  	[smem:$0x3F94] =	sst s1;
	(tag) =	ssettag s2;
	_ =	strace s9  }
0x27: {  	s1 =	sld [smem:$0x3FA4]  }
0x28: {  	s2 =	sld [smem:$0x3FA5]  }
0x29: {  	s4 =	sld [smem:$0x3FA7]  }
0x2a: {  	p0 =	seq.s32 s5, $0x0;
	s5 =	sld [smem:$0x3FA8]  }
0x2b: {  	s6 =	sld [smem:$0x3FA9]  }
0x2c: {  	s7 =	sld [smem:$0x3FAA]  }
0x2d: {  	s3 =	simm.s32 $0x108;
	s8 =	sld [smem:$0x3FAB]  }
0x2e: {  	s3 =	simm.s32 @!p0 $0x1082;
	s9 =	sld [smem:$0x3FAC]  }
0x2f: {  	lr =	sadd.s32 s0, s3;
	s0 =	sld [smem:$0x3FA3]  }
0x30: {  	s3 =	sld [smem:$0x3FA6]  }
0x31: {  	[smem:$0x3FAF] =	sst s10  }
0x32: {  	s10 =	sld [smem:$0x3FAD];
	_ =	sdelay $0x3  }
0x33: {  	p0 =	seq.s32 s10, $0x1;
	s10 =	sld [smem:$0x3FAF];
	_ =	sdelay $0x3  }
0x34: {  	[smem:$0x3FAF] =	sst s10  }
0x35: {  	s10 =	sld [smem:$0x3FAE];
	_ =	sdelay $0x3  }
0x36: {  	p1 =	seq.s32 s10, $0x1;
	s10 =	sld [smem:$0x3FAF];
	_ =	sdelay $0x3  }
0x37: {  	[smem:$0x3FAF] =	sst s10  }
0x38: {  	s10 =	sld [smem:$0x3FB0]  }
0x39: {  	_ = 	snop;
	(pc) =	sbr.ind lr, $3  }
0x3a: {  	_ = 	snop  }
0x3b: {  	_ = 	snop  }
0x3c: {  	p2 =	seq.s32 s10, $0x1;
	s10 =	sld [smem:$0x3FAF]  }
0x3d: {  	_ =	shalt  }
0x3e: {  	_ =	shalt  }
0x3f: {  	_ =	shalt  }
0x40: {  	_ =	shalt  }
0x41: {  	_ =	shalt  }
0x42: {  	_ =	shalt  }
0x43: {  	_ =	shalt  }
0x44: {  	_ =	shalt  }
0x45: {  	_ =	shalt  }
0x46: {  	_ =	shalt  }
0x47: {  	_ =	shalt  }
0x48: {  	_ =	shalt  }
0x49: {  	_ =	shalt  }
0x4a: {  	_ =	shalt  }
0x4b: {  	_ =	shalt  }
0x4c: {  	_ =	shalt  }
0x4d: {  	_ =	shalt  }
0x4e: {  	_ =	shalt  }
0x4f: {  	_ =	shalt  }
0x50: {  	_ =	shalt  }
0x51: {  	_ =	shalt  }
0x52: {  	_ =	shalt  }
0x53: {  	_ =	shalt  }
0x54: {  	_ =	shalt  }
0x55: {  	_ =	shalt  }
0x56: {  	_ =	shalt  }
0x57: {  	_ =	shalt  }
0x58: {  	_ =	shalt  }
0x59: {  	_ =	shalt  }
0x5a: {  	_ =	shalt  }
0x5b: {  	_ =	shalt  }
0x5c: {  	_ =	shalt  }
0x5d: {  	_ =	shalt  }
0x5e: {  	_ =	shalt  }
0x5f: {  	_ =	shalt  }
0x60: {  	_ =	shalt  }
0x61: {  	_ =	shalt  }
0x62: {  	_ =	shalt  }
0x63: {  	_ =	shalt  }
0x64: {  	_ =	shalt  }
0x65: {  	_ =	shalt  }
0x66: {  	_ =	shalt  }
0x67: {  	_ =	shalt  }
0x68: {  	_ =	shalt  }
0x69: {  	_ =	shalt  }
0x6a: {  	_ =	shalt  }
0x6b: {  	_ =	shalt  }
0x6c: {  	_ =	shalt  }
0x6d: {  	_ =	shalt  }
0x6e: {  	_ =	shalt  }
0x6f: {  	_ =	shalt  }
0x70: {  	_ =	shalt  }
0x71: {  	_ =	shalt  }
0x72: {  	_ =	shalt  }
0x73: {  	_ =	shalt  }
0x74: {  	_ =	shalt  }
0x75: {  	_ =	shalt  }
0x76: {  	_ =	shalt  }
0x77: {  	_ =	shalt  }
0x78: {  	_ =	shalt  }
0x79: {  	_ =	shalt  }
0x7a: {  	_ =	shalt  }
0x7b: {  	_ =	shalt  }
0x7c: {  	_ =	shalt  }
0x7d: {  	_ =	shalt  }
0x7e: {  	_ =	shalt  }
0x7f: {  	_ =	shalt  }
0x80: {  	_ =	shalt  }
0x81: {  	_ =	shalt  }
0x82: {  	_ =	shalt  }
0x83: {  	_ =	shalt  }
0x84: {  	_ =	shalt  }
0x85: {  	_ =	shalt  }
0x86: {  	_ =	shalt  }
0x87: {  	_ =	shalt  }
.Lfunc_end0:
.L_simem_size_0:
called_computation_lowered:
.L_overlay_start_0:
0x88: {  	s2 =	sld [smem:$0x3FD9]  }
0x89: {  	s3 =	sld [smem:$0x3FFE];
	_ =	sdelay $0x1  }
0x8a: {  	s1 =	srdreg.scid  }
0x8b: {  	s0 =	sand.u32 $0x1, s1  }
0x8c: {  	s14 =	sshll.u32 s0, $0xA;
	s2 =	sadd.s32 s3, s2  }
0x8d: {  	s2 =	sadd.s32 s2, s14  }
0x8e: {  	[smem:$0x3FBB] =	sst s2  }
0x8f: {  	_ = 	snop  }
0x90: {  	s2 =	sld [smem:$0x3FD0];
	_ =	sdelay $0x2  }
0x91: {  	s15 =	simm.s32 $0xA;
	s4 =	simm.s32 $0x10  }
0x92: {  	[smem:s4], [sflag:s15] =	dma.local [hbm:s2], $0x1  }
0x93: {  	_ =	swait.eq [sflag:s15], $0x1  }
0x94: {  	[sflag:s15] =	ssyncset.done $0x0  }
0x95: {  	s16 =	sld [smem:$0x12];
	[sflag:s15] =	ssyncadd.s32 $0xFFFFFFFF  }
0x96: {  	s17 =	sld [smem:$0x13];
	(tm) =	ssettm $0x1  }
0x97: {  	s18 =	sld [smem:$0x3FFB];
	_ =	sdelay $0x3  }
0x98: {  	_ =	strace s18  }
0x99: {  	s4 =	sld [smem:$0x3FFC];
	_ =	sdelay $0x3  }
0x9a: {  	_ =	strace s4  }
0x9b: {  	s4 =	sld [smem:$0x3FFD];
	_ =	sdelay $0x3  }
0x9c: {  	_ =	strace s4  }
0x9d: {  	_ =	strace $0x8FFFFFFF  }
0x9e: {  	s19 =	sld [smem:$0x3FDB];
	_ =	sdelay $0x1  }
0x9f: {  	s5 =	simm.s32 $_scs_section_size  }
0xa0: {  	s6 =	simm.s32 $_size__tile_overlayer_lowered;
	s7 =	simm.s32 $_tile_overlayer_lowered  }
0xa1: {  	s22 =	simm.s32 $0x1BFF;
	s21 =	sshll.u32 s7, $0x1;
	s4 =	sadd.s32 s5, s19  }
0xa2: {  	s8 =	simm.s32 $0x0;
	s20 =	sshll.u32 s6, $0x1;
	s6 =	sadd.s32 s21, s4  }
0xa3: {  	[timem:s8], [sflag:s22] =	dma.local [hbm:s6], s20  }
0xa4: {  	_ =	swait.ge [sflag:s22], s20  }
0xa5: {  	s5 =	ssub.s32 $0x0, s20;
	[sflag:s22] =	ssyncset.done $0x0  }
0xa6: {  	[sflag:s22] =	ssyncadd.s32 s5;
	_ =	sdelay $0x1  }
0xa7: {  	s23 =	simm.s32 $0x1B8B  }
0xa8: {  	_ =	swait.ge [sflag:s23], $0x1  }
0xa9: {  	[sflag:s23] =	ssyncset.done $0x0  }
0xaa: {  	s25 =	simm.s32 $0x1B8E;
	s24 =	sld [smem:$0x3FFE];
	[sflag:s23] =	ssyncadd.s32 $0xFFFFFFFF  }
0xab: {  	s26 =	simm.s32 $execute0_lowered;
	[smem:$0x3FD2] =	sst s25  }
0xac: {  	s6 =	sshll.u32 s26, $0x1;
	_ =	strace $0x80000046;
	[dreg:$0x1] =	wrdreg $0xFFFFFFFF  }
0xad: {  	s28 =	simm.s32 $_size_execute0_lowered;
	s4 =	sadd.s32 s4, s6;
	[dreg:$0x0] =	wrdreg $0x0  }
0xae: {  	s6 =	sshll.u32 s28, $0x1;
	[dreg:$0x2] =	wrdreg s4  }
0xaf: {  	[dreg:$0x3] =	wrdreg s6  }
0xb0: {  	[dreg:$0x4] =	wrdreg $0xC0  }
0xb1: {  	_ =	task [dreg:s8], $0x5FFFF  }
0xb2: {  	[dreg:$0x1] =	wrdreg $0xFFFFFFFF  }
0xb3: {  	[dreg:$0x0] =	wrdreg $0x60  }
0xb4: {  	[dreg:$0x2] =	wrdreg s17  }
0xb5: {  	[dreg:$0x3] =	wrdreg s24  }
0xb6: {  	[dreg:$0x4] =	wrdreg s16  }
0xb7: {  	[dreg:$0x5] =	wrdreg $0x84000  }
0xb8: {  	[dreg:$0x6] =	wrdreg $0x9  }
0xb9: {  	_ =	task.clear_ibuf [dreg:s8], $0x7FFFF;
	_ =	strace $0x90000046  }
0xba: {  	s29 =	simm.s32 $0x9;
	_ =	strace $0x80000048  }
0xbb: {  	_ =	swait.ge [sflag:s29], $0x1  }
0xbc: {  	[sflag:s29] =	ssyncadd.s32 $0xFFFFFFFF  }
0xbd: {  	_ =	strace $0x90000048  }
0xbe: {  	_ =	sfence  }
0xbf: {  	s30 =	sld [smem:$0x0];
	_ =	sdelay $0x2  }
0xc0: {  	s31 =	sshll.u32 s1, $0xD;
	s1 =	sshrl.u32 s1, $0x2  }
0xc1: {  	s3 =	sand.u32 $0x4000, s31;
	s1 =	sadd.s32 s1, s30  }
0xc2: {  	s0 =	sor.u32 s3, s0;
	s1 =	sshll.u32 s1, $0x11  }
0xc3: {  	s0 =	sor.u32 s1, s0  }
0xc4: {  	s0 =	sadd.s32 $0x8F2B, s0  }
0xc5: {  	[sflag:s0] =	ssyncadd.remote.s32 $0x1  }
0xc6: {  	_ =	sfence.sel $0xFFFF  }
0xc7: {  	[dreg:$0x0] =	wrdreg $0xFFFFFFFF;
	(pc) =	sbr.abs _section_cstart, $3  }
0xc8: {  	[dreg:$0x1] =	wrdreg $0xFFFFFFFF  }
0xc9: {  	_ =	task.clear_ibuf [dreg:s8], $0x2FFFF;
	_ =	strace $0x9FFFFFFF  }
0xca: {  	(tm) =	ssettm $0x7FFFFFFF  }
0xcb: {  	_ =	shalt  }
tec
execute0_lowered:
.L_overlay_start_1:
0x0: {  	(tag) =	ssettag $0x1  }
0x1: {  	s1 =	rddreg [dreg:$0x0]  }
0x2: {  	s0 =	rddreg [dreg:$0x1];
	s2 =	srdreg.scid  }
0x3: {  	s5 =	stileid.u32;
	s4 =	rddreg [dreg:$0x3]  }
0x4: {  	s8 =	simm.s32 $0x0;
	s13 =	simm.s32 $0x1;
	s14 =	simm.s32 $0x2  }
0x5: {  	s15 =	simm.s32 $0x3;
	s16 =	simm.s32 $0x11;
	s17 =	simm.s32 $0x6  }
0x6: {  	s18 =	simm.s32 $0x80;
	s19 =	simm.s32 $0x6400;
	s20 =	simm.s32 $0x6C00  }
0x7: {  	s21 =	simm.s32 $0x9;
	s22 =	simm.s32 $0xA;
	s28 =	simm.s32 $0xF  }
0x8: {  	s29 =	simm.s32 $0x10;
	s30 =	simm.s32 $0x8;
	s31 =	simm.s32 $0x5400  }
0x9: {  	s2 =	sand.u32 $0x1, s2;
	s3 =	smul.u32 $0x1400, s5;
	[smem:$0x7FF] =	sst s8  }
0xa: {  	s6 =	sshll.u32 s2, $0x4;
	s7 =	smul.u32 $0x14000, s2;
	s2 =	ssub.s32 $0x2, s2  }
0xb: {  	_ =	strace $0x80000047;
	s6 =	sor.u32 s5, s6;
	s23 =	sshrl.u32 s2, $0x1  }
0xc: {  	s8 =	sadd.s32 s3, s4;
	s6 =	smul.u32 $0x500, s6;
	s7 =	sadd.s32 s3, s7  }
0xd: {  	s2 =	ssub.s32 s2, s23;
	s23 =	simm.s32 $0xB;
	s7 =	sshrl.u32 s7, $0x3  }
.Ltmp0:
0xe: {  	s26 =	smax.u32 s2, $0x1;
	s6 =	sadd.s32 s6, s0;
	(pc) =	sbr.rel .LBB2_1-.Ltmp0, $4  }
0xf: {  	s2 =	simm.s32 $0x0;
	[dreg:$0x8] =	wrdreg s26;
	s24 =	sadd.s32 $0xCC00, s6  }
0x10: {  	s0 =	sadd.s32 s7, s0;
	s25 =	sadd.s32 $0x2C00, s6;
	[dreg:$0x5] =	wrdreg s24  }
0x11: {  	s26 =	simm.s32 $0xE;
	s0 =	sadd.s32 $0x16C00, s0;
	[dreg:$0x6] =	wrdreg s25  }
0x12: {  	[dreg:$0x7] =	wrdreg s0;
	s24 =	simm.s32 $0xC;
	s25 =	simm.s32 $0xD  }
.LBB2_12:
0x13: {  	_ =	swait.ge [sflag:s21], $0x400  }
0x14: {  	[sflag:s21] =	ssyncset.done $0x0  }
0x15: {  	[sflag:s21] =	ssyncadd.s32 $0xFFFFFC00  }
0x16: {  	_ =	swait.ge [sflag:s22], $0x400  }
0x17: {  	[sflag:s22] =	ssyncset.done $0x0  }
0x18: {  	[sflag:s22] =	ssyncadd.s32 $0xFFFFFC00  }
0x19: {  	_ =	swait.ge [sflag:s23], $0x400  }
0x1a: {  	[sflag:s23] =	ssyncset.done $0x0  }
0x1b: {  	[sflag:s23] =	ssyncadd.s32 $0xFFFFFC00  }
0x1c: {  	_ =	swait.ge [sflag:s24], $0x400  }
0x1d: {  	[sflag:s24] =	ssyncset.done $0x0  }
0x1e: {  	[sflag:s24] =	ssyncadd.s32 $0xFFFFFC00  }
0x1f: {  	_ =	swait.ge [sflag:s25], $0x400  }
0x20: {  	[sflag:s25] =	ssyncset.done $0x0  }
0x21: {  	[sflag:s25] =	ssyncadd.s32 $0xFFFFFC00  }
0x22: {  	_ =	swait.ge [sflag:s26], $0x400  }
0x23: {  	[sflag:s26] =	ssyncset.done $0x0  }
0x24: {  	[sflag:s26] =	ssyncadd.s32 $0xFFFFFC00  }
0x25: {  	_ =	swait.ge [sflag:s28], $0x400  }
0x26: {  	[sflag:s28] =	ssyncset.done $0x0  }
0x27: {  	[sflag:s28] =	ssyncadd.s32 $0xFFFFFC00  }
0x28: {  	_ =	swait.ge [sflag:s29], $0x400  }
0x29: {  	[sflag:s29] =	ssyncset.done $0x0  }
0x2a: {  	s0 =	stileid.u32;
	[sflag:s29] =	ssyncadd.s32 $0xFFFFFC00  }
0x2b: {  	s0 =	sshll.u32 s0, $0x6;
	[bflag:$0x0] =	sbarrier.arrive $0xFFFF  }
0x2c: {  	s3 =	sshrl.u32 s8, $0x3;
	s0 =	sor.u32 $0x1C11, s0;
	s5 =	rddreg [dreg:$0x7]  }
0x2d: {  	[hbm:s5], [sflag:s0] =	dma.local [spmem:s3], $0x280  }
0x2e: {  	_ =	swait.ge [sflag:s16], $0x280  }
0x2f: {  	s2 =	sadd.s32 $0x1, s2;
	s12 =	rddreg [dreg:$0x8]  }
0x30: {  	p0 =	sne.s32 s2, s12  }
.Ltmp1:
0x31: {  	_ = 	snop;
	(pc) =	sbr.rel @!p0 .LBB2_13-.Ltmp1, $3  }
0x32: {  	_ =	sdelay $0x1  }
0x33: {  	[sflag:s16] =	ssyncset.done $0x0  }
0x34: {  	[sflag:s16] =	ssyncadd.s32 $0xFFFFFD80  }
.LBB2_1:
0x35: {  	s3 =	simm.s32 $0x0;
	s0 =	rddreg [dreg:$0x5]  }
0x36: {  	[tilespmem:s3], [sflag:$0x1] =	stream.linear.gather [hbm4b:s0+s3], $0x2800, $0x38;
	[tilespmem:$0x9800] =	vst v63  }
0x37: {  	s10 =	rddreg [dreg:$0x6];
	s5 =	simm.s32 $0x2800  }
0x38: {  	[tilespmem:s5], [sflag:$0x2] =	stream.linear.gather [hbm4b:s10+s3], $0x2800, $0x38;
	[tilespmem:$0x9800] =	vst v63  }
0x39: {  	s11 =	rddreg [dreg:$0x2];
	s12 =	simm.s32 $0x7000  }
0x3a: {  	[tilespmem:s12], [sflag:$0x3] =	stream.linear.gather [hbm4b:s11+s3], $0x1400, $0x38;
	[tilespmem:$0x9800] =	vst v63  }
0x3b: {  	_ =	swait.ge [sflag:s13], $0x2800  }
0x3c: {  	[sflag:s13] =	ssyncset.done $0x0  }
0x3d: {  	[sflag:s13] =	ssyncadd.s32 $0xFFFFD800  }
0x3e: {  	_ =	swait.ge [sflag:s14], $0x2800  }
0x3f: {  	[sflag:s14] =	ssyncset.done $0x0  }
0x40: {  	[sflag:s14] =	ssyncadd.s32 $0xFFFFD800  }
0x41: {  	_ =	swait.ge [sflag:s15], $0x1400  }
0x42: {  	[sflag:s15] =	ssyncset.done $0x0  }
0x43: {  	[sflag:s15] =	ssyncadd.s32 $0xFFFFEC00  }
0x44: {  	[spmem:s8] =	stream.linear.scatter [tilespmem:s12], [sflag:$0x11], $0x1400, $0x38;
	[tilespmem:$0x9800] =	vst v63  }
.Ltmp2:
0x45: {  	_ =	swait.ge [sflag:s16], $0x1400;
	(pc) =	sbr.rel .LBB2_2-.Ltmp2, $4  }
0x46: {  	[sflag:s16] =	ssyncset.done $0x0  }
0x47: {  	[sflag:s16] =	ssyncadd.s32 $0xFFFFEC00  }
0x48: {  	[bflag:$0x0] =	sbarrier.arrive $0xFFFF  }
0x49: {  	s0 =	simm.s32 $0x0;
	s3 =	simm.s32 $0x7;
	s11 =	simm.s32 $0x0  }
.LBB2_10:
0x4a: {  	s5 =	sshra.s32 s0, $0x2  }
0x4b: {  	s5 =	sadd.s32 $0x380, s5  }
0x4c: {  	[tilespmem:s20], [sflag:$0x8] =	stream.indirect.gather [hbm4b:s1+s18], $0x8, s5, s18, $0xb8;
	[tilespmem:$0x9800] =	vst v63  }
.LBB2_11:
0x4d: {  	p0 =	sgt.u32 s3, $0x53  }
0x4e: {  	s5 =	simm.s32 @!p0 $0x4  }
0x4f: {  	_ =	swait.ge @!p0 [sflag:s5], $0x400  }
0x50: {  	[sflag:s5] =	ssyncset.done @!p0 $0x0  }
0x51: {  	s6 =	simm.s32 @!p0 $0x80;
	[sflag:s5] =	ssyncadd.s32 @!p0 $0xFFFFFC00;
	s5 =	sshra.s32 @!p0 s0, $0x2  }
0x52: {  	s7 =	simm.s32 @!p0 $0x5C00;
	s0 =	sadd.s32 $0x1000, s0;
	s5 =	sadd.s32 @!p0 $0x2980, s5  }
0x53: {  	[spmem:s4] =	stream.indirect.scatter.add.f32 @!p0 [tilespmem:s7], [sflag:$0xC], $0x8, s5, s6, $0xb8;
	[tilespmem:$0x9800] =	vst v63  }
0x54: {  	p0 =	sne.s32 s0, $0xB000  }
.Ltmp3:
0x55: {  	_ = 	snop;
	(pc) =	sbr.rel @!p0 .LBB2_12-.Ltmp3, $2  }
0x56: {  	_ =	sdelay $0x2  }
0x57: {  	s11 =	sadd.s32 $0x1, s11;
	s3 =	sadd.s32 $0x8, s3  }
.LBB2_2:
0x58: {  	s12 =	sadd.s32 $0xFFFFFFF1, s3  }
0x59: {  	p0 =	sgt.u32 s12, $0x47  }
0x5a: {  	s6 =	simm.s32 @!p0 $0x9  }
0x5b: {  	p1 =	seq.s32 s0, $0xA000;
	p2 =	seq.s32 s11, $0xA;
	_ =	swait.ge @!p0 [sflag:s6], $0x400  }
0x5c: {  	s7 =	simm.s32 @!p1 $0x80;
	s9 =	simm.s32 @!p1 $0x5000;
	[sflag:s6] =	ssyncset.done @!p0 $0x0  }
0x5d: {  	p3 =	sgt.u32 s12, $0x4F;
	[sflag:s6] =	ssyncadd.s32 @!p0 $0xFFFFFC00;
	s6 =	sshra.s32 @!p1 s0, $0x2  }
0x5e: {  	[tilespmem:s9], [sflag:$0x1] =	stream.indirect.gather @!p1 [hbm4b:s1+s7], $0x8, s6, s7, $0xb8;
	[tilespmem:$0x9800] =	vst v63  }
.Ltmp4:
0x5f: {  	s7 =	simm.s32 @!p3 $0x5;
	(pc) =	sbr.rel @p2 .LBB2_6-.Ltmp4, $4  }
0x60: {  	_ =	swait.ge @!p3 [sflag:s7], $0x400  }
0x61: {  	s10 =	simm.s32 @!p3 $0x80;
	s9 =	sshra.s32 @!p3 s0, $0x2;
	[sflag:s7] =	ssyncset.done @!p3 $0x0  }
0x62: {  	s5 =	simm.s32 @!p3 $0x6000;
	[sflag:s7] =	ssyncadd.s32 @!p3 $0xFFFFFC00;
	s7 =	sadd.s32 @!p3 $0x2600, s9  }
0x63: {  	[spmem:s4] =	stream.indirect.scatter.add.f32 @!p3 [tilespmem:s5], [sflag:$0xD], $0x8, s7, s10, $0xb8;
	[tilespmem:$0x9800] =	vst v63  }
0x64: {  	p4 =	sne.s32 s11, $0x0  }
.Ltmp5:
0x65: {  	_ = 	snop;
	(pc) =	sbr.rel @p4 .LBB2_5-.Ltmp5, $1  }
0x66: {  	_ =	sdelay $0x3  }
.Ltmp6:
0x67: {  	(pc) =	sbr.rel .LBB2_7-.Ltmp6, $4  }
0x68: {  	_ = 	snop  }
0x69: {  	s5 =	sshra.s32 s0, $0x2  }
0x6a: {  	s5 =	sadd.s32 $0x80, s5  }
0x6b: {  	[tilespmem:s31], [sflag:$0x2] =	stream.indirect.gather [hbm4b:s1+s18], $0x8, s5, s18, $0xb8;
	[tilespmem:$0x9800] =	vst v63  }
.LBB2_5:
0x6c: {  	_ =	swait.ge [sflag:s22], $0x400  }
0x6d: {  	s5 =	sshra.s32 s0, $0x2;
	[sflag:s22] =	ssyncset.done $0x0  }
0x6e: {  	s5 =	sadd.s32 $0x80, s5;
	[sflag:s22] =	ssyncadd.s32 $0xFFFFFC00  }
0x6f: {  	[tilespmem:s31], [sflag:$0x2] =	stream.indirect.gather [hbm4b:s1+s18], $0x8, s5, s18, $0xb8;
	[tilespmem:$0x9800] =	vst v63  }
.LBB2_6:
0x70: {  	_ =	swait.ge [sflag:s17], $0x400  }
0x71: {  	s5 =	sshra.s32 s0, $0x2;
	[sflag:s17] =	ssyncset.done $0x0  }
0x72: {  	s5 =	sadd.s32 $0x2680, s5;
	[sflag:s17] =	ssyncadd.s32 $0xFFFFFC00  }
0x73: {  	[spmem:s4] =	stream.indirect.scatter.add.f32 [tilespmem:s19], [sflag:$0xE], $0x8, s5, s18, $0xb8;
	[tilespmem:$0x9800] =	vst v63  }
.LBB2_7:
0x74: {  	s5 =	simm.s32 @!p0 $0xB  }
0x75: {  	_ =	swait.ge @!p0 [sflag:s5], $0x400  }
0x76: {  	s7 =	simm.s32 @!p1 $0x80;
	[sflag:s5] =	ssyncset.done @!p0 $0x0  }
0x77: {  	s10 =	simm.s32 @!p1 $0x5800;
	[sflag:s5] =	ssyncadd.s32 @!p0 $0xFFFFFC00;
	s5 =	sadd.s32 @!p1 $0x100, s6  }
0x78: {  	[tilespmem:s10], [sflag:$0x3] =	stream.indirect.gather @!p1 [hbm4b:s1+s7], $0x8, s5, s7, $0xb8;
	[tilespmem:$0x9800] =	vst v63  }
0x79: {  	s5 =	simm.s32 @!p3 $0x7  }
0x7a: {  	_ =	swait.ge @!p3 [sflag:s5], $0x400  }
0x7b: {  	p4 =	sgt.u32 @!p3 s12, $0x47;
	s10 =	simm.s32 @!p3 $0x6800;
	[sflag:s5] =	ssyncset.done @!p3 $0x0  }
0x7c: {  	[sflag:s5] =	ssyncadd.s32 @!p3 $0xFFFFFC00;
	s5 =	sadd.s32 @!p3 $0x2700, s9;
	s9 =	simm.s32 @!p3 $0x80  }
0x7d: {  	[spmem:s4] =	stream.indirect.scatter.add.f32 @!p3 [tilespmem:s10], [sflag:$0xF], $0x8, s5, s9, $0xb8;
	[tilespmem:$0x9800] =	vst v63  }
0x7e: {  	p3 =	por p4, p3  }
0x7f: {  	s5 =	simm.s32 @!p3 $0xC  }
0x80: {  	_ =	swait.ge @!p3 [sflag:s5], $0x400  }
0x81: {  	s9 =	simm.s32 @!p1 $0x5C00;
	[sflag:s5] =	ssyncset.done @!p3 $0x0  }
0x82: {  	[sflag:s5] =	ssyncadd.s32 @!p3 $0xFFFFFC00;
	s5 =	sadd.s32 @!p1 $0x180, s6;
	p3 =	seq.s32 @!p1 s0, $0x0  }
0x83: {  	[tilespmem:s9], [sflag:$0x4] =	stream.indirect.gather @!p1 [hbm4b:s1+s7], $0x8, s5, s7, $0xb8;
	[tilespmem:$0x9800] =	vst v63  }
0x84: {  	p3 =	por p1, !p3  }
0x85: {  	_ =	swait.ge @p3 [sflag:s30], $0x400  }
0x86: {  	s5 =	sshra.s32 @p3 s0, $0x2;
	[sflag:s30] =	ssyncset.done @p3 $0x0  }
0x87: {  	s5 =	sadd.s32 @p3 $0x2780, s5;
	[sflag:s30] =	ssyncadd.s32 @p3 $0xFFFFFC00  }
0x88: {  	[spmem:s4] =	stream.indirect.scatter.add.f32 @p3 [tilespmem:s20], [sflag:$0x10], $0x8, s5, s18, $0xb8;
	[tilespmem:$0x9800] =	vst v63  }
0x89: {  	s5 =	simm.s32 @!p0 $0xD  }
0x8a: {  	_ =	swait.ge @!p0 [sflag:s5], $0x400  }
0x8b: {  	s12 =	sadd.s32 $0xFFFFFFFD, s3;
	s10 =	simm.s32 @!p1 $0x6000;
	[sflag:s5] =	ssyncset.done @!p0 $0x0  }
0x8c: {  	p3 =	sgt.u32 s12, $0x53;
	[sflag:s5] =	ssyncadd.s32 @!p0 $0xFFFFFC00;
	s5 =	sadd.s32 @!p1 $0x200, s6  }
0x8d: {  	[tilespmem:s10], [sflag:$0x5] =	stream.indirect.gather @!p1 [hbm4b:s1+s7], $0x8, s5, s7, $0xb8;
	[tilespmem:$0x9800] =	vst v63  }
0x8e: {  	s5 =	simm.s32 @!p3 $0x1  }
0x8f: {  	_ =	swait.ge @!p3 [sflag:s5], $0x400  }
0x90: {  	[sflag:s5] =	ssyncset.done @!p3 $0x0  }
0x91: {  	[sflag:s5] =	ssyncadd.s32 @!p3 $0xFFFFFC00;
	s5 =	sshra.s32 @!p3 s0, $0x2  }
0x92: {  	s9 =	simm.s32 @!p3 $0x80;
	s10 =	simm.s32 @!p3 $0x5000;
	s5 =	sadd.s32 @!p3 $0x2800, s5  }
0x93: {  	[spmem:s4] =	stream.indirect.scatter.add.f32 @!p3 [tilespmem:s10], [sflag:$0x9], $0x8, s5, s9, $0xb8;
	[tilespmem:$0x9800] =	vst v63  }
0x94: {  	s5 =	simm.s32 @!p0 $0xE  }
0x95: {  	_ =	swait.ge @!p0 [sflag:s5], $0x400  }
0x96: {  	s12 =	sadd.s32 $0xFFFFFFFE, s3;
	s10 =	simm.s32 @!p1 $0x6400;
	[sflag:s5] =	ssyncset.done @!p0 $0x0  }
0x97: {  	p3 =	sgt.u32 s12, $0x53;
	[sflag:s5] =	ssyncadd.s32 @!p0 $0xFFFFFC00;
	s5 =	sadd.s32 @!p1 $0x280, s6  }
0x98: {  	[tilespmem:s10], [sflag:$0x6] =	stream.indirect.gather @!p1 [hbm4b:s1+s7], $0x8, s5, s7, $0xb8;
	[tilespmem:$0x9800] =	vst v63  }
0x99: {  	s5 =	simm.s32 @!p3 $0x2  }
0x9a: {  	_ =	swait.ge @!p3 [sflag:s5], $0x400  }
0x9b: {  	[sflag:s5] =	ssyncset.done @!p3 $0x0  }
0x9c: {  	[sflag:s5] =	ssyncadd.s32 @!p3 $0xFFFFFC00;
	s5 =	sshra.s32 @!p3 s0, $0x2  }
0x9d: {  	s9 =	simm.s32 @!p3 $0x80;
	s10 =	simm.s32 @!p3 $0x5400;
	s5 =	sadd.s32 @!p3 $0x2880, s5  }
0x9e: {  	[spmem:s4] =	stream.indirect.scatter.add.f32 @!p3 [tilespmem:s10], [sflag:$0xA], $0x8, s5, s9, $0xb8;
	[tilespmem:$0x9800] =	vst v63  }
0x9f: {  	s5 =	simm.s32 @!p0 $0xF  }
0xa0: {  	_ =	swait.ge @!p0 [sflag:s5], $0x400  }
0xa1: {  	[sflag:s5] =	ssyncset.done @!p0 $0x0  }
0xa2: {  	s12 =	sadd.s32 $0xFFFFFFFF, s3;
	[sflag:s5] =	ssyncadd.s32 @!p0 $0xFFFFFC00  }
0xa3: {  	s5 =	sadd.s32 @!p1 $0x300, s6;
	s6 =	simm.s32 @!p1 $0x6800;
	p0 =	sgt.u32 s12, $0x53  }
0xa4: {  	[tilespmem:s6], [sflag:$0x7] =	stream.indirect.gather @!p1 [hbm4b:s1+s7], $0x8, s5, s7, $0xb8;
	[tilespmem:$0x9800] =	vst v63  }
0xa5: {  	s5 =	simm.s32 @!p0 $0x3  }
0xa6: {  	_ =	swait.ge @!p0 [sflag:s5], $0x400  }
0xa7: {  	[sflag:s5] =	ssyncset.done @!p0 $0x0  }
0xa8: {  	[sflag:s5] =	ssyncadd.s32 @!p0 $0xFFFFFC00;
	s5 =	sshra.s32 @!p0 s0, $0x2  }
0xa9: {  	s6 =	simm.s32 @!p0 $0x80;
	s7 =	simm.s32 @!p0 $0x5800;
	s5 =	sadd.s32 @!p0 $0x2900, s5  }
0xaa: {  	[spmem:s4] =	stream.indirect.scatter.add.f32 @!p0 [tilespmem:s7], [sflag:$0xB], $0x8, s5, s6, $0xb8;
	[tilespmem:$0x9800] =	vst v63  }
0xab: {  	p0 =	seq.s32 s11, $0x0  }
.Ltmp7:
0xac: {  	_ = 	snop;
	(pc) =	sbr.rel @p0 .LBB2_10-.Ltmp7, $1  }
0xad: {  	_ =	sdelay $0x3  }
.Ltmp8:
0xae: {  	(pc) =	sbr.rel @p2 .LBB2_11-.Ltmp8, $1  }
0xaf: {  	_ =	sdelay $0x3  }
.Ltmp9:
0xb0: {  	(pc) =	sbr.rel .LBB2_10-.Ltmp9, $4  }
0xb1: {  	_ = 	snop  }
0xb2: {  	_ =	swait.ge [sflag:s29], $0x400  }
0xb3: {  	[sflag:s29] =	ssyncset.done $0x0  }
0xb4: {  	[sflag:s29] =	ssyncadd.s32 $0xFFFFFC00  }
.LBB2_13:
0xb5: {  	_ =	sfence.sel $0x180000  }
0xb6: {  	[bflag:$0x0] =	sbarrier.arrive $0xFFFF  }
0xb7: {  	_ =	strace $0x90000047  }
0xb8: {  	s0 =	stileid.u32;
	[bflag:$0x2] =	sbarrier.arrive $0xFFFF  }
0xb9: {  	p0 =	sne.s32 s0, $0x0;
	s0 =	rddreg [dreg:$0x4]  }
0xba: {  	s0 =	sadd.s32 @!p0 $0x100000, s0  }
0xbb: {  	[sflag:s0] =	ssyncadd.tile.s32 @!p0 $0x1;
	_ =	shalt  }
.Lfunc_end2:
_tile_overlayer_lowered:
.L_overlay_start_2:
0xbc: {  	(tag) =	ssettag $0x2  }
0xbd: {  	s0 =	rddreg [dreg:$0x0];
	s2 =	stileid.u32  }
0xbe: {  	s1 =	rddreg [dreg:$0x1];
	p0 =	sne.s32 s2, $0x0  }
0xbf: {  	s3 =	rddreg [dreg:$0x2];
	[bflag:$0x3] =	sbarrier.arrive $0xFFFF;
	s2 =	simm.s32 @!p0 $0x1C11  }
0xc0: {  	[timem:s3], [sflag:s2] =	dma.local @!p0 [hbm:s0], s1  }
0xc1: {  	s0 =	simm.s32 @!p0 $0x11  }
0xc2: {  	_ =	swait.ge @!p0 [sflag:s0], s1  }
0xc3: {  	s1 =	ssub.s32 @!p0 $0x0, s1;
	[sflag:s0] =	ssyncset.done @!p0 $0x0  }
0xc4: {  	[sflag:s0] =	ssyncadd.s32 @!p0 s1  }
0xc5: {  	[bflag:$0x3] =	sbarrier.arrive $0xFFFF  }
0xc6: {  	_ =	shalt  }

</sc_bundles>
